<compile_context>
chip_gen: v7x
topology: tpu7x:2x2x1
jax: 0.10.2.dev20260603
libtpu: 0.0.44.dev20260713+nightly
codegen_flags: <defaults>
</compile_context>

<pallas_src>
import jax
import jax.numpy as jnp
from jax import lax
from jax.experimental import pallas as pl
from jax.experimental.pallas import tpu as pltpu
from jax.experimental.pallas import tpu_sc as plsc

N = 10000
NP = 10240
E = 160000
EP = 163840
NW = 32
B = 128
NB = EP // (NW * B)
RPT = NP // 16
BLK = 512
GRID = NP // BLK


def _sc_mesh():
    return plsc.VectorSubcoreMesh(
        core_axis_name="c", subcore_axis_name="s", num_cores=2, num_subcores=16
    )


def _hist_body(dst_hbm, out_hbm, idx_d, ones_v, acc):
    cid = lax.axis_index("c")
    sid = lax.axis_index("s")
    wid = cid * 16 + sid
    r0 = sid * RPT

    def fill(val):
        vv = jnp.full((16,), val, jnp.float32)

        def frow(i, carry):
            ones_v[i, pl.ds(0, 16)] = vv
            return carry

        lax.fori_loop(0, B, frow, 0)

    fill(0.0)
    for t in range(RPT // B):
        pltpu.sync_copy(ones_v, acc.at[pl.ds(r0 + t * B, B)])
    fill(1.0)
    pltpu.sync_copy(dst_hbm.at[pl.ds(wid * NB, NB)], idx_d)
    plsc.subcore_barrier()

    def step(j, carry):
        pltpu.sync_copy(ones_v, acc.at[idx_d.at[j]], add=True)
        return carry

    lax.fori_loop(0, NB, step, 0)
    plsc.subcore_barrier()
    pltpu.sync_copy(acc.at[pl.ds(r0, RPT)], out_hbm.at[wid])


_sc_hist = pl.kernel(
    _hist_body,
    out_type=jax.ShapeDtypeStruct((NW, RPT, 16), jnp.float32),
    mesh=_sc_mesh(),
    scratch_types=[
        pltpu.VMEM((NB, B), jnp.int32),
        pltpu.VMEM((B, 16), jnp.float32),
        pltpu.VMEM_SHARED((NP, 16), jnp.float32),
    ],
    compiler_params=pltpu.CompilerParams(use_tc_tiling_on_sc=False),
)


def _make_scatter(F, nbuf):
    assert NB % nbuf == 0

    def body(src_hbm, dst_hbm, y_hbm, out_hbm, idx_s, idx_d, *scratch):
        rows = list(scratch[:nbuf])
        y_sh = scratch[nbuf]
        acc = scratch[nbuf + 1]
        gsem = list(scratch[nbuf + 2:2 * nbuf + 2])
        ssem = list(scratch[2 * nbuf + 2:])
        cid = lax.axis_index("c")
        sid = lax.axis_index("s")
        wid = cid * 16 + sid
        r0 = sid * RPT

        zv = jnp.zeros((16,), jnp.float32)

        def zrow(i, carry):
            for k in range(F // 16):
                rows[0][i, pl.ds(k * 16, 16)] = zv
            return carry

        lax.fori_loop(0, B, zrow, 0)
        for t in range(RPT // B):
            pltpu.sync_copy(rows[0], acc.at[pl.ds(r0 + t * B, B)])
        pltpu.sync_copy(y_hbm.at[pl.ds(r0, RPT)], y_sh.at[pl.ds(r0, RPT)])
        pltpu.sync_copy(src_hbm.at[pl.ds(wid * NB, NB)], idx_s)
        pltpu.sync_copy(dst_hbm.at[pl.ds(wid * NB, NB)], idx_d)
        plsc.subcore_barrier()

        def group(gi, carry):
            descs = []
            for b in range(nbuf):
                j = gi * nbuf + b

                @pl.when(gi > 0)
                def _(b=b, j=j):
                    pltpu.make_async_copy(
                        rows[b], acc.at[idx_d.at[j]], ssem[b]
                    ).wait()

                descs.append(
                    pltpu.async_copy(y_sh.at[idx_s.at[j]], rows[b], gsem[b])
                )
            for b in range(nbuf):
                j = gi * nbuf + b
                descs[b].wait()
                pltpu.async_copy(rows[b], acc.at[idx_d.at[j]], ssem[b],
                                 add=True)
            return carry

        lax.fori_loop(0, NB // nbuf, group, 0)
        for b in range(nbuf):
            pltpu.make_async_copy(rows[b], acc.at[idx_d.at[b]], ssem[b]).wait()
        plsc.subcore_barrier()
        pltpu.sync_copy(acc.at[pl.ds(r0, RPT)],
                        out_hbm.at[cid * 16 + sid])

    return pl.kernel(
        body,
        out_type=jax.ShapeDtypeStruct((NW, RPT, F), jnp.float32),
        mesh=_sc_mesh(),
        scratch_types=[
            pltpu.VMEM((NB, B), jnp.int32),
            pltpu.VMEM((NB, B), jnp.int32),
        ] + [pltpu.VMEM((B, F), jnp.float32)] * nbuf + [
            pltpu.VMEM_SHARED((NP, F), jnp.float32),
            pltpu.VMEM_SHARED((NP, F), jnp.float32),
        ] + [pltpu.SemaphoreType.DMA] * (2 * nbuf),
        compiler_params=pltpu.CompilerParams(use_tc_tiling_on_sc=False),
    )


_sc_scat32 = _make_scatter(32, 8)
_sc_scat64 = _make_scatter(64, 4)


RBLK = RPT
RGRID = NP // RBLK


def _full(shape):
    return pl.BlockSpec(shape, lambda i: tuple(0 for _ in shape))


def _raw_specs(F):
    return [
        pl.BlockSpec((1, RBLK, F), lambda i: (i, 0, 0)),
        pl.BlockSpec((1, RBLK, F), lambda i: (16 + i, 0, 0)),
    ]


def _rowmask(val):
    row = pl.program_id(0) * RBLK + lax.broadcasted_iota(
        jnp.int32, (RBLK, 1), 0
    )
    return jnp.where(row < N, val, 0.0)


def _prep1_body(h0_ref, h1_ref, x_ref, w_ref, dinv_ref, pre_ref):
    deg = h0_ref[0, :, 0:1] + h1_ref[0, :, 0:1] + 1.0
    dinv = lax.rsqrt(deg)
    dinv_ref[...] = dinv
    xw = jnp.dot(x_ref[...], w_ref[...], preferred_element_type=jnp.float32)
    pre_ref[...] = xw * dinv


_tc_prep1 = pl.pallas_call(
    _prep1_body,
    grid=(RGRID,),
    in_specs=_raw_specs(16) + [
        pl.BlockSpec((RBLK, 128), lambda i: (i, 0)),
        _full((128, 64)),
    ],
    out_specs=[
        pl.BlockSpec((RBLK, 1), lambda i: (i, 0)),
        pl.BlockSpec((RBLK, 64), lambda i: (i, 0)),
    ],
    out_shape=[
        jax.ShapeDtypeStruct((NP, 1), jnp.float32),
        jax.ShapeDtypeStruct((NP, 64), jnp.float32),
    ],
)


def _post1_body(r0, r1, pre, dinv_r, b_r, w_r, pre2_o):
    dinv = dinv_r[...]
    h = (r0[0] + r1[0] + pre[...]) * dinv + b_r[...]
    h = _rowmask(jnp.maximum(h, 0.0))
    pre2_o[...] = (
        jnp.dot(h, w_r[...], preferred_element_type=jnp.float32) * dinv
    )


_tc_post1 = pl.pallas_call(
    _post1_body,
    grid=(RGRID,),
    in_specs=_raw_specs(64) + [
        pl.BlockSpec((RBLK, 64), lambda i: (i, 0)),
        pl.BlockSpec((RBLK, 1), lambda i: (i, 0)),
        _full((1, 64)),
        _full((64, 64)),
    ],
    out_specs=pl.BlockSpec((RBLK, 64), lambda i: (i, 0)),
    out_shape=jax.ShapeDtypeStruct((NP, 64), jnp.float32),
)


def _post2_body(r0, r1, pre, dinv_r, b_r, out2_o, pre3_o):
    dinv = dinv_r[...]
    out2 = _rowmask((r0[0] + r1[0] + pre[...]) * dinv + b_r[...])
    out2_o[...] = out2
    pre3_o[...] = out2[:, :32] * dinv


_tc_post2 = pl.pallas_call(
    _post2_body,
    grid=(RGRID,),
    in_specs=_raw_specs(64) + [
        pl.BlockSpec((RBLK, 64), lambda i: (i, 0)),
        pl.BlockSpec((RBLK, 1), lambda i: (i, 0)),
        _full((1, 64)),
    ],
    out_specs=[
        pl.BlockSpec((RBLK, 64), lambda i: (i, 0)),
        pl.BlockSpec((RBLK, 32), lambda i: (i, 0)),
    ],
    out_shape=[
        jax.ShapeDtypeStruct((NP, 64), jnp.float32),
        jax.ShapeDtypeStruct((NP, 32), jnp.float32),
    ],
)


def _post3_body(r0, r1, pre, dinv_r, b_r, w_r, pre4_o):
    dinv = dinv_r[...]
    pz = (r0[0] + r1[0] + pre[...]) * dinv
    d = jnp.maximum(
        jnp.dot(pz, w_r[...], preferred_element_type=jnp.float32) + b_r[...],
        0.0,
    )
    pre4_o[...] = _rowmask(d) * dinv


_tc_post3 = pl.pallas_call(
    _post3_body,
    grid=(RGRID,),
    in_specs=_raw_specs(32) + [
        pl.BlockSpec((RBLK, 32), lambda i: (i, 0)),
        pl.BlockSpec((RBLK, 1), lambda i: (i, 0)),
        _full((1, 64)),
        _full((32, 64)),
    ],
    out_specs=pl.BlockSpec((RBLK, 64), lambda i: (i, 0)),
    out_shape=jax.ShapeDtypeStruct((NP, 64), jnp.float32),
)


def _post4_body(r0, r1, pre, dinv_r, b_r, w_r, xp_o):
    dinv = dinv_r[...]
    pd = (r0[0] + r1[0] + pre[...]) * dinv
    xp_o[...] = jax.nn.sigmoid(
        jnp.dot(pd, w_r[...], preferred_element_type=jnp.float32) + b_r[...]
    )


_tc_post4 = pl.pallas_call(
    _post4_body,
    grid=(RGRID,),
    in_specs=_raw_specs(64) + [
        pl.BlockSpec((RBLK, 64), lambda i: (i, 0)),
        pl.BlockSpec((RBLK, 1), lambda i: (i, 0)),
        _full((1, 128)),
        _full((64, 128)),
    ],
    out_specs=pl.BlockSpec((RBLK, 128), lambda i: (i, 0)),
    out_shape=jax.ShapeDtypeStruct((N, 128), jnp.float32),
)


def _decode_body(zi_ref, zj_ref, out_ref):
    zi = zi_ref[:, :32]
    zj = zj_ref[:, :32]
    s = lax.dot_general(
        zi, zj, (((1,), (1,)), ((), ())), preferred_element_type=jnp.float32
    )
    out_ref[...] = jax.nn.sigmoid(s)


def _decode_stripe_body(zi_ref, zj_ref, prev_ref, out_ref):
    del prev_ref
    _decode_body(zi_ref, zj_ref, out_ref)


NSTRIPE = 4
SROWS = GRID // NSTRIPE


def _make_decode_stripe(k):
    in_specs = [
        pl.BlockSpec((BLK, 64), lambda i, j: (k * SROWS + i, 0)),
        pl.BlockSpec((BLK, 64), lambda i, j: (j, 0)),
    ]
    if k == 0:
        return pl.pallas_call(
            _decode_body,
            grid=(SROWS, GRID),
            in_specs=in_specs,
            out_specs=pl.BlockSpec((BLK, BLK),
                                   lambda i, j: (k * SROWS + i, j)),
            out_shape=jax.ShapeDtypeStruct((N, N), jnp.float32),
        )
    return pl.pallas_call(
        _decode_stripe_body,
        grid=(SROWS, GRID),
        in_specs=in_specs + [pl.BlockSpec(memory_space=pl.ANY)],
        out_specs=pl.BlockSpec((BLK, BLK), lambda i, j: (k * SROWS + i, j)),
        out_shape=jax.ShapeDtypeStruct((N, N), jnp.float32),
        input_output_aliases={2: 0},
    )


_tc_decode_stripes = [_make_decode_stripe(k) for k in range(NSTRIPE)]


def kernel(x_features, edge_index, W1, b1, Wmu, bmu, Wlv, blv, W2, b2, W3, b3):
    f32 = jnp.float32
    src = edge_index[0].astype(jnp.int32)
    dst = edge_index[1].astype(jnp.int32)
    padi = jnp.full((EP - E,), N, dtype=jnp.int32)
    src3 = jnp.concatenate([src, padi]).reshape(EP // B, B)
    dst3 = jnp.concatenate([dst, padi]).reshape(EP // B, B)

    x_pad = jnp.zeros((NP, 128), f32).at[:N].set(x_features)

    Wcat = jnp.concatenate([Wmu, Wlv], axis=1)
    bcat = jnp.concatenate([bmu, blv]).reshape(1, 64)

    hist = _sc_hist(dst3)
    dinv, pre1 = _tc_prep1(hist, hist, x_pad, W1)

    raw1 = _sc_scat64(src3, dst3, pre1)
    pre2 = _tc_post1(raw1, raw1, pre1, dinv, b1.reshape(1, 64), Wcat)

    raw2 = _sc_scat64(src3, dst3, pre2)
    out2z, pre3 = _tc_post2(raw2, raw2, pre2, dinv, bcat)

    A_pred = _tc_decode_stripes[0](out2z, out2z)
    for stripe in _tc_decode_stripes[1:]:
        A_pred = stripe(out2z, out2z, A_pred)

    raw3 = _sc_scat32(src3, dst3, pre3)
    pre4 = _tc_post3(raw3, raw3, pre3, dinv, b2.reshape(1, 64), W2)

    raw4 = _sc_scat64(src3, dst3, pre4)
    x_pred = _tc_post4(raw4, raw4, pre4, dinv, b3.reshape(1, 128), W3)

    mu = out2z[:N, :32]
    logvar = out2z[:N, 32:]
    return A_pred, mu, logvar, mu, x_pred

# --- scband reference (transcript-rebuilt; emitter-appended) ---
"""Pipeline reference for scband-graph-vae-17377437680240 (READ-ONLY COPY).

The authoritative reference and input builder live on the scoring server;
editing this copy changes nothing except your own understanding.
"""

import jax, jax.numpy as jnp
import numpy as np

N = 10000
E = 160000
IN_DIM = 128
HID = 64
LAT = 32


def _glorot(key, shape):
    fan_in, fan_out = shape[0], shape[1]
    limit = jnp.sqrt(6.0 / (fan_in + fan_out))
    return jax.random.uniform(key, shape, minval=-limit, maxval=limit, dtype=jnp.float32)


def setup_inputs(seed: int = 0) -> dict:
    key = jax.random.key(seed)
    ks = jax.random.split(key, 12)
    x_features = jax.random.normal(ks[0], (N, IN_DIM), dtype=jnp.float32)
    edge_index = jax.random.randint(ks[1], (2, E), 0, N, dtype=jnp.int64) if jax.config.jax_enable_x64 else jax.random.randint(ks[1], (2, E), 0, N).astype(jnp.int32)
    return {
        'x_features': x_features,
        'edge_index': edge_index,
        'W1': _glorot(ks[2], (IN_DIM, HID)),
        'b1': jnp.zeros((HID,), dtype=jnp.float32),
        'Wmu': _glorot(ks[3], (HID, LAT)),
        'bmu': jnp.zeros((LAT,), dtype=jnp.float32),
        'Wlv': _glorot(ks[4], (HID, LAT)),
        'blv': jnp.zeros((LAT,), dtype=jnp.float32),
        'W2': _glorot(ks[5], (LAT, HID)),
        'b2': jnp.zeros((HID,), dtype=jnp.float32),
        'W3': _glorot(ks[6], (HID, IN_DIM)),
        'b3': jnp.zeros((IN_DIM,), dtype=jnp.float32),
    }


def _gcn_conv(x, W, b, edge_index, num_nodes):
    # PyG GCNConv: x' = D^{-1/2} (A + I) D^{-1/2} (x W) + b
    xw = x @ W
    src = edge_index[0]
    dst = edge_index[1]
    loop = jnp.arange(num_nodes, dtype=src.dtype)
    s = jnp.concatenate([src, loop])
    d = jnp.concatenate([dst, loop])
    deg = jnp.zeros((num_nodes,), dtype=xw.dtype).at[d].add(1.0)
    dinv = jax.lax.rsqrt(deg)
    dinv = jnp.where(jnp.isinf(dinv), 0.0, dinv)
    norm = dinv[s] * dinv[d]
    msgs = norm[:, None] * jnp.take(xw, s, axis=0)
    out = jnp.zeros_like(xw).at[d].add(msgs)
    return out + b


def reference(x_features, edge_index, W1, b1, Wmu, bmu, Wlv, blv, W2, b2, W3, b3):
    num_nodes = x_features.shape[0]
    # encode
    h = jax.nn.relu(_gcn_conv(x_features, W1, b1, edge_index, num_nodes))
    mu = _gcn_conv(h, Wmu, bmu, edge_index, num_nodes)
    logvar = _gcn_conv(h, Wlv, blv, edge_index, num_nodes)
    # reparameterize (eval mode: z = mu, deterministic)
    z = mu
    # dot product decode -> dense adjacency prediction
    A_pred = jax.nn.sigmoid(z @ z.T)
    # feature decode
    d = _gcn_conv(z, W2, b2, edge_index, num_nodes)
    d = jax.nn.relu(d)
    d = _gcn_conv(d, W3, b3, edge_index, num_nodes)
    x_pred = jax.nn.sigmoid(d)
    return (A_pred, mu, logvar, z, x_pred)

if __name__ == "__main__":
    import jax
    _d = setup_inputs()
    print(jax.jit(kernel)(*tuple(_d.values())))

</pallas_src>

<mosaic_0001>
#map = affine_map<(d0, d1) -> (0, 0)>
#map1 = affine_map<(d0, d1) -> (0, 0, 0)>
module attributes {stable_mosaic.version = 14 : i64} {
  func.func @body(%arg0: i32, %arg1: i32, %arg2: memref<1280x128xi32, #tpu.memory_space<hbm>>, %arg3: memref<1280x128xi32, #tpu.memory_space<hbm>>, %arg4: memref<10240x64xf32, #tpu.memory_space<hbm>>, %arg5: memref<32x640x64xf32, #tpu.memory_space<hbm>>, %arg6: memref<40x128xi32, #tpu.memory_space<vmem>>, %arg7: memref<40x128xi32, #tpu.memory_space<vmem>>, %arg8: memref<128x64xf32, #tpu.memory_space<vmem>>, %arg9: memref<128x64xf32, #tpu.memory_space<vmem>>, %arg10: memref<128x64xf32, #tpu.memory_space<vmem>>, %arg11: memref<128x64xf32, #tpu.memory_space<vmem>>, %arg12: memref<10240x64xf32, #tpu.memory_space<vmem_shared>>, %arg13: memref<10240x64xf32, #tpu.memory_space<vmem_shared>>, %arg14: memref<!tpu.dma_semaphore, #tpu.memory_space<semaphore_mem>>, %arg15: memref<!tpu.dma_semaphore, #tpu.memory_space<semaphore_mem>>, %arg16: memref<!tpu.dma_semaphore, #tpu.memory_space<semaphore_mem>>, %arg17: memref<!tpu.dma_semaphore, #tpu.memory_space<semaphore_mem>>, %arg18: memref<!tpu.dma_semaphore, #tpu.memory_space<semaphore_mem>>, %arg19: memref<!tpu.dma_semaphore, #tpu.memory_space<semaphore_mem>>, %arg20: memref<!tpu.dma_semaphore, #tpu.memory_space<semaphore_mem>>, %arg21: memref<!tpu.dma_semaphore, #tpu.memory_space<semaphore_mem>>) attributes {dimension_semantics = [#tpu.dimension_semantics<core_parallel>, #tpu.dimension_semantics<subcore_parallel>], iteration_bounds = array<i64: 2, 16>, scalar_prefetch = 0 : i64, scratch_operands = 16 : i64, tpu.core_type = #tpu.core_type<sc_vector_subcore>, window_params = [{transform_indices = #map}, {transform_indices = #map}, {transform_indices = #map}, {transform_indices = #map1}]} {
    %mul3A = arith.constant 16 : i32
    %mul3A_0 = arith.muli %arg0, %mul3A : i32
    %add3A = arith.addi %mul3A_0, %arg1 : i32
    %mul3A_1 = arith.constant 640 : i32
    %mul3A_2 = arith.muli %arg1, %mul3A_1 : i32
    %broadcast_in_dim3A = arith.constant 0.000000e+00 : f32
    %broadcast_in_dim3A_3 = vector.broadcast %broadcast_in_dim3A : f32 to vector<16xf32>
    %scan3A = arith.constant 0 : i32
    %scan3A_4 = arith.constant 0 : i32
    %scan3A_5 = arith.constant 128 : i32
    %scan3A_6 = arith.addi %scan3A_4, %scan3A_5 : i32
    %scan3A_7 = arith.constant 1 : i32
    scf.for %scan3A_60 = %scan3A_4 to %scan3A_6 step %scan3A_7  : i32 {
      %swap3A = arith.index_cast %scan3A_60 : i32 to index
      %swap3A_61 = arith.constant 0 : index
      %swap3A_62 = tpu.vector_load %arg8[%swap3A, %swap3A_61] {strides = array<i32>} : memref<128x64xf32, #tpu.memory_space<vmem>>, vector<1x16xf32>,
      %swap3A_63 = vector.shape_cast %swap3A_62 : vector<1x16xf32> to vector<16xf32>
      %swap3A_64 = vector.shape_cast %broadcast_in_dim3A_3 : vector<16xf32> to vector<1x16xf32>
      tpu.vector_store %arg8[%swap3A, %swap3A_61], %swap3A_64 {strides = array<i32>} : memref<128x64xf32, #tpu.memory_space<vmem>>, vector<1x16xf32>,
      %swap3A_65 = arith.index_cast %scan3A_60 : i32 to index
      %swap3A_66 = arith.constant 16 : index
      %swap3A_67 = tpu.vector_load %arg8[%swap3A_65, %swap3A_66] {strides = array<i32>} : memref<128x64xf32, #tpu.memory_space<vmem>>, vector<1x16xf32>,
      %swap3A_68 = vector.shape_cast %swap3A_67 : vector<1x16xf32> to vector<16xf32>
      %swap3A_69 = vector.shape_cast %broadcast_in_dim3A_3 : vector<16xf32> to vector<1x16xf32>
      tpu.vector_store %arg8[%swap3A_65, %swap3A_66], %swap3A_69 {strides = array<i32>} : memref<128x64xf32, #tpu.memory_space<vmem>>, vector<1x16xf32>,
      %swap3A_70 = arith.index_cast %scan3A_60 : i32 to index
      %swap3A_71 = arith.constant 32 : index
      %swap3A_72 = tpu.vector_load %arg8[%swap3A_70, %swap3A_71] {strides = array<i32>} : memref<128x64xf32, #tpu.memory_space<vmem>>, vector<1x16xf32>,
      %swap3A_73 = vector.shape_cast %swap3A_72 : vector<1x16xf32> to vector<16xf32>
      %swap3A_74 = vector.shape_cast %broadcast_in_dim3A_3 : vector<16xf32> to vector<1x16xf32>
      tpu.vector_store %arg8[%swap3A_70, %swap3A_71], %swap3A_74 {strides = array<i32>} : memref<128x64xf32, #tpu.memory_space<vmem>>, vector<1x16xf32>,
      %swap3A_75 = arith.index_cast %scan3A_60 : i32 to index
      %swap3A_76 = arith.constant 48 : index
      %swap3A_77 = tpu.vector_load %arg8[%swap3A_75, %swap3A_76] {strides = array<i32>} : memref<128x64xf32, #tpu.memory_space<vmem>>, vector<1x16xf32>,
      %swap3A_78 = vector.shape_cast %swap3A_77 : vector<1x16xf32> to vector<16xf32>
      %swap3A_79 = vector.shape_cast %broadcast_in_dim3A_3 : vector<16xf32> to vector<1x16xf32>
      tpu.vector_store %arg8[%swap3A_75, %swap3A_76], %swap3A_79 {strides = array<i32>} : memref<128x64xf32, #tpu.memory_space<vmem>>, vector<1x16xf32>,
    }
    %scan3A_8 = arith.constant 128 : i32
    %add3A_9 = arith.constant 0 : i32
    %add3A_10 = arith.addi %mul3A_2, %add3A_9 : i32
    "tpu.region"() ({
      %run_scoped3A = tpu.sem_alloc : memref<!tpu.dma_semaphore, #tpu.memory_space<semaphore_mem>>
      %dma_start3A = arith.constant 0 : i32
      %dma_start3A_60 = tpu.memref_slice %arg13[%add3A_10, %dma_start3A] : memref<10240x64xf32, #tpu.memory_space<vmem_shared>> -> memref<128x64xf32, #tpu.memory_space<vmem_shared>>
      %dma_start3A_61 = arith.constant 0 : i32
      %dma_start3A_62 = tpu.memref_slice %arg13[%add3A_10, %dma_start3A_61] : memref<10240x64xf32, #tpu.memory_space<vmem_shared>> -> memref<128x64xf32, #tpu.memory_space<vmem_shared>>
      tpu.enqueue_dma source(%arg8 : memref<128x64xf32, #tpu.memory_space<vmem>>) target(%dma_start3A_62 : memref<128x64xf32, #tpu.memory_space<vmem_shared>>) target_semaphore(%run_scoped3A : memref<!tpu.dma_semaphore, #tpu.memory_space<semaphore_mem>>)
      %dma_wait3A_63 = arith.constant 0 : i32
      %dma_wait3A_64 = tpu.memref_slice %arg13[%add3A_10, %dma_wait3A_63] : memref<10240x64xf32, #tpu.memory_space<vmem_shared>> -> memref<128x64xf32, #tpu.memory_space<vmem_shared>>
      %dma_wait3A_65 = arith.constant 0 : i32
      %dma_wait3A_66 = tpu.memref_slice %arg13[%add3A_10, %dma_wait3A_65] : memref<10240x64xf32, #tpu.memory_space<vmem_shared>> -> memref<128x64xf32, #tpu.memory_space<vmem_shared>>
      tpu.wait_dma2 semaphore(%run_scoped3A : memref<!tpu.dma_semaphore, #tpu.memory_space<semaphore_mem>>) src(%arg8 : memref<128x64xf32, #tpu.memory_space<vmem>>) dst(%dma_wait3A_66 : memref<128x64xf32, #tpu.memory_space<vmem_shared>>)
      tpu.yield
    }) : () -> ()
    %add3A_11 = arith.constant 128 : i32
    %add3A_12 = arith.addi %mul3A_2, %add3A_11 : i32
    "tpu.region"() ({
      %run_scoped3A = tpu.sem_alloc : memref<!tpu.dma_semaphore, #tpu.memory_space<semaphore_mem>>
      %dma_start3A = arith.constant 0 : i32
      %dma_start3A_60 = tpu.memref_slice %arg13[%add3A_12, %dma_start3A] : memref<10240x64xf32, #tpu.memory_space<vmem_shared>> -> memref<128x64xf32, #tpu.memory_space<vmem_shared>>
      %dma_start3A_61 = arith.constant 0 : i32
      %dma_start3A_62 = tpu.memref_slice %arg13[%add3A_12, %dma_start3A_61] : memref<10240x64xf32, #tpu.memory_space<vmem_shared>> -> memref<128x64xf32, #tpu.memory_space<vmem_shared>>
      tpu.enqueue_dma source(%arg8 : memref<128x64xf32, #tpu.memory_space<vmem>>) target(%dma_start3A_62 : memref<128x64xf32, #tpu.memory_space<vmem_shared>>) target_semaphore(%run_scoped3A : memref<!tpu.dma_semaphore, #tpu.memory_space<semaphore_mem>>)
      %dma_wait3A_63 = arith.constant 0 : i32
      %dma_wait3A_64 = tpu.memref_slice %arg13[%add3A_12, %dma_wait3A_63] : memref<10240x64xf32, #tpu.memory_space<vmem_shared>> -> memref<128x64xf32, #tpu.memory_space<vmem_shared>>
      %dma_wait3A_65 = arith.constant 0 : i32
      %dma_wait3A_66 = tpu.memref_slice %arg13[%add3A_12, %dma_wait3A_65] : memref<10240x64xf32, #tpu.memory_space<vmem_shared>> -> memref<128x64xf32, #tpu.memory_space<vmem_shared>>
      tpu.wait_dma2 semaphore(%run_scoped3A : memref<!tpu.dma_semaphore, #tpu.memory_space<semaphore_mem>>) src(%arg8 : memref<128x64xf32, #tpu.memory_space<vmem>>) dst(%dma_wait3A_66 : memref<128x64xf32, #tpu.memory_space<vmem_shared>>)
      tpu.yield
    }) : () -> ()
    %add3A_13 = arith.constant 256 : i32
    %add3A_14 = arith.addi %mul3A_2, %add3A_13 : i32
    "tpu.region"() ({
      %run_scoped3A = tpu.sem_alloc : memref<!tpu.dma_semaphore, #tpu.memory_space<semaphore_mem>>
      %dma_start3A = arith.constant 0 : i32
      %dma_start3A_60 = tpu.memref_slice %arg13[%add3A_14, %dma_start3A] : memref<10240x64xf32, #tpu.memory_space<vmem_shared>> -> memref<128x64xf32, #tpu.memory_space<vmem_shared>>
      %dma_start3A_61 = arith.constant 0 : i32
      %dma_start3A_62 = tpu.memref_slice %arg13[%add3A_14, %dma_start3A_61] : memref<10240x64xf32, #tpu.memory_space<vmem_shared>> -> memref<128x64xf32, #tpu.memory_space<vmem_shared>>
      tpu.enqueue_dma source(%arg8 : memref<128x64xf32, #tpu.memory_space<vmem>>) target(%dma_start3A_62 : memref<128x64xf32, #tpu.memory_space<vmem_shared>>) target_semaphore(%run_scoped3A : memref<!tpu.dma_semaphore, #tpu.memory_space<semaphore_mem>>)
      %dma_wait3A_63 = arith.constant 0 : i32
      %dma_wait3A_64 = tpu.memref_slice %arg13[%add3A_14, %dma_wait3A_63] : memref<10240x64xf32, #tpu.memory_space<vmem_shared>> -> memref<128x64xf32, #tpu.memory_space<vmem_shared>>
      %dma_wait3A_65 = arith.constant 0 : i32
      %dma_wait3A_66 = tpu.memref_slice %arg13[%add3A_14, %dma_wait3A_65] : memref<10240x64xf32, #tpu.memory_space<vmem_shared>> -> memref<128x64xf32, #tpu.memory_space<vmem_shared>>
      tpu.wait_dma2 semaphore(%run_scoped3A : memref<!tpu.dma_semaphore, #tpu.memory_space<semaphore_mem>>) src(%arg8 : memref<128x64xf32, #tpu.memory_space<vmem>>) dst(%dma_wait3A_66 : memref<128x64xf32, #tpu.memory_space<vmem_shared>>)
      tpu.yield
    }) : () -> ()
    %add3A_15 = arith.constant 384 : i32
    %add3A_16 = arith.addi %mul3A_2, %add3A_15 : i32
    "tpu.region"() ({
      %run_scoped3A = tpu.sem_alloc : memref<!tpu.dma_semaphore, #tpu.memory_space<semaphore_mem>>
      %dma_start3A = arith.constant 0 : i32
      %dma_start3A_60 = tpu.memref_slice %arg13[%add3A_16, %dma_start3A] : memref<10240x64xf32, #tpu.memory_space<vmem_shared>> -> memref<128x64xf32, #tpu.memory_space<vmem_shared>>
      %dma_start3A_61 = arith.constant 0 : i32
      %dma_start3A_62 = tpu.memref_slice %arg13[%add3A_16, %dma_start3A_61] : memref<10240x64xf32, #tpu.memory_space<vmem_shared>> -> memref<128x64xf32, #tpu.memory_space<vmem_shared>>
      tpu.enqueue_dma source(%arg8 : memref<128x64xf32, #tpu.memory_space<vmem>>) target(%dma_start3A_62 : memref<128x64xf32, #tpu.memory_space<vmem_shared>>) target_semaphore(%run_scoped3A : memref<!tpu.dma_semaphore, #tpu.memory_space<semaphore_mem>>)
      %dma_wait3A_63 = arith.constant 0 : i32
      %dma_wait3A_64 = tpu.memref_slice %arg13[%add3A_16, %dma_wait3A_63] : memref<10240x64xf32, #tpu.memory_space<vmem_shared>> -> memref<128x64xf32, #tpu.memory_space<vmem_shared>>
      %dma_wait3A_65 = arith.constant 0 : i32
      %dma_wait3A_66 = tpu.memref_slice %arg13[%add3A_16, %dma_wait3A_65] : memref<10240x64xf32, #tpu.memory_space<vmem_shared>> -> memref<128x64xf32, #tpu.memory_space<vmem_shared>>
      tpu.wait_dma2 semaphore(%run_scoped3A : memref<!tpu.dma_semaphore, #tpu.memory_space<semaphore_mem>>) src(%arg8 : memref<128x64xf32, #tpu.memory_space<vmem>>) dst(%dma_wait3A_66 : memref<128x64xf32, #tpu.memory_space<vmem_shared>>)
      tpu.yield
    }) : () -> ()
    %add3A_17 = arith.constant 512 : i32
    %add3A_18 = arith.addi %mul3A_2, %add3A_17 : i32
    "tpu.region"() ({
      %run_scoped3A = tpu.sem_alloc : memref<!tpu.dma_semaphore, #tpu.memory_space<semaphore_mem>>
      %dma_start3A = arith.constant 0 : i32
      %dma_start3A_60 = tpu.memref_slice %arg13[%add3A_18, %dma_start3A] : memref<10240x64xf32, #tpu.memory_space<vmem_shared>> -> memref<128x64xf32, #tpu.memory_space<vmem_shared>>
      %dma_start3A_61 = arith.constant 0 : i32
      %dma_start3A_62 = tpu.memref_slice %arg13[%add3A_18, %dma_start3A_61] : memref<10240x64xf32, #tpu.memory_space<vmem_shared>> -> memref<128x64xf32, #tpu.memory_space<vmem_shared>>
      tpu.enqueue_dma source(%arg8 : memref<128x64xf32, #tpu.memory_space<vmem>>) target(%dma_start3A_62 : memref<128x64xf32, #tpu.memory_space<vmem_shared>>) target_semaphore(%run_scoped3A : memref<!tpu.dma_semaphore, #tpu.memory_space<semaphore_mem>>)
      %dma_wait3A_63 = arith.constant 0 : i32
      %dma_wait3A_64 = tpu.memref_slice %arg13[%add3A_18, %dma_wait3A_63] : memref<10240x64xf32, #tpu.memory_space<vmem_shared>> -> memref<128x64xf32, #tpu.memory_space<vmem_shared>>
      %dma_wait3A_65 = arith.constant 0 : i32
      %dma_wait3A_66 = tpu.memref_slice %arg13[%add3A_18, %dma_wait3A_65] : memref<10240x64xf32, #tpu.memory_space<vmem_shared>> -> memref<128x64xf32, #tpu.memory_space<vmem_shared>>
      tpu.wait_dma2 semaphore(%run_scoped3A : memref<!tpu.dma_semaphore, #tpu.memory_space<semaphore_mem>>) src(%arg8 : memref<128x64xf32, #tpu.memory_space<vmem>>) dst(%dma_wait3A_66 : memref<128x64xf32, #tpu.memory_space<vmem_shared>>)
      tpu.yield
    }) : () -> ()
    "tpu.region"() ({
      %run_scoped3A = tpu.sem_alloc : memref<!tpu.dma_semaphore, #tpu.memory_space<semaphore_mem>>
      %dma_start3A = arith.constant 0 : i32
      %dma_start3A_60 = tpu.memref_slice %arg12[%mul3A_2, %dma_start3A] : memref<10240x64xf32, #tpu.memory_space<vmem_shared>> -> memref<640x64xf32, #tpu.memory_space<vmem_shared>>
      %dma_start3A_61 = arith.constant 0 : i32
      %dma_start3A_62 = tpu.memref_slice %arg4[%mul3A_2, %dma_start3A_61] : memref<10240x64xf32, #tpu.memory_space<hbm>> -> memref<640x64xf32, #tpu.memory_space<hbm>>
      tpu.enqueue_dma source(%dma_start3A_62 : memref<640x64xf32, #tpu.memory_space<hbm>>) target(%dma_start3A_60 : memref<640x64xf32, #tpu.memory_space<vmem_shared>>) target_semaphore(%run_scoped3A : memref<!tpu.dma_semaphore, #tpu.memory_space<semaphore_mem>>)
      %dma_wait3A_63 = arith.constant 0 : i32
      %dma_wait3A_64 = tpu.memref_slice %arg12[%mul3A_2, %dma_wait3A_63] : memref<10240x64xf32, #tpu.memory_space<vmem_shared>> -> memref<640x64xf32, #tpu.memory_space<vmem_shared>>
      %dma_wait3A_65 = arith.constant 0 : i32
      %dma_wait3A_66 = tpu.memref_slice %arg4[%mul3A_2, %dma_wait3A_65] : memref<10240x64xf32, #tpu.memory_space<hbm>> -> memref<640x64xf32, #tpu.memory_space<hbm>>
      tpu.wait_dma2 semaphore(%run_scoped3A : memref<!tpu.dma_semaphore, #tpu.memory_space<semaphore_mem>>) src(%dma_wait3A_66 : memref<640x64xf32, #tpu.memory_space<hbm>>) dst(%dma_wait3A_64 : memref<640x64xf32, #tpu.memory_space<vmem_shared>>)
      tpu.yield
    }) : () -> ()
    %mul3A_19 = arith.constant 40 : i32
    %mul3A_20 = arith.muli %add3A, %mul3A_19 : i32
    "tpu.region"() ({
      %run_scoped3A = tpu.sem_alloc : memref<!tpu.dma_semaphore, #tpu.memory_space<semaphore_mem>>
      %dma_start3A = arith.constant 0 : i32
      %dma_start3A_60 = tpu.memref_slice %arg2[%mul3A_20, %dma_start3A] : memref<1280x128xi32, #tpu.memory_space<hbm>> -> memref<40x128xi32, #tpu.memory_space<hbm>>
      %dma_start3A_61 = arith.constant 0 : i32
      %dma_start3A_62 = tpu.memref_slice %arg2[%mul3A_20, %dma_start3A_61] : memref<1280x128xi32, #tpu.memory_space<hbm>> -> memref<40x128xi32, #tpu.memory_space<hbm>>
      tpu.enqueue_dma source(%dma_start3A_62 : memref<40x128xi32, #tpu.memory_space<hbm>>) target(%arg6 : memref<40x128xi32, #tpu.memory_space<vmem>>) target_semaphore(%run_scoped3A : memref<!tpu.dma_semaphore, #tpu.memory_space<semaphore_mem>>)
      %dma_wait3A_63 = arith.constant 0 : i32
      %dma_wait3A_64 = tpu.memref_slice %arg2[%mul3A_20, %dma_wait3A_63] : memref<1280x128xi32, #tpu.memory_space<hbm>> -> memref<40x128xi32, #tpu.memory_space<hbm>>
      %dma_wait3A_65 = arith.constant 0 : i32
      %dma_wait3A_66 = tpu.memref_slice %arg2[%mul3A_20, %dma_wait3A_65] : memref<1280x128xi32, #tpu.memory_space<hbm>> -> memref<40x128xi32, #tpu.memory_space<hbm>>
      tpu.wait_dma2 semaphore(%run_scoped3A : memref<!tpu.dma_semaphore, #tpu.memory_space<semaphore_mem>>) src(%dma_wait3A_66 : memref<40x128xi32, #tpu.memory_space<hbm>>) dst(%arg6 : memref<40x128xi32, #tpu.memory_space<vmem>>)
      tpu.yield
    }) : () -> ()
    %mul3A_21 = arith.constant 40 : i32
    %mul3A_22 = arith.muli %add3A, %mul3A_21 : i32
    "tpu.region"() ({
      %run_scoped3A = tpu.sem_alloc : memref<!tpu.dma_semaphore, #tpu.memory_space<semaphore_mem>>
      %dma_start3A = arith.constant 0 : i32
      %dma_start3A_60 = tpu.memref_slice %arg3[%mul3A_22, %dma_start3A] : memref<1280x128xi32, #tpu.memory_space<hbm>> -> memref<40x128xi32, #tpu.memory_space<hbm>>
      %dma_start3A_61 = arith.constant 0 : i32
      %dma_start3A_62 = tpu.memref_slice %arg3[%mul3A_22, %dma_start3A_61] : memref<1280x128xi32, #tpu.memory_space<hbm>> -> memref<40x128xi32, #tpu.memory_space<hbm>>
      tpu.enqueue_dma source(%dma_start3A_62 : memref<40x128xi32, #tpu.memory_space<hbm>>) target(%arg7 : memref<40x128xi32, #tpu.memory_space<vmem>>) target_semaphore(%run_scoped3A : memref<!tpu.dma_semaphore, #tpu.memory_space<semaphore_mem>>)
      %dma_wait3A_63 = arith.constant 0 : i32
      %dma_wait3A_64 = tpu.memref_slice %arg3[%mul3A_22, %dma_wait3A_63] : memref<1280x128xi32, #tpu.memory_space<hbm>> -> memref<40x128xi32, #tpu.memory_space<hbm>>
      %dma_wait3A_65 = arith.constant 0 : i32
      %dma_wait3A_66 = tpu.memref_slice %arg3[%mul3A_22, %dma_wait3A_65] : memref<1280x128xi32, #tpu.memory_space<hbm>> -> memref<40x128xi32, #tpu.memory_space<hbm>>
      tpu.wait_dma2 semaphore(%run_scoped3A : memref<!tpu.dma_semaphore, #tpu.memory_space<semaphore_mem>>) src(%dma_wait3A_66 : memref<40x128xi32, #tpu.memory_space<hbm>>) dst(%arg7 : memref<40x128xi32, #tpu.memory_space<vmem>>)
      tpu.yield
    }) : () -> ()
    %barrier3A = arith.constant 0 : index
    tpu.barrier barrier_id(%barrier3A)
    %scan3A_23 = arith.constant 0 : i32
    %scan3A_24 = arith.constant 0 : i32
    %scan3A_25 = arith.constant 10 : i32
    %scan3A_26 = arith.addi %scan3A_24, %scan3A_25 : i32
    %scan3A_27 = arith.constant 1 : i32
    scf.for %scan3A_60 = %scan3A_24 to %scan3A_26 step %scan3A_27  : i32 {
      %mul3A_61 = arith.constant 4 : i32
      %mul3A_62 = arith.muli %scan3A_60, %mul3A_61 : i32
      %add3A_63 = arith.constant 0 : i32
      %add3A_64 = arith.addi %mul3A_62, %add3A_63 : i32
      %gt3A = arith.constant 0 : i32
      %gt3A_65 = arith.cmpi sgt, %scan3A_60, %gt3A : i32
      %convert_element_type3A = arith.extui %gt3A_65 : i1 to i32
      %cond3A = arith.constant 0 : i32
      %cond3A_66 = arith.cmpi ne, %convert_element_type3A, %cond3A : i32
      scf.if %cond3A_66 {
        %dma_wait3A_181 = arith.constant 0 : i32
        %dma_wait3A_182 = tpu.memref_slice %arg7[%add3A_64, %dma_wait3A_181] : memref<40x128xi32, #tpu.memory_space<vmem>> -> memref<1x128xi32, #tpu.memory_space<vmem>>
        %dma_wait3A_183 = tpu.memref_squeeze %dma_wait3A_182 : memref<1x128xi32, #tpu.memory_space<vmem>> -> memref<128xi32, #tpu.memory_space<vmem>>
        %dma_wait3A_184 = arith.constant 0 : i32
        %dma_wait3A_185 = arith.constant 0 : i32
        %dma_wait3A_186 = tpu.memref_slice %arg13[%dma_wait3A_184, %dma_wait3A_185] : memref<10240x64xf32, #tpu.memory_space<vmem_shared>> -> memref<10240x64xf32, #tpu.memory_space<vmem_shared>>
        tpu.wait_indirect_dma semaphore(%arg18 : memref<!tpu.dma_semaphore, #tpu.memory_space<semaphore_mem>>) src(%arg8 : memref<128x64xf32, #tpu.memory_space<vmem>>) dst(%dma_wait3A_186 : memref<10240x64xf32, #tpu.memory_space<vmem_shared>>)
      } else {
      }
      %dma_start3A = arith.constant 0 : i32
      %dma_start3A_67 = tpu.memref_slice %arg6[%add3A_64, %dma_start3A] : memref<40x128xi32, #tpu.memory_space<vmem>> -> memref<1x128xi32, #tpu.memory_space<vmem>>
      %dma_start3A_68 = tpu.memref_squeeze %dma_start3A_67 : memref<1x128xi32, #tpu.memory_space<vmem>> -> memref<128xi32, #tpu.memory_space<vmem>>
      %dma_start3A_69 = arith.constant 0 : i32
      %dma_start3A_70 = arith.constant 0 : i32
      %dma_start3A_71 = tpu.memref_slice %arg12[%dma_start3A_69, %dma_start3A_70] : memref<10240x64xf32, #tpu.memory_space<vmem_shared>> -> memref<10240x64xf32, #tpu.memory_space<vmem_shared>>
      tpu.enqueue_indirect_dma source(%dma_start3A_71 : memref<10240x64xf32, #tpu.memory_space<vmem_shared>>) target(%arg8 : memref<128x64xf32, #tpu.memory_space<vmem>>) offsets(%dma_start3A_68 : memref<128xi32, #tpu.memory_space<vmem>>) semaphore(%arg14 : memref<!tpu.dma_semaphore, #tpu.memory_space<semaphore_mem>>)
      %mul3A_72 = arith.constant 4 : i32
      %mul3A_73 = arith.muli %scan3A_60, %mul3A_72 : i32
      %add3A_74 = arith.constant 1 : i32
      %add3A_75 = arith.addi %mul3A_73, %add3A_74 : i32
      %gt3A_76 = arith.constant 0 : i32
      %gt3A_77 = arith.cmpi sgt, %scan3A_60, %gt3A_76 : i32
      %convert_element_type3A_78 = arith.extui %gt3A_77 : i1 to i32
      %cond3A_79 = arith.constant 0 : i32
      %cond3A_80 = arith.cmpi ne, %convert_element_type3A_78, %cond3A_79 : i32
      scf.if %cond3A_80 {
        %dma_wait3A_181 = arith.constant 0 : i32
        %dma_wait3A_182 = tpu.memref_slice %arg7[%add3A_75, %dma_wait3A_181] : memref<40x128xi32, #tpu.memory_space<vmem>> -> memref<1x128xi32, #tpu.memory_space<vmem>>
        %dma_wait3A_183 = tpu.memref_squeeze %dma_wait3A_182 : memref<1x128xi32, #tpu.memory_space<vmem>> -> memref<128xi32, #tpu.memory_space<vmem>>
        %dma_wait3A_184 = arith.constant 0 : i32
        %dma_wait3A_185 = arith.constant 0 : i32
        %dma_wait3A_186 = tpu.memref_slice %arg13[%dma_wait3A_184, %dma_wait3A_185] : memref<10240x64xf32, #tpu.memory_space<vmem_shared>> -> memref<10240x64xf32, #tpu.memory_space<vmem_shared>>
        tpu.wait_indirect_dma semaphore(%arg19 : memref<!tpu.dma_semaphore, #tpu.memory_space<semaphore_mem>>) src(%arg9 : memref<128x64xf32, #tpu.memory_space<vmem>>) dst(%dma_wait3A_186 : memref<10240x64xf32, #tpu.memory_space<vmem_shared>>)
      } else {
      }
      %dma_start3A_81 = arith.constant 0 : i32
      %dma_start3A_82 = tpu.memref_slice %arg6[%add3A_75, %dma_start3A_81] : memref<40x128xi32, #tpu.memory_space<vmem>> -> memref<1x128xi32, #tpu.memory_space<vmem>>
      %dma_start3A_83 = tpu.memref_squeeze %dma_start3A_82 : memref<1x128xi32, #tpu.memory_space<vmem>> -> memref<128xi32, #tpu.memory_space<vmem>>
      %dma_start3A_84 = arith.constant 0 : i32
      %dma_start3A_85 = arith.constant 0 : i32
      %dma_start3A_86 = tpu.memref_slice %arg12[%dma_start3A_84, %dma_start3A_85] : memref<10240x64xf32, #tpu.memory_space<vmem_shared>> -> memref<10240x64xf32, #tpu.memory_space<vmem_shared>>
      tpu.enqueue_indirect_dma source(%dma_start3A_86 : memref<10240x64xf32, #tpu.memory_space<vmem_shared>>) target(%arg9 : memref<128x64xf32, #tpu.memory_space<vmem>>) offsets(%dma_start3A_83 : memref<128xi32, #tpu.memory_space<vmem>>) semaphore(%arg15 : memref<!tpu.dma_semaphore, #tpu.memory_space<semaphore_mem>>)
      %mul3A_87 = arith.constant 4 : i32
      %mul3A_88 = arith.muli %scan3A_60, %mul3A_87 : i32
      %add3A_89 = arith.constant 2 : i32
      %add3A_90 = arith.addi %mul3A_88, %add3A_89 : i32
      %gt3A_91 = arith.constant 0 : i32
      %gt3A_92 = arith.cmpi sgt, %scan3A_60, %gt3A_91 : i32
      %convert_element_type3A_93 = arith.extui %gt3A_92 : i1 to i32
      %cond3A_94 = arith.constant 0 : i32
      %cond3A_95 = arith.cmpi ne, %convert_element_type3A_93, %cond3A_94 : i32
      scf.if %cond3A_95 {
        %dma_wait3A_181 = arith.constant 0 : i32
        %dma_wait3A_182 = tpu.memref_slice %arg7[%add3A_90, %dma_wait3A_181] : memref<40x128xi32, #tpu.memory_space<vmem>> -> memref<1x128xi32, #tpu.memory_space<vmem>>
        %dma_wait3A_183 = tpu.memref_squeeze %dma_wait3A_182 : memref<1x128xi32, #tpu.memory_space<vmem>> -> memref<128xi32, #tpu.memory_space<vmem>>
        %dma_wait3A_184 = arith.constant 0 : i32
        %dma_wait3A_185 = arith.constant 0 : i32
        %dma_wait3A_186 = tpu.memref_slice %arg13[%dma_wait3A_184, %dma_wait3A_185] : memref<10240x64xf32, #tpu.memory_space<vmem_shared>> -> memref<10240x64xf32, #tpu.memory_space<vmem_shared>>
        tpu.wait_indirect_dma semaphore(%arg20 : memref<!tpu.dma_semaphore, #tpu.memory_space<semaphore_mem>>) src(%arg10 : memref<128x64xf32, #tpu.memory_space<vmem>>) dst(%dma_wait3A_186 : memref<10240x64xf32, #tpu.memory_space<vmem_shared>>)
      } else {
      }
      %dma_start3A_96 = arith.constant 0 : i32
      %dma_start3A_97 = tpu.memref_slice %arg6[%add3A_90, %dma_start3A_96] : memref<40x128xi32, #tpu.memory_space<vmem>> -> memref<1x128xi32, #tpu.memory_space<vmem>>
      %dma_start3A_98 = tpu.memref_squeeze %dma_start3A_97 : memref<1x128xi32, #tpu.memory_space<vmem>> -> memref<128xi32, #tpu.memory_space<vmem>>
      %dma_start3A_99 = arith.constant 0 : i32
      %dma_start3A_100 = arith.constant 0 : i32
      %dma_start3A_101 = tpu.memref_slice %arg12[%dma_start3A_99, %dma_start3A_100] : memref<10240x64xf32, #tpu.memory_space<vmem_shared>> -> memref<10240x64xf32, #tpu.memory_space<vmem_shared>>
      tpu.enqueue_indirect_dma source(%dma_start3A_101 : memref<10240x64xf32, #tpu.memory_space<vmem_shared>>) target(%arg10 : memref<128x64xf32, #tpu.memory_space<vmem>>) offsets(%dma_start3A_98 : memref<128xi32, #tpu.memory_space<vmem>>) semaphore(%arg16 : memref<!tpu.dma_semaphore, #tpu.memory_space<semaphore_mem>>)
      %mul3A_102 = arith.constant 4 : i32
      %mul3A_103 = arith.muli %scan3A_60, %mul3A_102 : i32
      %add3A_104 = arith.constant 3 : i32
      %add3A_105 = arith.addi %mul3A_103, %add3A_104 : i32
      %gt3A_106 = arith.constant 0 : i32
      %gt3A_107 = arith.cmpi sgt, %scan3A_60, %gt3A_106 : i32
      %convert_element_type3A_108 = arith.extui %gt3A_107 : i1 to i32
      %cond3A_109 = arith.constant 0 : i32
      %cond3A_110 = arith.cmpi ne, %convert_element_type3A_108, %cond3A_109 : i32
      scf.if %cond3A_110 {
        %dma_wait3A_181 = arith.constant 0 : i32
        %dma_wait3A_182 = tpu.memref_slice %arg7[%add3A_105, %dma_wait3A_181] : memref<40x128xi32, #tpu.memory_space<vmem>> -> memref<1x128xi32, #tpu.memory_space<vmem>>
        %dma_wait3A_183 = tpu.memref_squeeze %dma_wait3A_182 : memref<1x128xi32, #tpu.memory_space<vmem>> -> memref<128xi32, #tpu.memory_space<vmem>>
        %dma_wait3A_184 = arith.constant 0 : i32
        %dma_wait3A_185 = arith.constant 0 : i32
        %dma_wait3A_186 = tpu.memref_slice %arg13[%dma_wait3A_184, %dma_wait3A_185] : memref<10240x64xf32, #tpu.memory_space<vmem_shared>> -> memref<10240x64xf32, #tpu.memory_space<vmem_shared>>
        tpu.wait_indirect_dma semaphore(%arg21 : memref<!tpu.dma_semaphore, #tpu.memory_space<semaphore_mem>>) src(%arg11 : memref<128x64xf32, #tpu.memory_space<vmem>>) dst(%dma_wait3A_186 : memref<10240x64xf32, #tpu.memory_space<vmem_shared>>)
      } else {
      }
      %dma_start3A_111 = arith.constant 0 : i32
      %dma_start3A_112 = tpu.memref_slice %arg6[%add3A_105, %dma_start3A_111] : memref<40x128xi32, #tpu.memory_space<vmem>> -> memref<1x128xi32, #tpu.memory_space<vmem>>
      %dma_start3A_113 = tpu.memref_squeeze %dma_start3A_112 : memref<1x128xi32, #tpu.memory_space<vmem>> -> memref<128xi32, #tpu.memory_space<vmem>>
      %dma_start3A_114 = arith.constant 0 : i32
      %dma_start3A_115 = arith.constant 0 : i32
      %dma_start3A_116 = tpu.memref_slice %arg12[%dma_start3A_114, %dma_start3A_115] : memref<10240x64xf32, #tpu.memory_space<vmem_shared>> -> memref<10240x64xf32, #tpu.memory_space<vmem_shared>>
      tpu.enqueue_indirect_dma source(%dma_start3A_116 : memref<10240x64xf32, #tpu.memory_space<vmem_shared>>) target(%arg11 : memref<128x64xf32, #tpu.memory_space<vmem>>) offsets(%dma_start3A_113 : memref<128xi32, #tpu.memory_space<vmem>>) semaphore(%arg17 : memref<!tpu.dma_semaphore, #tpu.memory_space<semaphore_mem>>)
      %mul3A_117 = arith.constant 4 : i32
      %mul3A_118 = arith.muli %scan3A_60, %mul3A_117 : i32
      %add3A_119 = arith.constant 0 : i32
      %add3A_120 = arith.addi %mul3A_118, %add3A_119 : i32
      %dma_wait3A_121 = arith.constant 0 : i32
      %dma_wait3A_122 = tpu.memref_slice %arg6[%add3A_64, %dma_wait3A_121] : memref<40x128xi32, #tpu.memory_space<vmem>> -> memref<1x128xi32, #tpu.memory_space<vmem>>
      %dma_wait3A_123 = tpu.memref_squeeze %dma_wait3A_122 : memref<1x128xi32, #tpu.memory_space<vmem>> -> memref<128xi32, #tpu.memory_space<vmem>>
      %dma_wait3A_124 = arith.constant 0 : i32
      %dma_wait3A_125 = arith.constant 0 : i32
      %dma_wait3A_126 = tpu.memref_slice %arg12[%dma_wait3A_124, %dma_wait3A_125] : memref<10240x64xf32, #tpu.memory_space<vmem_shared>> -> memref<10240x64xf32, #tpu.memory_space<vmem_shared>>
      tpu.wait_indirect_dma semaphore(%arg14 : memref<!tpu.dma_semaphore, #tpu.memory_space<semaphore_mem>>) src(%dma_wait3A_126 : memref<10240x64xf32, #tpu.memory_space<vmem_shared>>) dst(%arg8 : memref<128x64xf32, #tpu.memory_space<vmem>>)
      %dma_start3A_127 = arith.constant 0 : i32
      %dma_start3A_128 = tpu.memref_slice %arg7[%add3A_120, %dma_start3A_127] : memref<40x128xi32, #tpu.memory_space<vmem>> -> memref<1x128xi32, #tpu.memory_space<vmem>>
      %dma_start3A_129 = tpu.memref_squeeze %dma_start3A_128 : memref<1x128xi32, #tpu.memory_space<vmem>> -> memref<128xi32, #tpu.memory_space<vmem>>
      %dma_start3A_130 = arith.constant 0 : i32
      %dma_start3A_131 = arith.constant 0 : i32
      %dma_start3A_132 = tpu.memref_slice %arg13[%dma_start3A_130, %dma_start3A_131] : memref<10240x64xf32, #tpu.memory_space<vmem_shared>> -> memref<10240x64xf32, #tpu.memory_space<vmem_shared>>
      tpu.enqueue_indirect_dma source(%arg8 : memref<128x64xf32, #tpu.memory_space<vmem>>) target(%dma_start3A_132 : memref<10240x64xf32, #tpu.memory_space<vmem_shared>>) offsets(%dma_start3A_129 : memref<128xi32, #tpu.memory_space<vmem>>) semaphore(%arg18 : memref<!tpu.dma_semaphore, #tpu.memory_space<semaphore_mem>>) {add = true}
      %mul3A_133 = arith.constant 4 : i32
      %mul3A_134 = arith.muli %scan3A_60, %mul3A_133 : i32
      %add3A_135 = arith.constant 1 : i32
      %add3A_136 = arith.addi %mul3A_134, %add3A_135 : i32
      %dma_wait3A_137 = arith.constant 0 : i32
      %dma_wait3A_138 = tpu.memref_slice %arg6[%add3A_75, %dma_wait3A_137] : memref<40x128xi32, #tpu.memory_space<vmem>> -> memref<1x128xi32, #tpu.memory_space<vmem>>
      %dma_wait3A_139 = tpu.memref_squeeze %dma_wait3A_138 : memref<1x128xi32, #tpu.memory_space<vmem>> -> memref<128xi32, #tpu.memory_space<vmem>>
      %dma_wait3A_140 = arith.constant 0 : i32
      %dma_wait3A_141 = arith.constant 0 : i32
      %dma_wait3A_142 = tpu.memref_slice %arg12[%dma_wait3A_140, %dma_wait3A_141] : memref<10240x64xf32, #tpu.memory_space<vmem_shared>> -> memref<10240x64xf32, #tpu.memory_space<vmem_shared>>
      tpu.wait_indirect_dma semaphore(%arg15 : memref<!tpu.dma_semaphore, #tpu.memory_space<semaphore_mem>>) src(%dma_wait3A_142 : memref<10240x64xf32, #tpu.memory_space<vmem_shared>>) dst(%arg9 : memref<128x64xf32, #tpu.memory_space<vmem>>)
      %dma_start3A_143 = arith.constant 0 : i32
      %dma_start3A_144 = tpu.memref_slice %arg7[%add3A_136, %dma_start3A_143] : memref<40x128xi32, #tpu.memory_space<vmem>> -> memref<1x128xi32, #tpu.memory_space<vmem>>
      %dma_start3A_145 = tpu.memref_squeeze %dma_start3A_144 : memref<1x128xi32, #tpu.memory_space<vmem>> -> memref<128xi32, #tpu.memory_space<vmem>>
      %dma_start3A_146 = arith.constant 0 : i32
      %dma_start3A_147 = arith.constant 0 : i32
      %dma_start3A_148 = tpu.memref_slice %arg13[%dma_start3A_146, %dma_start3A_147] : memref<10240x64xf32, #tpu.memory_space<vmem_shared>> -> memref<10240x64xf32, #tpu.memory_space<vmem_shared>>
      tpu.enqueue_indirect_dma source(%arg9 : memref<128x64xf32, #tpu.memory_space<vmem>>) target(%dma_start3A_148 : memref<10240x64xf32, #tpu.memory_space<vmem_shared>>) offsets(%dma_start3A_145 : memref<128xi32, #tpu.memory_space<vmem>>) semaphore(%arg19 : memref<!tpu.dma_semaphore, #tpu.memory_space<semaphore_mem>>) {add = true}
      %mul3A_149 = arith.constant 4 : i32
      %mul3A_150 = arith.muli %scan3A_60, %mul3A_149 : i32
      %add3A_151 = arith.constant 2 : i32
      %add3A_152 = arith.addi %mul3A_150, %add3A_151 : i32
      %dma_wait3A_153 = arith.constant 0 : i32
      %dma_wait3A_154 = tpu.memref_slice %arg6[%add3A_90, %dma_wait3A_153] : memref<40x128xi32, #tpu.memory_space<vmem>> -> memref<1x128xi32, #tpu.memory_space<vmem>>
      %dma_wait3A_155 = tpu.memref_squeeze %dma_wait3A_154 : memref<1x128xi32, #tpu.memory_space<vmem>> -> memref<128xi32, #tpu.memory_space<vmem>>
      %dma_wait3A_156 = arith.constant 0 : i32
      %dma_wait3A_157 = arith.constant 0 : i32
      %dma_wait3A_158 = tpu.memref_slice %arg12[%dma_wait3A_156, %dma_wait3A_157] : memref<10240x64xf32, #tpu.memory_space<vmem_shared>> -> memref<10240x64xf32, #tpu.memory_space<vmem_shared>>
      tpu.wait_indirect_dma semaphore(%arg16 : memref<!tpu.dma_semaphore, #tpu.memory_space<semaphore_mem>>) src(%dma_wait3A_158 : memref<10240x64xf32, #tpu.memory_space<vmem_shared>>) dst(%arg10 : memref<128x64xf32, #tpu.memory_space<vmem>>)
      %dma_start3A_159 = arith.constant 0 : i32
      %dma_start3A_160 = tpu.memref_slice %arg7[%add3A_152, %dma_start3A_159] : memref<40x128xi32, #tpu.memory_space<vmem>> -> memref<1x128xi32, #tpu.memory_space<vmem>>
      %dma_start3A_161 = tpu.memref_squeeze %dma_start3A_160 : memref<1x128xi32, #tpu.memory_space<vmem>> -> memref<128xi32, #tpu.memory_space<vmem>>
      %dma_start3A_162 = arith.constant 0 : i32
      %dma_start3A_163 = arith.constant 0 : i32
      %dma_start3A_164 = tpu.memref_slice %arg13[%dma_start3A_162, %dma_start3A_163] : memref<10240x64xf32, #tpu.memory_space<vmem_shared>> -> memref<10240x64xf32, #tpu.memory_space<vmem_shared>>
      tpu.enqueue_indirect_dma source(%arg10 : memref<128x64xf32, #tpu.memory_space<vmem>>) target(%dma_start3A_164 : memref<10240x64xf32, #tpu.memory_space<vmem_shared>>) offsets(%dma_start3A_161 : memref<128xi32, #tpu.memory_space<vmem>>) semaphore(%arg20 : memref<!tpu.dma_semaphore, #tpu.memory_space<semaphore_mem>>) {add = true}
      %mul3A_165 = arith.constant 4 : i32
      %mul3A_166 = arith.muli %scan3A_60, %mul3A_165 : i32
      %add3A_167 = arith.constant 3 : i32
      %add3A_168 = arith.addi %mul3A_166, %add3A_167 : i32
      %dma_wait3A_169 = arith.constant 0 : i32
      %dma_wait3A_170 = tpu.memref_slice %arg6[%add3A_105, %dma_wait3A_169] : memref<40x128xi32, #tpu.memory_space<vmem>> -> memref<1x128xi32, #tpu.memory_space<vmem>>
      %dma_wait3A_171 = tpu.memref_squeeze %dma_wait3A_170 : memref<1x128xi32, #tpu.memory_space<vmem>> -> memref<128xi32, #tpu.memory_space<vmem>>
      %dma_wait3A_172 = arith.constant 0 : i32
      %dma_wait3A_173 = arith.constant 0 : i32
      %dma_wait3A_174 = tpu.memref_slice %arg12[%dma_wait3A_172, %dma_wait3A_173] : memref<10240x64xf32, #tpu.memory_space<vmem_shared>> -> memref<10240x64xf32, #tpu.memory_space<vmem_shared>>
      tpu.wait_indirect_dma semaphore(%arg17 : memref<!tpu.dma_semaphore, #tpu.memory_space<semaphore_mem>>) src(%dma_wait3A_174 : memref<10240x64xf32, #tpu.memory_space<vmem_shared>>) dst(%arg11 : memref<128x64xf32, #tpu.memory_space<vmem>>)
      %dma_start3A_175 = arith.constant 0 : i32
      %dma_start3A_176 = tpu.memref_slice %arg7[%add3A_168, %dma_start3A_175] : memref<40x128xi32, #tpu.memory_space<vmem>> -> memref<1x128xi32, #tpu.memory_space<vmem>>
      %dma_start3A_177 = tpu.memref_squeeze %dma_start3A_176 : memref<1x128xi32, #tpu.memory_space<vmem>> -> memref<128xi32, #tpu.memory_space<vmem>>
      %dma_start3A_178 = arith.constant 0 : i32
      %dma_start3A_179 = arith.constant 0 : i32
      %dma_start3A_180 = tpu.memref_slice %arg13[%dma_start3A_178, %dma_start3A_179] : memref<10240x64xf32, #tpu.memory_space<vmem_shared>> -> memref<10240x64xf32, #tpu.memory_space<vmem_shared>>
      tpu.enqueue_indirect_dma source(%arg11 : memref<128x64xf32, #tpu.memory_space<vmem>>) target(%dma_start3A_180 : memref<10240x64xf32, #tpu.memory_space<vmem_shared>>) offsets(%dma_start3A_177 : memref<128xi32, #tpu.memory_space<vmem>>) semaphore(%arg21 : memref<!tpu.dma_semaphore, #tpu.memory_space<semaphore_mem>>) {add = true}
    }
    %scan3A_28 = arith.constant 10 : i32
    %dma_wait3A = arith.constant 0 : i32
    %dma_wait3A_29 = arith.constant 0 : i32
    %dma_wait3A_30 = tpu.memref_slice %arg7[%dma_wait3A, %dma_wait3A_29] : memref<40x128xi32, #tpu.memory_space<vmem>> -> memref<1x128xi32, #tpu.memory_space<vmem>>
    %dma_wait3A_31 = tpu.memref_squeeze %dma_wait3A_30 : memref<1x128xi32, #tpu.memory_space<vmem>> -> memref<128xi32, #tpu.memory_space<vmem>>
    %dma_wait3A_32 = arith.constant 0 : i32
    %dma_wait3A_33 = arith.constant 0 : i32
    %dma_wait3A_34 = tpu.memref_slice %arg13[%dma_wait3A_32, %dma_wait3A_33] : memref<10240x64xf32, #tpu.memory_space<vmem_shared>> -> memref<10240x64xf32, #tpu.memory_space<vmem_shared>>
    tpu.wait_indirect_dma semaphore(%arg18 : memref<!tpu.dma_semaphore, #tpu.memory_space<semaphore_mem>>) src(%arg8 : memref<128x64xf32, #tpu.memory_space<vmem>>) dst(%dma_wait3A_34 : memref<10240x64xf32, #tpu.memory_space<vmem_shared>>)
    %dma_wait3A_35 = arith.constant 1 : i32
    %dma_wait3A_36 = arith.constant 0 : i32
    %dma_wait3A_37 = tpu.memref_slice %arg7[%dma_wait3A_35, %dma_wait3A_36] : memref<40x128xi32, #tpu.memory_space<vmem>> -> memref<1x128xi32, #tpu.memory_space<vmem>>
    %dma_wait3A_38 = tpu.memref_squeeze %dma_wait3A_37 : memref<1x128xi32, #tpu.memory_space<vmem>> -> memref<128xi32, #tpu.memory_space<vmem>>
    %dma_wait3A_39 = arith.constant 0 : i32
    %dma_wait3A_40 = arith.constant 0 : i32
    %dma_wait3A_41 = tpu.memref_slice %arg13[%dma_wait3A_39, %dma_wait3A_40] : memref<10240x64xf32, #tpu.memory_space<vmem_shared>> -> memref<10240x64xf32, #tpu.memory_space<vmem_shared>>
    tpu.wait_indirect_dma semaphore(%arg19 : memref<!tpu.dma_semaphore, #tpu.memory_space<semaphore_mem>>) src(%arg9 : memref<128x64xf32, #tpu.memory_space<vmem>>) dst(%dma_wait3A_41 : memref<10240x64xf32, #tpu.memory_space<vmem_shared>>)
    %dma_wait3A_42 = arith.constant 2 : i32
    %dma_wait3A_43 = arith.constant 0 : i32
    %dma_wait3A_44 = tpu.memref_slice %arg7[%dma_wait3A_42, %dma_wait3A_43] : memref<40x128xi32, #tpu.memory_space<vmem>> -> memref<1x128xi32, #tpu.memory_space<vmem>>
    %dma_wait3A_45 = tpu.memref_squeeze %dma_wait3A_44 : memref<1x128xi32, #tpu.memory_space<vmem>> -> memref<128xi32, #tpu.memory_space<vmem>>
    %dma_wait3A_46 = arith.constant 0 : i32
    %dma_wait3A_47 = arith.constant 0 : i32
    %dma_wait3A_48 = tpu.memref_slice %arg13[%dma_wait3A_46, %dma_wait3A_47] : memref<10240x64xf32, #tpu.memory_space<vmem_shared>> -> memref<10240x64xf32, #tpu.memory_space<vmem_shared>>
    tpu.wait_indirect_dma semaphore(%arg20 : memref<!tpu.dma_semaphore, #tpu.memory_space<semaphore_mem>>) src(%arg10 : memref<128x64xf32, #tpu.memory_space<vmem>>) dst(%dma_wait3A_48 : memref<10240x64xf32, #tpu.memory_space<vmem_shared>>)
    %dma_wait3A_49 = arith.constant 3 : i32
    %dma_wait3A_50 = arith.constant 0 : i32
    %dma_wait3A_51 = tpu.memref_slice %arg7[%dma_wait3A_49, %dma_wait3A_50] : memref<40x128xi32, #tpu.memory_space<vmem>> -> memref<1x128xi32, #tpu.memory_space<vmem>>
    %dma_wait3A_52 = tpu.memref_squeeze %dma_wait3A_51 : memref<1x128xi32, #tpu.memory_space<vmem>> -> memref<128xi32, #tpu.memory_space<vmem>>
    %dma_wait3A_53 = arith.constant 0 : i32
    %dma_wait3A_54 = arith.constant 0 : i32
    %dma_wait3A_55 = tpu.memref_slice %arg13[%dma_wait3A_53, %dma_wait3A_54] : memref<10240x64xf32, #tpu.memory_space<vmem_shared>> -> memref<10240x64xf32, #tpu.memory_space<vmem_shared>>
    tpu.wait_indirect_dma semaphore(%arg21 : memref<!tpu.dma_semaphore, #tpu.memory_space<semaphore_mem>>) src(%arg11 : memref<128x64xf32, #tpu.memory_space<vmem>>) dst(%dma_wait3A_55 : memref<10240x64xf32, #tpu.memory_space<vmem_shared>>)
    %barrier3A_56 = arith.constant 0 : index
    tpu.barrier barrier_id(%barrier3A_56)
    %mul3A_57 = arith.constant 16 : i32
    %mul3A_58 = arith.muli %arg0, %mul3A_57 : i32
    %add3A_59 = arith.addi %mul3A_58, %arg1 : i32
    "tpu.region"() ({
      %run_scoped3A = tpu.sem_alloc : memref<!tpu.dma_semaphore, #tpu.memory_space<semaphore_mem>>
      %dma_start3A = arith.constant 0 : i32
      %dma_start3A_60 = arith.constant 0 : i32
      %dma_start3A_61 = tpu.memref_slice %arg5[%add3A_59, %dma_start3A, %dma_start3A_60] : memref<32x640x64xf32, #tpu.memory_space<hbm>> -> memref<1x640x64xf32, #tpu.memory_space<hbm>>
      %dma_start3A_62 = tpu.memref_squeeze %dma_start3A_61 : memref<1x640x64xf32, #tpu.memory_space<hbm>> -> memref<640x64xf32, #tpu.memory_space<hbm>>
      %dma_start3A_63 = arith.constant 0 : i32
      %dma_start3A_64 = tpu.memref_slice %arg13[%mul3A_2, %dma_start3A_63] : memref<10240x64xf32, #tpu.memory_space<vmem_shared>> -> memref<640x64xf32, #tpu.memory_space<vmem_shared>>
      tpu.enqueue_dma source(%dma_start3A_64 : memref<640x64xf32, #tpu.memory_space<vmem_shared>>) target(%dma_start3A_62 : memref<640x64xf32, #tpu.memory_space<hbm>>) target_semaphore(%run_scoped3A : memref<!tpu.dma_semaphore, #tpu.memory_space<semaphore_mem>>)
      %dma_wait3A_65 = arith.constant 0 : i32
      %dma_wait3A_66 = arith.constant 0 : i32
      %dma_wait3A_67 = tpu.memref_slice %arg5[%add3A_59, %dma_wait3A_65, %dma_wait3A_66] : memref<32x640x64xf32, #tpu.memory_space<hbm>> -> memref<1x640x64xf32, #tpu.memory_space<hbm>>
      %dma_wait3A_68 = tpu.memref_squeeze %dma_wait3A_67 : memref<1x640x64xf32, #tpu.memory_space<hbm>> -> memref<640x64xf32, #tpu.memory_space<hbm>>
      %dma_wait3A_69 = arith.constant 0 : i32
      %dma_wait3A_70 = tpu.memref_slice %arg13[%mul3A_2, %dma_wait3A_69] : memref<10240x64xf32, #tpu.memory_space<vmem_shared>> -> memref<640x64xf32, #tpu.memory_space<vmem_shared>>
      tpu.wait_dma2 semaphore(%run_scoped3A : memref<!tpu.dma_semaphore, #tpu.memory_space<semaphore_mem>>) src(%dma_wait3A_70 : memref<640x64xf32, #tpu.memory_space<vmem_shared>>) dst(%dma_wait3A_68 : memref<640x64xf32, #tpu.memory_space<hbm>>)
      tpu.yield
    }) : () -> ()
    return
  }
}

#map = affine_map<(d0, d1) -> (0, 0)>
#map1 = affine_map<(d0, d1) -> (0, 0, 0)>
module attributes {stable_mosaic.version = 14 : i64} {
  func.func @_hist_body(%arg0: i32, %arg1: i32, %arg2: memref<1280x128xi32, #tpu.memory_space<hbm>>, %arg3: memref<32x640x16xf32, #tpu.memory_space<hbm>>, %arg4: memref<40x128xi32, #tpu.memory_space<vmem>>, %arg5: memref<128x16xf32, #tpu.memory_space<vmem>>, %arg6: memref<10240x16xf32, #tpu.memory_space<vmem_shared>>) attributes {dimension_semantics = [#tpu.dimension_semantics<core_parallel>, #tpu.dimension_semantics<subcore_parallel>], iteration_bounds = array<i64: 2, 16>, scalar_prefetch = 0 : i64, scratch_operands = 3 : i64, tpu.core_type = #tpu.core_type<sc_vector_subcore>, window_params = [{transform_indices = #map}, {transform_indices = #map1}]} {
    %mul3A = arith.constant 16 : i32
    %mul3A_0 = arith.muli %arg0, %mul3A : i32
    %add3A = arith.addi %mul3A_0, %arg1 : i32
    %mul3A_1 = arith.constant 640 : i32
    %mul3A_2 = arith.muli %arg1, %mul3A_1 : i32
    %broadcast_in_dim3A = arith.constant 0.000000e+00 : f32
    %broadcast_in_dim3A_3 = vector.broadcast %broadcast_in_dim3A : f32 to vector<16xf32>
    %scan3A = arith.constant 0 : i32
    %scan3A_4 = arith.constant 0 : i32
    %scan3A_5 = arith.constant 128 : i32
    %scan3A_6 = arith.addi %scan3A_4, %scan3A_5 : i32
    %scan3A_7 = arith.constant 1 : i32
    scf.for %scan3A_36 = %scan3A_4 to %scan3A_6 step %scan3A_7  : i32 {
      %swap3A = arith.index_cast %scan3A_36 : i32 to index
      %swap3A_37 = arith.constant 0 : index
      %swap3A_38 = tpu.vector_load %arg5[%swap3A, %swap3A_37] {strides = array<i32>} : memref<128x16xf32, #tpu.memory_space<vmem>>, vector<1x16xf32>,
      %swap3A_39 = vector.shape_cast %swap3A_38 : vector<1x16xf32> to vector<16xf32>
      %swap3A_40 = vector.shape_cast %broadcast_in_dim3A_3 : vector<16xf32> to vector<1x16xf32>
      tpu.vector_store %arg5[%swap3A, %swap3A_37], %swap3A_40 {strides = array<i32>} : memref<128x16xf32, #tpu.memory_space<vmem>>, vector<1x16xf32>,
    }
    %scan3A_8 = arith.constant 128 : i32
    %add3A_9 = arith.constant 0 : i32
    %add3A_10 = arith.addi %mul3A_2, %add3A_9 : i32
    "tpu.region"() ({
      %run_scoped3A = tpu.sem_alloc : memref<!tpu.dma_semaphore, #tpu.memory_space<semaphore_mem>>
      %dma_start3A = arith.constant 0 : i32
      %dma_start3A_36 = tpu.memref_slice %arg6[%add3A_10, %dma_start3A] : memref<10240x16xf32, #tpu.memory_space<vmem_shared>> -> memref<128x16xf32, #tpu.memory_space<vmem_shared>>
      %dma_start3A_37 = arith.constant 0 : i32
      %dma_start3A_38 = tpu.memref_slice %arg6[%add3A_10, %dma_start3A_37] : memref<10240x16xf32, #tpu.memory_space<vmem_shared>> -> memref<128x16xf32, #tpu.memory_space<vmem_shared>>
      tpu.enqueue_dma source(%arg5 : memref<128x16xf32, #tpu.memory_space<vmem>>) target(%dma_start3A_38 : memref<128x16xf32, #tpu.memory_space<vmem_shared>>) target_semaphore(%run_scoped3A : memref<!tpu.dma_semaphore, #tpu.memory_space<semaphore_mem>>)
      %dma_wait3A = arith.constant 0 : i32
      %dma_wait3A_39 = tpu.memref_slice %arg6[%add3A_10, %dma_wait3A] : memref<10240x16xf32, #tpu.memory_space<vmem_shared>> -> memref<128x16xf32, #tpu.memory_space<vmem_shared>>
      %dma_wait3A_40 = arith.constant 0 : i32
      %dma_wait3A_41 = tpu.memref_slice %arg6[%add3A_10, %dma_wait3A_40] : memref<10240x16xf32, #tpu.memory_space<vmem_shared>> -> memref<128x16xf32, #tpu.memory_space<vmem_shared>>
      tpu.wait_dma2 semaphore(%run_scoped3A : memref<!tpu.dma_semaphore, #tpu.memory_space<semaphore_mem>>) src(%arg5 : memref<128x16xf32, #tpu.memory_space<vmem>>) dst(%dma_wait3A_41 : memref<128x16xf32, #tpu.memory_space<vmem_shared>>)
      tpu.yield
    }) : () -> ()
    %add3A_11 = arith.constant 128 : i32
    %add3A_12 = arith.addi %mul3A_2, %add3A_11 : i32
    "tpu.region"() ({
      %run_scoped3A = tpu.sem_alloc : memref<!tpu.dma_semaphore, #tpu.memory_space<semaphore_mem>>
      %dma_start3A = arith.constant 0 : i32
      %dma_start3A_36 = tpu.memref_slice %arg6[%add3A_12, %dma_start3A] : memref<10240x16xf32, #tpu.memory_space<vmem_shared>> -> memref<128x16xf32, #tpu.memory_space<vmem_shared>>
      %dma_start3A_37 = arith.constant 0 : i32
      %dma_start3A_38 = tpu.memref_slice %arg6[%add3A_12, %dma_start3A_37] : memref<10240x16xf32, #tpu.memory_space<vmem_shared>> -> memref<128x16xf32, #tpu.memory_space<vmem_shared>>
      tpu.enqueue_dma source(%arg5 : memref<128x16xf32, #tpu.memory_space<vmem>>) target(%dma_start3A_38 : memref<128x16xf32, #tpu.memory_space<vmem_shared>>) target_semaphore(%run_scoped3A : memref<!tpu.dma_semaphore, #tpu.memory_space<semaphore_mem>>)
      %dma_wait3A = arith.constant 0 : i32
      %dma_wait3A_39 = tpu.memref_slice %arg6[%add3A_12, %dma_wait3A] : memref<10240x16xf32, #tpu.memory_space<vmem_shared>> -> memref<128x16xf32, #tpu.memory_space<vmem_shared>>
      %dma_wait3A_40 = arith.constant 0 : i32
      %dma_wait3A_41 = tpu.memref_slice %arg6[%add3A_12, %dma_wait3A_40] : memref<10240x16xf32, #tpu.memory_space<vmem_shared>> -> memref<128x16xf32, #tpu.memory_space<vmem_shared>>
      tpu.wait_dma2 semaphore(%run_scoped3A : memref<!tpu.dma_semaphore, #tpu.memory_space<semaphore_mem>>) src(%arg5 : memref<128x16xf32, #tpu.memory_space<vmem>>) dst(%dma_wait3A_41 : memref<128x16xf32, #tpu.memory_space<vmem_shared>>)
      tpu.yield
    }) : () -> ()
    %add3A_13 = arith.constant 256 : i32
    %add3A_14 = arith.addi %mul3A_2, %add3A_13 : i32
    "tpu.region"() ({
      %run_scoped3A = tpu.sem_alloc : memref<!tpu.dma_semaphore, #tpu.memory_space<semaphore_mem>>
      %dma_start3A = arith.constant 0 : i32
      %dma_start3A_36 = tpu.memref_slice %arg6[%add3A_14, %dma_start3A] : memref<10240x16xf32, #tpu.memory_space<vmem_shared>> -> memref<128x16xf32, #tpu.memory_space<vmem_shared>>
      %dma_start3A_37 = arith.constant 0 : i32
      %dma_start3A_38 = tpu.memref_slice %arg6[%add3A_14, %dma_start3A_37] : memref<10240x16xf32, #tpu.memory_space<vmem_shared>> -> memref<128x16xf32, #tpu.memory_space<vmem_shared>>
      tpu.enqueue_dma source(%arg5 : memref<128x16xf32, #tpu.memory_space<vmem>>) target(%dma_start3A_38 : memref<128x16xf32, #tpu.memory_space<vmem_shared>>) target_semaphore(%run_scoped3A : memref<!tpu.dma_semaphore, #tpu.memory_space<semaphore_mem>>)
      %dma_wait3A = arith.constant 0 : i32
      %dma_wait3A_39 = tpu.memref_slice %arg6[%add3A_14, %dma_wait3A] : memref<10240x16xf32, #tpu.memory_space<vmem_shared>> -> memref<128x16xf32, #tpu.memory_space<vmem_shared>>
      %dma_wait3A_40 = arith.constant 0 : i32
      %dma_wait3A_41 = tpu.memref_slice %arg6[%add3A_14, %dma_wait3A_40] : memref<10240x16xf32, #tpu.memory_space<vmem_shared>> -> memref<128x16xf32, #tpu.memory_space<vmem_shared>>
      tpu.wait_dma2 semaphore(%run_scoped3A : memref<!tpu.dma_semaphore, #tpu.memory_space<semaphore_mem>>) src(%arg5 : memref<128x16xf32, #tpu.memory_space<vmem>>) dst(%dma_wait3A_41 : memref<128x16xf32, #tpu.memory_space<vmem_shared>>)
      tpu.yield
    }) : () -> ()
    %add3A_15 = arith.constant 384 : i32
    %add3A_16 = arith.addi %mul3A_2, %add3A_15 : i32
    "tpu.region"() ({
      %run_scoped3A = tpu.sem_alloc : memref<!tpu.dma_semaphore, #tpu.memory_space<semaphore_mem>>
      %dma_start3A = arith.constant 0 : i32
      %dma_start3A_36 = tpu.memref_slice %arg6[%add3A_16, %dma_start3A] : memref<10240x16xf32, #tpu.memory_space<vmem_shared>> -> memref<128x16xf32, #tpu.memory_space<vmem_shared>>
      %dma_start3A_37 = arith.constant 0 : i32
      %dma_start3A_38 = tpu.memref_slice %arg6[%add3A_16, %dma_start3A_37] : memref<10240x16xf32, #tpu.memory_space<vmem_shared>> -> memref<128x16xf32, #tpu.memory_space<vmem_shared>>
      tpu.enqueue_dma source(%arg5 : memref<128x16xf32, #tpu.memory_space<vmem>>) target(%dma_start3A_38 : memref<128x16xf32, #tpu.memory_space<vmem_shared>>) target_semaphore(%run_scoped3A : memref<!tpu.dma_semaphore, #tpu.memory_space<semaphore_mem>>)
      %dma_wait3A = arith.constant 0 : i32
      %dma_wait3A_39 = tpu.memref_slice %arg6[%add3A_16, %dma_wait3A] : memref<10240x16xf32, #tpu.memory_space<vmem_shared>> -> memref<128x16xf32, #tpu.memory_space<vmem_shared>>
      %dma_wait3A_40 = arith.constant 0 : i32
      %dma_wait3A_41 = tpu.memref_slice %arg6[%add3A_16, %dma_wait3A_40] : memref<10240x16xf32, #tpu.memory_space<vmem_shared>> -> memref<128x16xf32, #tpu.memory_space<vmem_shared>>
      tpu.wait_dma2 semaphore(%run_scoped3A : memref<!tpu.dma_semaphore, #tpu.memory_space<semaphore_mem>>) src(%arg5 : memref<128x16xf32, #tpu.memory_space<vmem>>) dst(%dma_wait3A_41 : memref<128x16xf32, #tpu.memory_space<vmem_shared>>)
      tpu.yield
    }) : () -> ()
    %add3A_17 = arith.constant 512 : i32
    %add3A_18 = arith.addi %mul3A_2, %add3A_17 : i32
    "tpu.region"() ({
      %run_scoped3A = tpu.sem_alloc : memref<!tpu.dma_semaphore, #tpu.memory_space<semaphore_mem>>
      %dma_start3A = arith.constant 0 : i32
      %dma_start3A_36 = tpu.memref_slice %arg6[%add3A_18, %dma_start3A] : memref<10240x16xf32, #tpu.memory_space<vmem_shared>> -> memref<128x16xf32, #tpu.memory_space<vmem_shared>>
      %dma_start3A_37 = arith.constant 0 : i32
      %dma_start3A_38 = tpu.memref_slice %arg6[%add3A_18, %dma_start3A_37] : memref<10240x16xf32, #tpu.memory_space<vmem_shared>> -> memref<128x16xf32, #tpu.memory_space<vmem_shared>>
      tpu.enqueue_dma source(%arg5 : memref<128x16xf32, #tpu.memory_space<vmem>>) target(%dma_start3A_38 : memref<128x16xf32, #tpu.memory_space<vmem_shared>>) target_semaphore(%run_scoped3A : memref<!tpu.dma_semaphore, #tpu.memory_space<semaphore_mem>>)
      %dma_wait3A = arith.constant 0 : i32
      %dma_wait3A_39 = tpu.memref_slice %arg6[%add3A_18, %dma_wait3A] : memref<10240x16xf32, #tpu.memory_space<vmem_shared>> -> memref<128x16xf32, #tpu.memory_space<vmem_shared>>
      %dma_wait3A_40 = arith.constant 0 : i32
      %dma_wait3A_41 = tpu.memref_slice %arg6[%add3A_18, %dma_wait3A_40] : memref<10240x16xf32, #tpu.memory_space<vmem_shared>> -> memref<128x16xf32, #tpu.memory_space<vmem_shared>>
      tpu.wait_dma2 semaphore(%run_scoped3A : memref<!tpu.dma_semaphore, #tpu.memory_space<semaphore_mem>>) src(%arg5 : memref<128x16xf32, #tpu.memory_space<vmem>>) dst(%dma_wait3A_41 : memref<128x16xf32, #tpu.memory_space<vmem_shared>>)
      tpu.yield
    }) : () -> ()
    %broadcast_in_dim3A_19 = arith.constant 1.000000e+00 : f32
    %broadcast_in_dim3A_20 = vector.broadcast %broadcast_in_dim3A_19 : f32 to vector<16xf32>
    %scan3A_21 = arith.constant 0 : i32
    %scan3A_22 = arith.constant 0 : i32
    %scan3A_23 = arith.constant 128 : i32
    %scan3A_24 = arith.addi %scan3A_22, %scan3A_23 : i32
    %scan3A_25 = arith.constant 1 : i32
    scf.for %scan3A_36 = %scan3A_22 to %scan3A_24 step %scan3A_25  : i32 {
      %swap3A = arith.index_cast %scan3A_36 : i32 to index
      %swap3A_37 = arith.constant 0 : index
      %swap3A_38 = tpu.vector_load %arg5[%swap3A, %swap3A_37] {strides = array<i32>} : memref<128x16xf32, #tpu.memory_space<vmem>>, vector<1x16xf32>,
      %swap3A_39 = vector.shape_cast %swap3A_38 : vector<1x16xf32> to vector<16xf32>
      %swap3A_40 = vector.shape_cast %broadcast_in_dim3A_20 : vector<16xf32> to vector<1x16xf32>
      tpu.vector_store %arg5[%swap3A, %swap3A_37], %swap3A_40 {strides = array<i32>} : memref<128x16xf32, #tpu.memory_space<vmem>>, vector<1x16xf32>,
    }
    %scan3A_26 = arith.constant 128 : i32
    %mul3A_27 = arith.constant 40 : i32
    %mul3A_28 = arith.muli %add3A, %mul3A_27 : i32
    "tpu.region"() ({
      %run_scoped3A = tpu.sem_alloc : memref<!tpu.dma_semaphore, #tpu.memory_space<semaphore_mem>>
      %dma_start3A = arith.constant 0 : i32
      %dma_start3A_36 = tpu.memref_slice %arg2[%mul3A_28, %dma_start3A] : memref<1280x128xi32, #tpu.memory_space<hbm>> -> memref<40x128xi32, #tpu.memory_space<hbm>>
      %dma_start3A_37 = arith.constant 0 : i32
      %dma_start3A_38 = tpu.memref_slice %arg2[%mul3A_28, %dma_start3A_37] : memref<1280x128xi32, #tpu.memory_space<hbm>> -> memref<40x128xi32, #tpu.memory_space<hbm>>
      tpu.enqueue_dma source(%dma_start3A_38 : memref<40x128xi32, #tpu.memory_space<hbm>>) target(%arg4 : memref<40x128xi32, #tpu.memory_space<vmem>>) target_semaphore(%run_scoped3A : memref<!tpu.dma_semaphore, #tpu.memory_space<semaphore_mem>>)
      %dma_wait3A = arith.constant 0 : i32
      %dma_wait3A_39 = tpu.memref_slice %arg2[%mul3A_28, %dma_wait3A] : memref<1280x128xi32, #tpu.memory_space<hbm>> -> memref<40x128xi32, #tpu.memory_space<hbm>>
      %dma_wait3A_40 = arith.constant 0 : i32
      %dma_wait3A_41 = tpu.memref_slice %arg2[%mul3A_28, %dma_wait3A_40] : memref<1280x128xi32, #tpu.memory_space<hbm>> -> memref<40x128xi32, #tpu.memory_space<hbm>>
      tpu.wait_dma2 semaphore(%run_scoped3A : memref<!tpu.dma_semaphore, #tpu.memory_space<semaphore_mem>>) src(%dma_wait3A_41 : memref<40x128xi32, #tpu.memory_space<hbm>>) dst(%arg4 : memref<40x128xi32, #tpu.memory_space<vmem>>)
      tpu.yield
    }) : () -> ()
    %barrier3A = arith.constant 0 : index
    tpu.barrier barrier_id(%barrier3A)
    %scan3A_29 = arith.constant 0 : i32
    %scan3A_30 = arith.constant 0 : i32
    %scan3A_31 = arith.constant 40 : i32
    %scan3A_32 = arith.addi %scan3A_30, %scan3A_31 : i32
    %scan3A_33 = arith.constant 1 : i32
    scf.for %scan3A_36 = %scan3A_30 to %scan3A_32 step %scan3A_33  : i32 {
      "tpu.region"() ({
        %run_scoped3A = tpu.sem_alloc : memref<!tpu.dma_semaphore, #tpu.memory_space<semaphore_mem>>
        %dma_start3A = arith.constant 0 : i32
        %dma_start3A_37 = tpu.memref_slice %arg4[%scan3A_36, %dma_start3A] : memref<40x128xi32, #tpu.memory_space<vmem>> -> memref<1x128xi32, #tpu.memory_space<vmem>>
        %dma_start3A_38 = tpu.memref_squeeze %dma_start3A_37 : memref<1x128xi32, #tpu.memory_space<vmem>> -> memref<128xi32, #tpu.memory_space<vmem>>
        %dma_start3A_39 = arith.constant 0 : i32
        %dma_start3A_40 = arith.constant 0 : i32
        %dma_start3A_41 = tpu.memref_slice %arg6[%dma_start3A_39, %dma_start3A_40] : memref<10240x16xf32, #tpu.memory_space<vmem_shared>> -> memref<10240x16xf32, #tpu.memory_space<vmem_shared>>
        tpu.enqueue_indirect_dma source(%arg5 : memref<128x16xf32, #tpu.memory_space<vmem>>) target(%dma_start3A_41 : memref<10240x16xf32, #tpu.memory_space<vmem_shared>>) offsets(%dma_start3A_38 : memref<128xi32, #tpu.memory_space<vmem>>) semaphore(%run_scoped3A : memref<!tpu.dma_semaphore, #tpu.memory_space<semaphore_mem>>) {add = true}
        %dma_wait3A = arith.constant 0 : i32
        %dma_wait3A_42 = tpu.memref_slice %arg4[%scan3A_36, %dma_wait3A] : memref<40x128xi32, #tpu.memory_space<vmem>> -> memref<1x128xi32, #tpu.memory_space<vmem>>
        %dma_wait3A_43 = tpu.memref_squeeze %dma_wait3A_42 : memref<1x128xi32, #tpu.memory_space<vmem>> -> memref<128xi32, #tpu.memory_space<vmem>>
        %dma_wait3A_44 = arith.constant 0 : i32
        %dma_wait3A_45 = arith.constant 0 : i32
        %dma_wait3A_46 = tpu.memref_slice %arg6[%dma_wait3A_44, %dma_wait3A_45] : memref<10240x16xf32, #tpu.memory_space<vmem_shared>> -> memref<10240x16xf32, #tpu.memory_space<vmem_shared>>
        tpu.wait_indirect_dma semaphore(%run_scoped3A : memref<!tpu.dma_semaphore, #tpu.memory_space<semaphore_mem>>) src(%arg5 : memref<128x16xf32, #tpu.memory_space<vmem>>) dst(%dma_wait3A_46 : memref<10240x16xf32, #tpu.memory_space<vmem_shared>>)
        tpu.yield
      }) : () -> ()
    }
    %scan3A_34 = arith.constant 40 : i32
    %barrier3A_35 = arith.constant 0 : index
    tpu.barrier barrier_id(%barrier3A_35)
    "tpu.region"() ({
      %run_scoped3A = tpu.sem_alloc : memref<!tpu.dma_semaphore, #tpu.memory_space<semaphore_mem>>
      %dma_start3A = arith.constant 0 : i32
      %dma_start3A_36 = arith.constant 0 : i32
      %dma_start3A_37 = tpu.memref_slice %arg3[%add3A, %dma_start3A, %dma_start3A_36] : memref<32x640x16xf32, #tpu.memory_space<hbm>> -> memref<1x640x16xf32, #tpu.memory_space<hbm>>
      %dma_start3A_38 = tpu.memref_squeeze %dma_start3A_37 : memref<1x640x16xf32, #tpu.memory_space<hbm>> -> memref<640x16xf32, #tpu.memory_space<hbm>>
      %dma_start3A_39 = arith.constant 0 : i32
      %dma_start3A_40 = tpu.memref_slice %arg6[%mul3A_2, %dma_start3A_39] : memref<10240x16xf32, #tpu.memory_space<vmem_shared>> -> memref<640x16xf32, #tpu.memory_space<vmem_shared>>
      tpu.enqueue_dma source(%dma_start3A_40 : memref<640x16xf32, #tpu.memory_space<vmem_shared>>) target(%dma_start3A_38 : memref<640x16xf32, #tpu.memory_space<hbm>>) target_semaphore(%run_scoped3A : memref<!tpu.dma_semaphore, #tpu.memory_space<semaphore_mem>>)
      %dma_wait3A = arith.constant 0 : i32
      %dma_wait3A_41 = arith.constant 0 : i32
      %dma_wait3A_42 = tpu.memref_slice %arg3[%add3A, %dma_wait3A, %dma_wait3A_41] : memref<32x640x16xf32, #tpu.memory_space<hbm>> -> memref<1x640x16xf32, #tpu.memory_space<hbm>>
      %dma_wait3A_43 = tpu.memref_squeeze %dma_wait3A_42 : memref<1x640x16xf32, #tpu.memory_space<hbm>> -> memref<640x16xf32, #tpu.memory_space<hbm>>
      %dma_wait3A_44 = arith.constant 0 : i32
      %dma_wait3A_45 = tpu.memref_slice %arg6[%mul3A_2, %dma_wait3A_44] : memref<10240x16xf32, #tpu.memory_space<vmem_shared>> -> memref<640x16xf32, #tpu.memory_space<vmem_shared>>
      tpu.wait_dma2 semaphore(%run_scoped3A : memref<!tpu.dma_semaphore, #tpu.memory_space<semaphore_mem>>) src(%dma_wait3A_45 : memref<640x16xf32, #tpu.memory_space<vmem_shared>>) dst(%dma_wait3A_43 : memref<640x16xf32, #tpu.memory_space<hbm>>)
      tpu.yield
    }) : () -> ()
    return
  }
}

#map = affine_map<(d0, d1) -> (0, 0)>
#map1 = affine_map<(d0, d1) -> (0, 0, 0)>
module attributes {stable_mosaic.version = 14 : i64} {
  func.func @body(%arg0: i32, %arg1: i32, %arg2: memref<1280x128xi32, #tpu.memory_space<hbm>>, %arg3: memref<1280x128xi32, #tpu.memory_space<hbm>>, %arg4: memref<10240x32xf32, #tpu.memory_space<hbm>>, %arg5: memref<32x640x32xf32, #tpu.memory_space<hbm>>, %arg6: memref<40x128xi32, #tpu.memory_space<vmem>>, %arg7: memref<40x128xi32, #tpu.memory_space<vmem>>, %arg8: memref<128x32xf32, #tpu.memory_space<vmem>>, %arg9: memref<128x32xf32, #tpu.memory_space<vmem>>, %arg10: memref<128x32xf32, #tpu.memory_space<vmem>>, %arg11: memref<128x32xf32, #tpu.memory_space<vmem>>, %arg12: memref<128x32xf32, #tpu.memory_space<vmem>>, %arg13: memref<128x32xf32, #tpu.memory_space<vmem>>, %arg14: memref<128x32xf32, #tpu.memory_space<vmem>>, %arg15: memref<128x32xf32, #tpu.memory_space<vmem>>, %arg16: memref<10240x32xf32, #tpu.memory_space<vmem_shared>>, %arg17: memref<10240x32xf32, #tpu.memory_space<vmem_shared>>, %arg18: memref<!tpu.dma_semaphore, #tpu.memory_space<semaphore_mem>>, %arg19: memref<!tpu.dma_semaphore, #tpu.memory_space<semaphore_mem>>, %arg20: memref<!tpu.dma_semaphore, #tpu.memory_space<semaphore_mem>>, %arg21: memref<!tpu.dma_semaphore, #tpu.memory_space<semaphore_mem>>, %arg22: memref<!tpu.dma_semaphore, #tpu.memory_space<semaphore_mem>>, %arg23: memref<!tpu.dma_semaphore, #tpu.memory_space<semaphore_mem>>, %arg24: memref<!tpu.dma_semaphore, #tpu.memory_space<semaphore_mem>>, %arg25: memref<!tpu.dma_semaphore, #tpu.memory_space<semaphore_mem>>, %arg26: memref<!tpu.dma_semaphore, #tpu.memory_space<semaphore_mem>>, %arg27: memref<!tpu.dma_semaphore, #tpu.memory_space<semaphore_mem>>, %arg28: memref<!tpu.dma_semaphore, #tpu.memory_space<semaphore_mem>>, %arg29: memref<!tpu.dma_semaphore, #tpu.memory_space<semaphore_mem>>, %arg30: memref<!tpu.dma_semaphore, #tpu.memory_space<semaphore_mem>>, %arg31: memref<!tpu.dma_semaphore, #tpu.memory_space<semaphore_mem>>, %arg32: memref<!tpu.dma_semaphore, #tpu.memory_space<semaphore_mem>>, %arg33: memref<!tpu.dma_semaphore, #tpu.memory_space<semaphore_mem>>) attributes {dimension_semantics = [#tpu.dimension_semantics<core_parallel>, #tpu.dimension_semantics<subcore_parallel>], iteration_bounds = array<i64: 2, 16>, scalar_prefetch = 0 : i64, scratch_operands = 28 : i64, tpu.core_type = #tpu.core_type<sc_vector_subcore>, window_params = [{transform_indices = #map}, {transform_indices = #map}, {transform_indices = #map}, {transform_indices = #map1}]} {
    %mul3A = arith.constant 16 : i32
    %mul3A_0 = arith.muli %arg0, %mul3A : i32
    %add3A = arith.addi %mul3A_0, %arg1 : i32
    %mul3A_1 = arith.constant 640 : i32
    %mul3A_2 = arith.muli %arg1, %mul3A_1 : i32
    %broadcast_in_dim3A = arith.constant 0.000000e+00 : f32
    %broadcast_in_dim3A_3 = vector.broadcast %broadcast_in_dim3A : f32 to vector<16xf32>
    %scan3A = arith.constant 0 : i32
    %scan3A_4 = arith.constant 0 : i32
    %scan3A_5 = arith.constant 128 : i32
    %scan3A_6 = arith.addi %scan3A_4, %scan3A_5 : i32
    %scan3A_7 = arith.constant 1 : i32
    scf.for %scan3A_88 = %scan3A_4 to %scan3A_6 step %scan3A_7  : i32 {
      %swap3A = arith.index_cast %scan3A_88 : i32 to index
      %swap3A_89 = arith.constant 0 : index
      %swap3A_90 = tpu.vector_load %arg8[%swap3A, %swap3A_89] {strides = array<i32>} : memref<128x32xf32, #tpu.memory_space<vmem>>, vector<1x16xf32>,
      %swap3A_91 = vector.shape_cast %swap3A_90 : vector<1x16xf32> to vector<16xf32>
      %swap3A_92 = vector.shape_cast %broadcast_in_dim3A_3 : vector<16xf32> to vector<1x16xf32>
      tpu.vector_store %arg8[%swap3A, %swap3A_89], %swap3A_92 {strides = array<i32>} : memref<128x32xf32, #tpu.memory_space<vmem>>, vector<1x16xf32>,
      %swap3A_93 = arith.index_cast %scan3A_88 : i32 to index
      %swap3A_94 = arith.constant 16 : index
      %swap3A_95 = tpu.vector_load %arg8[%swap3A_93, %swap3A_94] {strides = array<i32>} : memref<128x32xf32, #tpu.memory_space<vmem>>, vector<1x16xf32>,
      %swap3A_96 = vector.shape_cast %swap3A_95 : vector<1x16xf32> to vector<16xf32>
      %swap3A_97 = vector.shape_cast %broadcast_in_dim3A_3 : vector<16xf32> to vector<1x16xf32>
      tpu.vector_store %arg8[%swap3A_93, %swap3A_94], %swap3A_97 {strides = array<i32>} : memref<128x32xf32, #tpu.memory_space<vmem>>, vector<1x16xf32>,
    }
    %scan3A_8 = arith.constant 128 : i32
    %add3A_9 = arith.constant 0 : i32
    %add3A_10 = arith.addi %mul3A_2, %add3A_9 : i32
    "tpu.region"() ({
      %run_scoped3A = tpu.sem_alloc : memref<!tpu.dma_semaphore, #tpu.memory_space<semaphore_mem>>
      %dma_start3A = arith.constant 0 : i32
      %dma_start3A_88 = tpu.memref_slice %arg17[%add3A_10, %dma_start3A] : memref<10240x32xf32, #tpu.memory_space<vmem_shared>> -> memref<128x32xf32, #tpu.memory_space<vmem_shared>>
      %dma_start3A_89 = arith.constant 0 : i32
      %dma_start3A_90 = tpu.memref_slice %arg17[%add3A_10, %dma_start3A_89] : memref<10240x32xf32, #tpu.memory_space<vmem_shared>> -> memref<128x32xf32, #tpu.memory_space<vmem_shared>>
      tpu.enqueue_dma source(%arg8 : memref<128x32xf32, #tpu.memory_space<vmem>>) target(%dma_start3A_90 : memref<128x32xf32, #tpu.memory_space<vmem_shared>>) target_semaphore(%run_scoped3A : memref<!tpu.dma_semaphore, #tpu.memory_space<semaphore_mem>>)
      %dma_wait3A_91 = arith.constant 0 : i32
      %dma_wait3A_92 = tpu.memref_slice %arg17[%add3A_10, %dma_wait3A_91] : memref<10240x32xf32, #tpu.memory_space<vmem_shared>> -> memref<128x32xf32, #tpu.memory_space<vmem_shared>>
      %dma_wait3A_93 = arith.constant 0 : i32
      %dma_wait3A_94 = tpu.memref_slice %arg17[%add3A_10, %dma_wait3A_93] : memref<10240x32xf32, #tpu.memory_space<vmem_shared>> -> memref<128x32xf32, #tpu.memory_space<vmem_shared>>
      tpu.wait_dma2 semaphore(%run_scoped3A : memref<!tpu.dma_semaphore, #tpu.memory_space<semaphore_mem>>) src(%arg8 : memref<128x32xf32, #tpu.memory_space<vmem>>) dst(%dma_wait3A_94 : memref<128x32xf32, #tpu.memory_space<vmem_shared>>)
      tpu.yield
    }) : () -> ()
    %add3A_11 = arith.constant 128 : i32
    %add3A_12 = arith.addi %mul3A_2, %add3A_11 : i32
    "tpu.region"() ({
      %run_scoped3A = tpu.sem_alloc : memref<!tpu.dma_semaphore, #tpu.memory_space<semaphore_mem>>
      %dma_start3A = arith.constant 0 : i32
      %dma_start3A_88 = tpu.memref_slice %arg17[%add3A_12, %dma_start3A] : memref<10240x32xf32, #tpu.memory_space<vmem_shared>> -> memref<128x32xf32, #tpu.memory_space<vmem_shared>>
      %dma_start3A_89 = arith.constant 0 : i32
      %dma_start3A_90 = tpu.memref_slice %arg17[%add3A_12, %dma_start3A_89] : memref<10240x32xf32, #tpu.memory_space<vmem_shared>> -> memref<128x32xf32, #tpu.memory_space<vmem_shared>>
      tpu.enqueue_dma source(%arg8 : memref<128x32xf32, #tpu.memory_space<vmem>>) target(%dma_start3A_90 : memref<128x32xf32, #tpu.memory_space<vmem_shared>>) target_semaphore(%run_scoped3A : memref<!tpu.dma_semaphore, #tpu.memory_space<semaphore_mem>>)
      %dma_wait3A_91 = arith.constant 0 : i32
      %dma_wait3A_92 = tpu.memref_slice %arg17[%add3A_12, %dma_wait3A_91] : memref<10240x32xf32, #tpu.memory_space<vmem_shared>> -> memref<128x32xf32, #tpu.memory_space<vmem_shared>>
      %dma_wait3A_93 = arith.constant 0 : i32
      %dma_wait3A_94 = tpu.memref_slice %arg17[%add3A_12, %dma_wait3A_93] : memref<10240x32xf32, #tpu.memory_space<vmem_shared>> -> memref<128x32xf32, #tpu.memory_space<vmem_shared>>
      tpu.wait_dma2 semaphore(%run_scoped3A : memref<!tpu.dma_semaphore, #tpu.memory_space<semaphore_mem>>) src(%arg8 : memref<128x32xf32, #tpu.memory_space<vmem>>) dst(%dma_wait3A_94 : memref<128x32xf32, #tpu.memory_space<vmem_shared>>)
      tpu.yield
    }) : () -> ()
    %add3A_13 = arith.constant 256 : i32
    %add3A_14 = arith.addi %mul3A_2, %add3A_13 : i32
    "tpu.region"() ({
      %run_scoped3A = tpu.sem_alloc : memref<!tpu.dma_semaphore, #tpu.memory_space<semaphore_mem>>
      %dma_start3A = arith.constant 0 : i32
      %dma_start3A_88 = tpu.memref_slice %arg17[%add3A_14, %dma_start3A] : memref<10240x32xf32, #tpu.memory_space<vmem_shared>> -> memref<128x32xf32, #tpu.memory_space<vmem_shared>>
      %dma_start3A_89 = arith.constant 0 : i32
      %dma_start3A_90 = tpu.memref_slice %arg17[%add3A_14, %dma_start3A_89] : memref<10240x32xf32, #tpu.memory_space<vmem_shared>> -> memref<128x32xf32, #tpu.memory_space<vmem_shared>>
      tpu.enqueue_dma source(%arg8 : memref<128x32xf32, #tpu.memory_space<vmem>>) target(%dma_start3A_90 : memref<128x32xf32, #tpu.memory_space<vmem_shared>>) target_semaphore(%run_scoped3A : memref<!tpu.dma_semaphore, #tpu.memory_space<semaphore_mem>>)
      %dma_wait3A_91 = arith.constant 0 : i32
      %dma_wait3A_92 = tpu.memref_slice %arg17[%add3A_14, %dma_wait3A_91] : memref<10240x32xf32, #tpu.memory_space<vmem_shared>> -> memref<128x32xf32, #tpu.memory_space<vmem_shared>>
      %dma_wait3A_93 = arith.constant 0 : i32
      %dma_wait3A_94 = tpu.memref_slice %arg17[%add3A_14, %dma_wait3A_93] : memref<10240x32xf32, #tpu.memory_space<vmem_shared>> -> memref<128x32xf32, #tpu.memory_space<vmem_shared>>
      tpu.wait_dma2 semaphore(%run_scoped3A : memref<!tpu.dma_semaphore, #tpu.memory_space<semaphore_mem>>) src(%arg8 : memref<128x32xf32, #tpu.memory_space<vmem>>) dst(%dma_wait3A_94 : memref<128x32xf32, #tpu.memory_space<vmem_shared>>)
      tpu.yield
    }) : () -> ()
    %add3A_15 = arith.constant 384 : i32
    %add3A_16 = arith.addi %mul3A_2, %add3A_15 : i32
    "tpu.region"() ({
      %run_scoped3A = tpu.sem_alloc : memref<!tpu.dma_semaphore, #tpu.memory_space<semaphore_mem>>
      %dma_start3A = arith.constant 0 : i32
      %dma_start3A_88 = tpu.memref_slice %arg17[%add3A_16, %dma_start3A] : memref<10240x32xf32, #tpu.memory_space<vmem_shared>> -> memref<128x32xf32, #tpu.memory_space<vmem_shared>>
      %dma_start3A_89 = arith.constant 0 : i32
      %dma_start3A_90 = tpu.memref_slice %arg17[%add3A_16, %dma_start3A_89] : memref<10240x32xf32, #tpu.memory_space<vmem_shared>> -> memref<128x32xf32, #tpu.memory_space<vmem_shared>>
      tpu.enqueue_dma source(%arg8 : memref<128x32xf32, #tpu.memory_space<vmem>>) target(%dma_start3A_90 : memref<128x32xf32, #tpu.memory_space<vmem_shared>>) target_semaphore(%run_scoped3A : memref<!tpu.dma_semaphore, #tpu.memory_space<semaphore_mem>>)
      %dma_wait3A_91 = arith.constant 0 : i32
      %dma_wait3A_92 = tpu.memref_slice %arg17[%add3A_16, %dma_wait3A_91] : memref<10240x32xf32, #tpu.memory_space<vmem_shared>> -> memref<128x32xf32, #tpu.memory_space<vmem_shared>>
      %dma_wait3A_93 = arith.constant 0 : i32
      %dma_wait3A_94 = tpu.memref_slice %arg17[%add3A_16, %dma_wait3A_93] : memref<10240x32xf32, #tpu.memory_space<vmem_shared>> -> memref<128x32xf32, #tpu.memory_space<vmem_shared>>
      tpu.wait_dma2 semaphore(%run_scoped3A : memref<!tpu.dma_semaphore, #tpu.memory_space<semaphore_mem>>) src(%arg8 : memref<128x32xf32, #tpu.memory_space<vmem>>) dst(%dma_wait3A_94 : memref<128x32xf32, #tpu.memory_space<vmem_shared>>)
      tpu.yield
    }) : () -> ()
    %add3A_17 = arith.constant 512 : i32
    %add3A_18 = arith.addi %mul3A_2, %add3A_17 : i32
    "tpu.region"() ({
      %run_scoped3A = tpu.sem_alloc : memref<!tpu.dma_semaphore, #tpu.memory_space<semaphore_mem>>
      %dma_start3A = arith.constant 0 : i32
      %dma_start3A_88 = tpu.memref_slice %arg17[%add3A_18, %dma_start3A] : memref<10240x32xf32, #tpu.memory_space<vmem_shared>> -> memref<128x32xf32, #tpu.memory_space<vmem_shared>>
      %dma_start3A_89 = arith.constant 0 : i32
      %dma_start3A_90 = tpu.memref_slice %arg17[%add3A_18, %dma_start3A_89] : memref<10240x32xf32, #tpu.memory_space<vmem_shared>> -> memref<128x32xf32, #tpu.memory_space<vmem_shared>>
      tpu.enqueue_dma source(%arg8 : memref<128x32xf32, #tpu.memory_space<vmem>>) target(%dma_start3A_90 : memref<128x32xf32, #tpu.memory_space<vmem_shared>>) target_semaphore(%run_scoped3A : memref<!tpu.dma_semaphore, #tpu.memory_space<semaphore_mem>>)
      %dma_wait3A_91 = arith.constant 0 : i32
      %dma_wait3A_92 = tpu.memref_slice %arg17[%add3A_18, %dma_wait3A_91] : memref<10240x32xf32, #tpu.memory_space<vmem_shared>> -> memref<128x32xf32, #tpu.memory_space<vmem_shared>>
      %dma_wait3A_93 = arith.constant 0 : i32
      %dma_wait3A_94 = tpu.memref_slice %arg17[%add3A_18, %dma_wait3A_93] : memref<10240x32xf32, #tpu.memory_space<vmem_shared>> -> memref<128x32xf32, #tpu.memory_space<vmem_shared>>
      tpu.wait_dma2 semaphore(%run_scoped3A : memref<!tpu.dma_semaphore, #tpu.memory_space<semaphore_mem>>) src(%arg8 : memref<128x32xf32, #tpu.memory_space<vmem>>) dst(%dma_wait3A_94 : memref<128x32xf32, #tpu.memory_space<vmem_shared>>)
      tpu.yield
    }) : () -> ()
    "tpu.region"() ({
      %run_scoped3A = tpu.sem_alloc : memref<!tpu.dma_semaphore, #tpu.memory_space<semaphore_mem>>
      %dma_start3A = arith.constant 0 : i32
      %dma_start3A_88 = tpu.memref_slice %arg16[%mul3A_2, %dma_start3A] : memref<10240x32xf32, #tpu.memory_space<vmem_shared>> -> memref<640x32xf32, #tpu.memory_space<vmem_shared>>
      %dma_start3A_89 = arith.constant 0 : i32
      %dma_start3A_90 = tpu.memref_slice %arg4[%mul3A_2, %dma_start3A_89] : memref<10240x32xf32, #tpu.memory_space<hbm>> -> memref<640x32xf32, #tpu.memory_space<hbm>>
      tpu.enqueue_dma source(%dma_start3A_90 : memref<640x32xf32, #tpu.memory_space<hbm>>) target(%dma_start3A_88 : memref<640x32xf32, #tpu.memory_space<vmem_shared>>) target_semaphore(%run_scoped3A : memref<!tpu.dma_semaphore, #tpu.memory_space<semaphore_mem>>)
      %dma_wait3A_91 = arith.constant 0 : i32
      %dma_wait3A_92 = tpu.memref_slice %arg16[%mul3A_2, %dma_wait3A_91] : memref<10240x32xf32, #tpu.memory_space<vmem_shared>> -> memref<640x32xf32, #tpu.memory_space<vmem_shared>>
      %dma_wait3A_93 = arith.constant 0 : i32
      %dma_wait3A_94 = tpu.memref_slice %arg4[%mul3A_2, %dma_wait3A_93] : memref<10240x32xf32, #tpu.memory_space<hbm>> -> memref<640x32xf32, #tpu.memory_space<hbm>>
      tpu.wait_dma2 semaphore(%run_scoped3A : memref<!tpu.dma_semaphore, #tpu.memory_space<semaphore_mem>>) src(%dma_wait3A_94 : memref<640x32xf32, #tpu.memory_space<hbm>>) dst(%dma_wait3A_92 : memref<640x32xf32, #tpu.memory_space<vmem_shared>>)
      tpu.yield
    }) : () -> ()
    %mul3A_19 = arith.constant 40 : i32
    %mul3A_20 = arith.muli %add3A, %mul3A_19 : i32
    "tpu.region"() ({
      %run_scoped3A = tpu.sem_alloc : memref<!tpu.dma_semaphore, #tpu.memory_space<semaphore_mem>>
      %dma_start3A = arith.constant 0 : i32
      %dma_start3A_88 = tpu.memref_slice %arg2[%mul3A_20, %dma_start3A] : memref<1280x128xi32, #tpu.memory_space<hbm>> -> memref<40x128xi32, #tpu.memory_space<hbm>>
      %dma_start3A_89 = arith.constant 0 : i32
      %dma_start3A_90 = tpu.memref_slice %arg2[%mul3A_20, %dma_start3A_89] : memref<1280x128xi32, #tpu.memory_space<hbm>> -> memref<40x128xi32, #tpu.memory_space<hbm>>
      tpu.enqueue_dma source(%dma_start3A_90 : memref<40x128xi32, #tpu.memory_space<hbm>>) target(%arg6 : memref<40x128xi32, #tpu.memory_space<vmem>>) target_semaphore(%run_scoped3A : memref<!tpu.dma_semaphore, #tpu.memory_space<semaphore_mem>>)
      %dma_wait3A_91 = arith.constant 0 : i32
      %dma_wait3A_92 = tpu.memref_slice %arg2[%mul3A_20, %dma_wait3A_91] : memref<1280x128xi32, #tpu.memory_space<hbm>> -> memref<40x128xi32, #tpu.memory_space<hbm>>
      %dma_wait3A_93 = arith.constant 0 : i32
      %dma_wait3A_94 = tpu.memref_slice %arg2[%mul3A_20, %dma_wait3A_93] : memref<1280x128xi32, #tpu.memory_space<hbm>> -> memref<40x128xi32, #tpu.memory_space<hbm>>
      tpu.wait_dma2 semaphore(%run_scoped3A : memref<!tpu.dma_semaphore, #tpu.memory_space<semaphore_mem>>) src(%dma_wait3A_94 : memref<40x128xi32, #tpu.memory_space<hbm>>) dst(%arg6 : memref<40x128xi32, #tpu.memory_space<vmem>>)
      tpu.yield
    }) : () -> ()
    %mul3A_21 = arith.constant 40 : i32
    %mul3A_22 = arith.muli %add3A, %mul3A_21 : i32
    "tpu.region"() ({
      %run_scoped3A = tpu.sem_alloc : memref<!tpu.dma_semaphore, #tpu.memory_space<semaphore_mem>>
      %dma_start3A = arith.constant 0 : i32
      %dma_start3A_88 = tpu.memref_slice %arg3[%mul3A_22, %dma_start3A] : memref<1280x128xi32, #tpu.memory_space<hbm>> -> memref<40x128xi32, #tpu.memory_space<hbm>>
      %dma_start3A_89 = arith.constant 0 : i32
      %dma_start3A_90 = tpu.memref_slice %arg3[%mul3A_22, %dma_start3A_89] : memref<1280x128xi32, #tpu.memory_space<hbm>> -> memref<40x128xi32, #tpu.memory_space<hbm>>
      tpu.enqueue_dma source(%dma_start3A_90 : memref<40x128xi32, #tpu.memory_space<hbm>>) target(%arg7 : memref<40x128xi32, #tpu.memory_space<vmem>>) target_semaphore(%run_scoped3A : memref<!tpu.dma_semaphore, #tpu.memory_space<semaphore_mem>>)
      %dma_wait3A_91 = arith.constant 0 : i32
      %dma_wait3A_92 = tpu.memref_slice %arg3[%mul3A_22, %dma_wait3A_91] : memref<1280x128xi32, #tpu.memory_space<hbm>> -> memref<40x128xi32, #tpu.memory_space<hbm>>
      %dma_wait3A_93 = arith.constant 0 : i32
      %dma_wait3A_94 = tpu.memref_slice %arg3[%mul3A_22, %dma_wait3A_93] : memref<1280x128xi32, #tpu.memory_space<hbm>> -> memref<40x128xi32, #tpu.memory_space<hbm>>
      tpu.wait_dma2 semaphore(%run_scoped3A : memref<!tpu.dma_semaphore, #tpu.memory_space<semaphore_mem>>) src(%dma_wait3A_94 : memref<40x128xi32, #tpu.memory_space<hbm>>) dst(%arg7 : memref<40x128xi32, #tpu.memory_space<vmem>>)
      tpu.yield
    }) : () -> ()
    %barrier3A = arith.constant 0 : index
    tpu.barrier barrier_id(%barrier3A)
    %scan3A_23 = arith.constant 0 : i32
    %scan3A_24 = arith.constant 0 : i32
    %scan3A_25 = arith.constant 5 : i32
    %scan3A_26 = arith.addi %scan3A_24, %scan3A_25 : i32
    %scan3A_27 = arith.constant 1 : i32
    scf.for %scan3A_88 = %scan3A_24 to %scan3A_26 step %scan3A_27  : i32 {
      %mul3A_89 = arith.constant 8 : i32
      %mul3A_90 = arith.muli %scan3A_88, %mul3A_89 : i32
      %add3A_91 = arith.constant 0 : i32
      %add3A_92 = arith.addi %mul3A_90, %add3A_91 : i32
      %gt3A = arith.constant 0 : i32
      %gt3A_93 = arith.cmpi sgt, %scan3A_88, %gt3A : i32
      %convert_element_type3A = arith.extui %gt3A_93 : i1 to i32
      %cond3A = arith.constant 0 : i32
      %cond3A_94 = arith.cmpi ne, %convert_element_type3A, %cond3A : i32
      scf.if %cond3A_94 {
        %dma_wait3A_333 = arith.constant 0 : i32
        %dma_wait3A_334 = tpu.memref_slice %arg7[%add3A_92, %dma_wait3A_333] : memref<40x128xi32, #tpu.memory_space<vmem>> -> memref<1x128xi32, #tpu.memory_space<vmem>>
        %dma_wait3A_335 = tpu.memref_squeeze %dma_wait3A_334 : memref<1x128xi32, #tpu.memory_space<vmem>> -> memref<128xi32, #tpu.memory_space<vmem>>
        %dma_wait3A_336 = arith.constant 0 : i32
        %dma_wait3A_337 = arith.constant 0 : i32
        %dma_wait3A_338 = tpu.memref_slice %arg17[%dma_wait3A_336, %dma_wait3A_337] : memref<10240x32xf32, #tpu.memory_space<vmem_shared>> -> memref<10240x32xf32, #tpu.memory_space<vmem_shared>>
        tpu.wait_indirect_dma semaphore(%arg26 : memref<!tpu.dma_semaphore, #tpu.memory_space<semaphore_mem>>) src(%arg8 : memref<128x32xf32, #tpu.memory_space<vmem>>) dst(%dma_wait3A_338 : memref<10240x32xf32, #tpu.memory_space<vmem_shared>>)
      } else {
      }
      %dma_start3A = arith.constant 0 : i32
      %dma_start3A_95 = tpu.memref_slice %arg6[%add3A_92, %dma_start3A] : memref<40x128xi32, #tpu.memory_space<vmem>> -> memref<1x128xi32, #tpu.memory_space<vmem>>
      %dma_start3A_96 = tpu.memref_squeeze %dma_start3A_95 : memref<1x128xi32, #tpu.memory_space<vmem>> -> memref<128xi32, #tpu.memory_space<vmem>>
      %dma_start3A_97 = arith.constant 0 : i32
      %dma_start3A_98 = arith.constant 0 : i32
      %dma_start3A_99 = tpu.memref_slice %arg16[%dma_start3A_97, %dma_start3A_98] : memref<10240x32xf32, #tpu.memory_space<vmem_shared>> -> memref<10240x32xf32, #tpu.memory_space<vmem_shared>>
      tpu.enqueue_indirect_dma source(%dma_start3A_99 : memref<10240x32xf32, #tpu.memory_space<vmem_shared>>) target(%arg8 : memref<128x32xf32, #tpu.memory_space<vmem>>) offsets(%dma_start3A_96 : memref<128xi32, #tpu.memory_space<vmem>>) semaphore(%arg18 : memref<!tpu.dma_semaphore, #tpu.memory_space<semaphore_mem>>)
      %mul3A_100 = arith.constant 8 : i32
      %mul3A_101 = arith.muli %scan3A_88, %mul3A_100 : i32
      %add3A_102 = arith.constant 1 : i32
      %add3A_103 = arith.addi %mul3A_101, %add3A_102 : i32
      %gt3A_104 = arith.constant 0 : i32
      %gt3A_105 = arith.cmpi sgt, %scan3A_88, %gt3A_104 : i32
      %convert_element_type3A_106 = arith.extui %gt3A_105 : i1 to i32
      %cond3A_107 = arith.constant 0 : i32
      %cond3A_108 = arith.cmpi ne, %convert_element_type3A_106, %cond3A_107 : i32
      scf.if %cond3A_108 {
        %dma_wait3A_333 = arith.constant 0 : i32
        %dma_wait3A_334 = tpu.memref_slice %arg7[%add3A_103, %dma_wait3A_333] : memref<40x128xi32, #tpu.memory_space<vmem>> -> memref<1x128xi32, #tpu.memory_space<vmem>>
        %dma_wait3A_335 = tpu.memref_squeeze %dma_wait3A_334 : memref<1x128xi32, #tpu.memory_space<vmem>> -> memref<128xi32, #tpu.memory_space<vmem>>
        %dma_wait3A_336 = arith.constant 0 : i32
        %dma_wait3A_337 = arith.constant 0 : i32
        %dma_wait3A_338 = tpu.memref_slice %arg17[%dma_wait3A_336, %dma_wait3A_337] : memref<10240x32xf32, #tpu.memory_space<vmem_shared>> -> memref<10240x32xf32, #tpu.memory_space<vmem_shared>>
        tpu.wait_indirect_dma semaphore(%arg27 : memref<!tpu.dma_semaphore, #tpu.memory_space<semaphore_mem>>) src(%arg9 : memref<128x32xf32, #tpu.memory_space<vmem>>) dst(%dma_wait3A_338 : memref<10240x32xf32, #tpu.memory_space<vmem_shared>>)
      } else {
      }
      %dma_start3A_109 = arith.constant 0 : i32
      %dma_start3A_110 = tpu.memref_slice %arg6[%add3A_103, %dma_start3A_109] : memref<40x128xi32, #tpu.memory_space<vmem>> -> memref<1x128xi32, #tpu.memory_space<vmem>>
      %dma_start3A_111 = tpu.memref_squeeze %dma_start3A_110 : memref<1x128xi32, #tpu.memory_space<vmem>> -> memref<128xi32, #tpu.memory_space<vmem>>
      %dma_start3A_112 = arith.constant 0 : i32
      %dma_start3A_113 = arith.constant 0 : i32
      %dma_start3A_114 = tpu.memref_slice %arg16[%dma_start3A_112, %dma_start3A_113] : memref<10240x32xf32, #tpu.memory_space<vmem_shared>> -> memref<10240x32xf32, #tpu.memory_space<vmem_shared>>
      tpu.enqueue_indirect_dma source(%dma_start3A_114 : memref<10240x32xf32, #tpu.memory_space<vmem_shared>>) target(%arg9 : memref<128x32xf32, #tpu.memory_space<vmem>>) offsets(%dma_start3A_111 : memref<128xi32, #tpu.memory_space<vmem>>) semaphore(%arg19 : memref<!tpu.dma_semaphore, #tpu.memory_space<semaphore_mem>>)
      %mul3A_115 = arith.constant 8 : i32
      %mul3A_116 = arith.muli %scan3A_88, %mul3A_115 : i32
      %add3A_117 = arith.constant 2 : i32
      %add3A_118 = arith.addi %mul3A_116, %add3A_117 : i32
      %gt3A_119 = arith.constant 0 : i32
      %gt3A_120 = arith.cmpi sgt, %scan3A_88, %gt3A_119 : i32
      %convert_element_type3A_121 = arith.extui %gt3A_120 : i1 to i32
      %cond3A_122 = arith.constant 0 : i32
      %cond3A_123 = arith.cmpi ne, %convert_element_type3A_121, %cond3A_122 : i32
      scf.if %cond3A_123 {
        %dma_wait3A_333 = arith.constant 0 : i32
        %dma_wait3A_334 = tpu.memref_slice %arg7[%add3A_118, %dma_wait3A_333] : memref<40x128xi32, #tpu.memory_space<vmem>> -> memref<1x128xi32, #tpu.memory_space<vmem>>
        %dma_wait3A_335 = tpu.memref_squeeze %dma_wait3A_334 : memref<1x128xi32, #tpu.memory_space<vmem>> -> memref<128xi32, #tpu.memory_space<vmem>>
        %dma_wait3A_336 = arith.constant 0 : i32
        %dma_wait3A_337 = arith.constant 0 : i32
        %dma_wait3A_338 = tpu.memref_slice %arg17[%dma_wait3A_336, %dma_wait3A_337] : memref<10240x32xf32, #tpu.memory_space<vmem_shared>> -> memref<10240x32xf32, #tpu.memory_space<vmem_shared>>
        tpu.wait_indirect_dma semaphore(%arg28 : memref<!tpu.dma_semaphore, #tpu.memory_space<semaphore_mem>>) src(%arg10 : memref<128x32xf32, #tpu.memory_space<vmem>>) dst(%dma_wait3A_338 : memref<10240x32xf32, #tpu.memory_space<vmem_shared>>)
      } else {
      }
      %dma_start3A_124 = arith.constant 0 : i32
      %dma_start3A_125 = tpu.memref_slice %arg6[%add3A_118, %dma_start3A_124] : memref<40x128xi32, #tpu.memory_space<vmem>> -> memref<1x128xi32, #tpu.memory_space<vmem>>
      %dma_start3A_126 = tpu.memref_squeeze %dma_start3A_125 : memref<1x128xi32, #tpu.memory_space<vmem>> -> memref<128xi32, #tpu.memory_space<vmem>>
      %dma_start3A_127 = arith.constant 0 : i32
      %dma_start3A_128 = arith.constant 0 : i32
      %dma_start3A_129 = tpu.memref_slice %arg16[%dma_start3A_127, %dma_start3A_128] : memref<10240x32xf32, #tpu.memory_space<vmem_shared>> -> memref<10240x32xf32, #tpu.memory_space<vmem_shared>>
      tpu.enqueue_indirect_dma source(%dma_start3A_129 : memref<10240x32xf32, #tpu.memory_space<vmem_shared>>) target(%arg10 : memref<128x32xf32, #tpu.memory_space<vmem>>) offsets(%dma_start3A_126 : memref<128xi32, #tpu.memory_space<vmem>>) semaphore(%arg20 : memref<!tpu.dma_semaphore, #tpu.memory_space<semaphore_mem>>)
      %mul3A_130 = arith.constant 8 : i32
      %mul3A_131 = arith.muli %scan3A_88, %mul3A_130 : i32
      %add3A_132 = arith.constant 3 : i32
      %add3A_133 = arith.addi %mul3A_131, %add3A_132 : i32
      %gt3A_134 = arith.constant 0 : i32
      %gt3A_135 = arith.cmpi sgt, %scan3A_88, %gt3A_134 : i32
      %convert_element_type3A_136 = arith.extui %gt3A_135 : i1 to i32
      %cond3A_137 = arith.constant 0 : i32
      %cond3A_138 = arith.cmpi ne, %convert_element_type3A_136, %cond3A_137 : i32
      scf.if %cond3A_138 {
        %dma_wait3A_333 = arith.constant 0 : i32
        %dma_wait3A_334 = tpu.memref_slice %arg7[%add3A_133, %dma_wait3A_333] : memref<40x128xi32, #tpu.memory_space<vmem>> -> memref<1x128xi32, #tpu.memory_space<vmem>>
        %dma_wait3A_335 = tpu.memref_squeeze %dma_wait3A_334 : memref<1x128xi32, #tpu.memory_space<vmem>> -> memref<128xi32, #tpu.memory_space<vmem>>
        %dma_wait3A_336 = arith.constant 0 : i32
        %dma_wait3A_337 = arith.constant 0 : i32
        %dma_wait3A_338 = tpu.memref_slice %arg17[%dma_wait3A_336, %dma_wait3A_337] : memref<10240x32xf32, #tpu.memory_space<vmem_shared>> -> memref<10240x32xf32, #tpu.memory_space<vmem_shared>>
        tpu.wait_indirect_dma semaphore(%arg29 : memref<!tpu.dma_semaphore, #tpu.memory_space<semaphore_mem>>) src(%arg11 : memref<128x32xf32, #tpu.memory_space<vmem>>) dst(%dma_wait3A_338 : memref<10240x32xf32, #tpu.memory_space<vmem_shared>>)
      } else {
      }
      %dma_start3A_139 = arith.constant 0 : i32
      %dma_start3A_140 = tpu.memref_slice %arg6[%add3A_133, %dma_start3A_139] : memref<40x128xi32, #tpu.memory_space<vmem>> -> memref<1x128xi32, #tpu.memory_space<vmem>>
      %dma_start3A_141 = tpu.memref_squeeze %dma_start3A_140 : memref<1x128xi32, #tpu.memory_space<vmem>> -> memref<128xi32, #tpu.memory_space<vmem>>
      %dma_start3A_142 = arith.constant 0 : i32
      %dma_start3A_143 = arith.constant 0 : i32
      %dma_start3A_144 = tpu.memref_slice %arg16[%dma_start3A_142, %dma_start3A_143] : memref<10240x32xf32, #tpu.memory_space<vmem_shared>> -> memref<10240x32xf32, #tpu.memory_space<vmem_shared>>
      tpu.enqueue_indirect_dma source(%dma_start3A_144 : memref<10240x32xf32, #tpu.memory_space<vmem_shared>>) target(%arg11 : memref<128x32xf32, #tpu.memory_space<vmem>>) offsets(%dma_start3A_141 : memref<128xi32, #tpu.memory_space<vmem>>) semaphore(%arg21 : memref<!tpu.dma_semaphore, #tpu.memory_space<semaphore_mem>>)
      %mul3A_145 = arith.constant 8 : i32
      %mul3A_146 = arith.muli %scan3A_88, %mul3A_145 : i32
      %add3A_147 = arith.constant 4 : i32
      %add3A_148 = arith.addi %mul3A_146, %add3A_147 : i32
      %gt3A_149 = arith.constant 0 : i32
      %gt3A_150 = arith.cmpi sgt, %scan3A_88, %gt3A_149 : i32
      %convert_element_type3A_151 = arith.extui %gt3A_150 : i1 to i32
      %cond3A_152 = arith.constant 0 : i32
      %cond3A_153 = arith.cmpi ne, %convert_element_type3A_151, %cond3A_152 : i32
      scf.if %cond3A_153 {
        %dma_wait3A_333 = arith.constant 0 : i32
        %dma_wait3A_334 = tpu.memref_slice %arg7[%add3A_148, %dma_wait3A_333] : memref<40x128xi32, #tpu.memory_space<vmem>> -> memref<1x128xi32, #tpu.memory_space<vmem>>
        %dma_wait3A_335 = tpu.memref_squeeze %dma_wait3A_334 : memref<1x128xi32, #tpu.memory_space<vmem>> -> memref<128xi32, #tpu.memory_space<vmem>>
        %dma_wait3A_336 = arith.constant 0 : i32
        %dma_wait3A_337 = arith.constant 0 : i32
        %dma_wait3A_338 = tpu.memref_slice %arg17[%dma_wait3A_336, %dma_wait3A_337] : memref<10240x32xf32, #tpu.memory_space<vmem_shared>> -> memref<10240x32xf32, #tpu.memory_space<vmem_shared>>
        tpu.wait_indirect_dma semaphore(%arg30 : memref<!tpu.dma_semaphore, #tpu.memory_space<semaphore_mem>>) src(%arg12 : memref<128x32xf32, #tpu.memory_space<vmem>>) dst(%dma_wait3A_338 : memref<10240x32xf32, #tpu.memory_space<vmem_shared>>)
      } else {
      }
      %dma_start3A_154 = arith.constant 0 : i32
      %dma_start3A_155 = tpu.memref_slice %arg6[%add3A_148, %dma_start3A_154] : memref<40x128xi32, #tpu.memory_space<vmem>> -> memref<1x128xi32, #tpu.memory_space<vmem>>
      %dma_start3A_156 = tpu.memref_squeeze %dma_start3A_155 : memref<1x128xi32, #tpu.memory_space<vmem>> -> memref<128xi32, #tpu.memory_space<vmem>>
      %dma_start3A_157 = arith.constant 0 : i32
      %dma_start3A_158 = arith.constant 0 : i32
      %dma_start3A_159 = tpu.memref_slice %arg16[%dma_start3A_157, %dma_start3A_158] : memref<10240x32xf32, #tpu.memory_space<vmem_shared>> -> memref<10240x32xf32, #tpu.memory_space<vmem_shared>>
      tpu.enqueue_indirect_dma source(%dma_start3A_159 : memref<10240x32xf32, #tpu.memory_space<vmem_shared>>) target(%arg12 : memref<128x32xf32, #tpu.memory_space<vmem>>) offsets(%dma_start3A_156 : memref<128xi32, #tpu.memory_space<vmem>>) semaphore(%arg22 : memref<!tpu.dma_semaphore, #tpu.memory_space<semaphore_mem>>)
      %mul3A_160 = arith.constant 8 : i32
      %mul3A_161 = arith.muli %scan3A_88, %mul3A_160 : i32
      %add3A_162 = arith.constant 5 : i32
      %add3A_163 = arith.addi %mul3A_161, %add3A_162 : i32
      %gt3A_164 = arith.constant 0 : i32
      %gt3A_165 = arith.cmpi sgt, %scan3A_88, %gt3A_164 : i32
      %convert_element_type3A_166 = arith.extui %gt3A_165 : i1 to i32
      %cond3A_167 = arith.constant 0 : i32
      %cond3A_168 = arith.cmpi ne, %convert_element_type3A_166, %cond3A_167 : i32
      scf.if %cond3A_168 {
        %dma_wait3A_333 = arith.constant 0 : i32
        %dma_wait3A_334 = tpu.memref_slice %arg7[%add3A_163, %dma_wait3A_333] : memref<40x128xi32, #tpu.memory_space<vmem>> -> memref<1x128xi32, #tpu.memory_space<vmem>>
        %dma_wait3A_335 = tpu.memref_squeeze %dma_wait3A_334 : memref<1x128xi32, #tpu.memory_space<vmem>> -> memref<128xi32, #tpu.memory_space<vmem>>
        %dma_wait3A_336 = arith.constant 0 : i32
        %dma_wait3A_337 = arith.constant 0 : i32
        %dma_wait3A_338 = tpu.memref_slice %arg17[%dma_wait3A_336, %dma_wait3A_337] : memref<10240x32xf32, #tpu.memory_space<vmem_shared>> -> memref<10240x32xf32, #tpu.memory_space<vmem_shared>>
        tpu.wait_indirect_dma semaphore(%arg31 : memref<!tpu.dma_semaphore, #tpu.memory_space<semaphore_mem>>) src(%arg13 : memref<128x32xf32, #tpu.memory_space<vmem>>) dst(%dma_wait3A_338 : memref<10240x32xf32, #tpu.memory_space<vmem_shared>>)
      } else {
      }
      %dma_start3A_169 = arith.constant 0 : i32
      %dma_start3A_170 = tpu.memref_slice %arg6[%add3A_163, %dma_start3A_169] : memref<40x128xi32, #tpu.memory_space<vmem>> -> memref<1x128xi32, #tpu.memory_space<vmem>>
      %dma_start3A_171 = tpu.memref_squeeze %dma_start3A_170 : memref<1x128xi32, #tpu.memory_space<vmem>> -> memref<128xi32, #tpu.memory_space<vmem>>
      %dma_start3A_172 = arith.constant 0 : i32
      %dma_start3A_173 = arith.constant 0 : i32
      %dma_start3A_174 = tpu.memref_slice %arg16[%dma_start3A_172, %dma_start3A_173] : memref<10240x32xf32, #tpu.memory_space<vmem_shared>> -> memref<10240x32xf32, #tpu.memory_space<vmem_shared>>
      tpu.enqueue_indirect_dma source(%dma_start3A_174 : memref<10240x32xf32, #tpu.memory_space<vmem_shared>>) target(%arg13 : memref<128x32xf32, #tpu.memory_space<vmem>>) offsets(%dma_start3A_171 : memref<128xi32, #tpu.memory_space<vmem>>) semaphore(%arg23 : memref<!tpu.dma_semaphore, #tpu.memory_space<semaphore_mem>>)
      %mul3A_175 = arith.constant 8 : i32
      %mul3A_176 = arith.muli %scan3A_88, %mul3A_175 : i32
      %add3A_177 = arith.constant 6 : i32
      %add3A_178 = arith.addi %mul3A_176, %add3A_177 : i32
      %gt3A_179 = arith.constant 0 : i32
      %gt3A_180 = arith.cmpi sgt, %scan3A_88, %gt3A_179 : i32
      %convert_element_type3A_181 = arith.extui %gt3A_180 : i1 to i32
      %cond3A_182 = arith.constant 0 : i32
      %cond3A_183 = arith.cmpi ne, %convert_element_type3A_181, %cond3A_182 : i32
      scf.if %cond3A_183 {
        %dma_wait3A_333 = arith.constant 0 : i32
        %dma_wait3A_334 = tpu.memref_slice %arg7[%add3A_178, %dma_wait3A_333] : memref<40x128xi32, #tpu.memory_space<vmem>> -> memref<1x128xi32, #tpu.memory_space<vmem>>
        %dma_wait3A_335 = tpu.memref_squeeze %dma_wait3A_334 : memref<1x128xi32, #tpu.memory_space<vmem>> -> memref<128xi32, #tpu.memory_space<vmem>>
        %dma_wait3A_336 = arith.constant 0 : i32
        %dma_wait3A_337 = arith.constant 0 : i32
        %dma_wait3A_338 = tpu.memref_slice %arg17[%dma_wait3A_336, %dma_wait3A_337] : memref<10240x32xf32, #tpu.memory_space<vmem_shared>> -> memref<10240x32xf32, #tpu.memory_space<vmem_shared>>
        tpu.wait_indirect_dma semaphore(%arg32 : memref<!tpu.dma_semaphore, #tpu.memory_space<semaphore_mem>>) src(%arg14 : memref<128x32xf32, #tpu.memory_space<vmem>>) dst(%dma_wait3A_338 : memref<10240x32xf32, #tpu.memory_space<vmem_shared>>)
      } else {
      }
      %dma_start3A_184 = arith.constant 0 : i32
      %dma_start3A_185 = tpu.memref_slice %arg6[%add3A_178, %dma_start3A_184] : memref<40x128xi32, #tpu.memory_space<vmem>> -> memref<1x128xi32, #tpu.memory_space<vmem>>
      %dma_start3A_186 = tpu.memref_squeeze %dma_start3A_185 : memref<1x128xi32, #tpu.memory_space<vmem>> -> memref<128xi32, #tpu.memory_space<vmem>>
      %dma_start3A_187 = arith.constant 0 : i32
      %dma_start3A_188 = arith.constant 0 : i32
      %dma_start3A_189 = tpu.memref_slice %arg16[%dma_start3A_187, %dma_start3A_188] : memref<10240x32xf32, #tpu.memory_space<vmem_shared>> -> memref<10240x32xf32, #tpu.memory_space<vmem_shared>>
      tpu.enqueue_indirect_dma source(%dma_start3A_189 : memref<10240x32xf32, #tpu.memory_space<vmem_shared>>) target(%arg14 : memref<128x32xf32, #tpu.memory_space<vmem>>) offsets(%dma_start3A_186 : memref<128xi32, #tpu.memory_space<vmem>>) semaphore(%arg24 : memref<!tpu.dma_semaphore, #tpu.memory_space<semaphore_mem>>)
      %mul3A_190 = arith.constant 8 : i32
      %mul3A_191 = arith.muli %scan3A_88, %mul3A_190 : i32
      %add3A_192 = arith.constant 7 : i32
      %add3A_193 = arith.addi %mul3A_191, %add3A_192 : i32
      %gt3A_194 = arith.constant 0 : i32
      %gt3A_195 = arith.cmpi sgt, %scan3A_88, %gt3A_194 : i32
      %convert_element_type3A_196 = arith.extui %gt3A_195 : i1 to i32
      %cond3A_197 = arith.constant 0 : i32
      %cond3A_198 = arith.cmpi ne, %convert_element_type3A_196, %cond3A_197 : i32
      scf.if %cond3A_198 {
        %dma_wait3A_333 = arith.constant 0 : i32
        %dma_wait3A_334 = tpu.memref_slice %arg7[%add3A_193, %dma_wait3A_333] : memref<40x128xi32, #tpu.memory_space<vmem>> -> memref<1x128xi32, #tpu.memory_space<vmem>>
        %dma_wait3A_335 = tpu.memref_squeeze %dma_wait3A_334 : memref<1x128xi32, #tpu.memory_space<vmem>> -> memref<128xi32, #tpu.memory_space<vmem>>
        %dma_wait3A_336 = arith.constant 0 : i32
        %dma_wait3A_337 = arith.constant 0 : i32
        %dma_wait3A_338 = tpu.memref_slice %arg17[%dma_wait3A_336, %dma_wait3A_337] : memref<10240x32xf32, #tpu.memory_space<vmem_shared>> -> memref<10240x32xf32, #tpu.memory_space<vmem_shared>>
        tpu.wait_indirect_dma semaphore(%arg33 : memref<!tpu.dma_semaphore, #tpu.memory_space<semaphore_mem>>) src(%arg15 : memref<128x32xf32, #tpu.memory_space<vmem>>) dst(%dma_wait3A_338 : memref<10240x32xf32, #tpu.memory_space<vmem_shared>>)
      } else {
      }
      %dma_start3A_199 = arith.constant 0 : i32
      %dma_start3A_200 = tpu.memref_slice %arg6[%add3A_193, %dma_start3A_199] : memref<40x128xi32, #tpu.memory_space<vmem>> -> memref<1x128xi32, #tpu.memory_space<vmem>>
      %dma_start3A_201 = tpu.memref_squeeze %dma_start3A_200 : memref<1x128xi32, #tpu.memory_space<vmem>> -> memref<128xi32, #tpu.memory_space<vmem>>
      %dma_start3A_202 = arith.constant 0 : i32
      %dma_start3A_203 = arith.constant 0 : i32
      %dma_start3A_204 = tpu.memref_slice %arg16[%dma_start3A_202, %dma_start3A_203] : memref<10240x32xf32, #tpu.memory_space<vmem_shared>> -> memref<10240x32xf32, #tpu.memory_space<vmem_shared>>
      tpu.enqueue_indirect_dma source(%dma_start3A_204 : memref<10240x32xf32, #tpu.memory_space<vmem_shared>>) target(%arg15 : memref<128x32xf32, #tpu.memory_space<vmem>>) offsets(%dma_start3A_201 : memref<128xi32, #tpu.memory_space<vmem>>) semaphore(%arg25 : memref<!tpu.dma_semaphore, #tpu.memory_space<semaphore_mem>>)
      %mul3A_205 = arith.constant 8 : i32
      %mul3A_206 = arith.muli %scan3A_88, %mul3A_205 : i32
      %add3A_207 = arith.constant 0 : i32
      %add3A_208 = arith.addi %mul3A_206, %add3A_207 : i32
      %dma_wait3A_209 = arith.constant 0 : i32
      %dma_wait3A_210 = tpu.memref_slice %arg6[%add3A_92, %dma_wait3A_209] : memref<40x128xi32, #tpu.memory_space<vmem>> -> memref<1x128xi32, #tpu.memory_space<vmem>>
      %dma_wait3A_211 = tpu.memref_squeeze %dma_wait3A_210 : memref<1x128xi32, #tpu.memory_space<vmem>> -> memref<128xi32, #tpu.memory_space<vmem>>
      %dma_wait3A_212 = arith.constant 0 : i32
      %dma_wait3A_213 = arith.constant 0 : i32
      %dma_wait3A_214 = tpu.memref_slice %arg16[%dma_wait3A_212, %dma_wait3A_213] : memref<10240x32xf32, #tpu.memory_space<vmem_shared>> -> memref<10240x32xf32, #tpu.memory_space<vmem_shared>>
      tpu.wait_indirect_dma semaphore(%arg18 : memref<!tpu.dma_semaphore, #tpu.memory_space<semaphore_mem>>) src(%dma_wait3A_214 : memref<10240x32xf32, #tpu.memory_space<vmem_shared>>) dst(%arg8 : memref<128x32xf32, #tpu.memory_space<vmem>>)
      %dma_start3A_215 = arith.constant 0 : i32
      %dma_start3A_216 = tpu.memref_slice %arg7[%add3A_208, %dma_start3A_215] : memref<40x128xi32, #tpu.memory_space<vmem>> -> memref<1x128xi32, #tpu.memory_space<vmem>>
      %dma_start3A_217 = tpu.memref_squeeze %dma_start3A_216 : memref<1x128xi32, #tpu.memory_space<vmem>> -> memref<128xi32, #tpu.memory_space<vmem>>
      %dma_start3A_218 = arith.constant 0 : i32
      %dma_start3A_219 = arith.constant 0 : i32
      %dma_start3A_220 = tpu.memref_slice %arg17[%dma_start3A_218, %dma_start3A_219] : memref<10240x32xf32, #tpu.memory_space<vmem_shared>> -> memref<10240x32xf32, #tpu.memory_space<vmem_shared>>
      tpu.enqueue_indirect_dma source(%arg8 : memref<128x32xf32, #tpu.memory_space<vmem>>) target(%dma_start3A_220 : memref<10240x32xf32, #tpu.memory_space<vmem_shared>>) offsets(%dma_start3A_217 : memref<128xi32, #tpu.memory_space<vmem>>) semaphore(%arg26 : memref<!tpu.dma_semaphore, #tpu.memory_space<semaphore_mem>>) {add = true}
      %mul3A_221 = arith.constant 8 : i32
      %mul3A_222 = arith.muli %scan3A_88, %mul3A_221 : i32
      %add3A_223 = arith.constant 1 : i32
      %add3A_224 = arith.addi %mul3A_222, %add3A_223 : i32
      %dma_wait3A_225 = arith.constant 0 : i32
      %dma_wait3A_226 = tpu.memref_slice %arg6[%add3A_103, %dma_wait3A_225] : memref<40x128xi32, #tpu.memory_space<vmem>> -> memref<1x128xi32, #tpu.memory_space<vmem>>
      %dma_wait3A_227 = tpu.memref_squeeze %dma_wait3A_226 : memref<1x128xi32, #tpu.memory_space<vmem>> -> memref<128xi32, #tpu.memory_space<vmem>>
      %dma_wait3A_228 = arith.constant 0 : i32
      %dma_wait3A_229 = arith.constant 0 : i32
      %dma_wait3A_230 = tpu.memref_slice %arg16[%dma_wait3A_228, %dma_wait3A_229] : memref<10240x32xf32, #tpu.memory_space<vmem_shared>> -> memref<10240x32xf32, #tpu.memory_space<vmem_shared>>
      tpu.wait_indirect_dma semaphore(%arg19 : memref<!tpu.dma_semaphore, #tpu.memory_space<semaphore_mem>>) src(%dma_wait3A_230 : memref<10240x32xf32, #tpu.memory_space<vmem_shared>>) dst(%arg9 : memref<128x32xf32, #tpu.memory_space<vmem>>)
      %dma_start3A_231 = arith.constant 0 : i32
      %dma_start3A_232 = tpu.memref_slice %arg7[%add3A_224, %dma_start3A_231] : memref<40x128xi32, #tpu.memory_space<vmem>> -> memref<1x128xi32, #tpu.memory_space<vmem>>
      %dma_start3A_233 = tpu.memref_squeeze %dma_start3A_232 : memref<1x128xi32, #tpu.memory_space<vmem>> -> memref<128xi32, #tpu.memory_space<vmem>>
      %dma_start3A_234 = arith.constant 0 : i32
      %dma_start3A_235 = arith.constant 0 : i32
      %dma_start3A_236 = tpu.memref_slice %arg17[%dma_start3A_234, %dma_start3A_235] : memref<10240x32xf32, #tpu.memory_space<vmem_shared>> -> memref<10240x32xf32, #tpu.memory_space<vmem_shared>>
      tpu.enqueue_indirect_dma source(%arg9 : memref<128x32xf32, #tpu.memory_space<vmem>>) target(%dma_start3A_236 : memref<10240x32xf32, #tpu.memory_space<vmem_shared>>) offsets(%dma_start3A_233 : memref<128xi32, #tpu.memory_space<vmem>>) semaphore(%arg27 : memref<!tpu.dma_semaphore, #tpu.memory_space<semaphore_mem>>) {add = true}
      %mul3A_237 = arith.constant 8 : i32
      %mul3A_238 = arith.muli %scan3A_88, %mul3A_237 : i32
      %add3A_239 = arith.constant 2 : i32
      %add3A_240 = arith.addi %mul3A_238, %add3A_239 : i32
      %dma_wait3A_241 = arith.constant 0 : i32
      %dma_wait3A_242 = tpu.memref_slice %arg6[%add3A_118, %dma_wait3A_241] : memref<40x128xi32, #tpu.memory_space<vmem>> -> memref<1x128xi32, #tpu.memory_space<vmem>>
      %dma_wait3A_243 = tpu.memref_squeeze %dma_wait3A_242 : memref<1x128xi32, #tpu.memory_space<vmem>> -> memref<128xi32, #tpu.memory_space<vmem>>
      %dma_wait3A_244 = arith.constant 0 : i32
      %dma_wait3A_245 = arith.constant 0 : i32
      %dma_wait3A_246 = tpu.memref_slice %arg16[%dma_wait3A_244, %dma_wait3A_245] : memref<10240x32xf32, #tpu.memory_space<vmem_shared>> -> memref<10240x32xf32, #tpu.memory_space<vmem_shared>>
      tpu.wait_indirect_dma semaphore(%arg20 : memref<!tpu.dma_semaphore, #tpu.memory_space<semaphore_mem>>) src(%dma_wait3A_246 : memref<10240x32xf32, #tpu.memory_space<vmem_shared>>) dst(%arg10 : memref<128x32xf32, #tpu.memory_space<vmem>>)
      %dma_start3A_247 = arith.constant 0 : i32
      %dma_start3A_248 = tpu.memref_slice %arg7[%add3A_240, %dma_start3A_247] : memref<40x128xi32, #tpu.memory_space<vmem>> -> memref<1x128xi32, #tpu.memory_space<vmem>>
      %dma_start3A_249 = tpu.memref_squeeze %dma_start3A_248 : memref<1x128xi32, #tpu.memory_space<vmem>> -> memref<128xi32, #tpu.memory_space<vmem>>
      %dma_start3A_250 = arith.constant 0 : i32
      %dma_start3A_251 = arith.constant 0 : i32
      %dma_start3A_252 = tpu.memref_slice %arg17[%dma_start3A_250, %dma_start3A_251] : memref<10240x32xf32, #tpu.memory_space<vmem_shared>> -> memref<10240x32xf32, #tpu.memory_space<vmem_shared>>
      tpu.enqueue_indirect_dma source(%arg10 : memref<128x32xf32, #tpu.memory_space<vmem>>) target(%dma_start3A_252 : memref<10240x32xf32, #tpu.memory_space<vmem_shared>>) offsets(%dma_start3A_249 : memref<128xi32, #tpu.memory_space<vmem>>) semaphore(%arg28 : memref<!tpu.dma_semaphore, #tpu.memory_space<semaphore_mem>>) {add = true}
      %mul3A_253 = arith.constant 8 : i32
      %mul3A_254 = arith.muli %scan3A_88, %mul3A_253 : i32
      %add3A_255 = arith.constant 3 : i32
      %add3A_256 = arith.addi %mul3A_254, %add3A_255 : i32
      %dma_wait3A_257 = arith.constant 0 : i32
      %dma_wait3A_258 = tpu.memref_slice %arg6[%add3A_133, %dma_wait3A_257] : memref<40x128xi32, #tpu.memory_space<vmem>> -> memref<1x128xi32, #tpu.memory_space<vmem>>
      %dma_wait3A_259 = tpu.memref_squeeze %dma_wait3A_258 : memref<1x128xi32, #tpu.memory_space<vmem>> -> memref<128xi32, #tpu.memory_space<vmem>>
      %dma_wait3A_260 = arith.constant 0 : i32
      %dma_wait3A_261 = arith.constant 0 : i32
      %dma_wait3A_262 = tpu.memref_slice %arg16[%dma_wait3A_260, %dma_wait3A_261] : memref<10240x32xf32, #tpu.memory_space<vmem_shared>> -> memref<10240x32xf32, #tpu.memory_space<vmem_shared>>
      tpu.wait_indirect_dma semaphore(%arg21 : memref<!tpu.dma_semaphore, #tpu.memory_space<semaphore_mem>>) src(%dma_wait3A_262 : memref<10240x32xf32, #tpu.memory_space<vmem_shared>>) dst(%arg11 : memref<128x32xf32, #tpu.memory_space<vmem>>)
      %dma_start3A_263 = arith.constant 0 : i32
      %dma_start3A_264 = tpu.memref_slice %arg7[%add3A_256, %dma_start3A_263] : memref<40x128xi32, #tpu.memory_space<vmem>> -> memref<1x128xi32, #tpu.memory_space<vmem>>
      %dma_start3A_265 = tpu.memref_squeeze %dma_start3A_264 : memref<1x128xi32, #tpu.memory_space<vmem>> -> memref<128xi32, #tpu.memory_space<vmem>>
      %dma_start3A_266 = arith.constant 0 : i32
      %dma_start3A_267 = arith.constant 0 : i32
      %dma_start3A_268 = tpu.memref_slice %arg17[%dma_start3A_266, %dma_start3A_267] : memref<10240x32xf32, #tpu.memory_space<vmem_shared>> -> memref<10240x32xf32, #tpu.memory_space<vmem_shared>>
      tpu.enqueue_indirect_dma source(%arg11 : memref<128x32xf32, #tpu.memory_space<vmem>>) target(%dma_start3A_268 : memref<10240x32xf32, #tpu.memory_space<vmem_shared>>) offsets(%dma_start3A_265 : memref<128xi32, #tpu.memory_space<vmem>>) semaphore(%arg29 : memref<!tpu.dma_semaphore, #tpu.memory_space<semaphore_mem>>) {add = true}
      %mul3A_269 = arith.constant 8 : i32
      %mul3A_270 = arith.muli %scan3A_88, %mul3A_269 : i32
      %add3A_271 = arith.constant 4 : i32
      %add3A_272 = arith.addi %mul3A_270, %add3A_271 : i32
      %dma_wait3A_273 = arith.constant 0 : i32
      %dma_wait3A_274 = tpu.memref_slice %arg6[%add3A_148, %dma_wait3A_273] : memref<40x128xi32, #tpu.memory_space<vmem>> -> memref<1x128xi32, #tpu.memory_space<vmem>>
      %dma_wait3A_275 = tpu.memref_squeeze %dma_wait3A_274 : memref<1x128xi32, #tpu.memory_space<vmem>> -> memref<128xi32, #tpu.memory_space<vmem>>
      %dma_wait3A_276 = arith.constant 0 : i32
      %dma_wait3A_277 = arith.constant 0 : i32
      %dma_wait3A_278 = tpu.memref_slice %arg16[%dma_wait3A_276, %dma_wait3A_277] : memref<10240x32xf32, #tpu.memory_space<vmem_shared>> -> memref<10240x32xf32, #tpu.memory_space<vmem_shared>>
      tpu.wait_indirect_dma semaphore(%arg22 : memref<!tpu.dma_semaphore, #tpu.memory_space<semaphore_mem>>) src(%dma_wait3A_278 : memref<10240x32xf32, #tpu.memory_space<vmem_shared>>) dst(%arg12 : memref<128x32xf32, #tpu.memory_space<vmem>>)
      %dma_start3A_279 = arith.constant 0 : i32
      %dma_start3A_280 = tpu.memref_slice %arg7[%add3A_272, %dma_start3A_279] : memref<40x128xi32, #tpu.memory_space<vmem>> -> memref<1x128xi32, #tpu.memory_space<vmem>>
      %dma_start3A_281 = tpu.memref_squeeze %dma_start3A_280 : memref<1x128xi32, #tpu.memory_space<vmem>> -> memref<128xi32, #tpu.memory_space<vmem>>
      %dma_start3A_282 = arith.constant 0 : i32
      %dma_start3A_283 = arith.constant 0 : i32
      %dma_start3A_284 = tpu.memref_slice %arg17[%dma_start3A_282, %dma_start3A_283] : memref<10240x32xf32, #tpu.memory_space<vmem_shared>> -> memref<10240x32xf32, #tpu.memory_space<vmem_shared>>
      tpu.enqueue_indirect_dma source(%arg12 : memref<128x32xf32, #tpu.memory_space<vmem>>) target(%dma_start3A_284 : memref<10240x32xf32, #tpu.memory_space<vmem_shared>>) offsets(%dma_start3A_281 : memref<128xi32, #tpu.memory_space<vmem>>) semaphore(%arg30 : memref<!tpu.dma_semaphore, #tpu.memory_space<semaphore_mem>>) {add = true}
      %mul3A_285 = arith.constant 8 : i32
      %mul3A_286 = arith.muli %scan3A_88, %mul3A_285 : i32
      %add3A_287 = arith.constant 5 : i32
      %add3A_288 = arith.addi %mul3A_286, %add3A_287 : i32
      %dma_wait3A_289 = arith.constant 0 : i32
      %dma_wait3A_290 = tpu.memref_slice %arg6[%add3A_163, %dma_wait3A_289] : memref<40x128xi32, #tpu.memory_space<vmem>> -> memref<1x128xi32, #tpu.memory_space<vmem>>
      %dma_wait3A_291 = tpu.memref_squeeze %dma_wait3A_290 : memref<1x128xi32, #tpu.memory_space<vmem>> -> memref<128xi32, #tpu.memory_space<vmem>>
      %dma_wait3A_292 = arith.constant 0 : i32
      %dma_wait3A_293 = arith.constant 0 : i32
      %dma_wait3A_294 = tpu.memref_slice %arg16[%dma_wait3A_292, %dma_wait3A_293] : memref<10240x32xf32, #tpu.memory_space<vmem_shared>> -> memref<10240x32xf32, #tpu.memory_space<vmem_shared>>
      tpu.wait_indirect_dma semaphore(%arg23 : memref<!tpu.dma_semaphore, #tpu.memory_space<semaphore_mem>>) src(%dma_wait3A_294 : memref<10240x32xf32, #tpu.memory_space<vmem_shared>>) dst(%arg13 : memref<128x32xf32, #tpu.memory_space<vmem>>)
      %dma_start3A_295 = arith.constant 0 : i32
      %dma_start3A_296 = tpu.memref_slice %arg7[%add3A_288, %dma_start3A_295] : memref<40x128xi32, #tpu.memory_space<vmem>> -> memref<1x128xi32, #tpu.memory_space<vmem>>
      %dma_start3A_297 = tpu.memref_squeeze %dma_start3A_296 : memref<1x128xi32, #tpu.memory_space<vmem>> -> memref<128xi32, #tpu.memory_space<vmem>>
      %dma_start3A_298 = arith.constant 0 : i32
      %dma_start3A_299 = arith.constant 0 : i32
      %dma_start3A_300 = tpu.memref_slice %arg17[%dma_start3A_298, %dma_start3A_299] : memref<10240x32xf32, #tpu.memory_space<vmem_shared>> -> memref<10240x32xf32, #tpu.memory_space<vmem_shared>>
      tpu.enqueue_indirect_dma source(%arg13 : memref<128x32xf32, #tpu.memory_space<vmem>>) target(%dma_start3A_300 : memref<10240x32xf32, #tpu.memory_space<vmem_shared>>) offsets(%dma_start3A_297 : memref<128xi32, #tpu.memory_space<vmem>>) semaphore(%arg31 : memref<!tpu.dma_semaphore, #tpu.memory_space<semaphore_mem>>) {add = true}
      %mul3A_301 = arith.constant 8 : i32
      %mul3A_302 = arith.muli %scan3A_88, %mul3A_301 : i32
      %add3A_303 = arith.constant 6 : i32
      %add3A_304 = arith.addi %mul3A_302, %add3A_303 : i32
      %dma_wait3A_305 = arith.constant 0 : i32
      %dma_wait3A_306 = tpu.memref_slice %arg6[%add3A_178, %dma_wait3A_305] : memref<40x128xi32, #tpu.memory_space<vmem>> -> memref<1x128xi32, #tpu.memory_space<vmem>>
      %dma_wait3A_307 = tpu.memref_squeeze %dma_wait3A_306 : memref<1x128xi32, #tpu.memory_space<vmem>> -> memref<128xi32, #tpu.memory_space<vmem>>
      %dma_wait3A_308 = arith.constant 0 : i32
      %dma_wait3A_309 = arith.constant 0 : i32
      %dma_wait3A_310 = tpu.memref_slice %arg16[%dma_wait3A_308, %dma_wait3A_309] : memref<10240x32xf32, #tpu.memory_space<vmem_shared>> -> memref<10240x32xf32, #tpu.memory_space<vmem_shared>>
      tpu.wait_indirect_dma semaphore(%arg24 : memref<!tpu.dma_semaphore, #tpu.memory_space<semaphore_mem>>) src(%dma_wait3A_310 : memref<10240x32xf32, #tpu.memory_space<vmem_shared>>) dst(%arg14 : memref<128x32xf32, #tpu.memory_space<vmem>>)
      %dma_start3A_311 = arith.constant 0 : i32
      %dma_start3A_312 = tpu.memref_slice %arg7[%add3A_304, %dma_start3A_311] : memref<40x128xi32, #tpu.memory_space<vmem>> -> memref<1x128xi32, #tpu.memory_space<vmem>>
      %dma_start3A_313 = tpu.memref_squeeze %dma_start3A_312 : memref<1x128xi32, #tpu.memory_space<vmem>> -> memref<128xi32, #tpu.memory_space<vmem>>
      %dma_start3A_314 = arith.constant 0 : i32
      %dma_start3A_315 = arith.constant 0 : i32
      %dma_start3A_316 = tpu.memref_slice %arg17[%dma_start3A_314, %dma_start3A_315] : memref<10240x32xf32, #tpu.memory_space<vmem_shared>> -> memref<10240x32xf32, #tpu.memory_space<vmem_shared>>
      tpu.enqueue_indirect_dma source(%arg14 : memref<128x32xf32, #tpu.memory_space<vmem>>) target(%dma_start3A_316 : memref<10240x32xf32, #tpu.memory_space<vmem_shared>>) offsets(%dma_start3A_313 : memref<128xi32, #tpu.memory_space<vmem>>) semaphore(%arg32 : memref<!tpu.dma_semaphore, #tpu.memory_space<semaphore_mem>>) {add = true}
      %mul3A_317 = arith.constant 8 : i32
      %mul3A_318 = arith.muli %scan3A_88, %mul3A_317 : i32
      %add3A_319 = arith.constant 7 : i32
      %add3A_320 = arith.addi %mul3A_318, %add3A_319 : i32
      %dma_wait3A_321 = arith.constant 0 : i32
      %dma_wait3A_322 = tpu.memref_slice %arg6[%add3A_193, %dma_wait3A_321] : memref<40x128xi32, #tpu.memory_space<vmem>> -> memref<1x128xi32, #tpu.memory_space<vmem>>
      %dma_wait3A_323 = tpu.memref_squeeze %dma_wait3A_322 : memref<1x128xi32, #tpu.memory_space<vmem>> -> memref<128xi32, #tpu.memory_space<vmem>>
      %dma_wait3A_324 = arith.constant 0 : i32
      %dma_wait3A_325 = arith.constant 0 : i32
      %dma_wait3A_326 = tpu.memref_slice %arg16[%dma_wait3A_324, %dma_wait3A_325] : memref<10240x32xf32, #tpu.memory_space<vmem_shared>> -> memref<10240x32xf32, #tpu.memory_space<vmem_shared>>
      tpu.wait_indirect_dma semaphore(%arg25 : memref<!tpu.dma_semaphore, #tpu.memory_space<semaphore_mem>>) src(%dma_wait3A_326 : memref<10240x32xf32, #tpu.memory_space<vmem_shared>>) dst(%arg15 : memref<128x32xf32, #tpu.memory_space<vmem>>)
      %dma_start3A_327 = arith.constant 0 : i32
      %dma_start3A_328 = tpu.memref_slice %arg7[%add3A_320, %dma_start3A_327] : memref<40x128xi32, #tpu.memory_space<vmem>> -> memref<1x128xi32, #tpu.memory_space<vmem>>
      %dma_start3A_329 = tpu.memref_squeeze %dma_start3A_328 : memref<1x128xi32, #tpu.memory_space<vmem>> -> memref<128xi32, #tpu.memory_space<vmem>>
      %dma_start3A_330 = arith.constant 0 : i32
      %dma_start3A_331 = arith.constant 0 : i32
      %dma_start3A_332 = tpu.memref_slice %arg17[%dma_start3A_330, %dma_start3A_331] : memref<10240x32xf32, #tpu.memory_space<vmem_shared>> -> memref<10240x32xf32, #tpu.memory_space<vmem_shared>>
      tpu.enqueue_indirect_dma source(%arg15 : memref<128x32xf32, #tpu.memory_space<vmem>>) target(%dma_start3A_332 : memref<10240x32xf32, #tpu.memory_space<vmem_shared>>) offsets(%dma_start3A_329 : memref<128xi32, #tpu.memory_space<vmem>>) semaphore(%arg33 : memref<!tpu.dma_semaphore, #tpu.memory_space<semaphore_mem>>) {add = true}
    }
    %scan3A_28 = arith.constant 5 : i32
    %dma_wait3A = arith.constant 0 : i32
    %dma_wait3A_29 = arith.constant 0 : i32
    %dma_wait3A_30 = tpu.memref_slice %arg7[%dma_wait3A, %dma_wait3A_29] : memref<40x128xi32, #tpu.memory_space<vmem>> -> memref<1x128xi32, #tpu.memory_space<vmem>>
    %dma_wait3A_31 = tpu.memref_squeeze %dma_wait3A_30 : memref<1x128xi32, #tpu.memory_space<vmem>> -> memref<128xi32, #tpu.memory_space<vmem>>
    %dma_wait3A_32 = arith.constant 0 : i32
    %dma_wait3A_33 = arith.constant 0 : i32
    %dma_wait3A_34 = tpu.memref_slice %arg17[%dma_wait3A_32, %dma_wait3A_33] : memref<10240x32xf32, #tpu.memory_space<vmem_shared>> -> memref<10240x32xf32, #tpu.memory_space<vmem_shared>>
    tpu.wait_indirect_dma semaphore(%arg26 : memref<!tpu.dma_semaphore, #tpu.memory_space<semaphore_mem>>) src(%arg8 : memref<128x32xf32, #tpu.memory_space<vmem>>) dst(%dma_wait3A_34 : memref<10240x32xf32, #tpu.memory_space<vmem_shared>>)
    %dma_wait3A_35 = arith.constant 1 : i32
    %dma_wait3A_36 = arith.constant 0 : i32
    %dma_wait3A_37 = tpu.memref_slice %arg7[%dma_wait3A_35, %dma_wait3A_36] : memref<40x128xi32, #tpu.memory_space<vmem>> -> memref<1x128xi32, #tpu.memory_space<vmem>>
    %dma_wait3A_38 = tpu.memref_squeeze %dma_wait3A_37 : memref<1x128xi32, #tpu.memory_space<vmem>> -> memref<128xi32, #tpu.memory_space<vmem>>
    %dma_wait3A_39 = arith.constant 0 : i32
    %dma_wait3A_40 = arith.constant 0 : i32
    %dma_wait3A_41 = tpu.memref_slice %arg17[%dma_wait3A_39, %dma_wait3A_40] : memref<10240x32xf32, #tpu.memory_space<vmem_shared>> -> memref<10240x32xf32, #tpu.memory_space<vmem_shared>>
    tpu.wait_indirect_dma semaphore(%arg27 : memref<!tpu.dma_semaphore, #tpu.memory_space<semaphore_mem>>) src(%arg9 : memref<128x32xf32, #tpu.memory_space<vmem>>) dst(%dma_wait3A_41 : memref<10240x32xf32, #tpu.memory_space<vmem_shared>>)
    %dma_wait3A_42 = arith.constant 2 : i32
    %dma_wait3A_43 = arith.constant 0 : i32
    %dma_wait3A_44 = tpu.memref_slice %arg7[%dma_wait3A_42, %dma_wait3A_43] : memref<40x128xi32, #tpu.memory_space<vmem>> -> memref<1x128xi32, #tpu.memory_space<vmem>>
    %dma_wait3A_45 = tpu.memref_squeeze %dma_wait3A_44 : memref<1x128xi32, #tpu.memory_space<vmem>> -> memref<128xi32, #tpu.memory_space<vmem>>
    %dma_wait3A_46 = arith.constant 0 : i32
    %dma_wait3A_47 = arith.constant 0 : i32
    %dma_wait3A_48 = tpu.memref_slice %arg17[%dma_wait3A_46, %dma_wait3A_47] : memref<10240x32xf32, #tpu.memory_space<vmem_shared>> -> memref<10240x32xf32, #tpu.memory_space<vmem_shared>>
    tpu.wait_indirect_dma semaphore(%arg28 : memref<!tpu.dma_semaphore, #tpu.memory_space<semaphore_mem>>) src(%arg10 : memref<128x32xf32, #tpu.memory_space<vmem>>) dst(%dma_wait3A_48 : memref<10240x32xf32, #tpu.memory_space<vmem_shared>>)
    %dma_wait3A_49 = arith.constant 3 : i32
    %dma_wait3A_50 = arith.constant 0 : i32
    %dma_wait3A_51 = tpu.memref_slice %arg7[%dma_wait3A_49, %dma_wait3A_50] : memref<40x128xi32, #tpu.memory_space<vmem>> -> memref<1x128xi32, #tpu.memory_space<vmem>>
    %dma_wait3A_52 = tpu.memref_squeeze %dma_wait3A_51 : memref<1x128xi32, #tpu.memory_space<vmem>> -> memref<128xi32, #tpu.memory_space<vmem>>
    %dma_wait3A_53 = arith.constant 0 : i32
    %dma_wait3A_54 = arith.constant 0 : i32
    %dma_wait3A_55 = tpu.memref_slice %arg17[%dma_wait3A_53, %dma_wait3A_54] : memref<10240x32xf32, #tpu.memory_space<vmem_shared>> -> memref<10240x32xf32, #tpu.memory_space<vmem_shared>>
    tpu.wait_indirect_dma semaphore(%arg29 : memref<!tpu.dma_semaphore, #tpu.memory_space<semaphore_mem>>) src(%arg11 : memref<128x32xf32, #tpu.memory_space<vmem>>) dst(%dma_wait3A_55 : memref<10240x32xf32, #tpu.memory_space<vmem_shared>>)
    %dma_wait3A_56 = arith.constant 4 : i32
    %dma_wait3A_57 = arith.constant 0 : i32
    %dma_wait3A_58 = tpu.memref_slice %arg7[%dma_wait3A_56, %dma_wait3A_57] : memref<40x128xi32, #tpu.memory_space<vmem>> -> memref<1x128xi32, #tpu.memory_space<vmem>>
    %dma_wait3A_59 = tpu.memref_squeeze %dma_wait3A_58 : memref<1x128xi32, #tpu.memory_space<vmem>> -> memref<128xi32, #tpu.memory_space<vmem>>
    %dma_wait3A_60 = arith.constant 0 : i32
    %dma_wait3A_61 = arith.constant 0 : i32
    %dma_wait3A_62 = tpu.memref_slice %arg17[%dma_wait3A_60, %dma_wait3A_61] : memref<10240x32xf32, #tpu.memory_space<vmem_shared>> -> memref<10240x32xf32, #tpu.memory_space<vmem_shared>>
    tpu.wait_indirect_dma semaphore(%arg30 : memref<!tpu.dma_semaphore, #tpu.memory_space<semaphore_mem>>) src(%arg12 : memref<128x32xf32, #tpu.memory_space<vmem>>) dst(%dma_wait3A_62 : memref<10240x32xf32, #tpu.memory_space<vmem_shared>>)
    %dma_wait3A_63 = arith.constant 5 : i32
    %dma_wait3A_64 = arith.constant 0 : i32
    %dma_wait3A_65 = tpu.memref_slice %arg7[%dma_wait3A_63, %dma_wait3A_64] : memref<40x128xi32, #tpu.memory_space<vmem>> -> memref<1x128xi32, #tpu.memory_space<vmem>>
    %dma_wait3A_66 = tpu.memref_squeeze %dma_wait3A_65 : memref<1x128xi32, #tpu.memory_space<vmem>> -> memref<128xi32, #tpu.memory_space<vmem>>
    %dma_wait3A_67 = arith.constant 0 : i32
    %dma_wait3A_68 = arith.constant 0 : i32
    %dma_wait3A_69 = tpu.memref_slice %arg17[%dma_wait3A_67, %dma_wait3A_68] : memref<10240x32xf32, #tpu.memory_space<vmem_shared>> -> memref<10240x32xf32, #tpu.memory_space<vmem_shared>>
    tpu.wait_indirect_dma semaphore(%arg31 : memref<!tpu.dma_semaphore, #tpu.memory_space<semaphore_mem>>) src(%arg13 : memref<128x32xf32, #tpu.memory_space<vmem>>) dst(%dma_wait3A_69 : memref<10240x32xf32, #tpu.memory_space<vmem_shared>>)
    %dma_wait3A_70 = arith.constant 6 : i32
    %dma_wait3A_71 = arith.constant 0 : i32
    %dma_wait3A_72 = tpu.memref_slice %arg7[%dma_wait3A_70, %dma_wait3A_71] : memref<40x128xi32, #tpu.memory_space<vmem>> -> memref<1x128xi32, #tpu.memory_space<vmem>>
    %dma_wait3A_73 = tpu.memref_squeeze %dma_wait3A_72 : memref<1x128xi32, #tpu.memory_space<vmem>> -> memref<128xi32, #tpu.memory_space<vmem>>
    %dma_wait3A_74 = arith.constant 0 : i32
    %dma_wait3A_75 = arith.constant 0 : i32
    %dma_wait3A_76 = tpu.memref_slice %arg17[%dma_wait3A_74, %dma_wait3A_75] : memref<10240x32xf32, #tpu.memory_space<vmem_shared>> -> memref<10240x32xf32, #tpu.memory_space<vmem_shared>>
    tpu.wait_indirect_dma semaphore(%arg32 : memref<!tpu.dma_semaphore, #tpu.memory_space<semaphore_mem>>) src(%arg14 : memref<128x32xf32, #tpu.memory_space<vmem>>) dst(%dma_wait3A_76 : memref<10240x32xf32, #tpu.memory_space<vmem_shared>>)
    %dma_wait3A_77 = arith.constant 7 : i32
    %dma_wait3A_78 = arith.constant 0 : i32
    %dma_wait3A_79 = tpu.memref_slice %arg7[%dma_wait3A_77, %dma_wait3A_78] : memref<40x128xi32, #tpu.memory_space<vmem>> -> memref<1x128xi32, #tpu.memory_space<vmem>>
    %dma_wait3A_80 = tpu.memref_squeeze %dma_wait3A_79 : memref<1x128xi32, #tpu.memory_space<vmem>> -> memref<128xi32, #tpu.memory_space<vmem>>
    %dma_wait3A_81 = arith.constant 0 : i32
    %dma_wait3A_82 = arith.constant 0 : i32
    %dma_wait3A_83 = tpu.memref_slice %arg17[%dma_wait3A_81, %dma_wait3A_82] : memref<10240x32xf32, #tpu.memory_space<vmem_shared>> -> memref<10240x32xf32, #tpu.memory_space<vmem_shared>>
    tpu.wait_indirect_dma semaphore(%arg33 : memref<!tpu.dma_semaphore, #tpu.memory_space<semaphore_mem>>) src(%arg15 : memref<128x32xf32, #tpu.memory_space<vmem>>) dst(%dma_wait3A_83 : memref<10240x32xf32, #tpu.memory_space<vmem_shared>>)
    %barrier3A_84 = arith.constant 0 : index
    tpu.barrier barrier_id(%barrier3A_84)
    %mul3A_85 = arith.constant 16 : i32
    %mul3A_86 = arith.muli %arg0, %mul3A_85 : i32
    %add3A_87 = arith.addi %mul3A_86, %arg1 : i32
    "tpu.region"() ({
      %run_scoped3A = tpu.sem_alloc : memref<!tpu.dma_semaphore, #tpu.memory_space<semaphore_mem>>
      %dma_start3A = arith.constant 0 : i32
      %dma_start3A_88 = arith.constant 0 : i32
      %dma_start3A_89 = tpu.memref_slice %arg5[%add3A_87, %dma_start3A, %dma_start3A_88] : memref<32x640x32xf32, #tpu.memory_space<hbm>> -> memref<1x640x32xf32, #tpu.memory_space<hbm>>
      %dma_start3A_90 = tpu.memref_squeeze %dma_start3A_89 : memref<1x640x32xf32, #tpu.memory_space<hbm>> -> memref<640x32xf32, #tpu.memory_space<hbm>>
      %dma_start3A_91 = arith.constant 0 : i32
      %dma_start3A_92 = tpu.memref_slice %arg17[%mul3A_2, %dma_start3A_91] : memref<10240x32xf32, #tpu.memory_space<vmem_shared>> -> memref<640x32xf32, #tpu.memory_space<vmem_shared>>
      tpu.enqueue_dma source(%dma_start3A_92 : memref<640x32xf32, #tpu.memory_space<vmem_shared>>) target(%dma_start3A_90 : memref<640x32xf32, #tpu.memory_space<hbm>>) target_semaphore(%run_scoped3A : memref<!tpu.dma_semaphore, #tpu.memory_space<semaphore_mem>>)
      %dma_wait3A_93 = arith.constant 0 : i32
      %dma_wait3A_94 = arith.constant 0 : i32
      %dma_wait3A_95 = tpu.memref_slice %arg5[%add3A_87, %dma_wait3A_93, %dma_wait3A_94] : memref<32x640x32xf32, #tpu.memory_space<hbm>> -> memref<1x640x32xf32, #tpu.memory_space<hbm>>
      %dma_wait3A_96 = tpu.memref_squeeze %dma_wait3A_95 : memref<1x640x32xf32, #tpu.memory_space<hbm>> -> memref<640x32xf32, #tpu.memory_space<hbm>>
      %dma_wait3A_97 = arith.constant 0 : i32
      %dma_wait3A_98 = tpu.memref_slice %arg17[%mul3A_2, %dma_wait3A_97] : memref<10240x32xf32, #tpu.memory_space<vmem_shared>> -> memref<640x32xf32, #tpu.memory_space<vmem_shared>>
      tpu.wait_dma2 semaphore(%run_scoped3A : memref<!tpu.dma_semaphore, #tpu.memory_space<semaphore_mem>>) src(%dma_wait3A_98 : memref<640x32xf32, #tpu.memory_space<vmem_shared>>) dst(%dma_wait3A_96 : memref<640x32xf32, #tpu.memory_space<hbm>>)
      tpu.yield
    }) : () -> ()
    return
  }
}

#map = affine_map<(d0, d1) -> (0, 0)>
#map1 = affine_map<(d0, d1) -> (0, 0, 0)>
module attributes {stable_mosaic.version = 14 : i64} {
  func.func @body(%arg0: i32, %arg1: i32, %arg2: memref<1280x128xi32, #tpu.memory_space<hbm>>, %arg3: memref<1280x128xi32, #tpu.memory_space<hbm>>, %arg4: memref<10240x64xf32, #tpu.memory_space<hbm>>, %arg5: memref<32x640x64xf32, #tpu.memory_space<hbm>>, %arg6: memref<40x128xi32, #tpu.memory_space<vmem>>, %arg7: memref<40x128xi32, #tpu.memory_space<vmem>>, %arg8: memref<128x64xf32, #tpu.memory_space<vmem>>, %arg9: memref<128x64xf32, #tpu.memory_space<vmem>>, %arg10: memref<128x64xf32, #tpu.memory_space<vmem>>, %arg11: memref<128x64xf32, #tpu.memory_space<vmem>>, %arg12: memref<10240x64xf32, #tpu.memory_space<vmem_shared>>, %arg13: memref<10240x64xf32, #tpu.memory_space<vmem_shared>>, %arg14: memref<!tpu.dma_semaphore, #tpu.memory_space<semaphore_mem>>, %arg15: memref<!tpu.dma_semaphore, #tpu.memory_space<semaphore_mem>>, %arg16: memref<!tpu.dma_semaphore, #tpu.memory_space<semaphore_mem>>, %arg17: memref<!tpu.dma_semaphore, #tpu.memory_space<semaphore_mem>>, %arg18: memref<!tpu.dma_semaphore, #tpu.memory_space<semaphore_mem>>, %arg19: memref<!tpu.dma_semaphore, #tpu.memory_space<semaphore_mem>>, %arg20: memref<!tpu.dma_semaphore, #tpu.memory_space<semaphore_mem>>, %arg21: memref<!tpu.dma_semaphore, #tpu.memory_space<semaphore_mem>>) attributes {dimension_semantics = [#tpu.dimension_semantics<core_parallel>, #tpu.dimension_semantics<subcore_parallel>], iteration_bounds = array<i64: 2, 16>, scalar_prefetch = 0 : i64, scratch_operands = 16 : i64, tpu.core_type = #tpu.core_type<sc_vector_subcore>, window_params = [{transform_indices = #map}, {transform_indices = #map}, {transform_indices = #map}, {transform_indices = #map1}]} {
    %mul3A = arith.constant 16 : i32
    %mul3A_0 = arith.muli %arg0, %mul3A : i32
    %add3A = arith.addi %mul3A_0, %arg1 : i32
    %mul3A_1 = arith.constant 640 : i32
    %mul3A_2 = arith.muli %arg1, %mul3A_1 : i32
    %broadcast_in_dim3A = arith.constant 0.000000e+00 : f32
    %broadcast_in_dim3A_3 = vector.broadcast %broadcast_in_dim3A : f32 to vector<16xf32>
    %scan3A = arith.constant 0 : i32
    %scan3A_4 = arith.constant 0 : i32
    %scan3A_5 = arith.constant 128 : i32
    %scan3A_6 = arith.addi %scan3A_4, %scan3A_5 : i32
    %scan3A_7 = arith.constant 1 : i32
    scf.for %scan3A_60 = %scan3A_4 to %scan3A_6 step %scan3A_7  : i32 {
      %swap3A = arith.index_cast %scan3A_60 : i32 to index
      %swap3A_61 = arith.constant 0 : index
      %swap3A_62 = tpu.vector_load %arg8[%swap3A, %swap3A_61] {strides = array<i32>} : memref<128x64xf32, #tpu.memory_space<vmem>>, vector<1x16xf32>,
      %swap3A_63 = vector.shape_cast %swap3A_62 : vector<1x16xf32> to vector<16xf32>
      %swap3A_64 = vector.shape_cast %broadcast_in_dim3A_3 : vector<16xf32> to vector<1x16xf32>
      tpu.vector_store %arg8[%swap3A, %swap3A_61], %swap3A_64 {strides = array<i32>} : memref<128x64xf32, #tpu.memory_space<vmem>>, vector<1x16xf32>,
      %swap3A_65 = arith.index_cast %scan3A_60 : i32 to index
      %swap3A_66 = arith.constant 16 : index
      %swap3A_67 = tpu.vector_load %arg8[%swap3A_65, %swap3A_66] {strides = array<i32>} : memref<128x64xf32, #tpu.memory_space<vmem>>, vector<1x16xf32>,
      %swap3A_68 = vector.shape_cast %swap3A_67 : vector<1x16xf32> to vector<16xf32>
      %swap3A_69 = vector.shape_cast %broadcast_in_dim3A_3 : vector<16xf32> to vector<1x16xf32>
      tpu.vector_store %arg8[%swap3A_65, %swap3A_66], %swap3A_69 {strides = array<i32>} : memref<128x64xf32, #tpu.memory_space<vmem>>, vector<1x16xf32>,
      %swap3A_70 = arith.index_cast %scan3A_60 : i32 to index
      %swap3A_71 = arith.constant 32 : index
      %swap3A_72 = tpu.vector_load %arg8[%swap3A_70, %swap3A_71] {strides = array<i32>} : memref<128x64xf32, #tpu.memory_space<vmem>>, vector<1x16xf32>,
      %swap3A_73 = vector.shape_cast %swap3A_72 : vector<1x16xf32> to vector<16xf32>
      %swap3A_74 = vector.shape_cast %broadcast_in_dim3A_3 : vector<16xf32> to vector<1x16xf32>
      tpu.vector_store %arg8[%swap3A_70, %swap3A_71], %swap3A_74 {strides = array<i32>} : memref<128x64xf32, #tpu.memory_space<vmem>>, vector<1x16xf32>,
      %swap3A_75 = arith.index_cast %scan3A_60 : i32 to index
      %swap3A_76 = arith.constant 48 : index
      %swap3A_77 = tpu.vector_load %arg8[%swap3A_75, %swap3A_76] {strides = array<i32>} : memref<128x64xf32, #tpu.memory_space<vmem>>, vector<1x16xf32>,
      %swap3A_78 = vector.shape_cast %swap3A_77 : vector<1x16xf32> to vector<16xf32>
      %swap3A_79 = vector.shape_cast %broadcast_in_dim3A_3 : vector<16xf32> to vector<1x16xf32>
      tpu.vector_store %arg8[%swap3A_75, %swap3A_76], %swap3A_79 {strides = array<i32>} : memref<128x64xf32, #tpu.memory_space<vmem>>, vector<1x16xf32>,
    }
    %scan3A_8 = arith.constant 128 : i32
    %add3A_9 = arith.constant 0 : i32
    %add3A_10 = arith.addi %mul3A_2, %add3A_9 : i32
    "tpu.region"() ({
      %run_scoped3A = tpu.sem_alloc : memref<!tpu.dma_semaphore, #tpu.memory_space<semaphore_mem>>
      %dma_start3A = arith.constant 0 : i32
      %dma_start3A_60 = tpu.memref_slice %arg13[%add3A_10, %dma_start3A] : memref<10240x64xf32, #tpu.memory_space<vmem_shared>> -> memref<128x64xf32, #tpu.memory_space<vmem_shared>>
      %dma_start3A_61 = arith.constant 0 : i32
      %dma_start3A_62 = tpu.memref_slice %arg13[%add3A_10, %dma_start3A_61] : memref<10240x64xf32, #tpu.memory_space<vmem_shared>> -> memref<128x64xf32, #tpu.memory_space<vmem_shared>>
      tpu.enqueue_dma source(%arg8 : memref<128x64xf32, #tpu.memory_space<vmem>>) target(%dma_start3A_62 : memref<128x64xf32, #tpu.memory_space<vmem_shared>>) target_semaphore(%run_scoped3A : memref<!tpu.dma_semaphore, #tpu.memory_space<semaphore_mem>>)
      %dma_wait3A_63 = arith.constant 0 : i32
      %dma_wait3A_64 = tpu.memref_slice %arg13[%add3A_10, %dma_wait3A_63] : memref<10240x64xf32, #tpu.memory_space<vmem_shared>> -> memref<128x64xf32, #tpu.memory_space<vmem_shared>>
      %dma_wait3A_65 = arith.constant 0 : i32
      %dma_wait3A_66 = tpu.memref_slice %arg13[%add3A_10, %dma_wait3A_65] : memref<10240x64xf32, #tpu.memory_space<vmem_shared>> -> memref<128x64xf32, #tpu.memory_space<vmem_shared>>
      tpu.wait_dma2 semaphore(%run_scoped3A : memref<!tpu.dma_semaphore, #tpu.memory_space<semaphore_mem>>) src(%arg8 : memref<128x64xf32, #tpu.memory_space<vmem>>) dst(%dma_wait3A_66 : memref<128x64xf32, #tpu.memory_space<vmem_shared>>)
      tpu.yield
    }) : () -> ()
    %add3A_11 = arith.constant 128 : i32
    %add3A_12 = arith.addi %mul3A_2, %add3A_11 : i32
    "tpu.region"() ({
      %run_scoped3A = tpu.sem_alloc : memref<!tpu.dma_semaphore, #tpu.memory_space<semaphore_mem>>
      %dma_start3A = arith.constant 0 : i32
      %dma_start3A_60 = tpu.memref_slice %arg13[%add3A_12, %dma_start3A] : memref<10240x64xf32, #tpu.memory_space<vmem_shared>> -> memref<128x64xf32, #tpu.memory_space<vmem_shared>>
      %dma_start3A_61 = arith.constant 0 : i32
      %dma_start3A_62 = tpu.memref_slice %arg13[%add3A_12, %dma_start3A_61] : memref<10240x64xf32, #tpu.memory_space<vmem_shared>> -> memref<128x64xf32, #tpu.memory_space<vmem_shared>>
      tpu.enqueue_dma source(%arg8 : memref<128x64xf32, #tpu.memory_space<vmem>>) target(%dma_start3A_62 : memref<128x64xf32, #tpu.memory_space<vmem_shared>>) target_semaphore(%run_scoped3A : memref<!tpu.dma_semaphore, #tpu.memory_space<semaphore_mem>>)
      %dma_wait3A_63 = arith.constant 0 : i32
      %dma_wait3A_64 = tpu.memref_slice %arg13[%add3A_12, %dma_wait3A_63] : memref<10240x64xf32, #tpu.memory_space<vmem_shared>> -> memref<128x64xf32, #tpu.memory_space<vmem_shared>>
      %dma_wait3A_65 = arith.constant 0 : i32
      %dma_wait3A_66 = tpu.memref_slice %arg13[%add3A_12, %dma_wait3A_65] : memref<10240x64xf32, #tpu.memory_space<vmem_shared>> -> memref<128x64xf32, #tpu.memory_space<vmem_shared>>
      tpu.wait_dma2 semaphore(%run_scoped3A : memref<!tpu.dma_semaphore, #tpu.memory_space<semaphore_mem>>) src(%arg8 : memref<128x64xf32, #tpu.memory_space<vmem>>) dst(%dma_wait3A_66 : memref<128x64xf32, #tpu.memory_space<vmem_shared>>)
      tpu.yield
    }) : () -> ()
    %add3A_13 = arith.constant 256 : i32
    %add3A_14 = arith.addi %mul3A_2, %add3A_13 : i32
    "tpu.region"() ({
      %run_scoped3A = tpu.sem_alloc : memref<!tpu.dma_semaphore, #tpu.memory_space<semaphore_mem>>
      %dma_start3A = arith.constant 0 : i32
      %dma_start3A_60 = tpu.memref_slice %arg13[%add3A_14, %dma_start3A] : memref<10240x64xf32, #tpu.memory_space<vmem_shared>> -> memref<128x64xf32, #tpu.memory_space<vmem_shared>>
      %dma_start3A_61 = arith.constant 0 : i32
      %dma_start3A_62 = tpu.memref_slice %arg13[%add3A_14, %dma_start3A_61] : memref<10240x64xf32, #tpu.memory_space<vmem_shared>> -> memref<128x64xf32, #tpu.memory_space<vmem_shared>>
      tpu.enqueue_dma source(%arg8 : memref<128x64xf32, #tpu.memory_space<vmem>>) target(%dma_start3A_62 : memref<128x64xf32, #tpu.memory_space<vmem_shared>>) target_semaphore(%run_scoped3A : memref<!tpu.dma_semaphore, #tpu.memory_space<semaphore_mem>>)
      %dma_wait3A_63 = arith.constant 0 : i32
      %dma_wait3A_64 = tpu.memref_slice %arg13[%add3A_14, %dma_wait3A_63] : memref<10240x64xf32, #tpu.memory_space<vmem_shared>> -> memref<128x64xf32, #tpu.memory_space<vmem_shared>>
      %dma_wait3A_65 = arith.constant 0 : i32
      %dma_wait3A_66 = tpu.memref_slice %arg13[%add3A_14, %dma_wait3A_65] : memref<10240x64xf32, #tpu.memory_space<vmem_shared>> -> memref<128x64xf32, #tpu.memory_space<vmem_shared>>
      tpu.wait_dma2 semaphore(%run_scoped3A : memref<!tpu.dma_semaphore, #tpu.memory_space<semaphore_mem>>) src(%arg8 : memref<128x64xf32, #tpu.memory_space<vmem>>) dst(%dma_wait3A_66 : memref<128x64xf32, #tpu.memory_space<vmem_shared>>)
      tpu.yield
    }) : () -> ()
    %add3A_15 = arith.constant 384 : i32
    %add3A_16 = arith.addi %mul3A_2, %add3A_15 : i32
    "tpu.region"() ({
      %run_scoped3A = tpu.sem_alloc : memref<!tpu.dma_semaphore, #tpu.memory_space<semaphore_mem>>
      %dma_start3A = arith.constant 0 : i32
      %dma_start3A_60 = tpu.memref_slice %arg13[%add3A_16, %dma_start3A] : memref<10240x64xf32, #tpu.memory_space<vmem_shared>> -> memref<128x64xf32, #tpu.memory_space<vmem_shared>>
      %dma_start3A_61 = arith.constant 0 : i32
      %dma_start3A_62 = tpu.memref_slice %arg13[%add3A_16, %dma_start3A_61] : memref<10240x64xf32, #tpu.memory_space<vmem_shared>> -> memref<128x64xf32, #tpu.memory_space<vmem_shared>>
      tpu.enqueue_dma source(%arg8 : memref<128x64xf32, #tpu.memory_space<vmem>>) target(%dma_start3A_62 : memref<128x64xf32, #tpu.memory_space<vmem_shared>>) target_semaphore(%run_scoped3A : memref<!tpu.dma_semaphore, #tpu.memory_space<semaphore_mem>>)
      %dma_wait3A_63 = arith.constant 0 : i32
      %dma_wait3A_64 = tpu.memref_slice %arg13[%add3A_16, %dma_wait3A_63] : memref<10240x64xf32, #tpu.memory_space<vmem_shared>> -> memref<128x64xf32, #tpu.memory_space<vmem_shared>>
      %dma_wait3A_65 = arith.constant 0 : i32
      %dma_wait3A_66 = tpu.memref_slice %arg13[%add3A_16, %dma_wait3A_65] : memref<10240x64xf32, #tpu.memory_space<vmem_shared>> -> memref<128x64xf32, #tpu.memory_space<vmem_shared>>
      tpu.wait_dma2 semaphore(%run_scoped3A : memref<!tpu.dma_semaphore, #tpu.memory_space<semaphore_mem>>) src(%arg8 : memref<128x64xf32, #tpu.memory_space<vmem>>) dst(%dma_wait3A_66 : memref<128x64xf32, #tpu.memory_space<vmem_shared>>)
      tpu.yield
    }) : () -> ()
    %add3A_17 = arith.constant 512 : i32
    %add3A_18 = arith.addi %mul3A_2, %add3A_17 : i32
    "tpu.region"() ({
      %run_scoped3A = tpu.sem_alloc : memref<!tpu.dma_semaphore, #tpu.memory_space<semaphore_mem>>
      %dma_start3A = arith.constant 0 : i32
      %dma_start3A_60 = tpu.memref_slice %arg13[%add3A_18, %dma_start3A] : memref<10240x64xf32, #tpu.memory_space<vmem_shared>> -> memref<128x64xf32, #tpu.memory_space<vmem_shared>>
      %dma_start3A_61 = arith.constant 0 : i32
      %dma_start3A_62 = tpu.memref_slice %arg13[%add3A_18, %dma_start3A_61] : memref<10240x64xf32, #tpu.memory_space<vmem_shared>> -> memref<128x64xf32, #tpu.memory_space<vmem_shared>>
      tpu.enqueue_dma source(%arg8 : memref<128x64xf32, #tpu.memory_space<vmem>>) target(%dma_start3A_62 : memref<128x64xf32, #tpu.memory_space<vmem_shared>>) target_semaphore(%run_scoped3A : memref<!tpu.dma_semaphore, #tpu.memory_space<semaphore_mem>>)
      %dma_wait3A_63 = arith.constant 0 : i32
      %dma_wait3A_64 = tpu.memref_slice %arg13[%add3A_18, %dma_wait3A_63] : memref<10240x64xf32, #tpu.memory_space<vmem_shared>> -> memref<128x64xf32, #tpu.memory_space<vmem_shared>>
      %dma_wait3A_65 = arith.constant 0 : i32
      %dma_wait3A_66 = tpu.memref_slice %arg13[%add3A_18, %dma_wait3A_65] : memref<10240x64xf32, #tpu.memory_space<vmem_shared>> -> memref<128x64xf32, #tpu.memory_space<vmem_shared>>
      tpu.wait_dma2 semaphore(%run_scoped3A : memref<!tpu.dma_semaphore, #tpu.memory_space<semaphore_mem>>) src(%arg8 : memref<128x64xf32, #tpu.memory_space<vmem>>) dst(%dma_wait3A_66 : memref<128x64xf32, #tpu.memory_space<vmem_shared>>)
      tpu.yield
    }) : () -> ()
    "tpu.region"() ({
      %run_scoped3A = tpu.sem_alloc : memref<!tpu.dma_semaphore, #tpu.memory_space<semaphore_mem>>
      %dma_start3A = arith.constant 0 : i32
      %dma_start3A_60 = tpu.memref_slice %arg12[%mul3A_2, %dma_start3A] : memref<10240x64xf32, #tpu.memory_space<vmem_shared>> -> memref<640x64xf32, #tpu.memory_space<vmem_shared>>
      %dma_start3A_61 = arith.constant 0 : i32
      %dma_start3A_62 = tpu.memref_slice %arg4[%mul3A_2, %dma_start3A_61] : memref<10240x64xf32, #tpu.memory_space<hbm>> -> memref<640x64xf32, #tpu.memory_space<hbm>>
      tpu.enqueue_dma source(%dma_start3A_62 : memref<640x64xf32, #tpu.memory_space<hbm>>) target(%dma_start3A_60 : memref<640x64xf32, #tpu.memory_space<vmem_shared>>) target_semaphore(%run_scoped3A : memref<!tpu.dma_semaphore, #tpu.memory_space<semaphore_mem>>)
      %dma_wait3A_63 = arith.constant 0 : i32
      %dma_wait3A_64 = tpu.memref_slice %arg12[%mul3A_2, %dma_wait3A_63] : memref<10240x64xf32, #tpu.memory_space<vmem_shared>> -> memref<640x64xf32, #tpu.memory_space<vmem_shared>>
      %dma_wait3A_65 = arith.constant 0 : i32
      %dma_wait3A_66 = tpu.memref_slice %arg4[%mul3A_2, %dma_wait3A_65] : memref<10240x64xf32, #tpu.memory_space<hbm>> -> memref<640x64xf32, #tpu.memory_space<hbm>>
      tpu.wait_dma2 semaphore(%run_scoped3A : memref<!tpu.dma_semaphore, #tpu.memory_space<semaphore_mem>>) src(%dma_wait3A_66 : memref<640x64xf32, #tpu.memory_space<hbm>>) dst(%dma_wait3A_64 : memref<640x64xf32, #tpu.memory_space<vmem_shared>>)
      tpu.yield
    }) : () -> ()
    %mul3A_19 = arith.constant 40 : i32
    %mul3A_20 = arith.muli %add3A, %mul3A_19 : i32
    "tpu.region"() ({
      %run_scoped3A = tpu.sem_alloc : memref<!tpu.dma_semaphore, #tpu.memory_space<semaphore_mem>>
      %dma_start3A = arith.constant 0 : i32
      %dma_start3A_60 = tpu.memref_slice %arg2[%mul3A_20, %dma_start3A] : memref<1280x128xi32, #tpu.memory_space<hbm>> -> memref<40x128xi32, #tpu.memory_space<hbm>>
      %dma_start3A_61 = arith.constant 0 : i32
      %dma_start3A_62 = tpu.memref_slice %arg2[%mul3A_20, %dma_start3A_61] : memref<1280x128xi32, #tpu.memory_space<hbm>> -> memref<40x128xi32, #tpu.memory_space<hbm>>
      tpu.enqueue_dma source(%dma_start3A_62 : memref<40x128xi32, #tpu.memory_space<hbm>>) target(%arg6 : memref<40x128xi32, #tpu.memory_space<vmem>>) target_semaphore(%run_scoped3A : memref<!tpu.dma_semaphore, #tpu.memory_space<semaphore_mem>>)
      %dma_wait3A_63 = arith.constant 0 : i32
      %dma_wait3A_64 = tpu.memref_slice %arg2[%mul3A_20, %dma_wait3A_63] : memref<1280x128xi32, #tpu.memory_space<hbm>> -> memref<40x128xi32, #tpu.memory_space<hbm>>
      %dma_wait3A_65 = arith.constant 0 : i32
      %dma_wait3A_66 = tpu.memref_slice %arg2[%mul3A_20, %dma_wait3A_65] : memref<1280x128xi32, #tpu.memory_space<hbm>> -> memref<40x128xi32, #tpu.memory_space<hbm>>
      tpu.wait_dma2 semaphore(%run_scoped3A : memref<!tpu.dma_semaphore, #tpu.memory_space<semaphore_mem>>) src(%dma_wait3A_66 : memref<40x128xi32, #tpu.memory_space<hbm>>) dst(%arg6 : memref<40x128xi32, #tpu.memory_space<vmem>>)
      tpu.yield
    }) : () -> ()
    %mul3A_21 = arith.constant 40 : i32
    %mul3A_22 = arith.muli %add3A, %mul3A_21 : i32
    "tpu.region"() ({
      %run_scoped3A = tpu.sem_alloc : memref<!tpu.dma_semaphore, #tpu.memory_space<semaphore_mem>>
      %dma_start3A = arith.constant 0 : i32
      %dma_start3A_60 = tpu.memref_slice %arg3[%mul3A_22, %dma_start3A] : memref<1280x128xi32, #tpu.memory_space<hbm>> -> memref<40x128xi32, #tpu.memory_space<hbm>>
      %dma_start3A_61 = arith.constant 0 : i32
      %dma_start3A_62 = tpu.memref_slice %arg3[%mul3A_22, %dma_start3A_61] : memref<1280x128xi32, #tpu.memory_space<hbm>> -> memref<40x128xi32, #tpu.memory_space<hbm>>
      tpu.enqueue_dma source(%dma_start3A_62 : memref<40x128xi32, #tpu.memory_space<hbm>>) target(%arg7 : memref<40x128xi32, #tpu.memory_space<vmem>>) target_semaphore(%run_scoped3A : memref<!tpu.dma_semaphore, #tpu.memory_space<semaphore_mem>>)
      %dma_wait3A_63 = arith.constant 0 : i32
      %dma_wait3A_64 = tpu.memref_slice %arg3[%mul3A_22, %dma_wait3A_63] : memref<1280x128xi32, #tpu.memory_space<hbm>> -> memref<40x128xi32, #tpu.memory_space<hbm>>
      %dma_wait3A_65 = arith.constant 0 : i32
      %dma_wait3A_66 = tpu.memref_slice %arg3[%mul3A_22, %dma_wait3A_65] : memref<1280x128xi32, #tpu.memory_space<hbm>> -> memref<40x128xi32, #tpu.memory_space<hbm>>
      tpu.wait_dma2 semaphore(%run_scoped3A : memref<!tpu.dma_semaphore, #tpu.memory_space<semaphore_mem>>) src(%dma_wait3A_66 : memref<40x128xi32, #tpu.memory_space<hbm>>) dst(%arg7 : memref<40x128xi32, #tpu.memory_space<vmem>>)
      tpu.yield
    }) : () -> ()
    %barrier3A = arith.constant 0 : index
    tpu.barrier barrier_id(%barrier3A)
    %scan3A_23 = arith.constant 0 : i32
    %scan3A_24 = arith.constant 0 : i32
    %scan3A_25 = arith.constant 10 : i32
    %scan3A_26 = arith.addi %scan3A_24, %scan3A_25 : i32
    %scan3A_27 = arith.constant 1 : i32
    scf.for %scan3A_60 = %scan3A_24 to %scan3A_26 step %scan3A_27  : i32 {
      %mul3A_61 = arith.constant 4 : i32
      %mul3A_62 = arith.muli %scan3A_60, %mul3A_61 : i32
      %add3A_63 = arith.constant 0 : i32
      %add3A_64 = arith.addi %mul3A_62, %add3A_63 : i32
      %gt3A = arith.constant 0 : i32
      %gt3A_65 = arith.cmpi sgt, %scan3A_60, %gt3A : i32
      %convert_element_type3A = arith.extui %gt3A_65 : i1 to i32
      %cond3A = arith.constant 0 : i32
      %cond3A_66 = arith.cmpi ne, %convert_element_type3A, %cond3A : i32
      scf.if %cond3A_66 {
        %dma_wait3A_181 = arith.constant 0 : i32
        %dma_wait3A_182 = tpu.memref_slice %arg7[%add3A_64, %dma_wait3A_181] : memref<40x128xi32, #tpu.memory_space<vmem>> -> memref<1x128xi32, #tpu.memory_space<vmem>>
        %dma_wait3A_183 = tpu.memref_squeeze %dma_wait3A_182 : memref<1x128xi32, #tpu.memory_space<vmem>> -> memref<128xi32, #tpu.memory_space<vmem>>
        %dma_wait3A_184 = arith.constant 0 : i32
        %dma_wait3A_185 = arith.constant 0 : i32
        %dma_wait3A_186 = tpu.memref_slice %arg13[%dma_wait3A_184, %dma_wait3A_185] : memref<10240x64xf32, #tpu.memory_space<vmem_shared>> -> memref<10240x64xf32, #tpu.memory_space<vmem_shared>>
        tpu.wait_indirect_dma semaphore(%arg18 : memref<!tpu.dma_semaphore, #tpu.memory_space<semaphore_mem>>) src(%arg8 : memref<128x64xf32, #tpu.memory_space<vmem>>) dst(%dma_wait3A_186 : memref<10240x64xf32, #tpu.memory_space<vmem_shared>>)
      } else {
      }
      %dma_start3A = arith.constant 0 : i32
      %dma_start3A_67 = tpu.memref_slice %arg6[%add3A_64, %dma_start3A] : memref<40x128xi32, #tpu.memory_space<vmem>> -> memref<1x128xi32, #tpu.memory_space<vmem>>
      %dma_start3A_68 = tpu.memref_squeeze %dma_start3A_67 : memref<1x128xi32, #tpu.memory_space<vmem>> -> memref<128xi32, #tpu.memory_space<vmem>>
      %dma_start3A_69 = arith.constant 0 : i32
      %dma_start3A_70 = arith.constant 0 : i32
      %dma_start3A_71 = tpu.memref_slice %arg12[%dma_start3A_69, %dma_start3A_70] : memref<10240x64xf32, #tpu.memory_space<vmem_shared>> -> memref<10240x64xf32, #tpu.memory_space<vmem_shared>>
      tpu.enqueue_indirect_dma source(%dma_start3A_71 : memref<10240x64xf32, #tpu.memory_space<vmem_shared>>) target(%arg8 : memref<128x64xf32, #tpu.memory_space<vmem>>) offsets(%dma_start3A_68 : memref<128xi32, #tpu.memory_space<vmem>>) semaphore(%arg14 : memref<!tpu.dma_semaphore, #tpu.memory_space<semaphore_mem>>)
      %mul3A_72 = arith.constant 4 : i32
      %mul3A_73 = arith.muli %scan3A_60, %mul3A_72 : i32
      %add3A_74 = arith.constant 1 : i32
      %add3A_75 = arith.addi %mul3A_73, %add3A_74 : i32
      %gt3A_76 = arith.constant 0 : i32
      %gt3A_77 = arith.cmpi sgt, %scan3A_60, %gt3A_76 : i32
      %convert_element_type3A_78 = arith.extui %gt3A_77 : i1 to i32
      %cond3A_79 = arith.constant 0 : i32
      %cond3A_80 = arith.cmpi ne, %convert_element_type3A_78, %cond3A_79 : i32
      scf.if %cond3A_80 {
        %dma_wait3A_181 = arith.constant 0 : i32
        %dma_wait3A_182 = tpu.memref_slice %arg7[%add3A_75, %dma_wait3A_181] : memref<40x128xi32, #tpu.memory_space<vmem>> -> memref<1x128xi32, #tpu.memory_space<vmem>>
        %dma_wait3A_183 = tpu.memref_squeeze %dma_wait3A_182 : memref<1x128xi32, #tpu.memory_space<vmem>> -> memref<128xi32, #tpu.memory_space<vmem>>
        %dma_wait3A_184 = arith.constant 0 : i32
        %dma_wait3A_185 = arith.constant 0 : i32
        %dma_wait3A_186 = tpu.memref_slice %arg13[%dma_wait3A_184, %dma_wait3A_185] : memref<10240x64xf32, #tpu.memory_space<vmem_shared>> -> memref<10240x64xf32, #tpu.memory_space<vmem_shared>>
        tpu.wait_indirect_dma semaphore(%arg19 : memref<!tpu.dma_semaphore, #tpu.memory_space<semaphore_mem>>) src(%arg9 : memref<128x64xf32, #tpu.memory_space<vmem>>) dst(%dma_wait3A_186 : memref<10240x64xf32, #tpu.memory_space<vmem_shared>>)
      } else {
      }
      %dma_start3A_81 = arith.constant 0 : i32
      %dma_start3A_82 = tpu.memref_slice %arg6[%add3A_75, %dma_start3A_81] : memref<40x128xi32, #tpu.memory_space<vmem>> -> memref<1x128xi32, #tpu.memory_space<vmem>>
      %dma_start3A_83 = tpu.memref_squeeze %dma_start3A_82 : memref<1x128xi32, #tpu.memory_space<vmem>> -> memref<128xi32, #tpu.memory_space<vmem>>
      %dma_start3A_84 = arith.constant 0 : i32
      %dma_start3A_85 = arith.constant 0 : i32
      %dma_start3A_86 = tpu.memref_slice %arg12[%dma_start3A_84, %dma_start3A_85] : memref<10240x64xf32, #tpu.memory_space<vmem_shared>> -> memref<10240x64xf32, #tpu.memory_space<vmem_shared>>
      tpu.enqueue_indirect_dma source(%dma_start3A_86 : memref<10240x64xf32, #tpu.memory_space<vmem_shared>>) target(%arg9 : memref<128x64xf32, #tpu.memory_space<vmem>>) offsets(%dma_start3A_83 : memref<128xi32, #tpu.memory_space<vmem>>) semaphore(%arg15 : memref<!tpu.dma_semaphore, #tpu.memory_space<semaphore_mem>>)
      %mul3A_87 = arith.constant 4 : i32
      %mul3A_88 = arith.muli %scan3A_60, %mul3A_87 : i32
      %add3A_89 = arith.constant 2 : i32
      %add3A_90 = arith.addi %mul3A_88, %add3A_89 : i32
      %gt3A_91 = arith.constant 0 : i32
      %gt3A_92 = arith.cmpi sgt, %scan3A_60, %gt3A_91 : i32
      %convert_element_type3A_93 = arith.extui %gt3A_92 : i1 to i32
      %cond3A_94 = arith.constant 0 : i32
      %cond3A_95 = arith.cmpi ne, %convert_element_type3A_93, %cond3A_94 : i32
      scf.if %cond3A_95 {
        %dma_wait3A_181 = arith.constant 0 : i32
        %dma_wait3A_182 = tpu.memref_slice %arg7[%add3A_90, %dma_wait3A_181] : memref<40x128xi32, #tpu.memory_space<vmem>> -> memref<1x128xi32, #tpu.memory_space<vmem>>
        %dma_wait3A_183 = tpu.memref_squeeze %dma_wait3A_182 : memref<1x128xi32, #tpu.memory_space<vmem>> -> memref<128xi32, #tpu.memory_space<vmem>>
        %dma_wait3A_184 = arith.constant 0 : i32
        %dma_wait3A_185 = arith.constant 0 : i32
        %dma_wait3A_186 = tpu.memref_slice %arg13[%dma_wait3A_184, %dma_wait3A_185] : memref<10240x64xf32, #tpu.memory_space<vmem_shared>> -> memref<10240x64xf32, #tpu.memory_space<vmem_shared>>
        tpu.wait_indirect_dma semaphore(%arg20 : memref<!tpu.dma_semaphore, #tpu.memory_space<semaphore_mem>>) src(%arg10 : memref<128x64xf32, #tpu.memory_space<vmem>>) dst(%dma_wait3A_186 : memref<10240x64xf32, #tpu.memory_space<vmem_shared>>)
      } else {
      }
      %dma_start3A_96 = arith.constant 0 : i32
      %dma_start3A_97 = tpu.memref_slice %arg6[%add3A_90, %dma_start3A_96] : memref<40x128xi32, #tpu.memory_space<vmem>> -> memref<1x128xi32, #tpu.memory_space<vmem>>
      %dma_start3A_98 = tpu.memref_squeeze %dma_start3A_97 : memref<1x128xi32, #tpu.memory_space<vmem>> -> memref<128xi32, #tpu.memory_space<vmem>>
      %dma_start3A_99 = arith.constant 0 : i32
      %dma_start3A_100 = arith.constant 0 : i32
      %dma_start3A_101 = tpu.memref_slice %arg12[%dma_start3A_99, %dma_start3A_100] : memref<10240x64xf32, #tpu.memory_space<vmem_shared>> -> memref<10240x64xf32, #tpu.memory_space<vmem_shared>>
      tpu.enqueue_indirect_dma source(%dma_start3A_101 : memref<10240x64xf32, #tpu.memory_space<vmem_shared>>) target(%arg10 : memref<128x64xf32, #tpu.memory_space<vmem>>) offsets(%dma_start3A_98 : memref<128xi32, #tpu.memory_space<vmem>>) semaphore(%arg16 : memref<!tpu.dma_semaphore, #tpu.memory_space<semaphore_mem>>)
      %mul3A_102 = arith.constant 4 : i32
      %mul3A_103 = arith.muli %scan3A_60, %mul3A_102 : i32
      %add3A_104 = arith.constant 3 : i32
      %add3A_105 = arith.addi %mul3A_103, %add3A_104 : i32
      %gt3A_106 = arith.constant 0 : i32
      %gt3A_107 = arith.cmpi sgt, %scan3A_60, %gt3A_106 : i32
      %convert_element_type3A_108 = arith.extui %gt3A_107 : i1 to i32
      %cond3A_109 = arith.constant 0 : i32
      %cond3A_110 = arith.cmpi ne, %convert_element_type3A_108, %cond3A_109 : i32
      scf.if %cond3A_110 {
        %dma_wait3A_181 = arith.constant 0 : i32
        %dma_wait3A_182 = tpu.memref_slice %arg7[%add3A_105, %dma_wait3A_181] : memref<40x128xi32, #tpu.memory_space<vmem>> -> memref<1x128xi32, #tpu.memory_space<vmem>>
        %dma_wait3A_183 = tpu.memref_squeeze %dma_wait3A_182 : memref<1x128xi32, #tpu.memory_space<vmem>> -> memref<128xi32, #tpu.memory_space<vmem>>
        %dma_wait3A_184 = arith.constant 0 : i32
        %dma_wait3A_185 = arith.constant 0 : i32
        %dma_wait3A_186 = tpu.memref_slice %arg13[%dma_wait3A_184, %dma_wait3A_185] : memref<10240x64xf32, #tpu.memory_space<vmem_shared>> -> memref<10240x64xf32, #tpu.memory_space<vmem_shared>>
        tpu.wait_indirect_dma semaphore(%arg21 : memref<!tpu.dma_semaphore, #tpu.memory_space<semaphore_mem>>) src(%arg11 : memref<128x64xf32, #tpu.memory_space<vmem>>) dst(%dma_wait3A_186 : memref<10240x64xf32, #tpu.memory_space<vmem_shared>>)
      } else {
      }
      %dma_start3A_111 = arith.constant 0 : i32
      %dma_start3A_112 = tpu.memref_slice %arg6[%add3A_105, %dma_start3A_111] : memref<40x128xi32, #tpu.memory_space<vmem>> -> memref<1x128xi32, #tpu.memory_space<vmem>>
      %dma_start3A_113 = tpu.memref_squeeze %dma_start3A_112 : memref<1x128xi32, #tpu.memory_space<vmem>> -> memref<128xi32, #tpu.memory_space<vmem>>
      %dma_start3A_114 = arith.constant 0 : i32
      %dma_start3A_115 = arith.constant 0 : i32
      %dma_start3A_116 = tpu.memref_slice %arg12[%dma_start3A_114, %dma_start3A_115] : memref<10240x64xf32, #tpu.memory_space<vmem_shared>> -> memref<10240x64xf32, #tpu.memory_space<vmem_shared>>
      tpu.enqueue_indirect_dma source(%dma_start3A_116 : memref<10240x64xf32, #tpu.memory_space<vmem_shared>>) target(%arg11 : memref<128x64xf32, #tpu.memory_space<vmem>>) offsets(%dma_start3A_113 : memref<128xi32, #tpu.memory_space<vmem>>) semaphore(%arg17 : memref<!tpu.dma_semaphore, #tpu.memory_space<semaphore_mem>>)
      %mul3A_117 = arith.constant 4 : i32
      %mul3A_118 = arith.muli %scan3A_60, %mul3A_117 : i32
      %add3A_119 = arith.constant 0 : i32
      %add3A_120 = arith.addi %mul3A_118, %add3A_119 : i32
      %dma_wait3A_121 = arith.constant 0 : i32
      %dma_wait3A_122 = tpu.memref_slice %arg6[%add3A_64, %dma_wait3A_121] : memref<40x128xi32, #tpu.memory_space<vmem>> -> memref<1x128xi32, #tpu.memory_space<vmem>>
      %dma_wait3A_123 = tpu.memref_squeeze %dma_wait3A_122 : memref<1x128xi32, #tpu.memory_space<vmem>> -> memref<128xi32, #tpu.memory_space<vmem>>
      %dma_wait3A_124 = arith.constant 0 : i32
      %dma_wait3A_125 = arith.constant 0 : i32
      %dma_wait3A_126 = tpu.memref_slice %arg12[%dma_wait3A_124, %dma_wait3A_125] : memref<10240x64xf32, #tpu.memory_space<vmem_shared>> -> memref<10240x64xf32, #tpu.memory_space<vmem_shared>>
      tpu.wait_indirect_dma semaphore(%arg14 : memref<!tpu.dma_semaphore, #tpu.memory_space<semaphore_mem>>) src(%dma_wait3A_126 : memref<10240x64xf32, #tpu.memory_space<vmem_shared>>) dst(%arg8 : memref<128x64xf32, #tpu.memory_space<vmem>>)
      %dma_start3A_127 = arith.constant 0 : i32
      %dma_start3A_128 = tpu.memref_slice %arg7[%add3A_120, %dma_start3A_127] : memref<40x128xi32, #tpu.memory_space<vmem>> -> memref<1x128xi32, #tpu.memory_space<vmem>>
      %dma_start3A_129 = tpu.memref_squeeze %dma_start3A_128 : memref<1x128xi32, #tpu.memory_space<vmem>> -> memref<128xi32, #tpu.memory_space<vmem>>
      %dma_start3A_130 = arith.constant 0 : i32
      %dma_start3A_131 = arith.constant 0 : i32
      %dma_start3A_132 = tpu.memref_slice %arg13[%dma_start3A_130, %dma_start3A_131] : memref<10240x64xf32, #tpu.memory_space<vmem_shared>> -> memref<10240x64xf32, #tpu.memory_space<vmem_shared>>
      tpu.enqueue_indirect_dma source(%arg8 : memref<128x64xf32, #tpu.memory_space<vmem>>) target(%dma_start3A_132 : memref<10240x64xf32, #tpu.memory_space<vmem_shared>>) offsets(%dma_start3A_129 : memref<128xi32, #tpu.memory_space<vmem>>) semaphore(%arg18 : memref<!tpu.dma_semaphore, #tpu.memory_space<semaphore_mem>>) {add = true}
      %mul3A_133 = arith.constant 4 : i32
      %mul3A_134 = arith.muli %scan3A_60, %mul3A_133 : i32
      %add3A_135 = arith.constant 1 : i32
      %add3A_136 = arith.addi %mul3A_134, %add3A_135 : i32
      %dma_wait3A_137 = arith.constant 0 : i32
      %dma_wait3A_138 = tpu.memref_slice %arg6[%add3A_75, %dma_wait3A_137] : memref<40x128xi32, #tpu.memory_space<vmem>> -> memref<1x128xi32, #tpu.memory_space<vmem>>
      %dma_wait3A_139 = tpu.memref_squeeze %dma_wait3A_138 : memref<1x128xi32, #tpu.memory_space<vmem>> -> memref<128xi32, #tpu.memory_space<vmem>>
      %dma_wait3A_140 = arith.constant 0 : i32
      %dma_wait3A_141 = arith.constant 0 : i32
      %dma_wait3A_142 = tpu.memref_slice %arg12[%dma_wait3A_140, %dma_wait3A_141] : memref<10240x64xf32, #tpu.memory_space<vmem_shared>> -> memref<10240x64xf32, #tpu.memory_space<vmem_shared>>
      tpu.wait_indirect_dma semaphore(%arg15 : memref<!tpu.dma_semaphore, #tpu.memory_space<semaphore_mem>>) src(%dma_wait3A_142 : memref<10240x64xf32, #tpu.memory_space<vmem_shared>>) dst(%arg9 : memref<128x64xf32, #tpu.memory_space<vmem>>)
      %dma_start3A_143 = arith.constant 0 : i32
      %dma_start3A_144 = tpu.memref_slice %arg7[%add3A_136, %dma_start3A_143] : memref<40x128xi32, #tpu.memory_space<vmem>> -> memref<1x128xi32, #tpu.memory_space<vmem>>
      %dma_start3A_145 = tpu.memref_squeeze %dma_start3A_144 : memref<1x128xi32, #tpu.memory_space<vmem>> -> memref<128xi32, #tpu.memory_space<vmem>>
      %dma_start3A_146 = arith.constant 0 : i32
      %dma_start3A_147 = arith.constant 0 : i32
      %dma_start3A_148 = tpu.memref_slice %arg13[%dma_start3A_146, %dma_start3A_147] : memref<10240x64xf32, #tpu.memory_space<vmem_shared>> -> memref<10240x64xf32, #tpu.memory_space<vmem_shared>>
      tpu.enqueue_indirect_dma source(%arg9 : memref<128x64xf32, #tpu.memory_space<vmem>>) target(%dma_start3A_148 : memref<10240x64xf32, #tpu.memory_space<vmem_shared>>) offsets(%dma_start3A_145 : memref<128xi32, #tpu.memory_space<vmem>>) semaphore(%arg19 : memref<!tpu.dma_semaphore, #tpu.memory_space<semaphore_mem>>) {add = true}
      %mul3A_149 = arith.constant 4 : i32
      %mul3A_150 = arith.muli %scan3A_60, %mul3A_149 : i32
      %add3A_151 = arith.constant 2 : i32
      %add3A_152 = arith.addi %mul3A_150, %add3A_151 : i32
      %dma_wait3A_153 = arith.constant 0 : i32
      %dma_wait3A_154 = tpu.memref_slice %arg6[%add3A_90, %dma_wait3A_153] : memref<40x128xi32, #tpu.memory_space<vmem>> -> memref<1x128xi32, #tpu.memory_space<vmem>>
      %dma_wait3A_155 = tpu.memref_squeeze %dma_wait3A_154 : memref<1x128xi32, #tpu.memory_space<vmem>> -> memref<128xi32, #tpu.memory_space<vmem>>
      %dma_wait3A_156 = arith.constant 0 : i32
      %dma_wait3A_157 = arith.constant 0 : i32
      %dma_wait3A_158 = tpu.memref_slice %arg12[%dma_wait3A_156, %dma_wait3A_157] : memref<10240x64xf32, #tpu.memory_space<vmem_shared>> -> memref<10240x64xf32, #tpu.memory_space<vmem_shared>>
      tpu.wait_indirect_dma semaphore(%arg16 : memref<!tpu.dma_semaphore, #tpu.memory_space<semaphore_mem>>) src(%dma_wait3A_158 : memref<10240x64xf32, #tpu.memory_space<vmem_shared>>) dst(%arg10 : memref<128x64xf32, #tpu.memory_space<vmem>>)
      %dma_start3A_159 = arith.constant 0 : i32
      %dma_start3A_160 = tpu.memref_slice %arg7[%add3A_152, %dma_start3A_159] : memref<40x128xi32, #tpu.memory_space<vmem>> -> memref<1x128xi32, #tpu.memory_space<vmem>>
      %dma_start3A_161 = tpu.memref_squeeze %dma_start3A_160 : memref<1x128xi32, #tpu.memory_space<vmem>> -> memref<128xi32, #tpu.memory_space<vmem>>
      %dma_start3A_162 = arith.constant 0 : i32
      %dma_start3A_163 = arith.constant 0 : i32
      %dma_start3A_164 = tpu.memref_slice %arg13[%dma_start3A_162, %dma_start3A_163] : memref<10240x64xf32, #tpu.memory_space<vmem_shared>> -> memref<10240x64xf32, #tpu.memory_space<vmem_shared>>
      tpu.enqueue_indirect_dma source(%arg10 : memref<128x64xf32, #tpu.memory_space<vmem>>) target(%dma_start3A_164 : memref<10240x64xf32, #tpu.memory_space<vmem_shared>>) offsets(%dma_start3A_161 : memref<128xi32, #tpu.memory_space<vmem>>) semaphore(%arg20 : memref<!tpu.dma_semaphore, #tpu.memory_space<semaphore_mem>>) {add = true}
      %mul3A_165 = arith.constant 4 : i32
      %mul3A_166 = arith.muli %scan3A_60, %mul3A_165 : i32
      %add3A_167 = arith.constant 3 : i32
      %add3A_168 = arith.addi %mul3A_166, %add3A_167 : i32
      %dma_wait3A_169 = arith.constant 0 : i32
      %dma_wait3A_170 = tpu.memref_slice %arg6[%add3A_105, %dma_wait3A_169] : memref<40x128xi32, #tpu.memory_space<vmem>> -> memref<1x128xi32, #tpu.memory_space<vmem>>
      %dma_wait3A_171 = tpu.memref_squeeze %dma_wait3A_170 : memref<1x128xi32, #tpu.memory_space<vmem>> -> memref<128xi32, #tpu.memory_space<vmem>>
      %dma_wait3A_172 = arith.constant 0 : i32
      %dma_wait3A_173 = arith.constant 0 : i32
      %dma_wait3A_174 = tpu.memref_slice %arg12[%dma_wait3A_172, %dma_wait3A_173] : memref<10240x64xf32, #tpu.memory_space<vmem_shared>> -> memref<10240x64xf32, #tpu.memory_space<vmem_shared>>
      tpu.wait_indirect_dma semaphore(%arg17 : memref<!tpu.dma_semaphore, #tpu.memory_space<semaphore_mem>>) src(%dma_wait3A_174 : memref<10240x64xf32, #tpu.memory_space<vmem_shared>>) dst(%arg11 : memref<128x64xf32, #tpu.memory_space<vmem>>)
      %dma_start3A_175 = arith.constant 0 : i32
      %dma_start3A_176 = tpu.memref_slice %arg7[%add3A_168, %dma_start3A_175] : memref<40x128xi32, #tpu.memory_space<vmem>> -> memref<1x128xi32, #tpu.memory_space<vmem>>
      %dma_start3A_177 = tpu.memref_squeeze %dma_start3A_176 : memref<1x128xi32, #tpu.memory_space<vmem>> -> memref<128xi32, #tpu.memory_space<vmem>>
      %dma_start3A_178 = arith.constant 0 : i32
      %dma_start3A_179 = arith.constant 0 : i32
      %dma_start3A_180 = tpu.memref_slice %arg13[%dma_start3A_178, %dma_start3A_179] : memref<10240x64xf32, #tpu.memory_space<vmem_shared>> -> memref<10240x64xf32, #tpu.memory_space<vmem_shared>>
      tpu.enqueue_indirect_dma source(%arg11 : memref<128x64xf32, #tpu.memory_space<vmem>>) target(%dma_start3A_180 : memref<10240x64xf32, #tpu.memory_space<vmem_shared>>) offsets(%dma_start3A_177 : memref<128xi32, #tpu.memory_space<vmem>>) semaphore(%arg21 : memref<!tpu.dma_semaphore, #tpu.memory_space<semaphore_mem>>) {add = true}
    }
    %scan3A_28 = arith.constant 10 : i32
    %dma_wait3A = arith.constant 0 : i32
    %dma_wait3A_29 = arith.constant 0 : i32
    %dma_wait3A_30 = tpu.memref_slice %arg7[%dma_wait3A, %dma_wait3A_29] : memref<40x128xi32, #tpu.memory_space<vmem>> -> memref<1x128xi32, #tpu.memory_space<vmem>>
    %dma_wait3A_31 = tpu.memref_squeeze %dma_wait3A_30 : memref<1x128xi32, #tpu.memory_space<vmem>> -> memref<128xi32, #tpu.memory_space<vmem>>
    %dma_wait3A_32 = arith.constant 0 : i32
    %dma_wait3A_33 = arith.constant 0 : i32
    %dma_wait3A_34 = tpu.memref_slice %arg13[%dma_wait3A_32, %dma_wait3A_33] : memref<10240x64xf32, #tpu.memory_space<vmem_shared>> -> memref<10240x64xf32, #tpu.memory_space<vmem_shared>>
    tpu.wait_indirect_dma semaphore(%arg18 : memref<!tpu.dma_semaphore, #tpu.memory_space<semaphore_mem>>) src(%arg8 : memref<128x64xf32, #tpu.memory_space<vmem>>) dst(%dma_wait3A_34 : memref<10240x64xf32, #tpu.memory_space<vmem_shared>>)
    %dma_wait3A_35 = arith.constant 1 : i32
    %dma_wait3A_36 = arith.constant 0 : i32
    %dma_wait3A_37 = tpu.memref_slice %arg7[%dma_wait3A_35, %dma_wait3A_36] : memref<40x128xi32, #tpu.memory_space<vmem>> -> memref<1x128xi32, #tpu.memory_space<vmem>>
    %dma_wait3A_38 = tpu.memref_squeeze %dma_wait3A_37 : memref<1x128xi32, #tpu.memory_space<vmem>> -> memref<128xi32, #tpu.memory_space<vmem>>
    %dma_wait3A_39 = arith.constant 0 : i32
    %dma_wait3A_40 = arith.constant 0 : i32
    %dma_wait3A_41 = tpu.memref_slice %arg13[%dma_wait3A_39, %dma_wait3A_40] : memref<10240x64xf32, #tpu.memory_space<vmem_shared>> -> memref<10240x64xf32, #tpu.memory_space<vmem_shared>>
    tpu.wait_indirect_dma semaphore(%arg19 : memref<!tpu.dma_semaphore, #tpu.memory_space<semaphore_mem>>) src(%arg9 : memref<128x64xf32, #tpu.memory_space<vmem>>) dst(%dma_wait3A_41 : memref<10240x64xf32, #tpu.memory_space<vmem_shared>>)
    %dma_wait3A_42 = arith.constant 2 : i32
    %dma_wait3A_43 = arith.constant 0 : i32
    %dma_wait3A_44 = tpu.memref_slice %arg7[%dma_wait3A_42, %dma_wait3A_43] : memref<40x128xi32, #tpu.memory_space<vmem>> -> memref<1x128xi32, #tpu.memory_space<vmem>>
    %dma_wait3A_45 = tpu.memref_squeeze %dma_wait3A_44 : memref<1x128xi32, #tpu.memory_space<vmem>> -> memref<128xi32, #tpu.memory_space<vmem>>
    %dma_wait3A_46 = arith.constant 0 : i32
    %dma_wait3A_47 = arith.constant 0 : i32
    %dma_wait3A_48 = tpu.memref_slice %arg13[%dma_wait3A_46, %dma_wait3A_47] : memref<10240x64xf32, #tpu.memory_space<vmem_shared>> -> memref<10240x64xf32, #tpu.memory_space<vmem_shared>>
    tpu.wait_indirect_dma semaphore(%arg20 : memref<!tpu.dma_semaphore, #tpu.memory_space<semaphore_mem>>) src(%arg10 : memref<128x64xf32, #tpu.memory_space<vmem>>) dst(%dma_wait3A_48 : memref<10240x64xf32, #tpu.memory_space<vmem_shared>>)
    %dma_wait3A_49 = arith.constant 3 : i32
    %dma_wait3A_50 = arith.constant 0 : i32
    %dma_wait3A_51 = tpu.memref_slice %arg7[%dma_wait3A_49, %dma_wait3A_50] : memref<40x128xi32, #tpu.memory_space<vmem>> -> memref<1x128xi32, #tpu.memory_space<vmem>>
    %dma_wait3A_52 = tpu.memref_squeeze %dma_wait3A_51 : memref<1x128xi32, #tpu.memory_space<vmem>> -> memref<128xi32, #tpu.memory_space<vmem>>
    %dma_wait3A_53 = arith.constant 0 : i32
    %dma_wait3A_54 = arith.constant 0 : i32
    %dma_wait3A_55 = tpu.memref_slice %arg13[%dma_wait3A_53, %dma_wait3A_54] : memref<10240x64xf32, #tpu.memory_space<vmem_shared>> -> memref<10240x64xf32, #tpu.memory_space<vmem_shared>>
    tpu.wait_indirect_dma semaphore(%arg21 : memref<!tpu.dma_semaphore, #tpu.memory_space<semaphore_mem>>) src(%arg11 : memref<128x64xf32, #tpu.memory_space<vmem>>) dst(%dma_wait3A_55 : memref<10240x64xf32, #tpu.memory_space<vmem_shared>>)
    %barrier3A_56 = arith.constant 0 : index
    tpu.barrier barrier_id(%barrier3A_56)
    %mul3A_57 = arith.constant 16 : i32
    %mul3A_58 = arith.muli %arg0, %mul3A_57 : i32
    %add3A_59 = arith.addi %mul3A_58, %arg1 : i32
    "tpu.region"() ({
      %run_scoped3A = tpu.sem_alloc : memref<!tpu.dma_semaphore, #tpu.memory_space<semaphore_mem>>
      %dma_start3A = arith.constant 0 : i32
      %dma_start3A_60 = arith.constant 0 : i32
      %dma_start3A_61 = tpu.memref_slice %arg5[%add3A_59, %dma_start3A, %dma_start3A_60] : memref<32x640x64xf32, #tpu.memory_space<hbm>> -> memref<1x640x64xf32, #tpu.memory_space<hbm>>
      %dma_start3A_62 = tpu.memref_squeeze %dma_start3A_61 : memref<1x640x64xf32, #tpu.memory_space<hbm>> -> memref<640x64xf32, #tpu.memory_space<hbm>>
      %dma_start3A_63 = arith.constant 0 : i32
      %dma_start3A_64 = tpu.memref_slice %arg13[%mul3A_2, %dma_start3A_63] : memref<10240x64xf32, #tpu.memory_space<vmem_shared>> -> memref<640x64xf32, #tpu.memory_space<vmem_shared>>
      tpu.enqueue_dma source(%dma_start3A_64 : memref<640x64xf32, #tpu.memory_space<vmem_shared>>) target(%dma_start3A_62 : memref<640x64xf32, #tpu.memory_space<hbm>>) target_semaphore(%run_scoped3A : memref<!tpu.dma_semaphore, #tpu.memory_space<semaphore_mem>>)
      %dma_wait3A_65 = arith.constant 0 : i32
      %dma_wait3A_66 = arith.constant 0 : i32
      %dma_wait3A_67 = tpu.memref_slice %arg5[%add3A_59, %dma_wait3A_65, %dma_wait3A_66] : memref<32x640x64xf32, #tpu.memory_space<hbm>> -> memref<1x640x64xf32, #tpu.memory_space<hbm>>
      %dma_wait3A_68 = tpu.memref_squeeze %dma_wait3A_67 : memref<1x640x64xf32, #tpu.memory_space<hbm>> -> memref<640x64xf32, #tpu.memory_space<hbm>>
      %dma_wait3A_69 = arith.constant 0 : i32
      %dma_wait3A_70 = tpu.memref_slice %arg13[%mul3A_2, %dma_wait3A_69] : memref<10240x64xf32, #tpu.memory_space<vmem_shared>> -> memref<640x64xf32, #tpu.memory_space<vmem_shared>>
      tpu.wait_dma2 semaphore(%run_scoped3A : memref<!tpu.dma_semaphore, #tpu.memory_space<semaphore_mem>>) src(%dma_wait3A_70 : memref<640x64xf32, #tpu.memory_space<vmem_shared>>) dst(%dma_wait3A_68 : memref<640x64xf32, #tpu.memory_space<hbm>>)
      tpu.yield
    }) : () -> ()
    return
  }
}

#map = affine_map<(d0, d1) -> (0, 0)>
#map1 = affine_map<(d0, d1) -> (0, 0, 0)>
module attributes {stable_mosaic.version = 14 : i64} {
  func.func @body(%arg0: i32, %arg1: i32, %arg2: memref<1280x128xi32, #tpu.memory_space<hbm>>, %arg3: memref<1280x128xi32, #tpu.memory_space<hbm>>, %arg4: memref<10240x64xf32, #tpu.memory_space<hbm>>, %arg5: memref<32x640x64xf32, #tpu.memory_space<hbm>>, %arg6: memref<40x128xi32, #tpu.memory_space<vmem>>, %arg7: memref<40x128xi32, #tpu.memory_space<vmem>>, %arg8: memref<128x64xf32, #tpu.memory_space<vmem>>, %arg9: memref<128x64xf32, #tpu.memory_space<vmem>>, %arg10: memref<128x64xf32, #tpu.memory_space<vmem>>, %arg11: memref<128x64xf32, #tpu.memory_space<vmem>>, %arg12: memref<10240x64xf32, #tpu.memory_space<vmem_shared>>, %arg13: memref<10240x64xf32, #tpu.memory_space<vmem_shared>>, %arg14: memref<!tpu.dma_semaphore, #tpu.memory_space<semaphore_mem>>, %arg15: memref<!tpu.dma_semaphore, #tpu.memory_space<semaphore_mem>>, %arg16: memref<!tpu.dma_semaphore, #tpu.memory_space<semaphore_mem>>, %arg17: memref<!tpu.dma_semaphore, #tpu.memory_space<semaphore_mem>>, %arg18: memref<!tpu.dma_semaphore, #tpu.memory_space<semaphore_mem>>, %arg19: memref<!tpu.dma_semaphore, #tpu.memory_space<semaphore_mem>>, %arg20: memref<!tpu.dma_semaphore, #tpu.memory_space<semaphore_mem>>, %arg21: memref<!tpu.dma_semaphore, #tpu.memory_space<semaphore_mem>>) attributes {dimension_semantics = [#tpu.dimension_semantics<core_parallel>, #tpu.dimension_semantics<subcore_parallel>], iteration_bounds = array<i64: 2, 16>, scalar_prefetch = 0 : i64, scratch_operands = 16 : i64, tpu.core_type = #tpu.core_type<sc_vector_subcore>, window_params = [{transform_indices = #map}, {transform_indices = #map}, {transform_indices = #map}, {transform_indices = #map1}]} {
    %mul3A = arith.constant 16 : i32
    %mul3A_0 = arith.muli %arg0, %mul3A : i32
    %add3A = arith.addi %mul3A_0, %arg1 : i32
    %mul3A_1 = arith.constant 640 : i32
    %mul3A_2 = arith.muli %arg1, %mul3A_1 : i32
    %broadcast_in_dim3A = arith.constant 0.000000e+00 : f32
    %broadcast_in_dim3A_3 = vector.broadcast %broadcast_in_dim3A : f32 to vector<16xf32>
    %scan3A = arith.constant 0 : i32
    %scan3A_4 = arith.constant 0 : i32
    %scan3A_5 = arith.constant 128 : i32
    %scan3A_6 = arith.addi %scan3A_4, %scan3A_5 : i32
    %scan3A_7 = arith.constant 1 : i32
    scf.for %scan3A_60 = %scan3A_4 to %scan3A_6 step %scan3A_7  : i32 {
      %swap3A = arith.index_cast %scan3A_60 : i32 to index
      %swap3A_61 = arith.constant 0 : index
      %swap3A_62 = tpu.vector_load %arg8[%swap3A, %swap3A_61] {strides = array<i32>} : memref<128x64xf32, #tpu.memory_space<vmem>>, vector<1x16xf32>,
      %swap3A_63 = vector.shape_cast %swap3A_62 : vector<1x16xf32> to vector<16xf32>
      %swap3A_64 = vector.shape_cast %broadcast_in_dim3A_3 : vector<16xf32> to vector<1x16xf32>
      tpu.vector_store %arg8[%swap3A, %swap3A_61], %swap3A_64 {strides = array<i32>} : memref<128x64xf32, #tpu.memory_space<vmem>>, vector<1x16xf32>,
      %swap3A_65 = arith.index_cast %scan3A_60 : i32 to index
      %swap3A_66 = arith.constant 16 : index
      %swap3A_67 = tpu.vector_load %arg8[%swap3A_65, %swap3A_66] {strides = array<i32>} : memref<128x64xf32, #tpu.memory_space<vmem>>, vector<1x16xf32>,
      %swap3A_68 = vector.shape_cast %swap3A_67 : vector<1x16xf32> to vector<16xf32>
      %swap3A_69 = vector.shape_cast %broadcast_in_dim3A_3 : vector<16xf32> to vector<1x16xf32>
      tpu.vector_store %arg8[%swap3A_65, %swap3A_66], %swap3A_69 {strides = array<i32>} : memref<128x64xf32, #tpu.memory_space<vmem>>, vector<1x16xf32>,
      %swap3A_70 = arith.index_cast %scan3A_60 : i32 to index
      %swap3A_71 = arith.constant 32 : index
      %swap3A_72 = tpu.vector_load %arg8[%swap3A_70, %swap3A_71] {strides = array<i32>} : memref<128x64xf32, #tpu.memory_space<vmem>>, vector<1x16xf32>,
      %swap3A_73 = vector.shape_cast %swap3A_72 : vector<1x16xf32> to vector<16xf32>
      %swap3A_74 = vector.shape_cast %broadcast_in_dim3A_3 : vector<16xf32> to vector<1x16xf32>
      tpu.vector_store %arg8[%swap3A_70, %swap3A_71], %swap3A_74 {strides = array<i32>} : memref<128x64xf32, #tpu.memory_space<vmem>>, vector<1x16xf32>,
      %swap3A_75 = arith.index_cast %scan3A_60 : i32 to index
      %swap3A_76 = arith.constant 48 : index
      %swap3A_77 = tpu.vector_load %arg8[%swap3A_75, %swap3A_76] {strides = array<i32>} : memref<128x64xf32, #tpu.memory_space<vmem>>, vector<1x16xf32>,
      %swap3A_78 = vector.shape_cast %swap3A_77 : vector<1x16xf32> to vector<16xf32>
      %swap3A_79 = vector.shape_cast %broadcast_in_dim3A_3 : vector<16xf32> to vector<1x16xf32>
      tpu.vector_store %arg8[%swap3A_75, %swap3A_76], %swap3A_79 {strides = array<i32>} : memref<128x64xf32, #tpu.memory_space<vmem>>, vector<1x16xf32>,
    }
    %scan3A_8 = arith.constant 128 : i32
    %add3A_9 = arith.constant 0 : i32
    %add3A_10 = arith.addi %mul3A_2, %add3A_9 : i32
    "tpu.region"() ({
      %run_scoped3A = tpu.sem_alloc : memref<!tpu.dma_semaphore, #tpu.memory_space<semaphore_mem>>
      %dma_start3A = arith.constant 0 : i32
      %dma_start3A_60 = tpu.memref_slice %arg13[%add3A_10, %dma_start3A] : memref<10240x64xf32, #tpu.memory_space<vmem_shared>> -> memref<128x64xf32, #tpu.memory_space<vmem_shared>>
      %dma_start3A_61 = arith.constant 0 : i32
      %dma_start3A_62 = tpu.memref_slice %arg13[%add3A_10, %dma_start3A_61] : memref<10240x64xf32, #tpu.memory_space<vmem_shared>> -> memref<128x64xf32, #tpu.memory_space<vmem_shared>>
      tpu.enqueue_dma source(%arg8 : memref<128x64xf32, #tpu.memory_space<vmem>>) target(%dma_start3A_62 : memref<128x64xf32, #tpu.memory_space<vmem_shared>>) target_semaphore(%run_scoped3A : memref<!tpu.dma_semaphore, #tpu.memory_space<semaphore_mem>>)
      %dma_wait3A_63 = arith.constant 0 : i32
      %dma_wait3A_64 = tpu.memref_slice %arg13[%add3A_10, %dma_wait3A_63] : memref<10240x64xf32, #tpu.memory_space<vmem_shared>> -> memref<128x64xf32, #tpu.memory_space<vmem_shared>>
      %dma_wait3A_65 = arith.constant 0 : i32
      %dma_wait3A_66 = tpu.memref_slice %arg13[%add3A_10, %dma_wait3A_65] : memref<10240x64xf32, #tpu.memory_space<vmem_shared>> -> memref<128x64xf32, #tpu.memory_space<vmem_shared>>
      tpu.wait_dma2 semaphore(%run_scoped3A : memref<!tpu.dma_semaphore, #tpu.memory_space<semaphore_mem>>) src(%arg8 : memref<128x64xf32, #tpu.memory_space<vmem>>) dst(%dma_wait3A_66 : memref<128x64xf32, #tpu.memory_space<vmem_shared>>)
      tpu.yield
    }) : () -> ()
    %add3A_11 = arith.constant 128 : i32
    %add3A_12 = arith.addi %mul3A_2, %add3A_11 : i32
    "tpu.region"() ({
      %run_scoped3A = tpu.sem_alloc : memref<!tpu.dma_semaphore, #tpu.memory_space<semaphore_mem>>
      %dma_start3A = arith.constant 0 : i32
      %dma_start3A_60 = tpu.memref_slice %arg13[%add3A_12, %dma_start3A] : memref<10240x64xf32, #tpu.memory_space<vmem_shared>> -> memref<128x64xf32, #tpu.memory_space<vmem_shared>>
      %dma_start3A_61 = arith.constant 0 : i32
      %dma_start3A_62 = tpu.memref_slice %arg13[%add3A_12, %dma_start3A_61] : memref<10240x64xf32, #tpu.memory_space<vmem_shared>> -> memref<128x64xf32, #tpu.memory_space<vmem_shared>>
      tpu.enqueue_dma source(%arg8 : memref<128x64xf32, #tpu.memory_space<vmem>>) target(%dma_start3A_62 : memref<128x64xf32, #tpu.memory_space<vmem_shared>>) target_semaphore(%run_scoped3A : memref<!tpu.dma_semaphore, #tpu.memory_space<semaphore_mem>>)
      %dma_wait3A_63 = arith.constant 0 : i32
      %dma_wait3A_64 = tpu.memref_slice %arg13[%add3A_12, %dma_wait3A_63] : memref<10240x64xf32, #tpu.memory_space<vmem_shared>> -> memref<128x64xf32, #tpu.memory_space<vmem_shared>>
      %dma_wait3A_65 = arith.constant 0 : i32
      %dma_wait3A_66 = tpu.memref_slice %arg13[%add3A_12, %dma_wait3A_65] : memref<10240x64xf32, #tpu.memory_space<vmem_shared>> -> memref<128x64xf32, #tpu.memory_space<vmem_shared>>
      tpu.wait_dma2 semaphore(%run_scoped3A : memref<!tpu.dma_semaphore, #tpu.memory_space<semaphore_mem>>) src(%arg8 : memref<128x64xf32, #tpu.memory_space<vmem>>) dst(%dma_wait3A_66 : memref<128x64xf32, #tpu.memory_space<vmem_shared>>)
      tpu.yield
    }) : () -> ()
    %add3A_13 = arith.constant 256 : i32
    %add3A_14 = arith.addi %mul3A_2, %add3A_13 : i32
    "tpu.region"() ({
      %run_scoped3A = tpu.sem_alloc : memref<!tpu.dma_semaphore, #tpu.memory_space<semaphore_mem>>
      %dma_start3A = arith.constant 0 : i32
      %dma_start3A_60 = tpu.memref_slice %arg13[%add3A_14, %dma_start3A] : memref<10240x64xf32, #tpu.memory_space<vmem_shared>> -> memref<128x64xf32, #tpu.memory_space<vmem_shared>>
      %dma_start3A_61 = arith.constant 0 : i32
      %dma_start3A_62 = tpu.memref_slice %arg13[%add3A_14, %dma_start3A_61] : memref<10240x64xf32, #tpu.memory_space<vmem_shared>> -> memref<128x64xf32, #tpu.memory_space<vmem_shared>>
      tpu.enqueue_dma source(%arg8 : memref<128x64xf32, #tpu.memory_space<vmem>>) target(%dma_start3A_62 : memref<128x64xf32, #tpu.memory_space<vmem_shared>>) target_semaphore(%run_scoped3A : memref<!tpu.dma_semaphore, #tpu.memory_space<semaphore_mem>>)
      %dma_wait3A_63 = arith.constant 0 : i32
      %dma_wait3A_64 = tpu.memref_slice %arg13[%add3A_14, %dma_wait3A_63] : memref<10240x64xf32, #tpu.memory_space<vmem_shared>> -> memref<128x64xf32, #tpu.memory_space<vmem_shared>>
      %dma_wait3A_65 = arith.constant 0 : i32
      %dma_wait3A_66 = tpu.memref_slice %arg13[%add3A_14, %dma_wait3A_65] : memref<10240x64xf32, #tpu.memory_space<vmem_shared>> -> memref<128x64xf32, #tpu.memory_space<vmem_shared>>
      tpu.wait_dma2 semaphore(%run_scoped3A : memref<!tpu.dma_semaphore, #tpu.memory_space<semaphore_mem>>) src(%arg8 : memref<128x64xf32, #tpu.memory_space<vmem>>) dst(%dma_wait3A_66 : memref<128x64xf32, #tpu.memory_space<vmem_shared>>)
      tpu.yield
    }) : () -> ()
    %add3A_15 = arith.constant 384 : i32
    %add3A_16 = arith.addi %mul3A_2, %add3A_15 : i32
    "tpu.region"() ({
      %run_scoped3A = tpu.sem_alloc : memref<!tpu.dma_semaphore, #tpu.memory_space<semaphore_mem>>
      %dma_start3A = arith.constant 0 : i32
      %dma_start3A_60 = tpu.memref_slice %arg13[%add3A_16, %dma_start3A] : memref<10240x64xf32, #tpu.memory_space<vmem_shared>> -> memref<128x64xf32, #tpu.memory_space<vmem_shared>>
      %dma_start3A_61 = arith.constant 0 : i32
      %dma_start3A_62 = tpu.memref_slice %arg13[%add3A_16, %dma_start3A_61] : memref<10240x64xf32, #tpu.memory_space<vmem_shared>> -> memref<128x64xf32, #tpu.memory_space<vmem_shared>>
      tpu.enqueue_dma source(%arg8 : memref<128x64xf32, #tpu.memory_space<vmem>>) target(%dma_start3A_62 : memref<128x64xf32, #tpu.memory_space<vmem_shared>>) target_semaphore(%run_scoped3A : memref<!tpu.dma_semaphore, #tpu.memory_space<semaphore_mem>>)
      %dma_wait3A_63 = arith.constant 0 : i32
      %dma_wait3A_64 = tpu.memref_slice %arg13[%add3A_16, %dma_wait3A_63] : memref<10240x64xf32, #tpu.memory_space<vmem_shared>> -> memref<128x64xf32, #tpu.memory_space<vmem_shared>>
      %dma_wait3A_65 = arith.constant 0 : i32
      %dma_wait3A_66 = tpu.memref_slice %arg13[%add3A_16, %dma_wait3A_65] : memref<10240x64xf32, #tpu.memory_space<vmem_shared>> -> memref<128x64xf32, #tpu.memory_space<vmem_shared>>
      tpu.wait_dma2 semaphore(%run_scoped3A : memref<!tpu.dma_semaphore, #tpu.memory_space<semaphore_mem>>) src(%arg8 : memref<128x64xf32, #tpu.memory_space<vmem>>) dst(%dma_wait3A_66 : memref<128x64xf32, #tpu.memory_space<vmem_shared>>)
      tpu.yield
    }) : () -> ()
    %add3A_17 = arith.constant 512 : i32
    %add3A_18 = arith.addi %mul3A_2, %add3A_17 : i32
    "tpu.region"() ({
      %run_scoped3A = tpu.sem_alloc : memref<!tpu.dma_semaphore, #tpu.memory_space<semaphore_mem>>
      %dma_start3A = arith.constant 0 : i32
      %dma_start3A_60 = tpu.memref_slice %arg13[%add3A_18, %dma_start3A] : memref<10240x64xf32, #tpu.memory_space<vmem_shared>> -> memref<128x64xf32, #tpu.memory_space<vmem_shared>>
      %dma_start3A_61 = arith.constant 0 : i32
      %dma_start3A_62 = tpu.memref_slice %arg13[%add3A_18, %dma_start3A_61] : memref<10240x64xf32, #tpu.memory_space<vmem_shared>> -> memref<128x64xf32, #tpu.memory_space<vmem_shared>>
      tpu.enqueue_dma source(%arg8 : memref<128x64xf32, #tpu.memory_space<vmem>>) target(%dma_start3A_62 : memref<128x64xf32, #tpu.memory_space<vmem_shared>>) target_semaphore(%run_scoped3A : memref<!tpu.dma_semaphore, #tpu.memory_space<semaphore_mem>>)
      %dma_wait3A_63 = arith.constant 0 : i32
      %dma_wait3A_64 = tpu.memref_slice %arg13[%add3A_18, %dma_wait3A_63] : memref<10240x64xf32, #tpu.memory_space<vmem_shared>> -> memref<128x64xf32, #tpu.memory_space<vmem_shared>>
      %dma_wait3A_65 = arith.constant 0 : i32
      %dma_wait3A_66 = tpu.memref_slice %arg13[%add3A_18, %dma_wait3A_65] : memref<10240x64xf32, #tpu.memory_space<vmem_shared>> -> memref<128x64xf32, #tpu.memory_space<vmem_shared>>
      tpu.wait_dma2 semaphore(%run_scoped3A : memref<!tpu.dma_semaphore, #tpu.memory_space<semaphore_mem>>) src(%arg8 : memref<128x64xf32, #tpu.memory_space<vmem>>) dst(%dma_wait3A_66 : memref<128x64xf32, #tpu.memory_space<vmem_shared>>)
      tpu.yield
    }) : () -> ()
    "tpu.region"() ({
      %run_scoped3A = tpu.sem_alloc : memref<!tpu.dma_semaphore, #tpu.memory_space<semaphore_mem>>
      %dma_start3A = arith.constant 0 : i32
      %dma_start3A_60 = tpu.memref_slice %arg12[%mul3A_2, %dma_start3A] : memref<10240x64xf32, #tpu.memory_space<vmem_shared>> -> memref<640x64xf32, #tpu.memory_space<vmem_shared>>
      %dma_start3A_61 = arith.constant 0 : i32
      %dma_start3A_62 = tpu.memref_slice %arg4[%mul3A_2, %dma_start3A_61] : memref<10240x64xf32, #tpu.memory_space<hbm>> -> memref<640x64xf32, #tpu.memory_space<hbm>>
      tpu.enqueue_dma source(%dma_start3A_62 : memref<640x64xf32, #tpu.memory_space<hbm>>) target(%dma_start3A_60 : memref<640x64xf32, #tpu.memory_space<vmem_shared>>) target_semaphore(%run_scoped3A : memref<!tpu.dma_semaphore, #tpu.memory_space<semaphore_mem>>)
      %dma_wait3A_63 = arith.constant 0 : i32
      %dma_wait3A_64 = tpu.memref_slice %arg12[%mul3A_2, %dma_wait3A_63] : memref<10240x64xf32, #tpu.memory_space<vmem_shared>> -> memref<640x64xf32, #tpu.memory_space<vmem_shared>>
      %dma_wait3A_65 = arith.constant 0 : i32
      %dma_wait3A_66 = tpu.memref_slice %arg4[%mul3A_2, %dma_wait3A_65] : memref<10240x64xf32, #tpu.memory_space<hbm>> -> memref<640x64xf32, #tpu.memory_space<hbm>>
      tpu.wait_dma2 semaphore(%run_scoped3A : memref<!tpu.dma_semaphore, #tpu.memory_space<semaphore_mem>>) src(%dma_wait3A_66 : memref<640x64xf32, #tpu.memory_space<hbm>>) dst(%dma_wait3A_64 : memref<640x64xf32, #tpu.memory_space<vmem_shared>>)
      tpu.yield
    }) : () -> ()
    %mul3A_19 = arith.constant 40 : i32
    %mul3A_20 = arith.muli %add3A, %mul3A_19 : i32
    "tpu.region"() ({
      %run_scoped3A = tpu.sem_alloc : memref<!tpu.dma_semaphore, #tpu.memory_space<semaphore_mem>>
      %dma_start3A = arith.constant 0 : i32
      %dma_start3A_60 = tpu.memref_slice %arg2[%mul3A_20, %dma_start3A] : memref<1280x128xi32, #tpu.memory_space<hbm>> -> memref<40x128xi32, #tpu.memory_space<hbm>>
      %dma_start3A_61 = arith.constant 0 : i32
      %dma_start3A_62 = tpu.memref_slice %arg2[%mul3A_20, %dma_start3A_61] : memref<1280x128xi32, #tpu.memory_space<hbm>> -> memref<40x128xi32, #tpu.memory_space<hbm>>
      tpu.enqueue_dma source(%dma_start3A_62 : memref<40x128xi32, #tpu.memory_space<hbm>>) target(%arg6 : memref<40x128xi32, #tpu.memory_space<vmem>>) target_semaphore(%run_scoped3A : memref<!tpu.dma_semaphore, #tpu.memory_space<semaphore_mem>>)
      %dma_wait3A_63 = arith.constant 0 : i32
      %dma_wait3A_64 = tpu.memref_slice %arg2[%mul3A_20, %dma_wait3A_63] : memref<1280x128xi32, #tpu.memory_space<hbm>> -> memref<40x128xi32, #tpu.memory_space<hbm>>
      %dma_wait3A_65 = arith.constant 0 : i32
      %dma_wait3A_66 = tpu.memref_slice %arg2[%mul3A_20, %dma_wait3A_65] : memref<1280x128xi32, #tpu.memory_space<hbm>> -> memref<40x128xi32, #tpu.memory_space<hbm>>
      tpu.wait_dma2 semaphore(%run_scoped3A : memref<!tpu.dma_semaphore, #tpu.memory_space<semaphore_mem>>) src(%dma_wait3A_66 : memref<40x128xi32, #tpu.memory_space<hbm>>) dst(%arg6 : memref<40x128xi32, #tpu.memory_space<vmem>>)
      tpu.yield
    }) : () -> ()
    %mul3A_21 = arith.constant 40 : i32
    %mul3A_22 = arith.muli %add3A, %mul3A_21 : i32
    "tpu.region"() ({
      %run_scoped3A = tpu.sem_alloc : memref<!tpu.dma_semaphore, #tpu.memory_space<semaphore_mem>>
      %dma_start3A = arith.constant 0 : i32
      %dma_start3A_60 = tpu.memref_slice %arg3[%mul3A_22, %dma_start3A] : memref<1280x128xi32, #tpu.memory_space<hbm>> -> memref<40x128xi32, #tpu.memory_space<hbm>>
      %dma_start3A_61 = arith.constant 0 : i32
      %dma_start3A_62 = tpu.memref_slice %arg3[%mul3A_22, %dma_start3A_61] : memref<1280x128xi32, #tpu.memory_space<hbm>> -> memref<40x128xi32, #tpu.memory_space<hbm>>
      tpu.enqueue_dma source(%dma_start3A_62 : memref<40x128xi32, #tpu.memory_space<hbm>>) target(%arg7 : memref<40x128xi32, #tpu.memory_space<vmem>>) target_semaphore(%run_scoped3A : memref<!tpu.dma_semaphore, #tpu.memory_space<semaphore_mem>>)
      %dma_wait3A_63 = arith.constant 0 : i32
      %dma_wait3A_64 = tpu.memref_slice %arg3[%mul3A_22, %dma_wait3A_63] : memref<1280x128xi32, #tpu.memory_space<hbm>> -> memref<40x128xi32, #tpu.memory_space<hbm>>
      %dma_wait3A_65 = arith.constant 0 : i32
      %dma_wait3A_66 = tpu.memref_slice %arg3[%mul3A_22, %dma_wait3A_65] : memref<1280x128xi32, #tpu.memory_space<hbm>> -> memref<40x128xi32, #tpu.memory_space<hbm>>
      tpu.wait_dma2 semaphore(%run_scoped3A : memref<!tpu.dma_semaphore, #tpu.memory_space<semaphore_mem>>) src(%dma_wait3A_66 : memref<40x128xi32, #tpu.memory_space<hbm>>) dst(%arg7 : memref<40x128xi32, #tpu.memory_space<vmem>>)
      tpu.yield
    }) : () -> ()
    %barrier3A = arith.constant 0 : index
    tpu.barrier barrier_id(%barrier3A)
    %scan3A_23 = arith.constant 0 : i32
    %scan3A_24 = arith.constant 0 : i32
    %scan3A_25 = arith.constant 10 : i32
    %scan3A_26 = arith.addi %scan3A_24, %scan3A_25 : i32
    %scan3A_27 = arith.constant 1 : i32
    scf.for %scan3A_60 = %scan3A_24 to %scan3A_26 step %scan3A_27  : i32 {
      %mul3A_61 = arith.constant 4 : i32
      %mul3A_62 = arith.muli %scan3A_60, %mul3A_61 : i32
      %add3A_63 = arith.constant 0 : i32
      %add3A_64 = arith.addi %mul3A_62, %add3A_63 : i32
      %gt3A = arith.constant 0 : i32
      %gt3A_65 = arith.cmpi sgt, %scan3A_60, %gt3A : i32
      %convert_element_type3A = arith.extui %gt3A_65 : i1 to i32
      %cond3A = arith.constant 0 : i32
      %cond3A_66 = arith.cmpi ne, %convert_element_type3A, %cond3A : i32
      scf.if %cond3A_66 {
        %dma_wait3A_181 = arith.constant 0 : i32
        %dma_wait3A_182 = tpu.memref_slice %arg7[%add3A_64, %dma_wait3A_181] : memref<40x128xi32, #tpu.memory_space<vmem>> -> memref<1x128xi32, #tpu.memory_space<vmem>>
        %dma_wait3A_183 = tpu.memref_squeeze %dma_wait3A_182 : memref<1x128xi32, #tpu.memory_space<vmem>> -> memref<128xi32, #tpu.memory_space<vmem>>
        %dma_wait3A_184 = arith.constant 0 : i32
        %dma_wait3A_185 = arith.constant 0 : i32
        %dma_wait3A_186 = tpu.memref_slice %arg13[%dma_wait3A_184, %dma_wait3A_185] : memref<10240x64xf32, #tpu.memory_space<vmem_shared>> -> memref<10240x64xf32, #tpu.memory_space<vmem_shared>>
        tpu.wait_indirect_dma semaphore(%arg18 : memref<!tpu.dma_semaphore, #tpu.memory_space<semaphore_mem>>) src(%arg8 : memref<128x64xf32, #tpu.memory_space<vmem>>) dst(%dma_wait3A_186 : memref<10240x64xf32, #tpu.memory_space<vmem_shared>>)
      } else {
      }
      %dma_start3A = arith.constant 0 : i32
      %dma_start3A_67 = tpu.memref_slice %arg6[%add3A_64, %dma_start3A] : memref<40x128xi32, #tpu.memory_space<vmem>> -> memref<1x128xi32, #tpu.memory_space<vmem>>
      %dma_start3A_68 = tpu.memref_squeeze %dma_start3A_67 : memref<1x128xi32, #tpu.memory_space<vmem>> -> memref<128xi32, #tpu.memory_space<vmem>>
      %dma_start3A_69 = arith.constant 0 : i32
      %dma_start3A_70 = arith.constant 0 : i32
      %dma_start3A_71 = tpu.memref_slice %arg12[%dma_start3A_69, %dma_start3A_70] : memref<10240x64xf32, #tpu.memory_space<vmem_shared>> -> memref<10240x64xf32, #tpu.memory_space<vmem_shared>>
      tpu.enqueue_indirect_dma source(%dma_start3A_71 : memref<10240x64xf32, #tpu.memory_space<vmem_shared>>) target(%arg8 : memref<128x64xf32, #tpu.memory_space<vmem>>) offsets(%dma_start3A_68 : memref<128xi32, #tpu.memory_space<vmem>>) semaphore(%arg14 : memref<!tpu.dma_semaphore, #tpu.memory_space<semaphore_mem>>)
      %mul3A_72 = arith.constant 4 : i32
      %mul3A_73 = arith.muli %scan3A_60, %mul3A_72 : i32
      %add3A_74 = arith.constant 1 : i32
      %add3A_75 = arith.addi %mul3A_73, %add3A_74 : i32
      %gt3A_76 = arith.constant 0 : i32
      %gt3A_77 = arith.cmpi sgt, %scan3A_60, %gt3A_76 : i32
      %convert_element_type3A_78 = arith.extui %gt3A_77 : i1 to i32
      %cond3A_79 = arith.constant 0 : i32
      %cond3A_80 = arith.cmpi ne, %convert_element_type3A_78, %cond3A_79 : i32
      scf.if %cond3A_80 {
        %dma_wait3A_181 = arith.constant 0 : i32
        %dma_wait3A_182 = tpu.memref_slice %arg7[%add3A_75, %dma_wait3A_181] : memref<40x128xi32, #tpu.memory_space<vmem>> -> memref<1x128xi32, #tpu.memory_space<vmem>>
        %dma_wait3A_183 = tpu.memref_squeeze %dma_wait3A_182 : memref<1x128xi32, #tpu.memory_space<vmem>> -> memref<128xi32, #tpu.memory_space<vmem>>
        %dma_wait3A_184 = arith.constant 0 : i32
        %dma_wait3A_185 = arith.constant 0 : i32
        %dma_wait3A_186 = tpu.memref_slice %arg13[%dma_wait3A_184, %dma_wait3A_185] : memref<10240x64xf32, #tpu.memory_space<vmem_shared>> -> memref<10240x64xf32, #tpu.memory_space<vmem_shared>>
        tpu.wait_indirect_dma semaphore(%arg19 : memref<!tpu.dma_semaphore, #tpu.memory_space<semaphore_mem>>) src(%arg9 : memref<128x64xf32, #tpu.memory_space<vmem>>) dst(%dma_wait3A_186 : memref<10240x64xf32, #tpu.memory_space<vmem_shared>>)
      } else {
      }
      %dma_start3A_81 = arith.constant 0 : i32
      %dma_start3A_82 = tpu.memref_slice %arg6[%add3A_75, %dma_start3A_81] : memref<40x128xi32, #tpu.memory_space<vmem>> -> memref<1x128xi32, #tpu.memory_space<vmem>>
      %dma_start3A_83 = tpu.memref_squeeze %dma_start3A_82 : memref<1x128xi32, #tpu.memory_space<vmem>> -> memref<128xi32, #tpu.memory_space<vmem>>
      %dma_start3A_84 = arith.constant 0 : i32
      %dma_start3A_85 = arith.constant 0 : i32
      %dma_start3A_86 = tpu.memref_slice %arg12[%dma_start3A_84, %dma_start3A_85] : memref<10240x64xf32, #tpu.memory_space<vmem_shared>> -> memref<10240x64xf32, #tpu.memory_space<vmem_shared>>
      tpu.enqueue_indirect_dma source(%dma_start3A_86 : memref<10240x64xf32, #tpu.memory_space<vmem_shared>>) target(%arg9 : memref<128x64xf32, #tpu.memory_space<vmem>>) offsets(%dma_start3A_83 : memref<128xi32, #tpu.memory_space<vmem>>) semaphore(%arg15 : memref<!tpu.dma_semaphore, #tpu.memory_space<semaphore_mem>>)
      %mul3A_87 = arith.constant 4 : i32
      %mul3A_88 = arith.muli %scan3A_60, %mul3A_87 : i32
      %add3A_89 = arith.constant 2 : i32
      %add3A_90 = arith.addi %mul3A_88, %add3A_89 : i32
      %gt3A_91 = arith.constant 0 : i32
      %gt3A_92 = arith.cmpi sgt, %scan3A_60, %gt3A_91 : i32
      %convert_element_type3A_93 = arith.extui %gt3A_92 : i1 to i32
      %cond3A_94 = arith.constant 0 : i32
      %cond3A_95 = arith.cmpi ne, %convert_element_type3A_93, %cond3A_94 : i32
      scf.if %cond3A_95 {
        %dma_wait3A_181 = arith.constant 0 : i32
        %dma_wait3A_182 = tpu.memref_slice %arg7[%add3A_90, %dma_wait3A_181] : memref<40x128xi32, #tpu.memory_space<vmem>> -> memref<1x128xi32, #tpu.memory_space<vmem>>
        %dma_wait3A_183 = tpu.memref_squeeze %dma_wait3A_182 : memref<1x128xi32, #tpu.memory_space<vmem>> -> memref<128xi32, #tpu.memory_space<vmem>>
        %dma_wait3A_184 = arith.constant 0 : i32
        %dma_wait3A_185 = arith.constant 0 : i32
        %dma_wait3A_186 = tpu.memref_slice %arg13[%dma_wait3A_184, %dma_wait3A_185] : memref<10240x64xf32, #tpu.memory_space<vmem_shared>> -> memref<10240x64xf32, #tpu.memory_space<vmem_shared>>
        tpu.wait_indirect_dma semaphore(%arg20 : memref<!tpu.dma_semaphore, #tpu.memory_space<semaphore_mem>>) src(%arg10 : memref<128x64xf32, #tpu.memory_space<vmem>>) dst(%dma_wait3A_186 : memref<10240x64xf32, #tpu.memory_space<vmem_shared>>)
      } else {
      }
      %dma_start3A_96 = arith.constant 0 : i32
      %dma_start3A_97 = tpu.memref_slice %arg6[%add3A_90, %dma_start3A_96] : memref<40x128xi32, #tpu.memory_space<vmem>> -> memref<1x128xi32, #tpu.memory_space<vmem>>
      %dma_start3A_98 = tpu.memref_squeeze %dma_start3A_97 : memref<1x128xi32, #tpu.memory_space<vmem>> -> memref<128xi32, #tpu.memory_space<vmem>>
      %dma_start3A_99 = arith.constant 0 : i32
      %dma_start3A_100 = arith.constant 0 : i32
      %dma_start3A_101 = tpu.memref_slice %arg12[%dma_start3A_99, %dma_start3A_100] : memref<10240x64xf32, #tpu.memory_space<vmem_shared>> -> memref<10240x64xf32, #tpu.memory_space<vmem_shared>>
      tpu.enqueue_indirect_dma source(%dma_start3A_101 : memref<10240x64xf32, #tpu.memory_space<vmem_shared>>) target(%arg10 : memref<128x64xf32, #tpu.memory_space<vmem>>) offsets(%dma_start3A_98 : memref<128xi32, #tpu.memory_space<vmem>>) semaphore(%arg16 : memref<!tpu.dma_semaphore, #tpu.memory_space<semaphore_mem>>)
      %mul3A_102 = arith.constant 4 : i32
      %mul3A_103 = arith.muli %scan3A_60, %mul3A_102 : i32
      %add3A_104 = arith.constant 3 : i32
      %add3A_105 = arith.addi %mul3A_103, %add3A_104 : i32
      %gt3A_106 = arith.constant 0 : i32
      %gt3A_107 = arith.cmpi sgt, %scan3A_60, %gt3A_106 : i32
      %convert_element_type3A_108 = arith.extui %gt3A_107 : i1 to i32
      %cond3A_109 = arith.constant 0 : i32
      %cond3A_110 = arith.cmpi ne, %convert_element_type3A_108, %cond3A_109 : i32
      scf.if %cond3A_110 {
        %dma_wait3A_181 = arith.constant 0 : i32
        %dma_wait3A_182 = tpu.memref_slice %arg7[%add3A_105, %dma_wait3A_181] : memref<40x128xi32, #tpu.memory_space<vmem>> -> memref<1x128xi32, #tpu.memory_space<vmem>>
        %dma_wait3A_183 = tpu.memref_squeeze %dma_wait3A_182 : memref<1x128xi32, #tpu.memory_space<vmem>> -> memref<128xi32, #tpu.memory_space<vmem>>
        %dma_wait3A_184 = arith.constant 0 : i32
        %dma_wait3A_185 = arith.constant 0 : i32
        %dma_wait3A_186 = tpu.memref_slice %arg13[%dma_wait3A_184, %dma_wait3A_185] : memref<10240x64xf32, #tpu.memory_space<vmem_shared>> -> memref<10240x64xf32, #tpu.memory_space<vmem_shared>>
        tpu.wait_indirect_dma semaphore(%arg21 : memref<!tpu.dma_semaphore, #tpu.memory_space<semaphore_mem>>) src(%arg11 : memref<128x64xf32, #tpu.memory_space<vmem>>) dst(%dma_wait3A_186 : memref<10240x64xf32, #tpu.memory_space<vmem_shared>>)
      } else {
      }
      %dma_start3A_111 = arith.constant 0 : i32
      %dma_start3A_112 = tpu.memref_slice %arg6[%add3A_105, %dma_start3A_111] : memref<40x128xi32, #tpu.memory_space<vmem>> -> memref<1x128xi32, #tpu.memory_space<vmem>>
      %dma_start3A_113 = tpu.memref_squeeze %dma_start3A_112 : memref<1x128xi32, #tpu.memory_space<vmem>> -> memref<128xi32, #tpu.memory_space<vmem>>
      %dma_start3A_114 = arith.constant 0 : i32
      %dma_start3A_115 = arith.constant 0 : i32
      %dma_start3A_116 = tpu.memref_slice %arg12[%dma_start3A_114, %dma_start3A_115] : memref<10240x64xf32, #tpu.memory_space<vmem_shared>> -> memref<10240x64xf32, #tpu.memory_space<vmem_shared>>
      tpu.enqueue_indirect_dma source(%dma_start3A_116 : memref<10240x64xf32, #tpu.memory_space<vmem_shared>>) target(%arg11 : memref<128x64xf32, #tpu.memory_space<vmem>>) offsets(%dma_start3A_113 : memref<128xi32, #tpu.memory_space<vmem>>) semaphore(%arg17 : memref<!tpu.dma_semaphore, #tpu.memory_space<semaphore_mem>>)
      %mul3A_117 = arith.constant 4 : i32
      %mul3A_118 = arith.muli %scan3A_60, %mul3A_117 : i32
      %add3A_119 = arith.constant 0 : i32
      %add3A_120 = arith.addi %mul3A_118, %add3A_119 : i32
      %dma_wait3A_121 = arith.constant 0 : i32
      %dma_wait3A_122 = tpu.memref_slice %arg6[%add3A_64, %dma_wait3A_121] : memref<40x128xi32, #tpu.memory_space<vmem>> -> memref<1x128xi32, #tpu.memory_space<vmem>>
      %dma_wait3A_123 = tpu.memref_squeeze %dma_wait3A_122 : memref<1x128xi32, #tpu.memory_space<vmem>> -> memref<128xi32, #tpu.memory_space<vmem>>
      %dma_wait3A_124 = arith.constant 0 : i32
      %dma_wait3A_125 = arith.constant 0 : i32
      %dma_wait3A_126 = tpu.memref_slice %arg12[%dma_wait3A_124, %dma_wait3A_125] : memref<10240x64xf32, #tpu.memory_space<vmem_shared>> -> memref<10240x64xf32, #tpu.memory_space<vmem_shared>>
      tpu.wait_indirect_dma semaphore(%arg14 : memref<!tpu.dma_semaphore, #tpu.memory_space<semaphore_mem>>) src(%dma_wait3A_126 : memref<10240x64xf32, #tpu.memory_space<vmem_shared>>) dst(%arg8 : memref<128x64xf32, #tpu.memory_space<vmem>>)
      %dma_start3A_127 = arith.constant 0 : i32
      %dma_start3A_128 = tpu.memref_slice %arg7[%add3A_120, %dma_start3A_127] : memref<40x128xi32, #tpu.memory_space<vmem>> -> memref<1x128xi32, #tpu.memory_space<vmem>>
      %dma_start3A_129 = tpu.memref_squeeze %dma_start3A_128 : memref<1x128xi32, #tpu.memory_space<vmem>> -> memref<128xi32, #tpu.memory_space<vmem>>
      %dma_start3A_130 = arith.constant 0 : i32
      %dma_start3A_131 = arith.constant 0 : i32
      %dma_start3A_132 = tpu.memref_slice %arg13[%dma_start3A_130, %dma_start3A_131] : memref<10240x64xf32, #tpu.memory_space<vmem_shared>> -> memref<10240x64xf32, #tpu.memory_space<vmem_shared>>
      tpu.enqueue_indirect_dma source(%arg8 : memref<128x64xf32, #tpu.memory_space<vmem>>) target(%dma_start3A_132 : memref<10240x64xf32, #tpu.memory_space<vmem_shared>>) offsets(%dma_start3A_129 : memref<128xi32, #tpu.memory_space<vmem>>) semaphore(%arg18 : memref<!tpu.dma_semaphore, #tpu.memory_space<semaphore_mem>>) {add = true}
      %mul3A_133 = arith.constant 4 : i32
      %mul3A_134 = arith.muli %scan3A_60, %mul3A_133 : i32
      %add3A_135 = arith.constant 1 : i32
      %add3A_136 = arith.addi %mul3A_134, %add3A_135 : i32
      %dma_wait3A_137 = arith.constant 0 : i32
      %dma_wait3A_138 = tpu.memref_slice %arg6[%add3A_75, %dma_wait3A_137] : memref<40x128xi32, #tpu.memory_space<vmem>> -> memref<1x128xi32, #tpu.memory_space<vmem>>
      %dma_wait3A_139 = tpu.memref_squeeze %dma_wait3A_138 : memref<1x128xi32, #tpu.memory_space<vmem>> -> memref<128xi32, #tpu.memory_space<vmem>>
      %dma_wait3A_140 = arith.constant 0 : i32
      %dma_wait3A_141 = arith.constant 0 : i32
      %dma_wait3A_142 = tpu.memref_slice %arg12[%dma_wait3A_140, %dma_wait3A_141] : memref<10240x64xf32, #tpu.memory_space<vmem_shared>> -> memref<10240x64xf32, #tpu.memory_space<vmem_shared>>
      tpu.wait_indirect_dma semaphore(%arg15 : memref<!tpu.dma_semaphore, #tpu.memory_space<semaphore_mem>>) src(%dma_wait3A_142 : memref<10240x64xf32, #tpu.memory_space<vmem_shared>>) dst(%arg9 : memref<128x64xf32, #tpu.memory_space<vmem>>)
      %dma_start3A_143 = arith.constant 0 : i32
      %dma_start3A_144 = tpu.memref_slice %arg7[%add3A_136, %dma_start3A_143] : memref<40x128xi32, #tpu.memory_space<vmem>> -> memref<1x128xi32, #tpu.memory_space<vmem>>
      %dma_start3A_145 = tpu.memref_squeeze %dma_start3A_144 : memref<1x128xi32, #tpu.memory_space<vmem>> -> memref<128xi32, #tpu.memory_space<vmem>>
      %dma_start3A_146 = arith.constant 0 : i32
      %dma_start3A_147 = arith.constant 0 : i32
      %dma_start3A_148 = tpu.memref_slice %arg13[%dma_start3A_146, %dma_start3A_147] : memref<10240x64xf32, #tpu.memory_space<vmem_shared>> -> memref<10240x64xf32, #tpu.memory_space<vmem_shared>>
      tpu.enqueue_indirect_dma source(%arg9 : memref<128x64xf32, #tpu.memory_space<vmem>>) target(%dma_start3A_148 : memref<10240x64xf32, #tpu.memory_space<vmem_shared>>) offsets(%dma_start3A_145 : memref<128xi32, #tpu.memory_space<vmem>>) semaphore(%arg19 : memref<!tpu.dma_semaphore, #tpu.memory_space<semaphore_mem>>) {add = true}
      %mul3A_149 = arith.constant 4 : i32
      %mul3A_150 = arith.muli %scan3A_60, %mul3A_149 : i32
      %add3A_151 = arith.constant 2 : i32
      %add3A_152 = arith.addi %mul3A_150, %add3A_151 : i32
      %dma_wait3A_153 = arith.constant 0 : i32
      %dma_wait3A_154 = tpu.memref_slice %arg6[%add3A_90, %dma_wait3A_153] : memref<40x128xi32, #tpu.memory_space<vmem>> -> memref<1x128xi32, #tpu.memory_space<vmem>>
      %dma_wait3A_155 = tpu.memref_squeeze %dma_wait3A_154 : memref<1x128xi32, #tpu.memory_space<vmem>> -> memref<128xi32, #tpu.memory_space<vmem>>
      %dma_wait3A_156 = arith.constant 0 : i32
      %dma_wait3A_157 = arith.constant 0 : i32
      %dma_wait3A_158 = tpu.memref_slice %arg12[%dma_wait3A_156, %dma_wait3A_157] : memref<10240x64xf32, #tpu.memory_space<vmem_shared>> -> memref<10240x64xf32, #tpu.memory_space<vmem_shared>>
      tpu.wait_indirect_dma semaphore(%arg16 : memref<!tpu.dma_semaphore, #tpu.memory_space<semaphore_mem>>) src(%dma_wait3A_158 : memref<10240x64xf32, #tpu.memory_space<vmem_shared>>) dst(%arg10 : memref<128x64xf32, #tpu.memory_space<vmem>>)
      %dma_start3A_159 = arith.constant 0 : i32
      %dma_start3A_160 = tpu.memref_slice %arg7[%add3A_152, %dma_start3A_159] : memref<40x128xi32, #tpu.memory_space<vmem>> -> memref<1x128xi32, #tpu.memory_space<vmem>>
      %dma_start3A_161 = tpu.memref_squeeze %dma_start3A_160 : memref<1x128xi32, #tpu.memory_space<vmem>> -> memref<128xi32, #tpu.memory_space<vmem>>
      %dma_start3A_162 = arith.constant 0 : i32
      %dma_start3A_163 = arith.constant 0 : i32
      %dma_start3A_164 = tpu.memref_slice %arg13[%dma_start3A_162, %dma_start3A_163] : memref<10240x64xf32, #tpu.memory_space<vmem_shared>> -> memref<10240x64xf32, #tpu.memory_space<vmem_shared>>
      tpu.enqueue_indirect_dma source(%arg10 : memref<128x64xf32, #tpu.memory_space<vmem>>) target(%dma_start3A_164 : memref<10240x64xf32, #tpu.memory_space<vmem_shared>>) offsets(%dma_start3A_161 : memref<128xi32, #tpu.memory_space<vmem>>) semaphore(%arg20 : memref<!tpu.dma_semaphore, #tpu.memory_space<semaphore_mem>>) {add = true}
      %mul3A_165 = arith.constant 4 : i32
      %mul3A_166 = arith.muli %scan3A_60, %mul3A_165 : i32
      %add3A_167 = arith.constant 3 : i32
      %add3A_168 = arith.addi %mul3A_166, %add3A_167 : i32
      %dma_wait3A_169 = arith.constant 0 : i32
      %dma_wait3A_170 = tpu.memref_slice %arg6[%add3A_105, %dma_wait3A_169] : memref<40x128xi32, #tpu.memory_space<vmem>> -> memref<1x128xi32, #tpu.memory_space<vmem>>
      %dma_wait3A_171 = tpu.memref_squeeze %dma_wait3A_170 : memref<1x128xi32, #tpu.memory_space<vmem>> -> memref<128xi32, #tpu.memory_space<vmem>>
      %dma_wait3A_172 = arith.constant 0 : i32
      %dma_wait3A_173 = arith.constant 0 : i32
      %dma_wait3A_174 = tpu.memref_slice %arg12[%dma_wait3A_172, %dma_wait3A_173] : memref<10240x64xf32, #tpu.memory_space<vmem_shared>> -> memref<10240x64xf32, #tpu.memory_space<vmem_shared>>
      tpu.wait_indirect_dma semaphore(%arg17 : memref<!tpu.dma_semaphore, #tpu.memory_space<semaphore_mem>>) src(%dma_wait3A_174 : memref<10240x64xf32, #tpu.memory_space<vmem_shared>>) dst(%arg11 : memref<128x64xf32, #tpu.memory_space<vmem>>)
      %dma_start3A_175 = arith.constant 0 : i32
      %dma_start3A_176 = tpu.memref_slice %arg7[%add3A_168, %dma_start3A_175] : memref<40x128xi32, #tpu.memory_space<vmem>> -> memref<1x128xi32, #tpu.memory_space<vmem>>
      %dma_start3A_177 = tpu.memref_squeeze %dma_start3A_176 : memref<1x128xi32, #tpu.memory_space<vmem>> -> memref<128xi32, #tpu.memory_space<vmem>>
      %dma_start3A_178 = arith.constant 0 : i32
      %dma_start3A_179 = arith.constant 0 : i32
      %dma_start3A_180 = tpu.memref_slice %arg13[%dma_start3A_178, %dma_start3A_179] : memref<10240x64xf32, #tpu.memory_space<vmem_shared>> -> memref<10240x64xf32, #tpu.memory_space<vmem_shared>>
      tpu.enqueue_indirect_dma source(%arg11 : memref<128x64xf32, #tpu.memory_space<vmem>>) target(%dma_start3A_180 : memref<10240x64xf32, #tpu.memory_space<vmem_shared>>) offsets(%dma_start3A_177 : memref<128xi32, #tpu.memory_space<vmem>>) semaphore(%arg21 : memref<!tpu.dma_semaphore, #tpu.memory_space<semaphore_mem>>) {add = true}
    }
    %scan3A_28 = arith.constant 10 : i32
    %dma_wait3A = arith.constant 0 : i32
    %dma_wait3A_29 = arith.constant 0 : i32
    %dma_wait3A_30 = tpu.memref_slice %arg7[%dma_wait3A, %dma_wait3A_29] : memref<40x128xi32, #tpu.memory_space<vmem>> -> memref<1x128xi32, #tpu.memory_space<vmem>>
    %dma_wait3A_31 = tpu.memref_squeeze %dma_wait3A_30 : memref<1x128xi32, #tpu.memory_space<vmem>> -> memref<128xi32, #tpu.memory_space<vmem>>
    %dma_wait3A_32 = arith.constant 0 : i32
    %dma_wait3A_33 = arith.constant 0 : i32
    %dma_wait3A_34 = tpu.memref_slice %arg13[%dma_wait3A_32, %dma_wait3A_33] : memref<10240x64xf32, #tpu.memory_space<vmem_shared>> -> memref<10240x64xf32, #tpu.memory_space<vmem_shared>>
    tpu.wait_indirect_dma semaphore(%arg18 : memref<!tpu.dma_semaphore, #tpu.memory_space<semaphore_mem>>) src(%arg8 : memref<128x64xf32, #tpu.memory_space<vmem>>) dst(%dma_wait3A_34 : memref<10240x64xf32, #tpu.memory_space<vmem_shared>>)
    %dma_wait3A_35 = arith.constant 1 : i32
    %dma_wait3A_36 = arith.constant 0 : i32
    %dma_wait3A_37 = tpu.memref_slice %arg7[%dma_wait3A_35, %dma_wait3A_36] : memref<40x128xi32, #tpu.memory_space<vmem>> -> memref<1x128xi32, #tpu.memory_space<vmem>>
    %dma_wait3A_38 = tpu.memref_squeeze %dma_wait3A_37 : memref<1x128xi32, #tpu.memory_space<vmem>> -> memref<128xi32, #tpu.memory_space<vmem>>
    %dma_wait3A_39 = arith.constant 0 : i32
    %dma_wait3A_40 = arith.constant 0 : i32
    %dma_wait3A_41 = tpu.memref_slice %arg13[%dma_wait3A_39, %dma_wait3A_40] : memref<10240x64xf32, #tpu.memory_space<vmem_shared>> -> memref<10240x64xf32, #tpu.memory_space<vmem_shared>>
    tpu.wait_indirect_dma semaphore(%arg19 : memref<!tpu.dma_semaphore, #tpu.memory_space<semaphore_mem>>) src(%arg9 : memref<128x64xf32, #tpu.memory_space<vmem>>) dst(%dma_wait3A_41 : memref<10240x64xf32, #tpu.memory_space<vmem_shared>>)
    %dma_wait3A_42 = arith.constant 2 : i32
    %dma_wait3A_43 = arith.constant 0 : i32
    %dma_wait3A_44 = tpu.memref_slice %arg7[%dma_wait3A_42, %dma_wait3A_43] : memref<40x128xi32, #tpu.memory_space<vmem>> -> memref<1x128xi32, #tpu.memory_space<vmem>>
    %dma_wait3A_45 = tpu.memref_squeeze %dma_wait3A_44 : memref<1x128xi32, #tpu.memory_space<vmem>> -> memref<128xi32, #tpu.memory_space<vmem>>
    %dma_wait3A_46 = arith.constant 0 : i32
    %dma_wait3A_47 = arith.constant 0 : i32
    %dma_wait3A_48 = tpu.memref_slice %arg13[%dma_wait3A_46, %dma_wait3A_47] : memref<10240x64xf32, #tpu.memory_space<vmem_shared>> -> memref<10240x64xf32, #tpu.memory_space<vmem_shared>>
    tpu.wait_indirect_dma semaphore(%arg20 : memref<!tpu.dma_semaphore, #tpu.memory_space<semaphore_mem>>) src(%arg10 : memref<128x64xf32, #tpu.memory_space<vmem>>) dst(%dma_wait3A_48 : memref<10240x64xf32, #tpu.memory_space<vmem_shared>>)
    %dma_wait3A_49 = arith.constant 3 : i32
    %dma_wait3A_50 = arith.constant 0 : i32
    %dma_wait3A_51 = tpu.memref_slice %arg7[%dma_wait3A_49, %dma_wait3A_50] : memref<40x128xi32, #tpu.memory_space<vmem>> -> memref<1x128xi32, #tpu.memory_space<vmem>>
    %dma_wait3A_52 = tpu.memref_squeeze %dma_wait3A_51 : memref<1x128xi32, #tpu.memory_space<vmem>> -> memref<128xi32, #tpu.memory_space<vmem>>
    %dma_wait3A_53 = arith.constant 0 : i32
    %dma_wait3A_54 = arith.constant 0 : i32
    %dma_wait3A_55 = tpu.memref_slice %arg13[%dma_wait3A_53, %dma_wait3A_54] : memref<10240x64xf32, #tpu.memory_space<vmem_shared>> -> memref<10240x64xf32, #tpu.memory_space<vmem_shared>>
    tpu.wait_indirect_dma semaphore(%arg21 : memref<!tpu.dma_semaphore, #tpu.memory_space<semaphore_mem>>) src(%arg11 : memref<128x64xf32, #tpu.memory_space<vmem>>) dst(%dma_wait3A_55 : memref<10240x64xf32, #tpu.memory_space<vmem_shared>>)
    %barrier3A_56 = arith.constant 0 : index
    tpu.barrier barrier_id(%barrier3A_56)
    %mul3A_57 = arith.constant 16 : i32
    %mul3A_58 = arith.muli %arg0, %mul3A_57 : i32
    %add3A_59 = arith.addi %mul3A_58, %arg1 : i32
    "tpu.region"() ({
      %run_scoped3A = tpu.sem_alloc : memref<!tpu.dma_semaphore, #tpu.memory_space<semaphore_mem>>
      %dma_start3A = arith.constant 0 : i32
      %dma_start3A_60 = arith.constant 0 : i32
      %dma_start3A_61 = tpu.memref_slice %arg5[%add3A_59, %dma_start3A, %dma_start3A_60] : memref<32x640x64xf32, #tpu.memory_space<hbm>> -> memref<1x640x64xf32, #tpu.memory_space<hbm>>
      %dma_start3A_62 = tpu.memref_squeeze %dma_start3A_61 : memref<1x640x64xf32, #tpu.memory_space<hbm>> -> memref<640x64xf32, #tpu.memory_space<hbm>>
      %dma_start3A_63 = arith.constant 0 : i32
      %dma_start3A_64 = tpu.memref_slice %arg13[%mul3A_2, %dma_start3A_63] : memref<10240x64xf32, #tpu.memory_space<vmem_shared>> -> memref<640x64xf32, #tpu.memory_space<vmem_shared>>
      tpu.enqueue_dma source(%dma_start3A_64 : memref<640x64xf32, #tpu.memory_space<vmem_shared>>) target(%dma_start3A_62 : memref<640x64xf32, #tpu.memory_space<hbm>>) target_semaphore(%run_scoped3A : memref<!tpu.dma_semaphore, #tpu.memory_space<semaphore_mem>>)
      %dma_wait3A_65 = arith.constant 0 : i32
      %dma_wait3A_66 = arith.constant 0 : i32
      %dma_wait3A_67 = tpu.memref_slice %arg5[%add3A_59, %dma_wait3A_65, %dma_wait3A_66] : memref<32x640x64xf32, #tpu.memory_space<hbm>> -> memref<1x640x64xf32, #tpu.memory_space<hbm>>
      %dma_wait3A_68 = tpu.memref_squeeze %dma_wait3A_67 : memref<1x640x64xf32, #tpu.memory_space<hbm>> -> memref<640x64xf32, #tpu.memory_space<hbm>>
      %dma_wait3A_69 = arith.constant 0 : i32
      %dma_wait3A_70 = tpu.memref_slice %arg13[%mul3A_2, %dma_wait3A_69] : memref<10240x64xf32, #tpu.memory_space<vmem_shared>> -> memref<640x64xf32, #tpu.memory_space<vmem_shared>>
      tpu.wait_dma2 semaphore(%run_scoped3A : memref<!tpu.dma_semaphore, #tpu.memory_space<semaphore_mem>>) src(%dma_wait3A_70 : memref<640x64xf32, #tpu.memory_space<vmem_shared>>) dst(%dma_wait3A_68 : memref<640x64xf32, #tpu.memory_space<hbm>>)
      tpu.yield
    }) : () -> ()
    return
  }
}

module attributes {stable_mosaic.version = 14 : i64} {
  func.func @_prep1_body(%arg0: i32, %arg1: memref<1x640x16xf32, #tpu.memory_space<vmem>>, %arg2: memref<1x640x16xf32, #tpu.memory_space<vmem>>, %arg3: memref<640x128xf32, #tpu.memory_space<vmem>>, %arg4: memref<128x64xf32, #tpu.memory_space<vmem>>, %arg5: memref<640x1xf32, #tpu.memory_space<vmem>>, %arg6: memref<640x64xf32, #tpu.memory_space<vmem>>) attributes {dimension_semantics = [#tpu.dimension_semantics<arbitrary>], iteration_bounds = array<i64: 16>, scalar_prefetch = 0 : i64, scratch_operands = 0 : i64, tpu.core_type = #tpu.core_type<tc>, window_params = [{transform_indices = @transform_0, window_bounds = array<i64: 1, 640, 16>}, {transform_indices = @transform_1, window_bounds = array<i64: 1, 640, 16>}, {transform_indices = @transform_2, window_bounds = array<i64: 640, 128>}, {pipeline_mode = #tpu.pipeline_mode<synchronous>, transform_indices = @transform_3, window_bounds = array<i64: 128, 64>}, {transform_indices = @transform_4, window_bounds = array<i64: 640, 1>}, {transform_indices = @transform_5, window_bounds = array<i64: 640, 64>}]} {
    %get3A = arith.constant 0 : index
    %get3A_0 = arith.constant 0 : index
    %get3A_1 = arith.constant 0 : index
    %get3A_2 = vector.load %arg1[%get3A, %get3A_0, %get3A_1] : memref<1x640x16xf32, #tpu.memory_space<vmem>>, vector<1x640x1xf32>
    %get3A_3 = vector.shape_cast %get3A_2 : vector<1x640x1xf32> to vector<640x1xf32>
    %get3A_4 = arith.constant 0 : index
    %get3A_5 = arith.constant 0 : index
    %get3A_6 = arith.constant 0 : index
    %get3A_7 = vector.load %arg2[%get3A_4, %get3A_5, %get3A_6] : memref<1x640x16xf32, #tpu.memory_space<vmem>>, vector<1x640x1xf32>
    %get3A_8 = vector.shape_cast %get3A_7 : vector<1x640x1xf32> to vector<640x1xf32>
    %add3A = arith.addf %get3A_3, %get3A_8 : vector<640x1xf32>
    %add3A_9 = arith.constant 1.000000e+00 : f32
    %add3A_10 = vector.broadcast %add3A_9 : f32 to vector<640x1xf32>
    %add3A_11 = arith.addf %add3A, %add3A_10 : vector<640x1xf32>
    %rsqrt3A = math.rsqrt %add3A_11 : vector<640x1xf32>
    %swap3A = arith.constant 0 : index
    %swap3A_12 = arith.constant 0 : index
    %swap3A_13 = vector.load %arg5[%swap3A, %swap3A_12] : memref<640x1xf32, #tpu.memory_space<vmem>>, vector<640x1xf32>
    tpu.vector_store %arg5[%swap3A, %swap3A_12], %rsqrt3A {strides = array<i32>} : memref<640x1xf32, #tpu.memory_space<vmem>>, vector<640x1xf32>,
    %get3A_14 = arith.constant 0 : index
    %get3A_15 = arith.constant 0 : index
    %get3A_16 = vector.load %arg3[%get3A_14, %get3A_15] : memref<640x128xf32, #tpu.memory_space<vmem>>, vector<640x128xf32>
    %get3A_17 = arith.constant 0 : index
    %get3A_18 = arith.constant 0 : index
    %get3A_19 = vector.load %arg4[%get3A_17, %get3A_18] : memref<128x64xf32, #tpu.memory_space<vmem>>, vector<128x64xf32>
    %dot_general3A = arith.constant dense<0.000000e+00> : vector<640x64xf32>
    %dot_general3A_20 = tpu.matmul %get3A_16, %get3A_19, %dot_general3A {dimension_numbers = #tpu.dot_dimension_numbers<[1], [0], [0], [1], [0, 0, 1, 1], [], []>, transpose_lhs_hint = false} : vector<640x128xf32>, vector<128x64xf32>, vector<640x64xf32> -> vector<640x64xf32>
    %mul3A = vector.broadcast %rsqrt3A : vector<640x1xf32> to vector<640x64xf32>
    %mul3A_21 = arith.mulf %dot_general3A_20, %mul3A : vector<640x64xf32>
    %swap3A_22 = arith.constant 0 : index
    %swap3A_23 = arith.constant 0 : index
    %swap3A_24 = vector.load %arg6[%swap3A_22, %swap3A_23] : memref<640x64xf32, #tpu.memory_space<vmem>>, vector<640x64xf32>
    tpu.vector_store %arg6[%swap3A_22, %swap3A_23], %mul3A_21 {strides = array<i32>} : memref<640x64xf32, #tpu.memory_space<vmem>>, vector<640x64xf32>,
    return
  }
  func.func @transform_0(%arg0: i32) -> (i32, i32, i32) {
    %c0_i32 = arith.constant 0 : i32
    %c0_i32_0 = arith.constant 0 : i32
    %c0_i32_1 = arith.constant 0 : i32
    return %arg0, %c0_i32, %c0_i32_0 : i32, i32, i32
  }
  func.func @transform_1(%arg0: i32) -> (i32, i32, i32) {
    %add3A = arith.constant 16 : i32
    %add3A_0 = arith.addi %add3A, %arg0 : i32
    %c0_i32 = arith.constant 0 : i32
    %c0_i32_1 = arith.constant 0 : i32
    %c0_i32_2 = arith.constant 0 : i32
    return %add3A_0, %c0_i32, %c0_i32_1 : i32, i32, i32
  }
  func.func @transform_2(%arg0: i32) -> (i32, i32) {
    %c0_i32 = arith.constant 0 : i32
    %c0_i32_0 = arith.constant 0 : i32
    return %arg0, %c0_i32 : i32, i32
  }
  func.func @transform_3(%arg0: i32) -> (i32, i32) {
    %c0_i32 = arith.constant 0 : i32
    %c0_i32_0 = arith.constant 0 : i32
    %c0_i32_1 = arith.constant 0 : i32
    return %c0_i32, %c0_i32_0 : i32, i32
  }
  func.func @transform_4(%arg0: i32) -> (i32, i32) {
    %c0_i32 = arith.constant 0 : i32
    %c0_i32_0 = arith.constant 0 : i32
    return %arg0, %c0_i32 : i32, i32
  }
  func.func @transform_5(%arg0: i32) -> (i32, i32) {
    %c0_i32 = arith.constant 0 : i32
    %c0_i32_0 = arith.constant 0 : i32
    return %arg0, %c0_i32 : i32, i32
  }
}

module attributes {stable_mosaic.version = 14 : i64} {
  func.func @_post1_body(%arg0: i32, %arg1: memref<1x640x64xf32, #tpu.memory_space<vmem>>, %arg2: memref<1x640x64xf32, #tpu.memory_space<vmem>>, %arg3: memref<640x64xf32, #tpu.memory_space<vmem>>, %arg4: memref<640x1xf32, #tpu.memory_space<vmem>>, %arg5: memref<1x64xf32, #tpu.memory_space<vmem>>, %arg6: memref<64x64xf32, #tpu.memory_space<vmem>>, %arg7: memref<640x64xf32, #tpu.memory_space<vmem>>) attributes {dimension_semantics = [#tpu.dimension_semantics<arbitrary>], iteration_bounds = array<i64: 16>, scalar_prefetch = 0 : i64, scratch_operands = 0 : i64, tpu.core_type = #tpu.core_type<tc>, window_params = [{transform_indices = @transform_0, window_bounds = array<i64: 1, 640, 64>}, {transform_indices = @transform_1, window_bounds = array<i64: 1, 640, 64>}, {transform_indices = @transform_2, window_bounds = array<i64: 640, 64>}, {transform_indices = @transform_3, window_bounds = array<i64: 640, 1>}, {pipeline_mode = #tpu.pipeline_mode<synchronous>, transform_indices = @transform_4, window_bounds = array<i64: 1, 64>}, {pipeline_mode = #tpu.pipeline_mode<synchronous>, transform_indices = @transform_5, window_bounds = array<i64: 64, 64>}, {transform_indices = @transform_6, window_bounds = array<i64: 640, 64>}]} {
    %get3A = arith.constant 0 : index
    %get3A_0 = arith.constant 0 : index
    %get3A_1 = vector.load %arg4[%get3A, %get3A_0] : memref<640x1xf32, #tpu.memory_space<vmem>>, vector<640x1xf32>
    %get3A_2 = arith.constant 0 : index
    %get3A_3 = arith.constant 0 : index
    %get3A_4 = arith.constant 0 : index
    %get3A_5 = vector.load %arg1[%get3A_2, %get3A_3, %get3A_4] : memref<1x640x64xf32, #tpu.memory_space<vmem>>, vector<1x640x64xf32>
    %get3A_6 = vector.shape_cast %get3A_5 : vector<1x640x64xf32> to vector<640x64xf32>
    %get3A_7 = arith.constant 0 : index
    %get3A_8 = arith.constant 0 : index
    %get3A_9 = arith.constant 0 : index
    %get3A_10 = vector.load %arg2[%get3A_7, %get3A_8, %get3A_9] : memref<1x640x64xf32, #tpu.memory_space<vmem>>, vector<1x640x64xf32>
    %get3A_11 = vector.shape_cast %get3A_10 : vector<1x640x64xf32> to vector<640x64xf32>
    %add3A = arith.addf %get3A_6, %get3A_11 : vector<640x64xf32>
    %get3A_12 = arith.constant 0 : index
    %get3A_13 = arith.constant 0 : index
    %get3A_14 = vector.load %arg3[%get3A_12, %get3A_13] : memref<640x64xf32, #tpu.memory_space<vmem>>, vector<640x64xf32>
    %add3A_15 = arith.addf %add3A, %get3A_14 : vector<640x64xf32>
    %mul3A = vector.broadcast %get3A_1 : vector<640x1xf32> to vector<640x64xf32>
    %mul3A_16 = arith.mulf %add3A_15, %mul3A : vector<640x64xf32>
    %get3A_17 = arith.constant 0 : index
    %get3A_18 = arith.constant 0 : index
    %get3A_19 = vector.load %arg5[%get3A_17, %get3A_18] : memref<1x64xf32, #tpu.memory_space<vmem>>, vector<1x64xf32>
    %add3A_20 = vector.broadcast %get3A_19 : vector<1x64xf32> to vector<640x64xf32>
    %add3A_21 = arith.addf %mul3A_16, %add3A_20 : vector<640x64xf32>
    %max3A = arith.constant 0.000000e+00 : f32
    %max3A_22 = vector.broadcast %max3A : f32 to vector<640x64xf32>
    %max3A_23 = arith.maximumf %add3A_21, %max3A_22 : vector<640x64xf32>
    %mul3A_24 = arith.constant 640 : i32
    %mul3A_25 = arith.muli %arg0, %mul3A_24 : i32
    %iota3A = tpu.iota {dimensions = array<i32: 0>} : vector<640x1xi32>
    %add3A_26 = vector.broadcast %mul3A_25 : i32 to vector<640x1xi32>
    %add3A_27 = arith.addi %add3A_26, %iota3A : vector<640x1xi32>
    %lt3A = arith.constant 10000 : i32
    %lt3A_28 = vector.broadcast %lt3A : i32 to vector<640x1xi32>
    %lt3A_29 = arith.cmpi slt, %add3A_27, %lt3A_28 : vector<640x1xi32>
    %jit3A = arith.constant 0.000000e+00 : f32
    %broadcast_in_dim3A = vector.shape_cast %lt3A_29 : vector<640x1xi1> to vector<640x1xi1>
    %broadcast_in_dim3A_30 = vector.broadcast %broadcast_in_dim3A : vector<640x1xi1> to vector<640x64xi1>
    %broadcast_in_dim3A_31 = vector.broadcast %jit3A : f32 to vector<640x64xf32>
    %select_n3A = arith.select %broadcast_in_dim3A_30, %max3A_23, %broadcast_in_dim3A_31 : vector<640x64xi1>, vector<640x64xf32>
    %get3A_32 = arith.constant 0 : index
    %get3A_33 = arith.constant 0 : index
    %get3A_34 = vector.load %arg6[%get3A_32, %get3A_33] : memref<64x64xf32, #tpu.memory_space<vmem>>, vector<64x64xf32>
    %dot_general3A = arith.constant dense<0.000000e+00> : vector<640x64xf32>
    %dot_general3A_35 = tpu.matmul %select_n3A, %get3A_34, %dot_general3A {dimension_numbers = #tpu.dot_dimension_numbers<[1], [0], [0], [1], [0, 0, 1, 1], [], []>, transpose_lhs_hint = false} : vector<640x64xf32>, vector<64x64xf32>, vector<640x64xf32> -> vector<640x64xf32>
    %mul3A_36 = vector.broadcast %get3A_1 : vector<640x1xf32> to vector<640x64xf32>
    %mul3A_37 = arith.mulf %dot_general3A_35, %mul3A_36 : vector<640x64xf32>
    %swap3A = arith.constant 0 : index
    %swap3A_38 = arith.constant 0 : index
    %swap3A_39 = vector.load %arg7[%swap3A, %swap3A_38] : memref<640x64xf32, #tpu.memory_space<vmem>>, vector<640x64xf32>
    tpu.vector_store %arg7[%swap3A, %swap3A_38], %mul3A_37 {strides = array<i32>} : memref<640x64xf32, #tpu.memory_space<vmem>>, vector<640x64xf32>,
    return
  }
  func.func @transform_0(%arg0: i32) -> (i32, i32, i32) {
    %c0_i32 = arith.constant 0 : i32
    %c0_i32_0 = arith.constant 0 : i32
    %c0_i32_1 = arith.constant 0 : i32
    return %arg0, %c0_i32, %c0_i32_0 : i32, i32, i32
  }
  func.func @transform_1(%arg0: i32) -> (i32, i32, i32) {
    %add3A = arith.constant 16 : i32
    %add3A_0 = arith.addi %add3A, %arg0 : i32
    %c0_i32 = arith.constant 0 : i32
    %c0_i32_1 = arith.constant 0 : i32
    %c0_i32_2 = arith.constant 0 : i32
    return %add3A_0, %c0_i32, %c0_i32_1 : i32, i32, i32
  }
  func.func @transform_2(%arg0: i32) -> (i32, i32) {
    %c0_i32 = arith.constant 0 : i32
    %c0_i32_0 = arith.constant 0 : i32
    return %arg0, %c0_i32 : i32, i32
  }
  func.func @transform_3(%arg0: i32) -> (i32, i32) {
    %c0_i32 = arith.constant 0 : i32
    %c0_i32_0 = arith.constant 0 : i32
    return %arg0, %c0_i32 : i32, i32
  }
  func.func @transform_4(%arg0: i32) -> (i32, i32) {
    %c0_i32 = arith.constant 0 : i32
    %c0_i32_0 = arith.constant 0 : i32
    %c0_i32_1 = arith.constant 0 : i32
    return %c0_i32, %c0_i32_0 : i32, i32
  }
  func.func @transform_5(%arg0: i32) -> (i32, i32) {
    %c0_i32 = arith.constant 0 : i32
    %c0_i32_0 = arith.constant 0 : i32
    %c0_i32_1 = arith.constant 0 : i32
    return %c0_i32, %c0_i32_0 : i32, i32
  }
  func.func @transform_6(%arg0: i32) -> (i32, i32) {
    %c0_i32 = arith.constant 0 : i32
    %c0_i32_0 = arith.constant 0 : i32
    return %arg0, %c0_i32 : i32, i32
  }
}

module attributes {stable_mosaic.version = 14 : i64} {
  func.func @_post2_body(%arg0: i32, %arg1: memref<1x640x64xf32, #tpu.memory_space<vmem>>, %arg2: memref<1x640x64xf32, #tpu.memory_space<vmem>>, %arg3: memref<640x64xf32, #tpu.memory_space<vmem>>, %arg4: memref<640x1xf32, #tpu.memory_space<vmem>>, %arg5: memref<1x64xf32, #tpu.memory_space<vmem>>, %arg6: memref<640x64xf32, #tpu.memory_space<vmem>>, %arg7: memref<640x32xf32, #tpu.memory_space<vmem>>) attributes {dimension_semantics = [#tpu.dimension_semantics<arbitrary>], iteration_bounds = array<i64: 16>, scalar_prefetch = 0 : i64, scratch_operands = 0 : i64, tpu.core_type = #tpu.core_type<tc>, window_params = [{transform_indices = @transform_0, window_bounds = array<i64: 1, 640, 64>}, {transform_indices = @transform_1, window_bounds = array<i64: 1, 640, 64>}, {transform_indices = @transform_2, window_bounds = array<i64: 640, 64>}, {transform_indices = @transform_3, window_bounds = array<i64: 640, 1>}, {pipeline_mode = #tpu.pipeline_mode<synchronous>, transform_indices = @transform_4, window_bounds = array<i64: 1, 64>}, {transform_indices = @transform_5, window_bounds = array<i64: 640, 64>}, {transform_indices = @transform_6, window_bounds = array<i64: 640, 32>}]} {
    %get3A = arith.constant 0 : index
    %get3A_0 = arith.constant 0 : index
    %get3A_1 = vector.load %arg4[%get3A, %get3A_0] : memref<640x1xf32, #tpu.memory_space<vmem>>, vector<640x1xf32>
    %get3A_2 = arith.constant 0 : index
    %get3A_3 = arith.constant 0 : index
    %get3A_4 = arith.constant 0 : index
    %get3A_5 = vector.load %arg1[%get3A_2, %get3A_3, %get3A_4] : memref<1x640x64xf32, #tpu.memory_space<vmem>>, vector<1x640x64xf32>
    %get3A_6 = vector.shape_cast %get3A_5 : vector<1x640x64xf32> to vector<640x64xf32>
    %get3A_7 = arith.constant 0 : index
    %get3A_8 = arith.constant 0 : index
    %get3A_9 = arith.constant 0 : index
    %get3A_10 = vector.load %arg2[%get3A_7, %get3A_8, %get3A_9] : memref<1x640x64xf32, #tpu.memory_space<vmem>>, vector<1x640x64xf32>
    %get3A_11 = vector.shape_cast %get3A_10 : vector<1x640x64xf32> to vector<640x64xf32>
    %add3A = arith.addf %get3A_6, %get3A_11 : vector<640x64xf32>
    %get3A_12 = arith.constant 0 : index
    %get3A_13 = arith.constant 0 : index
    %get3A_14 = vector.load %arg3[%get3A_12, %get3A_13] : memref<640x64xf32, #tpu.memory_space<vmem>>, vector<640x64xf32>
    %add3A_15 = arith.addf %add3A, %get3A_14 : vector<640x64xf32>
    %mul3A = vector.broadcast %get3A_1 : vector<640x1xf32> to vector<640x64xf32>
    %mul3A_16 = arith.mulf %add3A_15, %mul3A : vector<640x64xf32>
    %get3A_17 = arith.constant 0 : index
    %get3A_18 = arith.constant 0 : index
    %get3A_19 = vector.load %arg5[%get3A_17, %get3A_18] : memref<1x64xf32, #tpu.memory_space<vmem>>, vector<1x64xf32>
    %add3A_20 = vector.broadcast %get3A_19 : vector<1x64xf32> to vector<640x64xf32>
    %add3A_21 = arith.addf %mul3A_16, %add3A_20 : vector<640x64xf32>
    %mul3A_22 = arith.constant 640 : i32
    %mul3A_23 = arith.muli %arg0, %mul3A_22 : i32
    %iota3A = tpu.iota {dimensions = array<i32: 0>} : vector<640x1xi32>
    %add3A_24 = vector.broadcast %mul3A_23 : i32 to vector<640x1xi32>
    %add3A_25 = arith.addi %add3A_24, %iota3A : vector<640x1xi32>
    %lt3A = arith.constant 10000 : i32
    %lt3A_26 = vector.broadcast %lt3A : i32 to vector<640x1xi32>
    %lt3A_27 = arith.cmpi slt, %add3A_25, %lt3A_26 : vector<640x1xi32>
    %jit3A = arith.constant 0.000000e+00 : f32
    %broadcast_in_dim3A = vector.shape_cast %lt3A_27 : vector<640x1xi1> to vector<640x1xi1>
    %broadcast_in_dim3A_28 = vector.broadcast %broadcast_in_dim3A : vector<640x1xi1> to vector<640x64xi1>
    %broadcast_in_dim3A_29 = vector.broadcast %jit3A : f32 to vector<640x64xf32>
    %select_n3A = arith.select %broadcast_in_dim3A_28, %add3A_21, %broadcast_in_dim3A_29 : vector<640x64xi1>, vector<640x64xf32>
    %swap3A = arith.constant 0 : index
    %swap3A_30 = arith.constant 0 : index
    %swap3A_31 = vector.load %arg6[%swap3A, %swap3A_30] : memref<640x64xf32, #tpu.memory_space<vmem>>, vector<640x64xf32>
    tpu.vector_store %arg6[%swap3A, %swap3A_30], %select_n3A {strides = array<i32>} : memref<640x64xf32, #tpu.memory_space<vmem>>, vector<640x64xf32>,
    %slice3A = vector.extract_strided_slice %select_n3A {offsets = [0, 0], sizes = [640, 32], strides = [1, 1]} : vector<640x64xf32> to vector<640x32xf32>
    %mul3A_32 = vector.broadcast %get3A_1 : vector<640x1xf32> to vector<640x32xf32>
    %mul3A_33 = arith.mulf %slice3A, %mul3A_32 : vector<640x32xf32>
    %swap3A_34 = arith.constant 0 : index
    %swap3A_35 = arith.constant 0 : index
    %swap3A_36 = vector.load %arg7[%swap3A_34, %swap3A_35] : memref<640x32xf32, #tpu.memory_space<vmem>>, vector<640x32xf32>
    tpu.vector_store %arg7[%swap3A_34, %swap3A_35], %mul3A_33 {strides = array<i32>} : memref<640x32xf32, #tpu.memory_space<vmem>>, vector<640x32xf32>,
    return
  }
  func.func @transform_0(%arg0: i32) -> (i32, i32, i32) {
    %c0_i32 = arith.constant 0 : i32
    %c0_i32_0 = arith.constant 0 : i32
    %c0_i32_1 = arith.constant 0 : i32
    return %arg0, %c0_i32, %c0_i32_0 : i32, i32, i32
  }
  func.func @transform_1(%arg0: i32) -> (i32, i32, i32) {
    %add3A = arith.constant 16 : i32
    %add3A_0 = arith.addi %add3A, %arg0 : i32
    %c0_i32 = arith.constant 0 : i32
    %c0_i32_1 = arith.constant 0 : i32
    %c0_i32_2 = arith.constant 0 : i32
    return %add3A_0, %c0_i32, %c0_i32_1 : i32, i32, i32
  }
  func.func @transform_2(%arg0: i32) -> (i32, i32) {
    %c0_i32 = arith.constant 0 : i32
    %c0_i32_0 = arith.constant 0 : i32
    return %arg0, %c0_i32 : i32, i32
  }
  func.func @transform_3(%arg0: i32) -> (i32, i32) {
    %c0_i32 = arith.constant 0 : i32
    %c0_i32_0 = arith.constant 0 : i32
    return %arg0, %c0_i32 : i32, i32
  }
  func.func @transform_4(%arg0: i32) -> (i32, i32) {
    %c0_i32 = arith.constant 0 : i32
    %c0_i32_0 = arith.constant 0 : i32
    %c0_i32_1 = arith.constant 0 : i32
    return %c0_i32, %c0_i32_0 : i32, i32
  }
  func.func @transform_5(%arg0: i32) -> (i32, i32) {
    %c0_i32 = arith.constant 0 : i32
    %c0_i32_0 = arith.constant 0 : i32
    return %arg0, %c0_i32 : i32, i32
  }
  func.func @transform_6(%arg0: i32) -> (i32, i32) {
    %c0_i32 = arith.constant 0 : i32
    %c0_i32_0 = arith.constant 0 : i32
    return %arg0, %c0_i32 : i32, i32
  }
}

module attributes {stable_mosaic.version = 14 : i64} {
  func.func @_post3_body(%arg0: i32, %arg1: memref<1x640x32xf32, #tpu.memory_space<vmem>>, %arg2: memref<1x640x32xf32, #tpu.memory_space<vmem>>, %arg3: memref<640x32xf32, #tpu.memory_space<vmem>>, %arg4: memref<640x1xf32, #tpu.memory_space<vmem>>, %arg5: memref<1x64xf32, #tpu.memory_space<vmem>>, %arg6: memref<32x64xf32, #tpu.memory_space<vmem>>, %arg7: memref<640x64xf32, #tpu.memory_space<vmem>>) attributes {dimension_semantics = [#tpu.dimension_semantics<arbitrary>], iteration_bounds = array<i64: 16>, scalar_prefetch = 0 : i64, scratch_operands = 0 : i64, tpu.core_type = #tpu.core_type<tc>, window_params = [{transform_indices = @transform_0, window_bounds = array<i64: 1, 640, 32>}, {transform_indices = @transform_1, window_bounds = array<i64: 1, 640, 32>}, {transform_indices = @transform_2, window_bounds = array<i64: 640, 32>}, {transform_indices = @transform_3, window_bounds = array<i64: 640, 1>}, {pipeline_mode = #tpu.pipeline_mode<synchronous>, transform_indices = @transform_4, window_bounds = array<i64: 1, 64>}, {pipeline_mode = #tpu.pipeline_mode<synchronous>, transform_indices = @transform_5, window_bounds = array<i64: 32, 64>}, {transform_indices = @transform_6, window_bounds = array<i64: 640, 64>}]} {
    %get3A = arith.constant 0 : index
    %get3A_0 = arith.constant 0 : index
    %get3A_1 = vector.load %arg4[%get3A, %get3A_0] : memref<640x1xf32, #tpu.memory_space<vmem>>, vector<640x1xf32>
    %get3A_2 = arith.constant 0 : index
    %get3A_3 = arith.constant 0 : index
    %get3A_4 = arith.constant 0 : index
    %get3A_5 = vector.load %arg1[%get3A_2, %get3A_3, %get3A_4] : memref<1x640x32xf32, #tpu.memory_space<vmem>>, vector<1x640x32xf32>
    %get3A_6 = vector.shape_cast %get3A_5 : vector<1x640x32xf32> to vector<640x32xf32>
    %get3A_7 = arith.constant 0 : index
    %get3A_8 = arith.constant 0 : index
    %get3A_9 = arith.constant 0 : index
    %get3A_10 = vector.load %arg2[%get3A_7, %get3A_8, %get3A_9] : memref<1x640x32xf32, #tpu.memory_space<vmem>>, vector<1x640x32xf32>
    %get3A_11 = vector.shape_cast %get3A_10 : vector<1x640x32xf32> to vector<640x32xf32>
    %add3A = arith.addf %get3A_6, %get3A_11 : vector<640x32xf32>
    %get3A_12 = arith.constant 0 : index
    %get3A_13 = arith.constant 0 : index
    %get3A_14 = vector.load %arg3[%get3A_12, %get3A_13] : memref<640x32xf32, #tpu.memory_space<vmem>>, vector<640x32xf32>
    %add3A_15 = arith.addf %add3A, %get3A_14 : vector<640x32xf32>
    %mul3A = vector.broadcast %get3A_1 : vector<640x1xf32> to vector<640x32xf32>
    %mul3A_16 = arith.mulf %add3A_15, %mul3A : vector<640x32xf32>
    %get3A_17 = arith.constant 0 : index
    %get3A_18 = arith.constant 0 : index
    %get3A_19 = vector.load %arg6[%get3A_17, %get3A_18] : memref<32x64xf32, #tpu.memory_space<vmem>>, vector<32x64xf32>
    %dot_general3A = arith.constant dense<0.000000e+00> : vector<640x64xf32>
    %dot_general3A_20 = tpu.matmul %mul3A_16, %get3A_19, %dot_general3A {dimension_numbers = #tpu.dot_dimension_numbers<[1], [0], [0], [1], [0, 0, 1, 1], [], []>, transpose_lhs_hint = false} : vector<640x32xf32>, vector<32x64xf32>, vector<640x64xf32> -> vector<640x64xf32>
    %get3A_21 = arith.constant 0 : index
    %get3A_22 = arith.constant 0 : index
    %get3A_23 = vector.load %arg5[%get3A_21, %get3A_22] : memref<1x64xf32, #tpu.memory_space<vmem>>, vector<1x64xf32>
    %add3A_24 = vector.broadcast %get3A_23 : vector<1x64xf32> to vector<640x64xf32>
    %add3A_25 = arith.addf %dot_general3A_20, %add3A_24 : vector<640x64xf32>
    %max3A = arith.constant 0.000000e+00 : f32
    %max3A_26 = vector.broadcast %max3A : f32 to vector<640x64xf32>
    %max3A_27 = arith.maximumf %add3A_25, %max3A_26 : vector<640x64xf32>
    %mul3A_28 = arith.constant 640 : i32
    %mul3A_29 = arith.muli %arg0, %mul3A_28 : i32
    %iota3A = tpu.iota {dimensions = array<i32: 0>} : vector<640x1xi32>
    %add3A_30 = vector.broadcast %mul3A_29 : i32 to vector<640x1xi32>
    %add3A_31 = arith.addi %add3A_30, %iota3A : vector<640x1xi32>
    %lt3A = arith.constant 10000 : i32
    %lt3A_32 = vector.broadcast %lt3A : i32 to vector<640x1xi32>
    %lt3A_33 = arith.cmpi slt, %add3A_31, %lt3A_32 : vector<640x1xi32>
    %jit3A = arith.constant 0.000000e+00 : f32
    %broadcast_in_dim3A = vector.shape_cast %lt3A_33 : vector<640x1xi1> to vector<640x1xi1>
    %broadcast_in_dim3A_34 = vector.broadcast %broadcast_in_dim3A : vector<640x1xi1> to vector<640x64xi1>
    %broadcast_in_dim3A_35 = vector.broadcast %jit3A : f32 to vector<640x64xf32>
    %select_n3A = arith.select %broadcast_in_dim3A_34, %max3A_27, %broadcast_in_dim3A_35 : vector<640x64xi1>, vector<640x64xf32>
    %mul3A_36 = vector.broadcast %get3A_1 : vector<640x1xf32> to vector<640x64xf32>
    %mul3A_37 = arith.mulf %select_n3A, %mul3A_36 : vector<640x64xf32>
    %swap3A = arith.constant 0 : index
    %swap3A_38 = arith.constant 0 : index
    %swap3A_39 = vector.load %arg7[%swap3A, %swap3A_38] : memref<640x64xf32, #tpu.memory_space<vmem>>, vector<640x64xf32>
    tpu.vector_store %arg7[%swap3A, %swap3A_38], %mul3A_37 {strides = array<i32>} : memref<640x64xf32, #tpu.memory_space<vmem>>, vector<640x64xf32>,
    return
  }
  func.func @transform_0(%arg0: i32) -> (i32, i32, i32) {
    %c0_i32 = arith.constant 0 : i32
    %c0_i32_0 = arith.constant 0 : i32
    %c0_i32_1 = arith.constant 0 : i32
    return %arg0, %c0_i32, %c0_i32_0 : i32, i32, i32
  }
  func.func @transform_1(%arg0: i32) -> (i32, i32, i32) {
    %add3A = arith.constant 16 : i32
    %add3A_0 = arith.addi %add3A, %arg0 : i32
    %c0_i32 = arith.constant 0 : i32
    %c0_i32_1 = arith.constant 0 : i32
    %c0_i32_2 = arith.constant 0 : i32
    return %add3A_0, %c0_i32, %c0_i32_1 : i32, i32, i32
  }
  func.func @transform_2(%arg0: i32) -> (i32, i32) {
    %c0_i32 = arith.constant 0 : i32
    %c0_i32_0 = arith.constant 0 : i32
    return %arg0, %c0_i32 : i32, i32
  }
  func.func @transform_3(%arg0: i32) -> (i32, i32) {
    %c0_i32 = arith.constant 0 : i32
    %c0_i32_0 = arith.constant 0 : i32
    return %arg0, %c0_i32 : i32, i32
  }
  func.func @transform_4(%arg0: i32) -> (i32, i32) {
    %c0_i32 = arith.constant 0 : i32
    %c0_i32_0 = arith.constant 0 : i32
    %c0_i32_1 = arith.constant 0 : i32
    return %c0_i32, %c0_i32_0 : i32, i32
  }
  func.func @transform_5(%arg0: i32) -> (i32, i32) {
    %c0_i32 = arith.constant 0 : i32
    %c0_i32_0 = arith.constant 0 : i32
    %c0_i32_1 = arith.constant 0 : i32
    return %c0_i32, %c0_i32_0 : i32, i32
  }
  func.func @transform_6(%arg0: i32) -> (i32, i32) {
    %c0_i32 = arith.constant 0 : i32
    %c0_i32_0 = arith.constant 0 : i32
    return %arg0, %c0_i32 : i32, i32
  }
}

module attributes {stable_mosaic.version = 14 : i64} {
  func.func @_decode_body(%arg0: i32, %arg1: i32, %arg2: memref<512x64xf32, #tpu.memory_space<vmem>>, %arg3: memref<512x64xf32, #tpu.memory_space<vmem>>, %arg4: memref<512x512xf32, #tpu.memory_space<vmem>>) attributes {dimension_semantics = [#tpu.dimension_semantics<arbitrary>, #tpu.dimension_semantics<arbitrary>], iteration_bounds = array<i64: 5, 20>, scalar_prefetch = 0 : i64, scratch_operands = 0 : i64, tpu.core_type = #tpu.core_type<tc>, window_params = [{transform_indices = @transform_0, window_bounds = array<i64: 512, 64>}, {transform_indices = @transform_1, window_bounds = array<i64: 512, 64>}, {transform_indices = @transform_2, window_bounds = array<i64: 512, 512>}]} {
    %get3A = arith.constant 0 : index
    %get3A_0 = arith.constant 0 : index
    %get3A_1 = vector.load %arg2[%get3A, %get3A_0] : memref<512x64xf32, #tpu.memory_space<vmem>>, vector<512x32xf32>
    %get3A_2 = arith.constant 0 : index
    %get3A_3 = arith.constant 0 : index
    %get3A_4 = vector.load %arg3[%get3A_2, %get3A_3] : memref<512x64xf32, #tpu.memory_space<vmem>>, vector<512x32xf32>
    %dot_general3A = arith.constant dense<0.000000e+00> : vector<512x512xf32>
    %dot_general3A_5 = tpu.matmul %get3A_1, %get3A_4, %dot_general3A {dimension_numbers = #tpu.dot_dimension_numbers<[1], [1], [0], [0], [0, 0, 1, 0], [], []>, transpose_lhs_hint = false} : vector<512x32xf32>, vector<512x32xf32>, vector<512x512xf32> -> vector<512x512xf32>
    %logistic3A = arith.negf %dot_general3A_5 : vector<512x512xf32>
    %logistic3A_6 = math.exp %logistic3A : vector<512x512xf32>
    %logistic3A_7 = arith.constant 1.000000e+00 : f32
    %logistic3A_8 = vector.broadcast %logistic3A_7 : f32 to vector<512x512xf32>
    %logistic3A_9 = arith.addf %logistic3A_8, %logistic3A_6 : vector<512x512xf32>
    %logistic3A_10 = arith.divf %logistic3A_8, %logistic3A_9 : vector<512x512xf32>
    %swap3A = arith.constant 0 : index
    %swap3A_11 = arith.constant 0 : index
    %swap3A_12 = vector.load %arg4[%swap3A, %swap3A_11] : memref<512x512xf32, #tpu.memory_space<vmem>>, vector<512x512xf32>
    tpu.vector_store %arg4[%swap3A, %swap3A_11], %logistic3A_10 {strides = array<i32>} : memref<512x512xf32, #tpu.memory_space<vmem>>, vector<512x512xf32>,
    return
  }
  func.func @transform_0(%arg0: i32, %arg1: i32) -> (i32, i32) {
    %add3A = arith.constant 0 : i32
    %add3A_0 = arith.addi %add3A, %arg0 : i32
    %c0_i32 = arith.constant 0 : i32
    %c0_i32_1 = arith.constant 0 : i32
    return %add3A_0, %c0_i32 : i32, i32
  }
  func.func @transform_1(%arg0: i32, %arg1: i32) -> (i32, i32) {
    %c0_i32 = arith.constant 0 : i32
    %c0_i32_0 = arith.constant 0 : i32
    return %arg1, %c0_i32 : i32, i32
  }
  func.func @transform_2(%arg0: i32, %arg1: i32) -> (i32, i32) {
    %add3A = arith.constant 0 : i32
    %add3A_0 = arith.addi %add3A, %arg0 : i32
    %c0_i32 = arith.constant 0 : i32
    return %add3A_0, %arg1 : i32, i32
  }
}

module attributes {stable_mosaic.version = 14 : i64} {
  func.func @_decode_stripe_body(%arg0: i32, %arg1: i32, %arg2: memref<512x64xf32, #tpu.memory_space<vmem>>, %arg3: memref<512x64xf32, #tpu.memory_space<vmem>>, %arg4: memref<10000x10000xf32, #tpu.memory_space<any>>, %arg5: memref<512x512xf32, #tpu.memory_space<vmem>>) attributes {dimension_semantics = [#tpu.dimension_semantics<arbitrary>, #tpu.dimension_semantics<arbitrary>], iteration_bounds = array<i64: 5, 20>, scalar_prefetch = 0 : i64, scratch_operands = 0 : i64, tpu.core_type = #tpu.core_type<tc>, window_params = [{transform_indices = @transform_0, window_bounds = array<i64: 512, 64>}, {transform_indices = @transform_1, window_bounds = array<i64: 512, 64>}, {}, {transform_indices = @transform_3, window_bounds = array<i64: 512, 512>}]} {
    %get3A = arith.constant 0 : index
    %get3A_0 = arith.constant 0 : index
    %get3A_1 = vector.load %arg2[%get3A, %get3A_0] : memref<512x64xf32, #tpu.memory_space<vmem>>, vector<512x32xf32>
    %get3A_2 = arith.constant 0 : index
    %get3A_3 = arith.constant 0 : index
    %get3A_4 = vector.load %arg3[%get3A_2, %get3A_3] : memref<512x64xf32, #tpu.memory_space<vmem>>, vector<512x32xf32>
    %dot_general3A = arith.constant dense<0.000000e+00> : vector<512x512xf32>
    %dot_general3A_5 = tpu.matmul %get3A_1, %get3A_4, %dot_general3A {dimension_numbers = #tpu.dot_dimension_numbers<[1], [1], [0], [0], [0, 0, 1, 0], [], []>, transpose_lhs_hint = false} : vector<512x32xf32>, vector<512x32xf32>, vector<512x512xf32> -> vector<512x512xf32>
    %logistic3A = arith.negf %dot_general3A_5 : vector<512x512xf32>
    %logistic3A_6 = math.exp %logistic3A : vector<512x512xf32>
    %logistic3A_7 = arith.constant 1.000000e+00 : f32
    %logistic3A_8 = vector.broadcast %logistic3A_7 : f32 to vector<512x512xf32>
    %logistic3A_9 = arith.addf %logistic3A_8, %logistic3A_6 : vector<512x512xf32>
    %logistic3A_10 = arith.divf %logistic3A_8, %logistic3A_9 : vector<512x512xf32>
    %swap3A = arith.constant 0 : index
    %swap3A_11 = arith.constant 0 : index
    %swap3A_12 = vector.load %arg5[%swap3A, %swap3A_11] : memref<512x512xf32, #tpu.memory_space<vmem>>, vector<512x512xf32>
    tpu.vector_store %arg5[%swap3A, %swap3A_11], %logistic3A_10 {strides = array<i32>} : memref<512x512xf32, #tpu.memory_space<vmem>>, vector<512x512xf32>,
    return
  }
  func.func @transform_0(%arg0: i32, %arg1: i32) -> (i32, i32) {
    %add3A = arith.constant 5 : i32
    %add3A_0 = arith.addi %add3A, %arg0 : i32
    %c0_i32 = arith.constant 0 : i32
    %c0_i32_1 = arith.constant 0 : i32
    return %add3A_0, %c0_i32 : i32, i32
  }
  func.func @transform_1(%arg0: i32, %arg1: i32) -> (i32, i32) {
    %c0_i32 = arith.constant 0 : i32
    %c0_i32_0 = arith.constant 0 : i32
    return %arg1, %c0_i32 : i32, i32
  }
  func.func @transform_3(%arg0: i32, %arg1: i32) -> (i32, i32) {
    %add3A = arith.constant 5 : i32
    %add3A_0 = arith.addi %add3A, %arg0 : i32
    %c0_i32 = arith.constant 0 : i32
    return %add3A_0, %arg1 : i32, i32
  }
}

module attributes {stable_mosaic.version = 14 : i64} {
  func.func @_decode_stripe_body(%arg0: i32, %arg1: i32, %arg2: memref<512x64xf32, #tpu.memory_space<vmem>>, %arg3: memref<512x64xf32, #tpu.memory_space<vmem>>, %arg4: memref<10000x10000xf32, #tpu.memory_space<any>>, %arg5: memref<512x512xf32, #tpu.memory_space<vmem>>) attributes {dimension_semantics = [#tpu.dimension_semantics<arbitrary>, #tpu.dimension_semantics<arbitrary>], iteration_bounds = array<i64: 5, 20>, scalar_prefetch = 0 : i64, scratch_operands = 0 : i64, tpu.core_type = #tpu.core_type<tc>, window_params = [{transform_indices = @transform_0, window_bounds = array<i64: 512, 64>}, {transform_indices = @transform_1, window_bounds = array<i64: 512, 64>}, {}, {transform_indices = @transform_3, window_bounds = array<i64: 512, 512>}]} {
    %get3A = arith.constant 0 : index
    %get3A_0 = arith.constant 0 : index
    %get3A_1 = vector.load %arg2[%get3A, %get3A_0] : memref<512x64xf32, #tpu.memory_space<vmem>>, vector<512x32xf32>
    %get3A_2 = arith.constant 0 : index
    %get3A_3 = arith.constant 0 : index
    %get3A_4 = vector.load %arg3[%get3A_2, %get3A_3] : memref<512x64xf32, #tpu.memory_space<vmem>>, vector<512x32xf32>
    %dot_general3A = arith.constant dense<0.000000e+00> : vector<512x512xf32>
    %dot_general3A_5 = tpu.matmul %get3A_1, %get3A_4, %dot_general3A {dimension_numbers = #tpu.dot_dimension_numbers<[1], [1], [0], [0], [0, 0, 1, 0], [], []>, transpose_lhs_hint = false} : vector<512x32xf32>, vector<512x32xf32>, vector<512x512xf32> -> vector<512x512xf32>
    %logistic3A = arith.negf %dot_general3A_5 : vector<512x512xf32>
    %logistic3A_6 = math.exp %logistic3A : vector<512x512xf32>
    %logistic3A_7 = arith.constant 1.000000e+00 : f32
    %logistic3A_8 = vector.broadcast %logistic3A_7 : f32 to vector<512x512xf32>
    %logistic3A_9 = arith.addf %logistic3A_8, %logistic3A_6 : vector<512x512xf32>
    %logistic3A_10 = arith.divf %logistic3A_8, %logistic3A_9 : vector<512x512xf32>
    %swap3A = arith.constant 0 : index
    %swap3A_11 = arith.constant 0 : index
    %swap3A_12 = vector.load %arg5[%swap3A, %swap3A_11] : memref<512x512xf32, #tpu.memory_space<vmem>>, vector<512x512xf32>
    tpu.vector_store %arg5[%swap3A, %swap3A_11], %logistic3A_10 {strides = array<i32>} : memref<512x512xf32, #tpu.memory_space<vmem>>, vector<512x512xf32>,
    return
  }
  func.func @transform_0(%arg0: i32, %arg1: i32) -> (i32, i32) {
    %add3A = arith.constant 10 : i32
    %add3A_0 = arith.addi %add3A, %arg0 : i32
    %c0_i32 = arith.constant 0 : i32
    %c0_i32_1 = arith.constant 0 : i32
    return %add3A_0, %c0_i32 : i32, i32
  }
  func.func @transform_1(%arg0: i32, %arg1: i32) -> (i32, i32) {
    %c0_i32 = arith.constant 0 : i32
    %c0_i32_0 = arith.constant 0 : i32
    return %arg1, %c0_i32 : i32, i32
  }
  func.func @transform_3(%arg0: i32, %arg1: i32) -> (i32, i32) {
    %add3A = arith.constant 10 : i32
    %add3A_0 = arith.addi %add3A, %arg0 : i32
    %c0_i32 = arith.constant 0 : i32
    return %add3A_0, %arg1 : i32, i32
  }
}

module attributes {stable_mosaic.version = 14 : i64} {
  func.func @_decode_stripe_body(%arg0: i32, %arg1: i32, %arg2: memref<512x64xf32, #tpu.memory_space<vmem>>, %arg3: memref<512x64xf32, #tpu.memory_space<vmem>>, %arg4: memref<10000x10000xf32, #tpu.memory_space<any>>, %arg5: memref<512x512xf32, #tpu.memory_space<vmem>>) attributes {dimension_semantics = [#tpu.dimension_semantics<arbitrary>, #tpu.dimension_semantics<arbitrary>], iteration_bounds = array<i64: 5, 20>, scalar_prefetch = 0 : i64, scratch_operands = 0 : i64, tpu.core_type = #tpu.core_type<tc>, window_params = [{transform_indices = @transform_0, window_bounds = array<i64: 512, 64>}, {transform_indices = @transform_1, window_bounds = array<i64: 512, 64>}, {}, {transform_indices = @transform_3, window_bounds = array<i64: 512, 512>}]} {
    %get3A = arith.constant 0 : index
    %get3A_0 = arith.constant 0 : index
    %get3A_1 = vector.load %arg2[%get3A, %get3A_0] : memref<512x64xf32, #tpu.memory_space<vmem>>, vector<512x32xf32>
    %get3A_2 = arith.constant 0 : index
    %get3A_3 = arith.constant 0 : index
    %get3A_4 = vector.load %arg3[%get3A_2, %get3A_3] : memref<512x64xf32, #tpu.memory_space<vmem>>, vector<512x32xf32>
    %dot_general3A = arith.constant dense<0.000000e+00> : vector<512x512xf32>
    %dot_general3A_5 = tpu.matmul %get3A_1, %get3A_4, %dot_general3A {dimension_numbers = #tpu.dot_dimension_numbers<[1], [1], [0], [0], [0, 0, 1, 0], [], []>, transpose_lhs_hint = false} : vector<512x32xf32>, vector<512x32xf32>, vector<512x512xf32> -> vector<512x512xf32>
    %logistic3A = arith.negf %dot_general3A_5 : vector<512x512xf32>
    %logistic3A_6 = math.exp %logistic3A : vector<512x512xf32>
    %logistic3A_7 = arith.constant 1.000000e+00 : f32
    %logistic3A_8 = vector.broadcast %logistic3A_7 : f32 to vector<512x512xf32>
    %logistic3A_9 = arith.addf %logistic3A_8, %logistic3A_6 : vector<512x512xf32>
    %logistic3A_10 = arith.divf %logistic3A_8, %logistic3A_9 : vector<512x512xf32>
    %swap3A = arith.constant 0 : index
    %swap3A_11 = arith.constant 0 : index
    %swap3A_12 = vector.load %arg5[%swap3A, %swap3A_11] : memref<512x512xf32, #tpu.memory_space<vmem>>, vector<512x512xf32>
    tpu.vector_store %arg5[%swap3A, %swap3A_11], %logistic3A_10 {strides = array<i32>} : memref<512x512xf32, #tpu.memory_space<vmem>>, vector<512x512xf32>,
    return
  }
  func.func @transform_0(%arg0: i32, %arg1: i32) -> (i32, i32) {
    %add3A = arith.constant 15 : i32
    %add3A_0 = arith.addi %add3A, %arg0 : i32
    %c0_i32 = arith.constant 0 : i32
    %c0_i32_1 = arith.constant 0 : i32
    return %add3A_0, %c0_i32 : i32, i32
  }
  func.func @transform_1(%arg0: i32, %arg1: i32) -> (i32, i32) {
    %c0_i32 = arith.constant 0 : i32
    %c0_i32_0 = arith.constant 0 : i32
    return %arg1, %c0_i32 : i32, i32
  }
  func.func @transform_3(%arg0: i32, %arg1: i32) -> (i32, i32) {
    %add3A = arith.constant 15 : i32
    %add3A_0 = arith.addi %add3A, %arg0 : i32
    %c0_i32 = arith.constant 0 : i32
    return %add3A_0, %arg1 : i32, i32
  }
}

module attributes {stable_mosaic.version = 14 : i64} {
  func.func @_post4_body(%arg0: i32, %arg1: memref<1x640x64xf32, #tpu.memory_space<vmem>>, %arg2: memref<1x640x64xf32, #tpu.memory_space<vmem>>, %arg3: memref<640x64xf32, #tpu.memory_space<vmem>>, %arg4: memref<640x1xf32, #tpu.memory_space<vmem>>, %arg5: memref<1x128xf32, #tpu.memory_space<vmem>>, %arg6: memref<64x128xf32, #tpu.memory_space<vmem>>, %arg7: memref<640x128xf32, #tpu.memory_space<vmem>>) attributes {dimension_semantics = [#tpu.dimension_semantics<arbitrary>], iteration_bounds = array<i64: 16>, scalar_prefetch = 0 : i64, scratch_operands = 0 : i64, tpu.core_type = #tpu.core_type<tc>, window_params = [{transform_indices = @transform_0, window_bounds = array<i64: 1, 640, 64>}, {transform_indices = @transform_1, window_bounds = array<i64: 1, 640, 64>}, {transform_indices = @transform_2, window_bounds = array<i64: 640, 64>}, {transform_indices = @transform_3, window_bounds = array<i64: 640, 1>}, {pipeline_mode = #tpu.pipeline_mode<synchronous>, transform_indices = @transform_4, window_bounds = array<i64: 1, 128>}, {pipeline_mode = #tpu.pipeline_mode<synchronous>, transform_indices = @transform_5, window_bounds = array<i64: 64, 128>}, {transform_indices = @transform_6, window_bounds = array<i64: 640, 128>}]} {
    %get3A = arith.constant 0 : index
    %get3A_0 = arith.constant 0 : index
    %get3A_1 = vector.load %arg4[%get3A, %get3A_0] : memref<640x1xf32, #tpu.memory_space<vmem>>, vector<640x1xf32>
    %get3A_2 = arith.constant 0 : index
    %get3A_3 = arith.constant 0 : index
    %get3A_4 = arith.constant 0 : index
    %get3A_5 = vector.load %arg1[%get3A_2, %get3A_3, %get3A_4] : memref<1x640x64xf32, #tpu.memory_space<vmem>>, vector<1x640x64xf32>
    %get3A_6 = vector.shape_cast %get3A_5 : vector<1x640x64xf32> to vector<640x64xf32>
    %get3A_7 = arith.constant 0 : index
    %get3A_8 = arith.constant 0 : index
    %get3A_9 = arith.constant 0 : index
    %get3A_10 = vector.load %arg2[%get3A_7, %get3A_8, %get3A_9] : memref<1x640x64xf32, #tpu.memory_space<vmem>>, vector<1x640x64xf32>
    %get3A_11 = vector.shape_cast %get3A_10 : vector<1x640x64xf32> to vector<640x64xf32>
    %add3A = arith.addf %get3A_6, %get3A_11 : vector<640x64xf32>
    %get3A_12 = arith.constant 0 : index
    %get3A_13 = arith.constant 0 : index
    %get3A_14 = vector.load %arg3[%get3A_12, %get3A_13] : memref<640x64xf32, #tpu.memory_space<vmem>>, vector<640x64xf32>
    %add3A_15 = arith.addf %add3A, %get3A_14 : vector<640x64xf32>
    %mul3A = vector.broadcast %get3A_1 : vector<640x1xf32> to vector<640x64xf32>
    %mul3A_16 = arith.mulf %add3A_15, %mul3A : vector<640x64xf32>
    %get3A_17 = arith.constant 0 : index
    %get3A_18 = arith.constant 0 : index
    %get3A_19 = vector.load %arg6[%get3A_17, %get3A_18] : memref<64x128xf32, #tpu.memory_space<vmem>>, vector<64x128xf32>
    %dot_general3A = arith.constant dense<0.000000e+00> : vector<640x128xf32>
    %dot_general3A_20 = tpu.matmul %mul3A_16, %get3A_19, %dot_general3A {dimension_numbers = #tpu.dot_dimension_numbers<[1], [0], [0], [1], [0, 0, 1, 1], [], []>, transpose_lhs_hint = false} : vector<640x64xf32>, vector<64x128xf32>, vector<640x128xf32> -> vector<640x128xf32>
    %get3A_21 = arith.constant 0 : index
    %get3A_22 = arith.constant 0 : index
    %get3A_23 = vector.load %arg5[%get3A_21, %get3A_22] : memref<1x128xf32, #tpu.memory_space<vmem>>, vector<1x128xf32>
    %add3A_24 = vector.broadcast %get3A_23 : vector<1x128xf32> to vector<640x128xf32>
    %add3A_25 = arith.addf %dot_general3A_20, %add3A_24 : vector<640x128xf32>
    %logistic3A = arith.negf %add3A_25 : vector<640x128xf32>
    %logistic3A_26 = math.exp %logistic3A : vector<640x128xf32>
    %logistic3A_27 = arith.constant 1.000000e+00 : f32
    %logistic3A_28 = vector.broadcast %logistic3A_27 : f32 to vector<640x128xf32>
    %logistic3A_29 = arith.addf %logistic3A_28, %logistic3A_26 : vector<640x128xf32>
    %logistic3A_30 = arith.divf %logistic3A_28, %logistic3A_29 : vector<640x128xf32>
    %swap3A = arith.constant 0 : index
    %swap3A_31 = arith.constant 0 : index
    %swap3A_32 = vector.load %arg7[%swap3A, %swap3A_31] : memref<640x128xf32, #tpu.memory_space<vmem>>, vector<640x128xf32>
    tpu.vector_store %arg7[%swap3A, %swap3A_31], %logistic3A_30 {strides = array<i32>} : memref<640x128xf32, #tpu.memory_space<vmem>>, vector<640x128xf32>,
    return
  }
  func.func @transform_0(%arg0: i32) -> (i32, i32, i32) {
    %c0_i32 = arith.constant 0 : i32
    %c0_i32_0 = arith.constant 0 : i32
    %c0_i32_1 = arith.constant 0 : i32
    return %arg0, %c0_i32, %c0_i32_0 : i32, i32, i32
  }
  func.func @transform_1(%arg0: i32) -> (i32, i32, i32) {
    %add3A = arith.constant 16 : i32
    %add3A_0 = arith.addi %add3A, %arg0 : i32
    %c0_i32 = arith.constant 0 : i32
    %c0_i32_1 = arith.constant 0 : i32
    %c0_i32_2 = arith.constant 0 : i32
    return %add3A_0, %c0_i32, %c0_i32_1 : i32, i32, i32
  }
  func.func @transform_2(%arg0: i32) -> (i32, i32) {
    %c0_i32 = arith.constant 0 : i32
    %c0_i32_0 = arith.constant 0 : i32
    return %arg0, %c0_i32 : i32, i32
  }
  func.func @transform_3(%arg0: i32) -> (i32, i32) {
    %c0_i32 = arith.constant 0 : i32
    %c0_i32_0 = arith.constant 0 : i32
    return %arg0, %c0_i32 : i32, i32
  }
  func.func @transform_4(%arg0: i32) -> (i32, i32) {
    %c0_i32 = arith.constant 0 : i32
    %c0_i32_0 = arith.constant 0 : i32
    %c0_i32_1 = arith.constant 0 : i32
    return %c0_i32, %c0_i32_0 : i32, i32
  }
  func.func @transform_5(%arg0: i32) -> (i32, i32) {
    %c0_i32 = arith.constant 0 : i32
    %c0_i32_0 = arith.constant 0 : i32
    %c0_i32_1 = arith.constant 0 : i32
    return %c0_i32, %c0_i32_0 : i32, i32
  }
  func.func @transform_6(%arg0: i32) -> (i32, i32) {
    %c0_i32 = arith.constant 0 : i32
    %c0_i32_0 = arith.constant 0 : i32
    return %arg0, %c0_i32 : i32, i32
  }
}

</mosaic_0001>

<sc_bundles>
// kernel: kernel.16.cloned.1.call-start
scs
__scs_entry_jumppad:
0x0: {  	(pc) =	sbr.rel $0x88, $3  }
0x1: {  	(tag) =	ssettag $0x0;
	lr =	simm.s32 $0x1  }
0x2: {  	[smem:$0x3F95] =	sst lr;
	_ =	strace $0xD0000000  }
0x3: {  	_ = 	snop  }
0x4: {  	_ = 	snop  }
0x5: {  	_ = 	snop  }
0x6: {  	_ = 	snop  }
0x7: {  	_ = 	snop  }
__scs_overlays_trampoline_lowered:
0x8: {  	[smem:$0x3FA4] =	sst s0  }
0x9: {  	[smem:$0x3FA5] =	sst s1  }
0xa: {  	[smem:$0x3FA6] =	sst s2  }
0xb: {  	[smem:$0x3FA7] =	sst s3  }
0xc: {  	[smem:$0x3FA8] =	sst s4  }
0xd: {  	[smem:$0x3FA9] =	sst s5  }
0xe: {  	[smem:$0x3FAA] =	sst s6  }
0xf: {  	[smem:$0x3FAB] =	sst s7  }
0x10: {  	[smem:$0x3FAC] =	sst s8  }
0x11: {  	[smem:$0x3FAD] =	sst s9;
	s0 =	simm.s32 @!p0 $0x0  }
0x12: {  	s1 =	sld [smem:$0x3F93];
	s0 =	simm.s32 @p0 $0x1  }
0x13: {  	[smem:$0x3FAE] =	sst s0;
	s0 =	simm.s32 @!p1 $0x0  }
0x14: {  	s2 =	sld [smem:$0x3F92];
	s0 =	simm.s32 @p1 $0x1  }
0x15: {  	[smem:$0x3FAF] =	sst s0;
	s0 =	simm.s32 @!p2 $0x0  }
0x16: {  	s3 =	sld [smem:$0x3FDB];
	s0 =	simm.s32 @p2 $0x1  }
0x17: {  	s4 =	simm.s32 $0x1BF5;
	[smem:$0x3FB1] =	sst s0  }
0x18: {  	s0 =	sld [smem:$0x3F94];
	_ =	swait.ge [sflag:s4], $0x0  }
0x19: {  	s7 =	sld [smem:$0x3F95]  }
0x1a: {  	s8 =	sadd.s32 $0xFFFFE003, lr  }
0x1b: {  	s9 =	sadd.s32 $0xFFFFFEF7, lr;
	s5 =	simm.s32 $0xFFFFFFFF;
	p2 =	slt.u32 s8, $0xFFFFF086  }
0x1c: {  	p1 =	slt.u32 s9, $0xF7A;
	s5 =	simm.s32 @!p2 $0x0  }
0x1d: {  	s5 =	simm.s32 @p1 $0x1;
	p0 =	seq.s32 s7, s2  }
0x1e: {  	s7 =	smul.u32 @!p0 $0xF7A, s2;
	p2 =	seq.s32 @!p0 s5, $0x0  }
0x1f: {  	s9 =	smul.u32 $0xF7A, s1;
	s8 =	simm.s32 @!p0 $0x1BF5;
	p2 =	por !p2, p0  }
0x20: {  	[sflag:s8] =	ssyncset.s32 @!p0 $0xFFFFF086;
	s6 =	sadd.s32 @!p0 s3, s7;
	s7 =	simm.s32 @!p0 $0x108  }
0x21: {  	s3 =	sadd.s32 s3, s9;
	s6 =	sadd.s32 @!p0 $0x88, s6;
	s7 =	simm.s32 @p2 $0x1082  }
0x22: {  	[simem:s7], [sflag:s8] =	dma.local @!p0 [hbm:s6], $0xF7A  }
0x23: {  	s9 =	sor.u32 $0xD0000000, s2;
	s6 =	simm.s32 $0x108;
	_ =	swait.ge @!p0 [sflag:s8], $0x0  }
0x24: {  	s3 =	sadd.s32 $0x88, s3;
	s6 =	simm.s32 @!p1 $0x1082;
	[sflag:s4] =	ssyncset.s32 $0xFFFFF086  }
0x25: {  	[simem:s6], [sflag:s4] =	dma.local [hbm:s3], $0xF7A  }
0x26: {  	[smem:$0x3F95] =	sst s1;
	(tag) =	ssettag s2;
	_ =	strace s9  }
0x27: {  	s1 =	sld [smem:$0x3FA5]  }
0x28: {  	s2 =	sld [smem:$0x3FA6]  }
0x29: {  	s4 =	sld [smem:$0x3FA8]  }
0x2a: {  	p0 =	seq.s32 s5, $0x0;
	s5 =	sld [smem:$0x3FA9]  }
0x2b: {  	s6 =	sld [smem:$0x3FAA]  }
0x2c: {  	s7 =	sld [smem:$0x3FAB]  }
0x2d: {  	s3 =	simm.s32 $0x108;
	s8 =	sld [smem:$0x3FAC]  }
0x2e: {  	s3 =	simm.s32 @!p0 $0x1082;
	s9 =	sld [smem:$0x3FAD]  }
0x2f: {  	lr =	sadd.s32 s0, s3;
	s0 =	sld [smem:$0x3FA4]  }
0x30: {  	s3 =	sld [smem:$0x3FA7]  }
0x31: {  	[smem:$0x3FB0] =	sst s10  }
0x32: {  	s10 =	sld [smem:$0x3FAE];
	_ =	sdelay $0x3  }
0x33: {  	p0 =	seq.s32 s10, $0x1;
	s10 =	sld [smem:$0x3FB0];
	_ =	sdelay $0x3  }
0x34: {  	[smem:$0x3FB0] =	sst s10  }
0x35: {  	s10 =	sld [smem:$0x3FAF];
	_ =	sdelay $0x3  }
0x36: {  	p1 =	seq.s32 s10, $0x1;
	s10 =	sld [smem:$0x3FB0];
	_ =	sdelay $0x3  }
0x37: {  	[smem:$0x3FB0] =	sst s10  }
0x38: {  	s10 =	sld [smem:$0x3FB1]  }
0x39: {  	_ = 	snop;
	(pc) =	sbr.ind lr, $3  }
0x3a: {  	_ = 	snop  }
0x3b: {  	_ = 	snop  }
0x3c: {  	p2 =	seq.s32 s10, $0x1;
	s10 =	sld [smem:$0x3FB0]  }
0x3d: {  	_ =	shalt  }
0x3e: {  	_ =	shalt  }
0x3f: {  	_ =	shalt  }
0x40: {  	_ =	shalt  }
0x41: {  	_ =	shalt  }
0x42: {  	_ =	shalt  }
0x43: {  	_ =	shalt  }
0x44: {  	_ =	shalt  }
0x45: {  	_ =	shalt  }
0x46: {  	_ =	shalt  }
0x47: {  	_ =	shalt  }
0x48: {  	_ =	shalt  }
0x49: {  	_ =	shalt  }
0x4a: {  	_ =	shalt  }
0x4b: {  	_ =	shalt  }
0x4c: {  	_ =	shalt  }
0x4d: {  	_ =	shalt  }
0x4e: {  	_ =	shalt  }
0x4f: {  	_ =	shalt  }
0x50: {  	_ =	shalt  }
0x51: {  	_ =	shalt  }
0x52: {  	_ =	shalt  }
0x53: {  	_ =	shalt  }
0x54: {  	_ =	shalt  }
0x55: {  	_ =	shalt  }
0x56: {  	_ =	shalt  }
0x57: {  	_ =	shalt  }
0x58: {  	_ =	shalt  }
0x59: {  	_ =	shalt  }
0x5a: {  	_ =	shalt  }
0x5b: {  	_ =	shalt  }
0x5c: {  	_ =	shalt  }
0x5d: {  	_ =	shalt  }
0x5e: {  	_ =	shalt  }
0x5f: {  	_ =	shalt  }
0x60: {  	_ =	shalt  }
0x61: {  	_ =	shalt  }
0x62: {  	_ =	shalt  }
0x63: {  	_ =	shalt  }
0x64: {  	_ =	shalt  }
0x65: {  	_ =	shalt  }
0x66: {  	_ =	shalt  }
0x67: {  	_ =	shalt  }
0x68: {  	_ =	shalt  }
0x69: {  	_ =	shalt  }
0x6a: {  	_ =	shalt  }
0x6b: {  	_ =	shalt  }
0x6c: {  	_ =	shalt  }
0x6d: {  	_ =	shalt  }
0x6e: {  	_ =	shalt  }
0x6f: {  	_ =	shalt  }
0x70: {  	_ =	shalt  }
0x71: {  	_ =	shalt  }
0x72: {  	_ =	shalt  }
0x73: {  	_ =	shalt  }
0x74: {  	_ =	shalt  }
0x75: {  	_ =	shalt  }
0x76: {  	_ =	shalt  }
0x77: {  	_ =	shalt  }
0x78: {  	_ =	shalt  }
0x79: {  	_ =	shalt  }
0x7a: {  	_ =	shalt  }
0x7b: {  	_ =	shalt  }
0x7c: {  	_ =	shalt  }
0x7d: {  	_ =	shalt  }
0x7e: {  	_ =	shalt  }
0x7f: {  	_ =	shalt  }
0x80: {  	_ =	shalt  }
0x81: {  	_ =	shalt  }
0x82: {  	_ =	shalt  }
0x83: {  	_ =	shalt  }
0x84: {  	_ =	shalt  }
0x85: {  	_ =	shalt  }
0x86: {  	_ =	shalt  }
0x87: {  	_ =	shalt  }
.Lfunc_end0:
.L_simem_size_0:
called_computation_lowered:
.L_overlay_start_0:
0x88: {  	s2 =	sld [smem:$0x3FD9]  }
0x89: {  	s3 =	sld [smem:$0x3FFE];
	_ =	sdelay $0x1  }
0x8a: {  	s1 =	srdreg.scid  }
0x8b: {  	s0 =	sand.u32 $0x1, s1  }
0x8c: {  	s14 =	sshll.u32 s0, $0xA;
	s2 =	sadd.s32 s3, s2  }
0x8d: {  	s2 =	sadd.s32 s2, s14  }
0x8e: {  	[smem:$0x3FBC] =	sst s2  }
0x8f: {  	_ = 	snop  }
0x90: {  	s2 =	sld [smem:$0x3FD0];
	_ =	sdelay $0x2  }
0x91: {  	s15 =	simm.s32 $0xA;
	s4 =	simm.s32 $0x10  }
0x92: {  	[smem:s4], [sflag:s15] =	dma.local [hbm:s2], $0x1  }
0x93: {  	_ =	swait.eq [sflag:s15], $0x1  }
0x94: {  	[sflag:s15] =	ssyncset.done $0x0  }
0x95: {  	[sflag:s15] =	ssyncadd.s32 $0xFFFFFFFF  }
0x96: {  	s16 =	sld [smem:$0x14];
	(tm) =	ssettm $0x1  }
0x97: {  	s17 =	sld [smem:$0x3FFB];
	_ =	sdelay $0x3  }
0x98: {  	_ =	strace s17  }
0x99: {  	s3 =	sld [smem:$0x3FFC];
	_ =	sdelay $0x3  }
0x9a: {  	_ =	strace s3  }
0x9b: {  	s3 =	sld [smem:$0x3FFD];
	_ =	sdelay $0x3  }
0x9c: {  	_ =	strace s3  }
0x9d: {  	_ =	strace $0x8FFFFFFF  }
0x9e: {  	s18 =	sld [smem:$0x3FDB];
	_ =	sdelay $0x1  }
0x9f: {  	s19 =	simm.s32 $_scs_section_size  }
0xa0: {  	s5 =	simm.s32 $_size__tile_overlayer_lowered;
	s6 =	simm.s32 $_tile_overlayer_lowered  }
0xa1: {  	s22 =	simm.s32 $0x1BFF;
	s21 =	sshll.u32 s6, $0x1;
	s3 =	sadd.s32 s19, s18  }
0xa2: {  	s7 =	simm.s32 $0x0;
	s20 =	sshll.u32 s5, $0x1;
	s5 =	sadd.s32 s21, s3  }
0xa3: {  	[timem:s7], [sflag:s22] =	dma.local [hbm:s5], s20  }
0xa4: {  	_ =	swait.ge [sflag:s22], s20  }
0xa5: {  	s4 =	ssub.s32 $0x0, s20;
	[sflag:s22] =	ssyncset.done $0x0  }
0xa6: {  	[sflag:s22] =	ssyncadd.s32 s4;
	_ =	sdelay $0x1  }
0xa7: {  	s23 =	simm.s32 $0x1B8B  }
0xa8: {  	_ =	swait.ge [sflag:s23], $0x1  }
0xa9: {  	[sflag:s23] =	ssyncset.done $0x0  }
0xaa: {  	s25 =	simm.s32 $0x1B8E;
	s24 =	sld [smem:$0x3FFE];
	[sflag:s23] =	ssyncadd.s32 $0xFFFFFFFF  }
0xab: {  	s26 =	simm.s32 $execute0_lowered;
	[smem:$0x3FD2] =	sst s25  }
0xac: {  	s5 =	sshll.u32 s26, $0x1;
	_ =	strace $0x80000046;
	[dreg:$0x1] =	wrdreg $0xFFFFFFFF  }
0xad: {  	s28 =	simm.s32 $_size_execute0_lowered;
	s3 =	sadd.s32 s3, s5;
	[dreg:$0x0] =	wrdreg $0x0  }
0xae: {  	s5 =	sshll.u32 s28, $0x1;
	[dreg:$0x2] =	wrdreg s3  }
0xaf: {  	[dreg:$0x3] =	wrdreg s5  }
0xb0: {  	[dreg:$0x4] =	wrdreg $0xC0  }
0xb1: {  	_ =	task [dreg:s7], $0x5FFFF  }
0xb2: {  	[dreg:$0x1] =	wrdreg $0xFFFFFFFF  }
0xb3: {  	[dreg:$0x0] =	wrdreg $0x60  }
0xb4: {  	[dreg:$0x2] =	wrdreg s24  }
0xb5: {  	[dreg:$0x3] =	wrdreg s16  }
0xb6: {  	[dreg:$0x4] =	wrdreg $0x1C000  }
0xb7: {  	[dreg:$0x5] =	wrdreg $0x9  }
0xb8: {  	_ =	task.clear_ibuf [dreg:s7], $0x6FFFF;
	_ =	strace $0x90000046  }
0xb9: {  	s29 =	simm.s32 $0x9;
	_ =	strace $0x80000048  }
0xba: {  	_ =	swait.ge [sflag:s29], $0x1  }
0xbb: {  	[sflag:s29] =	ssyncadd.s32 $0xFFFFFFFF  }
0xbc: {  	_ =	strace $0x90000048  }
0xbd: {  	_ =	sfence  }
0xbe: {  	s30 =	sld [smem:$0x0];
	_ =	sdelay $0x2  }
0xbf: {  	s31 =	sshll.u32 s1, $0xD;
	s1 =	sshrl.u32 s1, $0x2  }
0xc0: {  	s3 =	sand.u32 $0x4000, s31;
	s1 =	sadd.s32 s1, s30  }
0xc1: {  	s0 =	sor.u32 s3, s0;
	s1 =	sshll.u32 s1, $0x11  }
0xc2: {  	s0 =	sor.u32 s1, s0  }
0xc3: {  	s0 =	sadd.s32 $0x8F2B, s0  }
0xc4: {  	[sflag:s0] =	ssyncadd.remote.s32 $0x1  }
0xc5: {  	_ =	sfence.sel $0xFFFF  }
0xc6: {  	[dreg:$0x0] =	wrdreg $0xFFFFFFFF;
	(pc) =	sbr.abs _section_cstart, $3  }
0xc7: {  	[dreg:$0x1] =	wrdreg $0xFFFFFFFF  }
0xc8: {  	_ =	task.clear_ibuf [dreg:s7], $0x2FFFF;
	_ =	strace $0x9FFFFFFF  }
0xc9: {  	(tm) =	ssettm $0x7FFFFFFF  }
tec
execute0_lowered:
.L_overlay_start_1:
0x0: {  	(tag) =	ssettag $0x1  }
0x1: {  	s4 =	rddreg [dreg:$0x0]  }
0x2: {  	s10 =	rddreg [dreg:$0x1]  }
0x3: {  	s0 =	srdreg.scid;
	s2 =	rddreg [dreg:$0x2]  }
0x4: {  	s1 =	stileid.u32;
	s3 =	simm.s32 $0x0;
	s13 =	simm.s32 $0x1  }
0x5: {  	s14 =	simm.s32 $0x80;
	s5 =	sand.u32 $0x1, s0;
	s0 =	rddreg [dreg:$0x3]  }
0x6: {  	s7 =	smul.u32 $0xA000, s1;
	[smem:$0x7FF] =	sst s3;
	s6 =	sshll.u32 s5, $0x4  }
0x7: {  	s15 =	sshll.u32 s1, $0x6;
	s5 =	ssub.s32 $0x2, s5;
	s6 =	sor.u32 s1, s6  }
0x8: {  	_ =	strace $0x80000047;
	s31 =	sshrl.u32 s5, $0x1;
	s8 =	smul.u32 $0x280, s6  }
0x9: {  	s15 =	sor.u32 $0x1C01, s15;
	s11 =	ssub.s32 s5, s31;
	s12 =	smul.u32 $0x500, s6  }
0xa: {  	s7 =	sshrl.u32 s7, $0x2;
	s11 =	smax.u32 s11, $0x1;
	s9 =	sadd.s32 s8, s4  }
0xb: {  	s4 =	sadd.s32 s7, s2;
	s10 =	sadd.s32 s10, s12;
	s12 =	simm.s32 $0x1400  }
0xc: {  	s5 =	sadd.s32 $0x800, s4;
	s6 =	sadd.s32 $0x1000, s4;
	s7 =	sadd.s32 $0x1800, s4  }
0xd: {  	v0 =	vimm.f32 $0.0e+00;
	v1 =	vimm.f32 $1.000000000e+00;
	s8 =	sadd.s32 $0x2000, s4;
	s9 =	sadd.s32 $0x3800, s9;
	s16 =	sshrl.u32 s4, $0x3  }
.LBB2_1:
0xe: {  	s17 =	simm.s32 $0x40;
	s18 =	simm.s32 $0x0  }
.LBB2_2:
0xf: {  	p0 =	sne.s32 s17, $0x1FC0;
	[tilespmem:s18+$0x1400] =	vst v0;
	s18 =	smov.u32 s17;
	s17 =	sadd.s32 $0x40, s17  }
.Ltmp0:
0x10: {  	(pc) =	sbr.rel @p0 .LBB2_2-.Ltmp0, $2  }
0x11: {  	_ =	sdelay $0x2  }
0x12: {  	s18 =	sshra.s32 s18, $0x2  }
0x13: {  	[tilespmem:s18+$0x1400] =	vst v0  }
0x14: {  	[spmem:s4] =	stream.linear.scatter [tilespmem:s12], [sflag:$0x1], $0x800, $0x38;
	[tilespmem:$0x4400] =	vst v63  }
0x15: {  	_ =	swait.ge [sflag:s13], $0x800  }
0x16: {  	[sflag:s13] =	ssyncset.done $0x0  }
0x17: {  	[sflag:s13] =	ssyncadd.s32 $0xFFFFF800  }
0x18: {  	[spmem:s5] =	stream.linear.scatter [tilespmem:s12], [sflag:$0x1], $0x800, $0x38;
	[tilespmem:$0x4400] =	vst v63  }
0x19: {  	_ =	swait.ge [sflag:s13], $0x800  }
0x1a: {  	[sflag:s13] =	ssyncset.done $0x0  }
0x1b: {  	[sflag:s13] =	ssyncadd.s32 $0xFFFFF800  }
0x1c: {  	[spmem:s6] =	stream.linear.scatter [tilespmem:s12], [sflag:$0x1], $0x800, $0x38;
	[tilespmem:$0x4400] =	vst v63  }
0x1d: {  	_ =	swait.ge [sflag:s13], $0x800  }
0x1e: {  	[sflag:s13] =	ssyncset.done $0x0  }
0x1f: {  	[sflag:s13] =	ssyncadd.s32 $0xFFFFF800  }
0x20: {  	[spmem:s7] =	stream.linear.scatter [tilespmem:s12], [sflag:$0x1], $0x800, $0x38;
	[tilespmem:$0x4400] =	vst v63  }
0x21: {  	_ =	swait.ge [sflag:s13], $0x800  }
0x22: {  	[sflag:s13] =	ssyncset.done $0x0  }
0x23: {  	[sflag:s13] =	ssyncadd.s32 $0xFFFFF800  }
0x24: {  	[spmem:s8] =	stream.linear.scatter [tilespmem:s12], [sflag:$0x1], $0x800, $0x38;
	[tilespmem:$0x4400] =	vst v63  }
0x25: {  	_ =	swait.ge [sflag:s13], $0x800  }
0x26: {  	[sflag:s13] =	ssyncset.done $0x0  }
0x27: {  	s17 =	simm.s32 $0x40;
	s18 =	simm.s32 $0x0;
	[sflag:s13] =	ssyncadd.s32 $0xFFFFF800  }
.LBB2_4:
0x28: {  	p0 =	sne.s32 s17, $0x1FC0;
	[tilespmem:s18+$0x1400] =	vst v1;
	s18 =	smov.u32 s17;
	s17 =	sadd.s32 $0x40, s17  }
.Ltmp1:
0x29: {  	(pc) =	sbr.rel @p0 .LBB2_4-.Ltmp1, $2  }
0x2a: {  	_ =	sdelay $0x2  }
0x2b: {  	s18 =	sshra.s32 s18, $0x2  }
0x2c: {  	[tilespmem:s18+$0x1400] =	vst v1;
	s17 =	simm.s32 $0x0  }
0x2d: {  	[tilespmem:s17], [sflag:$0x1] =	stream.linear.gather [hbm4b:s9+s17], $0x1400, $0x38;
	[tilespmem:$0x4400] =	vst v63  }
0x2e: {  	_ =	swait.ge [sflag:s13], $0x1400  }
0x2f: {  	[sflag:s13] =	ssyncset.done $0x0  }
0x30: {  	[sflag:s13] =	ssyncadd.s32 $0xFFFFEC00  }
0x31: {  	s31 =	simm.s32 $0x0;
	[bflag:$0x0] =	sbarrier.arrive $0xFFFF  }
0x32: {  	[spmem:s2] =	stream.indirect.scatter.add.f32 [tilespmem:s12], [sflag:$0x1], $0x10, s31, s14, $0xb8;
	[tilespmem:$0x4400] =	vst v63  }
0x33: {  	_ =	swait.ge [sflag:s13], $0x800  }
0x34: {  	s17 =	simm.s32 $0x200;
	[sflag:s13] =	ssyncset.done $0x0  }
.LBB2_6:
0x35: {  	s18 =	sshra.s32 s17, $0x2;
	[sflag:s13] =	ssyncadd.s32 $0xFFFFF800;
	p0 =	sne.s32 s17, $0x4E00  }
0x36: {  	[spmem:s2] =	stream.indirect.scatter.add.f32 [tilespmem:s12], [sflag:$0x1], $0x10, s18, s14, $0xb8;
	[tilespmem:$0x4400] =	vst v63  }
.Ltmp2:
0x37: {  	_ = 	snop;
	(pc) =	sbr.rel @p0 .LBB2_6-.Ltmp2, $4  }
0x38: {  	_ = 	snop  }
0x39: {  	s17 =	sadd.s32 $0x200, s17  }
0x3a: {  	_ =	swait.ge [sflag:s13], $0x800  }
0x3b: {  	[sflag:s13] =	ssyncset.done $0x0  }
0x3c: {  	s3 =	sadd.s32 $0x1, s3  }
0x3d: {  	[sflag:s13] =	ssyncadd.s32 $0xFFFFF800;
	p0 =	sne.s32 s3, s11  }
.Ltmp3:
0x3e: {  	[bflag:$0x0] =	sbarrier.arrive $0xFFFF;
	(pc) =	sbr.rel @p0 .LBB2_1-.Ltmp3, $4  }
0x3f: {  	[hbm:s10], [sflag:s15] =	dma.local [spmem:s16], $0x500  }
0x40: {  	_ =	swait.ge [sflag:s13], $0x500  }
0x41: {  	[sflag:s13] =	ssyncset.done $0x0  }
0x42: {  	[sflag:s13] =	ssyncadd.s32 $0xFFFFFB00  }
0x43: {  	_ =	sfence.sel $0x180000  }
0x44: {  	[bflag:$0x0] =	sbarrier.arrive $0xFFFF  }
0x45: {  	p0 =	sne.s32 s1, $0x0;
	_ =	strace $0x90000047  }
0x46: {  	s0 =	sadd.s32 @!p0 $0x100000, s0;
	[bflag:$0x2] =	sbarrier.arrive $0xFFFF  }
0x47: {  	[sflag:s0] =	ssyncadd.tile.s32 @!p0 $0x1;
	_ =	shalt  }
.Lfunc_end2:
_tile_overlayer_lowered:
.L_overlay_start_2:
0x48: {  	(tag) =	ssettag $0x2  }
0x49: {  	s0 =	rddreg [dreg:$0x0];
	s2 =	stileid.u32  }
0x4a: {  	s1 =	rddreg [dreg:$0x1];
	p0 =	sne.s32 s2, $0x0  }
0x4b: {  	s3 =	rddreg [dreg:$0x2];
	[bflag:$0x3] =	sbarrier.arrive $0xFFFF;
	s2 =	simm.s32 @!p0 $0x1C01  }
0x4c: {  	[timem:s3], [sflag:s2] =	dma.local @!p0 [hbm:s0], s1  }
0x4d: {  	s0 =	simm.s32 @!p0 $0x1  }
0x4e: {  	_ =	swait.ge @!p0 [sflag:s0], s1  }
0x4f: {  	s1 =	ssub.s32 @!p0 $0x0, s1;
	[sflag:s0] =	ssyncset.done @!p0 $0x0  }
0x50: {  	[sflag:s0] =	ssyncadd.s32 @!p0 s1  }
0x51: {  	[bflag:$0x3] =	sbarrier.arrive $0xFFFF  }
0x52: {  	_ =	shalt  }

// kernel: kernel.19.cloned.1.call-start
scs
__scs_entry_jumppad:
0x0: {  	(pc) =	sbr.rel $0x88, $3  }
0x1: {  	(tag) =	ssettag $0x0;
	lr =	simm.s32 $0x1  }
0x2: {  	[smem:$0x3F95] =	sst lr;
	_ =	strace $0xD0000000  }
0x3: {  	_ = 	snop  }
0x4: {  	_ = 	snop  }
0x5: {  	_ = 	snop  }
0x6: {  	_ = 	snop  }
0x7: {  	_ = 	snop  }
__scs_overlays_trampoline_lowered:
0x8: {  	[smem:$0x3FA4] =	sst s0  }
0x9: {  	[smem:$0x3FA5] =	sst s1  }
0xa: {  	[smem:$0x3FA6] =	sst s2  }
0xb: {  	[smem:$0x3FA7] =	sst s3  }
0xc: {  	[smem:$0x3FA8] =	sst s4  }
0xd: {  	[smem:$0x3FA9] =	sst s5  }
0xe: {  	[smem:$0x3FAA] =	sst s6  }
0xf: {  	[smem:$0x3FAB] =	sst s7  }
0x10: {  	[smem:$0x3FAC] =	sst s8  }
0x11: {  	[smem:$0x3FAD] =	sst s9;
	s0 =	simm.s32 @!p0 $0x0  }
0x12: {  	s1 =	sld [smem:$0x3F93];
	s0 =	simm.s32 @p0 $0x1  }
0x13: {  	[smem:$0x3FAE] =	sst s0;
	s0 =	simm.s32 @!p1 $0x0  }
0x14: {  	s2 =	sld [smem:$0x3F92];
	s0 =	simm.s32 @p1 $0x1  }
0x15: {  	[smem:$0x3FAF] =	sst s0;
	s0 =	simm.s32 @!p2 $0x0  }
0x16: {  	s3 =	sld [smem:$0x3FDB];
	s0 =	simm.s32 @p2 $0x1  }
0x17: {  	s4 =	simm.s32 $0x1BF5;
	[smem:$0x3FB1] =	sst s0  }
0x18: {  	s0 =	sld [smem:$0x3F94];
	_ =	swait.ge [sflag:s4], $0x0  }
0x19: {  	s7 =	sld [smem:$0x3F95]  }
0x1a: {  	s8 =	sadd.s32 $0xFFFFE003, lr  }
0x1b: {  	s9 =	sadd.s32 $0xFFFFFEF7, lr;
	s5 =	simm.s32 $0xFFFFFFFF;
	p2 =	slt.u32 s8, $0xFFFFF086  }
0x1c: {  	p1 =	slt.u32 s9, $0xF7A;
	s5 =	simm.s32 @!p2 $0x0  }
0x1d: {  	s5 =	simm.s32 @p1 $0x1;
	p0 =	seq.s32 s7, s2  }
0x1e: {  	s7 =	smul.u32 @!p0 $0xF7A, s2;
	p2 =	seq.s32 @!p0 s5, $0x0  }
0x1f: {  	s9 =	smul.u32 $0xF7A, s1;
	s8 =	simm.s32 @!p0 $0x1BF5;
	p2 =	por !p2, p0  }
0x20: {  	[sflag:s8] =	ssyncset.s32 @!p0 $0xFFFFF086;
	s6 =	sadd.s32 @!p0 s3, s7;
	s7 =	simm.s32 @!p0 $0x108  }
0x21: {  	s3 =	sadd.s32 s3, s9;
	s6 =	sadd.s32 @!p0 $0x88, s6;
	s7 =	simm.s32 @p2 $0x1082  }
0x22: {  	[simem:s7], [sflag:s8] =	dma.local @!p0 [hbm:s6], $0xF7A  }
0x23: {  	s9 =	sor.u32 $0xD0000000, s2;
	s6 =	simm.s32 $0x108;
	_ =	swait.ge @!p0 [sflag:s8], $0x0  }
0x24: {  	s3 =	sadd.s32 $0x88, s3;
	s6 =	simm.s32 @!p1 $0x1082;
	[sflag:s4] =	ssyncset.s32 $0xFFFFF086  }
0x25: {  	[simem:s6], [sflag:s4] =	dma.local [hbm:s3], $0xF7A  }
0x26: {  	[smem:$0x3F95] =	sst s1;
	(tag) =	ssettag s2;
	_ =	strace s9  }
0x27: {  	s1 =	sld [smem:$0x3FA5]  }
0x28: {  	s2 =	sld [smem:$0x3FA6]  }
0x29: {  	s4 =	sld [smem:$0x3FA8]  }
0x2a: {  	p0 =	seq.s32 s5, $0x0;
	s5 =	sld [smem:$0x3FA9]  }
0x2b: {  	s6 =	sld [smem:$0x3FAA]  }
0x2c: {  	s7 =	sld [smem:$0x3FAB]  }
0x2d: {  	s3 =	simm.s32 $0x108;
	s8 =	sld [smem:$0x3FAC]  }
0x2e: {  	s3 =	simm.s32 @!p0 $0x1082;
	s9 =	sld [smem:$0x3FAD]  }
0x2f: {  	lr =	sadd.s32 s0, s3;
	s0 =	sld [smem:$0x3FA4]  }
0x30: {  	s3 =	sld [smem:$0x3FA7]  }
0x31: {  	[smem:$0x3FB0] =	sst s10  }
0x32: {  	s10 =	sld [smem:$0x3FAE];
	_ =	sdelay $0x3  }
0x33: {  	p0 =	seq.s32 s10, $0x1;
	s10 =	sld [smem:$0x3FB0];
	_ =	sdelay $0x3  }
0x34: {  	[smem:$0x3FB0] =	sst s10  }
0x35: {  	s10 =	sld [smem:$0x3FAF];
	_ =	sdelay $0x3  }
0x36: {  	p1 =	seq.s32 s10, $0x1;
	s10 =	sld [smem:$0x3FB0];
	_ =	sdelay $0x3  }
0x37: {  	[smem:$0x3FB0] =	sst s10  }
0x38: {  	s10 =	sld [smem:$0x3FB1]  }
0x39: {  	_ = 	snop;
	(pc) =	sbr.ind lr, $3  }
0x3a: {  	_ = 	snop  }
0x3b: {  	_ = 	snop  }
0x3c: {  	p2 =	seq.s32 s10, $0x1;
	s10 =	sld [smem:$0x3FB0]  }
0x3d: {  	_ =	shalt  }
0x3e: {  	_ =	shalt  }
0x3f: {  	_ =	shalt  }
0x40: {  	_ =	shalt  }
0x41: {  	_ =	shalt  }
0x42: {  	_ =	shalt  }
0x43: {  	_ =	shalt  }
0x44: {  	_ =	shalt  }
0x45: {  	_ =	shalt  }
0x46: {  	_ =	shalt  }
0x47: {  	_ =	shalt  }
0x48: {  	_ =	shalt  }
0x49: {  	_ =	shalt  }
0x4a: {  	_ =	shalt  }
0x4b: {  	_ =	shalt  }
0x4c: {  	_ =	shalt  }
0x4d: {  	_ =	shalt  }
0x4e: {  	_ =	shalt  }
0x4f: {  	_ =	shalt  }
0x50: {  	_ =	shalt  }
0x51: {  	_ =	shalt  }
0x52: {  	_ =	shalt  }
0x53: {  	_ =	shalt  }
0x54: {  	_ =	shalt  }
0x55: {  	_ =	shalt  }
0x56: {  	_ =	shalt  }
0x57: {  	_ =	shalt  }
0x58: {  	_ =	shalt  }
0x59: {  	_ =	shalt  }
0x5a: {  	_ =	shalt  }
0x5b: {  	_ =	shalt  }
0x5c: {  	_ =	shalt  }
0x5d: {  	_ =	shalt  }
0x5e: {  	_ =	shalt  }
0x5f: {  	_ =	shalt  }
0x60: {  	_ =	shalt  }
0x61: {  	_ =	shalt  }
0x62: {  	_ =	shalt  }
0x63: {  	_ =	shalt  }
0x64: {  	_ =	shalt  }
0x65: {  	_ =	shalt  }
0x66: {  	_ =	shalt  }
0x67: {  	_ =	shalt  }
0x68: {  	_ =	shalt  }
0x69: {  	_ =	shalt  }
0x6a: {  	_ =	shalt  }
0x6b: {  	_ =	shalt  }
0x6c: {  	_ =	shalt  }
0x6d: {  	_ =	shalt  }
0x6e: {  	_ =	shalt  }
0x6f: {  	_ =	shalt  }
0x70: {  	_ =	shalt  }
0x71: {  	_ =	shalt  }
0x72: {  	_ =	shalt  }
0x73: {  	_ =	shalt  }
0x74: {  	_ =	shalt  }
0x75: {  	_ =	shalt  }
0x76: {  	_ =	shalt  }
0x77: {  	_ =	shalt  }
0x78: {  	_ =	shalt  }
0x79: {  	_ =	shalt  }
0x7a: {  	_ =	shalt  }
0x7b: {  	_ =	shalt  }
0x7c: {  	_ =	shalt  }
0x7d: {  	_ =	shalt  }
0x7e: {  	_ =	shalt  }
0x7f: {  	_ =	shalt  }
0x80: {  	_ =	shalt  }
0x81: {  	_ =	shalt  }
0x82: {  	_ =	shalt  }
0x83: {  	_ =	shalt  }
0x84: {  	_ =	shalt  }
0x85: {  	_ =	shalt  }
0x86: {  	_ =	shalt  }
0x87: {  	_ =	shalt  }
.Lfunc_end0:
.L_simem_size_0:
called_computation.1_lowered:
.L_overlay_start_0:
0x88: {  	s2 =	sld [smem:$0x3FD9]  }
0x89: {  	s3 =	sld [smem:$0x3FFE];
	_ =	sdelay $0x1  }
0x8a: {  	s1 =	srdreg.scid  }
0x8b: {  	s0 =	sand.u32 $0x1, s1  }
0x8c: {  	s14 =	sshll.u32 s0, $0xA;
	s2 =	sadd.s32 s3, s2  }
0x8d: {  	s2 =	sadd.s32 s2, s14  }
0x8e: {  	[smem:$0x3FBC] =	sst s2  }
0x8f: {  	_ = 	snop  }
0x90: {  	s2 =	sld [smem:$0x3FD0];
	_ =	sdelay $0x2  }
0x91: {  	s15 =	simm.s32 $0xA;
	s4 =	simm.s32 $0x10  }
0x92: {  	[smem:s4], [sflag:s15] =	dma.local [hbm:s2], $0x1  }
0x93: {  	_ =	swait.eq [sflag:s15], $0x1  }
0x94: {  	[sflag:s15] =	ssyncset.done $0x0  }
0x95: {  	s16 =	sld [smem:$0x13];
	[sflag:s15] =	ssyncadd.s32 $0xFFFFFFFF  }
0x96: {  	s17 =	sld [smem:$0x14];
	(tm) =	ssettm $0x1  }
0x97: {  	s18 =	sld [smem:$0x3FFB];
	_ =	sdelay $0x3  }
0x98: {  	_ =	strace s18  }
0x99: {  	s4 =	sld [smem:$0x3FFC];
	_ =	sdelay $0x3  }
0x9a: {  	_ =	strace s4  }
0x9b: {  	s4 =	sld [smem:$0x3FFD];
	_ =	sdelay $0x3  }
0x9c: {  	_ =	strace s4  }
0x9d: {  	_ =	strace $0x8FFFFFFF  }
0x9e: {  	s19 =	sld [smem:$0x3FDB];
	_ =	sdelay $0x1  }
0x9f: {  	s5 =	simm.s32 $_scs_section_size  }
0xa0: {  	s6 =	simm.s32 $_size__tile_overlayer_lowered;
	s7 =	simm.s32 $_tile_overlayer_lowered  }
0xa1: {  	s22 =	simm.s32 $0x1BFF;
	s21 =	sshll.u32 s7, $0x1;
	s4 =	sadd.s32 s5, s19  }
0xa2: {  	s8 =	simm.s32 $0x0;
	s20 =	sshll.u32 s6, $0x1;
	s6 =	sadd.s32 s21, s4  }
0xa3: {  	[timem:s8], [sflag:s22] =	dma.local [hbm:s6], s20  }
0xa4: {  	_ =	swait.ge [sflag:s22], s20  }
0xa5: {  	s5 =	ssub.s32 $0x0, s20;
	[sflag:s22] =	ssyncset.done $0x0  }
0xa6: {  	[sflag:s22] =	ssyncadd.s32 s5;
	_ =	sdelay $0x1  }
0xa7: {  	s23 =	simm.s32 $0x1B8B  }
0xa8: {  	_ =	swait.ge [sflag:s23], $0x1  }
0xa9: {  	[sflag:s23] =	ssyncset.done $0x0  }
0xaa: {  	s25 =	simm.s32 $0x1B8E;
	s24 =	sld [smem:$0x3FFE];
	[sflag:s23] =	ssyncadd.s32 $0xFFFFFFFF  }
0xab: {  	s26 =	simm.s32 $execute0_lowered;
	[smem:$0x3FD2] =	sst s25  }
0xac: {  	s6 =	sshll.u32 s26, $0x1;
	_ =	strace $0x80000049;
	[dreg:$0x1] =	wrdreg $0xFFFFFFFF  }
0xad: {  	s28 =	simm.s32 $_size_execute0_lowered;
	s4 =	sadd.s32 s4, s6;
	[dreg:$0x0] =	wrdreg $0x0  }
0xae: {  	s6 =	sshll.u32 s28, $0x1;
	[dreg:$0x2] =	wrdreg s4  }
0xaf: {  	[dreg:$0x3] =	wrdreg s6  }
0xb0: {  	[dreg:$0x4] =	wrdreg $0xC0  }
0xb1: {  	_ =	task [dreg:s8], $0x5FFFF  }
0xb2: {  	[dreg:$0x1] =	wrdreg $0xFFFFFFFF  }
0xb3: {  	[dreg:$0x0] =	wrdreg $0x60  }
0xb4: {  	[dreg:$0x2] =	wrdreg s16  }
0xb5: {  	[dreg:$0x3] =	wrdreg s24  }
0xb6: {  	[dreg:$0x4] =	wrdreg s17  }
0xb7: {  	[dreg:$0x5] =	wrdreg $0x148000  }
0xb8: {  	[dreg:$0x6] =	wrdreg $0xA8000  }
0xb9: {  	[dreg:$0x7] =	wrdreg $0x9  }
0xba: {  	_ =	task.clear_ibuf [dreg:s8], $0x8FFFF;
	_ =	strace $0x90000049  }
0xbb: {  	s29 =	simm.s32 $0x9;
	_ =	strace $0x8000004B  }
0xbc: {  	_ =	swait.ge [sflag:s29], $0x1  }
0xbd: {  	[sflag:s29] =	ssyncadd.s32 $0xFFFFFFFF  }
0xbe: {  	_ =	strace $0x9000004B  }
0xbf: {  	_ =	sfence  }
0xc0: {  	s30 =	sld [smem:$0x0];
	_ =	sdelay $0x2  }
0xc1: {  	s31 =	sshll.u32 s1, $0xD;
	s1 =	sshrl.u32 s1, $0x2  }
0xc2: {  	s3 =	sand.u32 $0x4000, s31;
	s1 =	sadd.s32 s1, s30  }
0xc3: {  	s0 =	sor.u32 s3, s0;
	s1 =	sshll.u32 s1, $0x11  }
0xc4: {  	s0 =	sor.u32 s1, s0  }
0xc5: {  	s0 =	sadd.s32 $0x8F2B, s0  }
0xc6: {  	[sflag:s0] =	ssyncadd.remote.s32 $0x1  }
0xc7: {  	_ =	sfence.sel $0xFFFF  }
0xc8: {  	[dreg:$0x0] =	wrdreg $0xFFFFFFFF;
	(pc) =	sbr.abs _section_cstart, $3  }
0xc9: {  	[dreg:$0x1] =	wrdreg $0xFFFFFFFF  }
0xca: {  	_ =	task.clear_ibuf [dreg:s8], $0x2FFFF;
	_ =	strace $0x9FFFFFFF  }
0xcb: {  	(tm) =	ssettm $0x7FFFFFFF  }
tec
execute0_lowered:
.L_overlay_start_1:
0x0: {  	(tag) =	ssettag $0x1  }
0x1: {  	s0 =	rddreg [dreg:$0x0]  }
0x2: {  	s1 =	rddreg [dreg:$0x1];
	s2 =	srdreg.scid  }
0x3: {  	s6 =	rddreg [dreg:$0x2];
	s16 =	stileid.u32  }
0x4: {  	s3 =	rddreg [dreg:$0x4];
	s15 =	simm.s32 $0x2800;
	s19 =	simm.s32 $0x1400  }
0x5: {  	s20 =	simm.s32 $0x80;
	s21 =	simm.s32 $0x4800;
	s28 =	simm.s32 $0x2  }
0x6: {  	s30 =	simm.s32 $0x3;
	s22 =	simm.s32 $0x5;
	s29 =	simm.s32 $0x7  }
0x7: {  	s31 =	simm.s32 $0x8;
	s5 =	sand.u32 $0x1, s2;
	s8 =	smul.u32 $0x28000, s16  }
0x8: {  	s2 =	rddreg [dreg:$0x3];
	s10 =	smul.u32 $0xA000, s16;
	s26 =	sshll.u32 s16, $0x6  }
0x9: {  	s4 =	sshll.u32 s5, $0x4;
	s5 =	ssub.s32 $0x2, s5;
	s17 =	sor.u32 $0x1C09, s26  }
0xa: {  	s26 =	simm.s32 $0x1;
	s7 =	sor.u32 s16, s4;
	s4 =	simm.s32 $0x0  }
0xb: {  	s8 =	sshrl.u32 s8, $0x2;
	s23 =	sshrl.u32 s5, $0x1;
	s13 =	sshrl.u32 s10, $0x3  }
0xc: {  	s18 =	sadd.s32 s10, s3;
	s16 =	simm.s32 $0x9;
	s11 =	smul.u32 $0x280, s7  }
0xd: {  	[smem:$0x7FF] =	sst s4;
	s7 =	smul.u32 $0x1400, s7;
	s9 =	sadd.s32 s8, s2  }
0xe: {  	s14 =	ssub.s32 s5, s23;
	s5 =	sadd.s32 s10, s2;
	s10 =	sadd.s32 s6, s13  }
0xf: {  	s18 =	sshrl.u32 s18, $0x3;
	s23 =	simm.s32 $0x6800;
	_ =	strace $0x8000004A  }
0x10: {  	s24 =	sadd.s32 $0x2000, s9;
	s25 =	sadd.s32 $0x4000, s9;
	s8 =	sadd.s32 $0x6000, s9  }
0x11: {  	s9 =	sadd.s32 $0x8000, s9;
	s14 =	smax.u32 s14, $0x1;
	[dreg:$0x6] =	wrdreg s24  }
0x12: {  	s12 =	sadd.s32 s11, s1;
	s1 =	sadd.s32 s7, s1;
	[dreg:$0x7] =	wrdreg s25  }
0x13: {  	s11 =	sadd.s32 s0, s11;
	s25 =	simm.s32 $0x8800;
	s24 =	simm.s32 $0x6  }
0x14: {  	v0 =	vimm.f32 $0.0e+00;
	s12 =	sadd.s32 $0x3800, s12;
	s13 =	sadd.s32 $0x30800, s1;
	s1 =	simm.s32 $0x4  }
.LBB2_1:
0x15: {  	s6 =	simm.s32 $0x100;
	s0 =	simm.s32 $0x0  }
.LBB2_2:
0x16: {  	p0 =	sne.s32 s6, $0x7F00;
	[tilespmem:s0+$0x2830] =	vst v0;
	s7 =	smov.u32 s6;
	s6 =	sadd.s32 $0x100, s6  }
.Ltmp0:
0x17: {  	[tilespmem:s0+$0x2820] =	vst v0;
	(pc) =	sbr.rel @p0 .LBB2_2-.Ltmp0, $3  }
0x18: {  	[tilespmem:s0+$0x2800] =	vst v0  }
0x19: {  	[tilespmem:s0+$0x2810] =	vst v0;
	_ =	sdelay $0x1  }
0x1a: {  	s0 =	sshra.s32 s7, $0x2  }
0x1b: {  	[tilespmem:s0+$0x2830] =	vst v0  }
0x1c: {  	[tilespmem:s0+$0x2820] =	vst v0  }
0x1d: {  	[tilespmem:s0+$0x2800] =	vst v0  }
0x1e: {  	[tilespmem:s0+$0x2810] =	vst v0  }
0x1f: {  	[spmem:s5] =	stream.linear.scatter [tilespmem:s15], [sflag:$0x9], $0x2000, $0x38;
	[tilespmem:$0x1E800] =	vst v63  }
0x20: {  	_ =	swait.ge [sflag:s16], $0x2000  }
0x21: {  	[sflag:s16] =	ssyncset.done $0x0  }
0x22: {  	s7 =	rddreg [dreg:$0x6];
	[sflag:s16] =	ssyncadd.s32 $0xFFFFE000  }
0x23: {  	[spmem:s7] =	stream.linear.scatter [tilespmem:s15], [sflag:$0x9], $0x2000, $0x38;
	[tilespmem:$0x1E800] =	vst v63  }
0x24: {  	_ =	swait.ge [sflag:s16], $0x2000  }
0x25: {  	[sflag:s16] =	ssyncset.done $0x0  }
0x26: {  	s6 =	rddreg [dreg:$0x7];
	[sflag:s16] =	ssyncadd.s32 $0xFFFFE000  }
0x27: {  	[spmem:s6] =	stream.linear.scatter [tilespmem:s15], [sflag:$0x9], $0x2000, $0x38;
	[tilespmem:$0x1E800] =	vst v63  }
0x28: {  	_ =	swait.ge [sflag:s16], $0x2000  }
0x29: {  	[sflag:s16] =	ssyncset.done $0x0  }
0x2a: {  	[sflag:s16] =	ssyncadd.s32 $0xFFFFE000  }
0x2b: {  	[spmem:s8] =	stream.linear.scatter [tilespmem:s15], [sflag:$0x9], $0x2000, $0x38;
	[tilespmem:$0x1E800] =	vst v63  }
0x2c: {  	_ =	swait.ge [sflag:s16], $0x2000  }
0x2d: {  	[sflag:s16] =	ssyncset.done $0x0  }
0x2e: {  	[sflag:s16] =	ssyncadd.s32 $0xFFFFE000  }
0x2f: {  	[spmem:s9] =	stream.linear.scatter [tilespmem:s15], [sflag:$0x9], $0x2000, $0x38;
	[tilespmem:$0x1E800] =	vst v63  }
0x30: {  	_ =	swait.ge [sflag:s16], $0x2000  }
0x31: {  	[sflag:s16] =	ssyncset.done $0x0  }
0x32: {  	[sflag:s16] =	ssyncadd.s32 $0xFFFFE000  }
0x33: {  	[spmem:s18], [sflag:s17] =	dma.local [hbm:s10], $0x1400  }
0x34: {  	_ =	swait.ge [sflag:s16], $0x1400  }
0x35: {  	[sflag:s16] =	ssyncset.done $0x0  }
0x36: {  	s7 =	simm.s32 $0x0;
	[sflag:s16] =	ssyncadd.s32 $0xFFFFEC00  }
0x37: {  	[tilespmem:s7], [sflag:$0x9] =	stream.linear.gather [hbm4b:s11+s7], $0x1400, $0x38;
	[tilespmem:$0x1E800] =	vst v63  }
0x38: {  	_ =	swait.ge [sflag:s16], $0x1400  }
0x39: {  	[sflag:s16] =	ssyncset.done $0x0  }
0x3a: {  	[sflag:s16] =	ssyncadd.s32 $0xFFFFEC00  }
0x3b: {  	[tilespmem:s19], [sflag:$0x9] =	stream.linear.gather [hbm4b:s12+s7], $0x1400, $0x38;
	[tilespmem:$0x1E800] =	vst v63  }
0x3c: {  	_ =	swait.ge [sflag:s16], $0x1400  }
0x3d: {  	[sflag:s16] =	ssyncset.done $0x0  }
0x3e: {  	[sflag:s16] =	ssyncadd.s32 $0xFFFFEC00  }
0x3f: {  	[bflag:$0x0] =	sbarrier.arrive $0xFFFF  }
0x40: {  	[tilespmem:s15], [sflag:$0x1] =	stream.indirect.gather [spmem:s3], $0x40, s7, s20, $0xb8;
	[tilespmem:$0x1E800] =	vst v63  }
0x41: {  	_ = 	snop  }
0x42: {  	[tilespmem:s21], [sflag:$0x2] =	stream.indirect.gather [spmem:s3], $0x40, s20, s20, $0xb8;
	[tilespmem:$0x1E800] =	vst v63  }
0x43: {  	s6 =	simm.s32 $0x100  }
0x44: {  	[tilespmem:s23], [sflag:$0x3] =	stream.indirect.gather [spmem:s3], $0x40, s6, s20, $0xb8;
	[tilespmem:$0x1E800] =	vst v63  }
0x45: {  	s7 =	simm.s32 $0x180  }
0x46: {  	[tilespmem:s25], [sflag:$0x4] =	stream.indirect.gather [spmem:s3], $0x40, s7, s20, $0xb8;
	[tilespmem:$0x1E800] =	vst v63  }
0x47: {  	_ =	swait.ge [sflag:s26], $0x2000  }
0x48: {  	[sflag:s26] =	ssyncset.done $0x0  }
0x49: {  	[sflag:s26] =	ssyncadd.s32 $0xFFFFE000  }
0x4a: {  	[spmem:s2] =	stream.indirect.scatter.add.f32 [tilespmem:s15], [sflag:$0x5], $0x40, s19, s20, $0xb8;
	[tilespmem:$0x1E800] =	vst v63  }
0x4b: {  	_ =	swait.ge [sflag:s28], $0x2000  }
0x4c: {  	[sflag:s28] =	ssyncset.done $0x0  }
0x4d: {  	s6 =	simm.s32 $0x1480;
	[sflag:s28] =	ssyncadd.s32 $0xFFFFE000  }
0x4e: {  	[spmem:s2] =	stream.indirect.scatter.add.f32 [tilespmem:s21], [sflag:$0x6], $0x40, s6, s20, $0xb8;
	[tilespmem:$0x1E800] =	vst v63  }
0x4f: {  	_ =	swait.ge [sflag:s30], $0x2000  }
0x50: {  	[sflag:s30] =	ssyncset.done $0x0  }
0x51: {  	s7 =	simm.s32 $0x1500;
	[sflag:s30] =	ssyncadd.s32 $0xFFFFE000  }
0x52: {  	[spmem:s2] =	stream.indirect.scatter.add.f32 [tilespmem:s23], [sflag:$0x7], $0x40, s7, s20, $0xb8;
	[tilespmem:$0x1E800] =	vst v63  }
0x53: {  	_ =	swait.ge [sflag:s1], $0x2000  }
0x54: {  	[sflag:s1] =	ssyncset.done $0x0  }
0x55: {  	s6 =	simm.s32 $0x1580;
	[sflag:s1] =	ssyncadd.s32 $0xFFFFE000  }
0x56: {  	[spmem:s2] =	stream.indirect.scatter.add.f32 [tilespmem:s25], [sflag:$0x8], $0x40, s6, s20, $0xb8;
	[tilespmem:$0x1E800] =	vst v63  }
0x57: {  	_ =	swait.ge [sflag:s22], $0x2000  }
0x58: {  	[sflag:s22] =	ssyncset.done $0x0  }
0x59: {  	s7 =	simm.s32 $0x200;
	[sflag:s22] =	ssyncadd.s32 $0xFFFFE000  }
0x5a: {  	[tilespmem:s15], [sflag:$0x1] =	stream.indirect.gather [spmem:s3], $0x40, s7, s20, $0xb8;
	[tilespmem:$0x1E800] =	vst v63  }
0x5b: {  	_ =	swait.ge [sflag:s24], $0x2000  }
0x5c: {  	[sflag:s24] =	ssyncset.done $0x0  }
0x5d: {  	s6 =	simm.s32 $0x280;
	[sflag:s24] =	ssyncadd.s32 $0xFFFFE000  }
0x5e: {  	[tilespmem:s21], [sflag:$0x2] =	stream.indirect.gather [spmem:s3], $0x40, s6, s20, $0xb8;
	[tilespmem:$0x1E800] =	vst v63  }
0x5f: {  	_ =	swait.ge [sflag:s29], $0x2000  }
0x60: {  	[sflag:s29] =	ssyncset.done $0x0  }
0x61: {  	s7 =	simm.s32 $0x300;
	[sflag:s29] =	ssyncadd.s32 $0xFFFFE000  }
0x62: {  	[tilespmem:s23], [sflag:$0x3] =	stream.indirect.gather [spmem:s3], $0x40, s7, s20, $0xb8;
	[tilespmem:$0x1E800] =	vst v63  }
0x63: {  	_ =	swait.ge [sflag:s31], $0x2000  }
0x64: {  	[sflag:s31] =	ssyncset.done $0x0  }
0x65: {  	s6 =	simm.s32 $0x380;
	[sflag:s31] =	ssyncadd.s32 $0xFFFFE000  }
0x66: {  	[tilespmem:s25], [sflag:$0x4] =	stream.indirect.gather [spmem:s3], $0x40, s6, s20, $0xb8;
	[tilespmem:$0x1E800] =	vst v63  }
0x67: {  	_ =	swait.ge [sflag:s26], $0x2000  }
0x68: {  	[sflag:s26] =	ssyncset.done $0x0  }
0x69: {  	s7 =	simm.s32 $0x1600;
	[sflag:s26] =	ssyncadd.s32 $0xFFFFE000  }
0x6a: {  	[spmem:s2] =	stream.indirect.scatter.add.f32 [tilespmem:s15], [sflag:$0x5], $0x40, s7, s20, $0xb8;
	[tilespmem:$0x1E800] =	vst v63  }
0x6b: {  	_ =	swait.ge [sflag:s28], $0x2000  }
0x6c: {  	[sflag:s28] =	ssyncset.done $0x0  }
0x6d: {  	s6 =	simm.s32 $0x1680;
	[sflag:s28] =	ssyncadd.s32 $0xFFFFE000  }
0x6e: {  	[spmem:s2] =	stream.indirect.scatter.add.f32 [tilespmem:s21], [sflag:$0x6], $0x40, s6, s20, $0xb8;
	[tilespmem:$0x1E800] =	vst v63  }
0x6f: {  	_ =	swait.ge [sflag:s30], $0x2000  }
0x70: {  	[sflag:s30] =	ssyncset.done $0x0  }
0x71: {  	s7 =	simm.s32 $0x1700;
	[sflag:s30] =	ssyncadd.s32 $0xFFFFE000  }
0x72: {  	[spmem:s2] =	stream.indirect.scatter.add.f32 [tilespmem:s23], [sflag:$0x7], $0x40, s7, s20, $0xb8;
	[tilespmem:$0x1E800] =	vst v63  }
0x73: {  	_ =	swait.ge [sflag:s1], $0x2000  }
0x74: {  	[sflag:s1] =	ssyncset.done $0x0  }
0x75: {  	s0 =	simm.s32 $0x800;
	s6 =	simm.s32 $0x1780;
	[sflag:s1] =	ssyncadd.s32 $0xFFFFE000  }
.LBB2_4:
0x76: {  	[spmem:s2] =	stream.indirect.scatter.add.f32 [tilespmem:s25], [sflag:$0x8], $0x40, s6, s20, $0xb8;
	[tilespmem:$0x1E800] =	vst v63  }
0x77: {  	s6 =	smov.u32 s0  }
0x78: {  	p0 =	sne.s32 s0, $0x4000;
	s0 =	sadd.s32 $0x800, s0;
	_ =	swait.ge [sflag:s22], $0x2000  }
0x79: {  	s6 =	sshra.s32 s6, $0x2;
	[sflag:s22] =	ssyncset.done $0x0  }
0x7a: {  	s7 =	sadd.s32 $0x200, s6;
	[sflag:s22] =	ssyncadd.s32 $0xFFFFE000  }
0x7b: {  	[tilespmem:s15], [sflag:$0x1] =	stream.indirect.gather [spmem:s3], $0x40, s7, s20, $0xb8;
	[tilespmem:$0x1E800] =	vst v63  }
0x7c: {  	_ =	swait.ge [sflag:s24], $0x2000  }
0x7d: {  	[sflag:s24] =	ssyncset.done $0x0  }
0x7e: {  	s7 =	sadd.s32 $0x280, s6;
	[sflag:s24] =	ssyncadd.s32 $0xFFFFE000  }
0x7f: {  	[tilespmem:s21], [sflag:$0x2] =	stream.indirect.gather [spmem:s3], $0x40, s7, s20, $0xb8;
	[tilespmem:$0x1E800] =	vst v63  }
0x80: {  	_ =	swait.ge [sflag:s29], $0x2000  }
0x81: {  	[sflag:s29] =	ssyncset.done $0x0  }
0x82: {  	s7 =	sadd.s32 $0x300, s6;
	[sflag:s29] =	ssyncadd.s32 $0xFFFFE000  }
0x83: {  	[tilespmem:s23], [sflag:$0x3] =	stream.indirect.gather [spmem:s3], $0x40, s7, s20, $0xb8;
	[tilespmem:$0x1E800] =	vst v63  }
0x84: {  	_ =	swait.ge [sflag:s31], $0x2000  }
0x85: {  	[sflag:s31] =	ssyncset.done $0x0  }
0x86: {  	s7 =	sadd.s32 $0x380, s6;
	[sflag:s31] =	ssyncadd.s32 $0xFFFFE000  }
0x87: {  	[tilespmem:s25], [sflag:$0x4] =	stream.indirect.gather [spmem:s3], $0x40, s7, s20, $0xb8;
	[tilespmem:$0x1E800] =	vst v63  }
0x88: {  	_ =	swait.ge [sflag:s26], $0x2000  }
0x89: {  	[sflag:s26] =	ssyncset.done $0x0  }
0x8a: {  	s7 =	sadd.s32 $0x1600, s6;
	[sflag:s26] =	ssyncadd.s32 $0xFFFFE000  }
0x8b: {  	[spmem:s2] =	stream.indirect.scatter.add.f32 [tilespmem:s15], [sflag:$0x5], $0x40, s7, s20, $0xb8;
	[tilespmem:$0x1E800] =	vst v63  }
0x8c: {  	_ =	swait.ge [sflag:s28], $0x2000  }
0x8d: {  	[sflag:s28] =	ssyncset.done $0x0  }
0x8e: {  	s7 =	sadd.s32 $0x1680, s6;
	[sflag:s28] =	ssyncadd.s32 $0xFFFFE000  }
0x8f: {  	[spmem:s2] =	stream.indirect.scatter.add.f32 [tilespmem:s21], [sflag:$0x6], $0x40, s7, s20, $0xb8;
	[tilespmem:$0x1E800] =	vst v63  }
0x90: {  	_ =	swait.ge [sflag:s30], $0x2000  }
0x91: {  	[sflag:s30] =	ssyncset.done $0x0  }
.Ltmp1:
0x92: {  	s7 =	sadd.s32 $0x1700, s6;
	[sflag:s30] =	ssyncadd.s32 $0xFFFFE000;
	(pc) =	sbr.rel @p0 .LBB2_4-.Ltmp1, $4  }
0x93: {  	[spmem:s2] =	stream.indirect.scatter.add.f32 [tilespmem:s23], [sflag:$0x7], $0x40, s7, s20, $0xb8;
	[tilespmem:$0x1E800] =	vst v63  }
0x94: {  	_ =	swait.ge [sflag:s1], $0x2000  }
0x95: {  	[sflag:s1] =	ssyncset.done $0x0  }
0x96: {  	s6 =	sadd.s32 $0x1780, s6;
	[sflag:s1] =	ssyncadd.s32 $0xFFFFE000  }
0x97: {  	[spmem:s2] =	stream.indirect.scatter.add.f32 [tilespmem:s25], [sflag:$0x8], $0x40, s6, s20, $0xb8;
	[tilespmem:$0x1E800] =	vst v63  }
0x98: {  	_ =	swait.ge [sflag:s22], $0x2000  }
0x99: {  	[sflag:s22] =	ssyncset.done $0x0  }
0x9a: {  	[sflag:s22] =	ssyncadd.s32 $0xFFFFE000  }
0x9b: {  	_ =	swait.ge [sflag:s24], $0x2000  }
0x9c: {  	[sflag:s24] =	ssyncset.done $0x0  }
0x9d: {  	[sflag:s24] =	ssyncadd.s32 $0xFFFFE000  }
0x9e: {  	_ =	swait.ge [sflag:s29], $0x2000  }
0x9f: {  	[sflag:s29] =	ssyncset.done $0x0  }
0xa0: {  	[sflag:s29] =	ssyncadd.s32 $0xFFFFE000  }
0xa1: {  	_ =	swait.ge [sflag:s31], $0x2000  }
0xa2: {  	s4 =	sadd.s32 $0x1, s4;
	[sflag:s31] =	ssyncset.done $0x0  }
0xa3: {  	p0 =	sne.s32 s4, s14;
	[sflag:s31] =	ssyncadd.s32 $0xFFFFE000  }
.Ltmp2:
0xa4: {  	s0 =	sshrl.u32 s5, $0x3;
	[bflag:$0x0] =	sbarrier.arrive $0xFFFF;
	(pc) =	sbr.rel @p0 .LBB2_1-.Ltmp2, $4  }
0xa5: {  	[hbm:s13], [sflag:s17] =	dma.local [spmem:s0], $0x1400  }
0xa6: {  	_ =	swait.ge [sflag:s16], $0x1400  }
0xa7: {  	[sflag:s16] =	ssyncset.done $0x0  }
0xa8: {  	[sflag:s16] =	ssyncadd.s32 $0xFFFFEC00  }
0xa9: {  	_ =	sfence.sel $0x180000  }
0xaa: {  	[bflag:$0x0] =	sbarrier.arrive $0xFFFF  }
0xab: {  	_ =	strace $0x9000004A  }
0xac: {  	s0 =	stileid.u32;
	[bflag:$0x2] =	sbarrier.arrive $0xFFFF  }
0xad: {  	p0 =	sne.s32 s0, $0x0;
	s0 =	rddreg [dreg:$0x5]  }
0xae: {  	s0 =	sadd.s32 @!p0 $0x100000, s0  }
0xaf: {  	[sflag:s0] =	ssyncadd.tile.s32 @!p0 $0x1;
	_ =	shalt  }
.Lfunc_end2:
_tile_overlayer_lowered:
.L_overlay_start_2:
0xb0: {  	(tag) =	ssettag $0x2  }
0xb1: {  	s0 =	rddreg [dreg:$0x0];
	s2 =	stileid.u32  }
0xb2: {  	s1 =	rddreg [dreg:$0x1];
	p0 =	sne.s32 s2, $0x0  }
0xb3: {  	s3 =	rddreg [dreg:$0x2];
	[bflag:$0x3] =	sbarrier.arrive $0xFFFF;
	s2 =	simm.s32 @!p0 $0x1C09  }
0xb4: {  	[timem:s3], [sflag:s2] =	dma.local @!p0 [hbm:s0], s1  }
0xb5: {  	s0 =	simm.s32 @!p0 $0x9  }
0xb6: {  	_ =	swait.ge @!p0 [sflag:s0], s1  }
0xb7: {  	s1 =	ssub.s32 @!p0 $0x0, s1;
	[sflag:s0] =	ssyncset.done @!p0 $0x0  }
0xb8: {  	[sflag:s0] =	ssyncadd.s32 @!p0 s1  }
0xb9: {  	[bflag:$0x3] =	sbarrier.arrive $0xFFFF  }
0xba: {  	_ =	shalt  }

// kernel: kernel.22.cloned.1.call-start
scs
__scs_entry_jumppad:
0x0: {  	(pc) =	sbr.rel $0x88, $3  }
0x1: {  	(tag) =	ssettag $0x0;
	lr =	simm.s32 $0x1  }
0x2: {  	[smem:$0x3F95] =	sst lr;
	_ =	strace $0xD0000000  }
0x3: {  	_ = 	snop  }
0x4: {  	_ = 	snop  }
0x5: {  	_ = 	snop  }
0x6: {  	_ = 	snop  }
0x7: {  	_ = 	snop  }
__scs_overlays_trampoline_lowered:
0x8: {  	[smem:$0x3FA4] =	sst s0  }
0x9: {  	[smem:$0x3FA5] =	sst s1  }
0xa: {  	[smem:$0x3FA6] =	sst s2  }
0xb: {  	[smem:$0x3FA7] =	sst s3  }
0xc: {  	[smem:$0x3FA8] =	sst s4  }
0xd: {  	[smem:$0x3FA9] =	sst s5  }
0xe: {  	[smem:$0x3FAA] =	sst s6  }
0xf: {  	[smem:$0x3FAB] =	sst s7  }
0x10: {  	[smem:$0x3FAC] =	sst s8  }
0x11: {  	[smem:$0x3FAD] =	sst s9;
	s0 =	simm.s32 @!p0 $0x0  }
0x12: {  	s1 =	sld [smem:$0x3F93];
	s0 =	simm.s32 @p0 $0x1  }
0x13: {  	[smem:$0x3FAE] =	sst s0;
	s0 =	simm.s32 @!p1 $0x0  }
0x14: {  	s2 =	sld [smem:$0x3F92];
	s0 =	simm.s32 @p1 $0x1  }
0x15: {  	[smem:$0x3FAF] =	sst s0;
	s0 =	simm.s32 @!p2 $0x0  }
0x16: {  	s3 =	sld [smem:$0x3FDB];
	s0 =	simm.s32 @p2 $0x1  }
0x17: {  	s4 =	simm.s32 $0x1BF5;
	[smem:$0x3FB1] =	sst s0  }
0x18: {  	s0 =	sld [smem:$0x3F94];
	_ =	swait.ge [sflag:s4], $0x0  }
0x19: {  	s7 =	sld [smem:$0x3F95]  }
0x1a: {  	s8 =	sadd.s32 $0xFFFFE003, lr  }
0x1b: {  	s9 =	sadd.s32 $0xFFFFFEF7, lr;
	s5 =	simm.s32 $0xFFFFFFFF;
	p2 =	slt.u32 s8, $0xFFFFF086  }
0x1c: {  	p1 =	slt.u32 s9, $0xF7A;
	s5 =	simm.s32 @!p2 $0x0  }
0x1d: {  	s5 =	simm.s32 @p1 $0x1;
	p0 =	seq.s32 s7, s2  }
0x1e: {  	s7 =	smul.u32 @!p0 $0xF7A, s2;
	p2 =	seq.s32 @!p0 s5, $0x0  }
0x1f: {  	s9 =	smul.u32 $0xF7A, s1;
	s8 =	simm.s32 @!p0 $0x1BF5;
	p2 =	por !p2, p0  }
0x20: {  	[sflag:s8] =	ssyncset.s32 @!p0 $0xFFFFF086;
	s6 =	sadd.s32 @!p0 s3, s7;
	s7 =	simm.s32 @!p0 $0x108  }
0x21: {  	s3 =	sadd.s32 s3, s9;
	s6 =	sadd.s32 @!p0 $0x88, s6;
	s7 =	simm.s32 @p2 $0x1082  }
0x22: {  	[simem:s7], [sflag:s8] =	dma.local @!p0 [hbm:s6], $0xF7A  }
0x23: {  	s9 =	sor.u32 $0xD0000000, s2;
	s6 =	simm.s32 $0x108;
	_ =	swait.ge @!p0 [sflag:s8], $0x0  }
0x24: {  	s3 =	sadd.s32 $0x88, s3;
	s6 =	simm.s32 @!p1 $0x1082;
	[sflag:s4] =	ssyncset.s32 $0xFFFFF086  }
0x25: {  	[simem:s6], [sflag:s4] =	dma.local [hbm:s3], $0xF7A  }
0x26: {  	[smem:$0x3F95] =	sst s1;
	(tag) =	ssettag s2;
	_ =	strace s9  }
0x27: {  	s1 =	sld [smem:$0x3FA5]  }
0x28: {  	s2 =	sld [smem:$0x3FA6]  }
0x29: {  	s4 =	sld [smem:$0x3FA8]  }
0x2a: {  	p0 =	seq.s32 s5, $0x0;
	s5 =	sld [smem:$0x3FA9]  }
0x2b: {  	s6 =	sld [smem:$0x3FAA]  }
0x2c: {  	s7 =	sld [smem:$0x3FAB]  }
0x2d: {  	s3 =	simm.s32 $0x108;
	s8 =	sld [smem:$0x3FAC]  }
0x2e: {  	s3 =	simm.s32 @!p0 $0x1082;
	s9 =	sld [smem:$0x3FAD]  }
0x2f: {  	lr =	sadd.s32 s0, s3;
	s0 =	sld [smem:$0x3FA4]  }
0x30: {  	s3 =	sld [smem:$0x3FA7]  }
0x31: {  	[smem:$0x3FB0] =	sst s10  }
0x32: {  	s10 =	sld [smem:$0x3FAE];
	_ =	sdelay $0x3  }
0x33: {  	p0 =	seq.s32 s10, $0x1;
	s10 =	sld [smem:$0x3FB0];
	_ =	sdelay $0x3  }
0x34: {  	[smem:$0x3FB0] =	sst s10  }
0x35: {  	s10 =	sld [smem:$0x3FAF];
	_ =	sdelay $0x3  }
0x36: {  	p1 =	seq.s32 s10, $0x1;
	s10 =	sld [smem:$0x3FB0];
	_ =	sdelay $0x3  }
0x37: {  	[smem:$0x3FB0] =	sst s10  }
0x38: {  	s10 =	sld [smem:$0x3FB1]  }
0x39: {  	_ = 	snop;
	(pc) =	sbr.ind lr, $3  }
0x3a: {  	_ = 	snop  }
0x3b: {  	_ = 	snop  }
0x3c: {  	p2 =	seq.s32 s10, $0x1;
	s10 =	sld [smem:$0x3FB0]  }
0x3d: {  	_ =	shalt  }
0x3e: {  	_ =	shalt  }
0x3f: {  	_ =	shalt  }
0x40: {  	_ =	shalt  }
0x41: {  	_ =	shalt  }
0x42: {  	_ =	shalt  }
0x43: {  	_ =	shalt  }
0x44: {  	_ =	shalt  }
0x45: {  	_ =	shalt  }
0x46: {  	_ =	shalt  }
0x47: {  	_ =	shalt  }
0x48: {  	_ =	shalt  }
0x49: {  	_ =	shalt  }
0x4a: {  	_ =	shalt  }
0x4b: {  	_ =	shalt  }
0x4c: {  	_ =	shalt  }
0x4d: {  	_ =	shalt  }
0x4e: {  	_ =	shalt  }
0x4f: {  	_ =	shalt  }
0x50: {  	_ =	shalt  }
0x51: {  	_ =	shalt  }
0x52: {  	_ =	shalt  }
0x53: {  	_ =	shalt  }
0x54: {  	_ =	shalt  }
0x55: {  	_ =	shalt  }
0x56: {  	_ =	shalt  }
0x57: {  	_ =	shalt  }
0x58: {  	_ =	shalt  }
0x59: {  	_ =	shalt  }
0x5a: {  	_ =	shalt  }
0x5b: {  	_ =	shalt  }
0x5c: {  	_ =	shalt  }
0x5d: {  	_ =	shalt  }
0x5e: {  	_ =	shalt  }
0x5f: {  	_ =	shalt  }
0x60: {  	_ =	shalt  }
0x61: {  	_ =	shalt  }
0x62: {  	_ =	shalt  }
0x63: {  	_ =	shalt  }
0x64: {  	_ =	shalt  }
0x65: {  	_ =	shalt  }
0x66: {  	_ =	shalt  }
0x67: {  	_ =	shalt  }
0x68: {  	_ =	shalt  }
0x69: {  	_ =	shalt  }
0x6a: {  	_ =	shalt  }
0x6b: {  	_ =	shalt  }
0x6c: {  	_ =	shalt  }
0x6d: {  	_ =	shalt  }
0x6e: {  	_ =	shalt  }
0x6f: {  	_ =	shalt  }
0x70: {  	_ =	shalt  }
0x71: {  	_ =	shalt  }
0x72: {  	_ =	shalt  }
0x73: {  	_ =	shalt  }
0x74: {  	_ =	shalt  }
0x75: {  	_ =	shalt  }
0x76: {  	_ =	shalt  }
0x77: {  	_ =	shalt  }
0x78: {  	_ =	shalt  }
0x79: {  	_ =	shalt  }
0x7a: {  	_ =	shalt  }
0x7b: {  	_ =	shalt  }
0x7c: {  	_ =	shalt  }
0x7d: {  	_ =	shalt  }
0x7e: {  	_ =	shalt  }
0x7f: {  	_ =	shalt  }
0x80: {  	_ =	shalt  }
0x81: {  	_ =	shalt  }
0x82: {  	_ =	shalt  }
0x83: {  	_ =	shalt  }
0x84: {  	_ =	shalt  }
0x85: {  	_ =	shalt  }
0x86: {  	_ =	shalt  }
0x87: {  	_ =	shalt  }
.Lfunc_end0:
.L_simem_size_0:
called_computation.2_lowered:
.L_overlay_start_0:
0x88: {  	s2 =	sld [smem:$0x3FD9]  }
0x89: {  	s3 =	sld [smem:$0x3FFE];
	_ =	sdelay $0x1  }
0x8a: {  	s1 =	srdreg.scid  }
0x8b: {  	s0 =	sand.u32 $0x1, s1  }
0x8c: {  	s14 =	sshll.u32 s0, $0xA;
	s2 =	sadd.s32 s3, s2  }
0x8d: {  	s2 =	sadd.s32 s2, s14  }
0x8e: {  	[smem:$0x3FBC] =	sst s2  }
0x8f: {  	_ = 	snop  }
0x90: {  	s2 =	sld [smem:$0x3FD0];
	_ =	sdelay $0x2  }
0x91: {  	s15 =	simm.s32 $0xA;
	s4 =	simm.s32 $0x10  }
0x92: {  	[smem:s4], [sflag:s15] =	dma.local [hbm:s2], $0x1  }
0x93: {  	_ =	swait.eq [sflag:s15], $0x1  }
0x94: {  	[sflag:s15] =	ssyncset.done $0x0  }
0x95: {  	s16 =	sld [smem:$0x13];
	[sflag:s15] =	ssyncadd.s32 $0xFFFFFFFF  }
0x96: {  	s17 =	sld [smem:$0x14];
	(tm) =	ssettm $0x1  }
0x97: {  	s18 =	sld [smem:$0x3FFB];
	_ =	sdelay $0x3  }
0x98: {  	_ =	strace s18  }
0x99: {  	s4 =	sld [smem:$0x3FFC];
	_ =	sdelay $0x3  }
0x9a: {  	_ =	strace s4  }
0x9b: {  	s4 =	sld [smem:$0x3FFD];
	_ =	sdelay $0x3  }
0x9c: {  	_ =	strace s4  }
0x9d: {  	_ =	strace $0x8FFFFFFF  }
0x9e: {  	s19 =	sld [smem:$0x3FDB];
	_ =	sdelay $0x1  }
0x9f: {  	s5 =	simm.s32 $_scs_section_size  }
0xa0: {  	s6 =	simm.s32 $_size__tile_overlayer_lowered;
	s7 =	simm.s32 $_tile_overlayer_lowered  }
0xa1: {  	s22 =	simm.s32 $0x1BFF;
	s21 =	sshll.u32 s7, $0x1;
	s4 =	sadd.s32 s5, s19  }
0xa2: {  	s8 =	simm.s32 $0x0;
	s20 =	sshll.u32 s6, $0x1;
	s6 =	sadd.s32 s21, s4  }
0xa3: {  	[timem:s8], [sflag:s22] =	dma.local [hbm:s6], s20  }
0xa4: {  	_ =	swait.ge [sflag:s22], s20  }
0xa5: {  	s5 =	ssub.s32 $0x0, s20;
	[sflag:s22] =	ssyncset.done $0x0  }
0xa6: {  	[sflag:s22] =	ssyncadd.s32 s5;
	_ =	sdelay $0x1  }
0xa7: {  	s23 =	simm.s32 $0x1B8B  }
0xa8: {  	_ =	swait.ge [sflag:s23], $0x1  }
0xa9: {  	[sflag:s23] =	ssyncset.done $0x0  }
0xaa: {  	s25 =	simm.s32 $0x1B8E;
	s24 =	sld [smem:$0x3FFE];
	[sflag:s23] =	ssyncadd.s32 $0xFFFFFFFF  }
0xab: {  	s26 =	simm.s32 $execute0_lowered;
	[smem:$0x3FD2] =	sst s25  }
0xac: {  	s6 =	sshll.u32 s26, $0x1;
	_ =	strace $0x8000004C;
	[dreg:$0x1] =	wrdreg $0xFFFFFFFF  }
0xad: {  	s28 =	simm.s32 $_size_execute0_lowered;
	s4 =	sadd.s32 s4, s6;
	[dreg:$0x0] =	wrdreg $0x0  }
0xae: {  	s6 =	sshll.u32 s28, $0x1;
	[dreg:$0x2] =	wrdreg s4  }
0xaf: {  	[dreg:$0x3] =	wrdreg s6  }
0xb0: {  	[dreg:$0x4] =	wrdreg $0xC0  }
0xb1: {  	_ =	task [dreg:s8], $0x5FFFF  }
0xb2: {  	[dreg:$0x1] =	wrdreg $0xFFFFFFFF  }
0xb3: {  	[dreg:$0x0] =	wrdreg $0x60  }
0xb4: {  	[dreg:$0x2] =	wrdreg s16  }
0xb5: {  	[dreg:$0x3] =	wrdreg s24  }
0xb6: {  	[dreg:$0x4] =	wrdreg s17  }
0xb7: {  	[dreg:$0x5] =	wrdreg $0x148000  }
0xb8: {  	[dreg:$0x6] =	wrdreg $0xA8000  }
0xb9: {  	[dreg:$0x7] =	wrdreg $0x9  }
0xba: {  	_ =	task.clear_ibuf [dreg:s8], $0x8FFFF;
	_ =	strace $0x9000004C  }
0xbb: {  	s29 =	simm.s32 $0x9;
	_ =	strace $0x8000004E  }
0xbc: {  	_ =	swait.ge [sflag:s29], $0x1  }
0xbd: {  	[sflag:s29] =	ssyncadd.s32 $0xFFFFFFFF  }
0xbe: {  	_ =	strace $0x9000004E  }
0xbf: {  	_ =	sfence  }
0xc0: {  	s30 =	sld [smem:$0x0];
	_ =	sdelay $0x2  }
0xc1: {  	s31 =	sshll.u32 s1, $0xD;
	s1 =	sshrl.u32 s1, $0x2  }
0xc2: {  	s3 =	sand.u32 $0x4000, s31;
	s1 =	sadd.s32 s1, s30  }
0xc3: {  	s0 =	sor.u32 s3, s0;
	s1 =	sshll.u32 s1, $0x11  }
0xc4: {  	s0 =	sor.u32 s1, s0  }
0xc5: {  	s0 =	sadd.s32 $0x8F2B, s0  }
0xc6: {  	[sflag:s0] =	ssyncadd.remote.s32 $0x1  }
0xc7: {  	_ =	sfence.sel $0xFFFF  }
0xc8: {  	[dreg:$0x0] =	wrdreg $0xFFFFFFFF;
	(pc) =	sbr.abs _section_cstart, $3  }
0xc9: {  	[dreg:$0x1] =	wrdreg $0xFFFFFFFF  }
0xca: {  	_ =	task.clear_ibuf [dreg:s8], $0x2FFFF;
	_ =	strace $0x9FFFFFFF  }
0xcb: {  	(tm) =	ssettm $0x7FFFFFFF  }
tec
execute0_lowered:
.L_overlay_start_1:
0x0: {  	(tag) =	ssettag $0x1  }
0x1: {  	s0 =	rddreg [dreg:$0x0]  }
0x2: {  	s1 =	rddreg [dreg:$0x1];
	s2 =	srdreg.scid  }
0x3: {  	s6 =	rddreg [dreg:$0x2];
	s16 =	stileid.u32  }
0x4: {  	s3 =	rddreg [dreg:$0x4];
	s15 =	simm.s32 $0x2800;
	s19 =	simm.s32 $0x1400  }
0x5: {  	s20 =	simm.s32 $0x80;
	s21 =	simm.s32 $0x4800;
	s28 =	simm.s32 $0x2  }
0x6: {  	s30 =	simm.s32 $0x3;
	s22 =	simm.s32 $0x5;
	s29 =	simm.s32 $0x7  }
0x7: {  	s31 =	simm.s32 $0x8;
	s5 =	sand.u32 $0x1, s2;
	s8 =	smul.u32 $0x28000, s16  }
0x8: {  	s2 =	rddreg [dreg:$0x3];
	s10 =	smul.u32 $0xA000, s16;
	s26 =	sshll.u32 s16, $0x6  }
0x9: {  	s4 =	sshll.u32 s5, $0x4;
	s5 =	ssub.s32 $0x2, s5;
	s17 =	sor.u32 $0x1C09, s26  }
0xa: {  	s26 =	simm.s32 $0x1;
	s7 =	sor.u32 s16, s4;
	s4 =	simm.s32 $0x0  }
0xb: {  	s8 =	sshrl.u32 s8, $0x2;
	s23 =	sshrl.u32 s5, $0x1;
	s13 =	sshrl.u32 s10, $0x3  }
0xc: {  	s18 =	sadd.s32 s10, s3;
	s16 =	simm.s32 $0x9;
	s11 =	smul.u32 $0x280, s7  }
0xd: {  	[smem:$0x7FF] =	sst s4;
	s7 =	smul.u32 $0x1400, s7;
	s9 =	sadd.s32 s8, s2  }
0xe: {  	s14 =	ssub.s32 s5, s23;
	s5 =	sadd.s32 s10, s2;
	s10 =	sadd.s32 s6, s13  }
0xf: {  	s18 =	sshrl.u32 s18, $0x3;
	s23 =	simm.s32 $0x6800;
	_ =	strace $0x8000004D  }
0x10: {  	s24 =	sadd.s32 $0x2000, s9;
	s25 =	sadd.s32 $0x4000, s9;
	s8 =	sadd.s32 $0x6000, s9  }
0x11: {  	s9 =	sadd.s32 $0x8000, s9;
	s14 =	smax.u32 s14, $0x1;
	[dreg:$0x6] =	wrdreg s24  }
0x12: {  	s12 =	sadd.s32 s11, s1;
	s1 =	sadd.s32 s7, s1;
	[dreg:$0x7] =	wrdreg s25  }
0x13: {  	s11 =	sadd.s32 s0, s11;
	s25 =	simm.s32 $0x8800;
	s24 =	simm.s32 $0x6  }
0x14: {  	v0 =	vimm.f32 $0.0e+00;
	s12 =	sadd.s32 $0x3800, s12;
	s13 =	sadd.s32 $0x30800, s1;
	s1 =	simm.s32 $0x4  }
.LBB2_1:
0x15: {  	s6 =	simm.s32 $0x100;
	s0 =	simm.s32 $0x0  }
.LBB2_2:
0x16: {  	p0 =	sne.s32 s6, $0x7F00;
	[tilespmem:s0+$0x2830] =	vst v0;
	s7 =	smov.u32 s6;
	s6 =	sadd.s32 $0x100, s6  }
.Ltmp0:
0x17: {  	[tilespmem:s0+$0x2820] =	vst v0;
	(pc) =	sbr.rel @p0 .LBB2_2-.Ltmp0, $3  }
0x18: {  	[tilespmem:s0+$0x2800] =	vst v0  }
0x19: {  	[tilespmem:s0+$0x2810] =	vst v0;
	_ =	sdelay $0x1  }
0x1a: {  	s0 =	sshra.s32 s7, $0x2  }
0x1b: {  	[tilespmem:s0+$0x2830] =	vst v0  }
0x1c: {  	[tilespmem:s0+$0x2820] =	vst v0  }
0x1d: {  	[tilespmem:s0+$0x2800] =	vst v0  }
0x1e: {  	[tilespmem:s0+$0x2810] =	vst v0  }
0x1f: {  	[spmem:s5] =	stream.linear.scatter [tilespmem:s15], [sflag:$0x9], $0x2000, $0x38;
	[tilespmem:$0x1E800] =	vst v63  }
0x20: {  	_ =	swait.ge [sflag:s16], $0x2000  }
0x21: {  	[sflag:s16] =	ssyncset.done $0x0  }
0x22: {  	s7 =	rddreg [dreg:$0x6];
	[sflag:s16] =	ssyncadd.s32 $0xFFFFE000  }
0x23: {  	[spmem:s7] =	stream.linear.scatter [tilespmem:s15], [sflag:$0x9], $0x2000, $0x38;
	[tilespmem:$0x1E800] =	vst v63  }
0x24: {  	_ =	swait.ge [sflag:s16], $0x2000  }
0x25: {  	[sflag:s16] =	ssyncset.done $0x0  }
0x26: {  	s6 =	rddreg [dreg:$0x7];
	[sflag:s16] =	ssyncadd.s32 $0xFFFFE000  }
0x27: {  	[spmem:s6] =	stream.linear.scatter [tilespmem:s15], [sflag:$0x9], $0x2000, $0x38;
	[tilespmem:$0x1E800] =	vst v63  }
0x28: {  	_ =	swait.ge [sflag:s16], $0x2000  }
0x29: {  	[sflag:s16] =	ssyncset.done $0x0  }
0x2a: {  	[sflag:s16] =	ssyncadd.s32 $0xFFFFE000  }
0x2b: {  	[spmem:s8] =	stream.linear.scatter [tilespmem:s15], [sflag:$0x9], $0x2000, $0x38;
	[tilespmem:$0x1E800] =	vst v63  }
0x2c: {  	_ =	swait.ge [sflag:s16], $0x2000  }
0x2d: {  	[sflag:s16] =	ssyncset.done $0x0  }
0x2e: {  	[sflag:s16] =	ssyncadd.s32 $0xFFFFE000  }
0x2f: {  	[spmem:s9] =	stream.linear.scatter [tilespmem:s15], [sflag:$0x9], $0x2000, $0x38;
	[tilespmem:$0x1E800] =	vst v63  }
0x30: {  	_ =	swait.ge [sflag:s16], $0x2000  }
0x31: {  	[sflag:s16] =	ssyncset.done $0x0  }
0x32: {  	[sflag:s16] =	ssyncadd.s32 $0xFFFFE000  }
0x33: {  	[spmem:s18], [sflag:s17] =	dma.local [hbm:s10], $0x1400  }
0x34: {  	_ =	swait.ge [sflag:s16], $0x1400  }
0x35: {  	[sflag:s16] =	ssyncset.done $0x0  }
0x36: {  	s7 =	simm.s32 $0x0;
	[sflag:s16] =	ssyncadd.s32 $0xFFFFEC00  }
0x37: {  	[tilespmem:s7], [sflag:$0x9] =	stream.linear.gather [hbm4b:s11+s7], $0x1400, $0x38;
	[tilespmem:$0x1E800] =	vst v63  }
0x38: {  	_ =	swait.ge [sflag:s16], $0x1400  }
0x39: {  	[sflag:s16] =	ssyncset.done $0x0  }
0x3a: {  	[sflag:s16] =	ssyncadd.s32 $0xFFFFEC00  }
0x3b: {  	[tilespmem:s19], [sflag:$0x9] =	stream.linear.gather [hbm4b:s12+s7], $0x1400, $0x38;
	[tilespmem:$0x1E800] =	vst v63  }
0x3c: {  	_ =	swait.ge [sflag:s16], $0x1400  }
0x3d: {  	[sflag:s16] =	ssyncset.done $0x0  }
0x3e: {  	[sflag:s16] =	ssyncadd.s32 $0xFFFFEC00  }
0x3f: {  	[bflag:$0x0] =	sbarrier.arrive $0xFFFF  }
0x40: {  	[tilespmem:s15], [sflag:$0x1] =	stream.indirect.gather [spmem:s3], $0x40, s7, s20, $0xb8;
	[tilespmem:$0x1E800] =	vst v63  }
0x41: {  	_ = 	snop  }
0x42: {  	[tilespmem:s21], [sflag:$0x2] =	stream.indirect.gather [spmem:s3], $0x40, s20, s20, $0xb8;
	[tilespmem:$0x1E800] =	vst v63  }
0x43: {  	s6 =	simm.s32 $0x100  }
0x44: {  	[tilespmem:s23], [sflag:$0x3] =	stream.indirect.gather [spmem:s3], $0x40, s6, s20, $0xb8;
	[tilespmem:$0x1E800] =	vst v63  }
0x45: {  	s7 =	simm.s32 $0x180  }
0x46: {  	[tilespmem:s25], [sflag:$0x4] =	stream.indirect.gather [spmem:s3], $0x40, s7, s20, $0xb8;
	[tilespmem:$0x1E800] =	vst v63  }
0x47: {  	_ =	swait.ge [sflag:s26], $0x2000  }
0x48: {  	[sflag:s26] =	ssyncset.done $0x0  }
0x49: {  	[sflag:s26] =	ssyncadd.s32 $0xFFFFE000  }
0x4a: {  	[spmem:s2] =	stream.indirect.scatter.add.f32 [tilespmem:s15], [sflag:$0x5], $0x40, s19, s20, $0xb8;
	[tilespmem:$0x1E800] =	vst v63  }
0x4b: {  	_ =	swait.ge [sflag:s28], $0x2000  }
0x4c: {  	[sflag:s28] =	ssyncset.done $0x0  }
0x4d: {  	s6 =	simm.s32 $0x1480;
	[sflag:s28] =	ssyncadd.s32 $0xFFFFE000  }
0x4e: {  	[spmem:s2] =	stream.indirect.scatter.add.f32 [tilespmem:s21], [sflag:$0x6], $0x40, s6, s20, $0xb8;
	[tilespmem:$0x1E800] =	vst v63  }
0x4f: {  	_ =	swait.ge [sflag:s30], $0x2000  }
0x50: {  	[sflag:s30] =	ssyncset.done $0x0  }
0x51: {  	s7 =	simm.s32 $0x1500;
	[sflag:s30] =	ssyncadd.s32 $0xFFFFE000  }
0x52: {  	[spmem:s2] =	stream.indirect.scatter.add.f32 [tilespmem:s23], [sflag:$0x7], $0x40, s7, s20, $0xb8;
	[tilespmem:$0x1E800] =	vst v63  }
0x53: {  	_ =	swait.ge [sflag:s1], $0x2000  }
0x54: {  	[sflag:s1] =	ssyncset.done $0x0  }
0x55: {  	s6 =	simm.s32 $0x1580;
	[sflag:s1] =	ssyncadd.s32 $0xFFFFE000  }
0x56: {  	[spmem:s2] =	stream.indirect.scatter.add.f32 [tilespmem:s25], [sflag:$0x8], $0x40, s6, s20, $0xb8;
	[tilespmem:$0x1E800] =	vst v63  }
0x57: {  	_ =	swait.ge [sflag:s22], $0x2000  }
0x58: {  	[sflag:s22] =	ssyncset.done $0x0  }
0x59: {  	s7 =	simm.s32 $0x200;
	[sflag:s22] =	ssyncadd.s32 $0xFFFFE000  }
0x5a: {  	[tilespmem:s15], [sflag:$0x1] =	stream.indirect.gather [spmem:s3], $0x40, s7, s20, $0xb8;
	[tilespmem:$0x1E800] =	vst v63  }
0x5b: {  	_ =	swait.ge [sflag:s24], $0x2000  }
0x5c: {  	[sflag:s24] =	ssyncset.done $0x0  }
0x5d: {  	s6 =	simm.s32 $0x280;
	[sflag:s24] =	ssyncadd.s32 $0xFFFFE000  }
0x5e: {  	[tilespmem:s21], [sflag:$0x2] =	stream.indirect.gather [spmem:s3], $0x40, s6, s20, $0xb8;
	[tilespmem:$0x1E800] =	vst v63  }
0x5f: {  	_ =	swait.ge [sflag:s29], $0x2000  }
0x60: {  	[sflag:s29] =	ssyncset.done $0x0  }
0x61: {  	s7 =	simm.s32 $0x300;
	[sflag:s29] =	ssyncadd.s32 $0xFFFFE000  }
0x62: {  	[tilespmem:s23], [sflag:$0x3] =	stream.indirect.gather [spmem:s3], $0x40, s7, s20, $0xb8;
	[tilespmem:$0x1E800] =	vst v63  }
0x63: {  	_ =	swait.ge [sflag:s31], $0x2000  }
0x64: {  	[sflag:s31] =	ssyncset.done $0x0  }
0x65: {  	s6 =	simm.s32 $0x380;
	[sflag:s31] =	ssyncadd.s32 $0xFFFFE000  }
0x66: {  	[tilespmem:s25], [sflag:$0x4] =	stream.indirect.gather [spmem:s3], $0x40, s6, s20, $0xb8;
	[tilespmem:$0x1E800] =	vst v63  }
0x67: {  	_ =	swait.ge [sflag:s26], $0x2000  }
0x68: {  	[sflag:s26] =	ssyncset.done $0x0  }
0x69: {  	s7 =	simm.s32 $0x1600;
	[sflag:s26] =	ssyncadd.s32 $0xFFFFE000  }
0x6a: {  	[spmem:s2] =	stream.indirect.scatter.add.f32 [tilespmem:s15], [sflag:$0x5], $0x40, s7, s20, $0xb8;
	[tilespmem:$0x1E800] =	vst v63  }
0x6b: {  	_ =	swait.ge [sflag:s28], $0x2000  }
0x6c: {  	[sflag:s28] =	ssyncset.done $0x0  }
0x6d: {  	s6 =	simm.s32 $0x1680;
	[sflag:s28] =	ssyncadd.s32 $0xFFFFE000  }
0x6e: {  	[spmem:s2] =	stream.indirect.scatter.add.f32 [tilespmem:s21], [sflag:$0x6], $0x40, s6, s20, $0xb8;
	[tilespmem:$0x1E800] =	vst v63  }
0x6f: {  	_ =	swait.ge [sflag:s30], $0x2000  }
0x70: {  	[sflag:s30] =	ssyncset.done $0x0  }
0x71: {  	s7 =	simm.s32 $0x1700;
	[sflag:s30] =	ssyncadd.s32 $0xFFFFE000  }
0x72: {  	[spmem:s2] =	stream.indirect.scatter.add.f32 [tilespmem:s23], [sflag:$0x7], $0x40, s7, s20, $0xb8;
	[tilespmem:$0x1E800] =	vst v63  }
0x73: {  	_ =	swait.ge [sflag:s1], $0x2000  }
0x74: {  	[sflag:s1] =	ssyncset.done $0x0  }
0x75: {  	s0 =	simm.s32 $0x800;
	s6 =	simm.s32 $0x1780;
	[sflag:s1] =	ssyncadd.s32 $0xFFFFE000  }
.LBB2_4:
0x76: {  	[spmem:s2] =	stream.indirect.scatter.add.f32 [tilespmem:s25], [sflag:$0x8], $0x40, s6, s20, $0xb8;
	[tilespmem:$0x1E800] =	vst v63  }
0x77: {  	s6 =	smov.u32 s0  }
0x78: {  	p0 =	sne.s32 s0, $0x4000;
	s0 =	sadd.s32 $0x800, s0;
	_ =	swait.ge [sflag:s22], $0x2000  }
0x79: {  	s6 =	sshra.s32 s6, $0x2;
	[sflag:s22] =	ssyncset.done $0x0  }
0x7a: {  	s7 =	sadd.s32 $0x200, s6;
	[sflag:s22] =	ssyncadd.s32 $0xFFFFE000  }
0x7b: {  	[tilespmem:s15], [sflag:$0x1] =	stream.indirect.gather [spmem:s3], $0x40, s7, s20, $0xb8;
	[tilespmem:$0x1E800] =	vst v63  }
0x7c: {  	_ =	swait.ge [sflag:s24], $0x2000  }
0x7d: {  	[sflag:s24] =	ssyncset.done $0x0  }
0x7e: {  	s7 =	sadd.s32 $0x280, s6;
	[sflag:s24] =	ssyncadd.s32 $0xFFFFE000  }
0x7f: {  	[tilespmem:s21], [sflag:$0x2] =	stream.indirect.gather [spmem:s3], $0x40, s7, s20, $0xb8;
	[tilespmem:$0x1E800] =	vst v63  }
0x80: {  	_ =	swait.ge [sflag:s29], $0x2000  }
0x81: {  	[sflag:s29] =	ssyncset.done $0x0  }
0x82: {  	s7 =	sadd.s32 $0x300, s6;
	[sflag:s29] =	ssyncadd.s32 $0xFFFFE000  }
0x83: {  	[tilespmem:s23], [sflag:$0x3] =	stream.indirect.gather [spmem:s3], $0x40, s7, s20, $0xb8;
	[tilespmem:$0x1E800] =	vst v63  }
0x84: {  	_ =	swait.ge [sflag:s31], $0x2000  }
0x85: {  	[sflag:s31] =	ssyncset.done $0x0  }
0x86: {  	s7 =	sadd.s32 $0x380, s6;
	[sflag:s31] =	ssyncadd.s32 $0xFFFFE000  }
0x87: {  	[tilespmem:s25], [sflag:$0x4] =	stream.indirect.gather [spmem:s3], $0x40, s7, s20, $0xb8;
	[tilespmem:$0x1E800] =	vst v63  }
0x88: {  	_ =	swait.ge [sflag:s26], $0x2000  }
0x89: {  	[sflag:s26] =	ssyncset.done $0x0  }
0x8a: {  	s7 =	sadd.s32 $0x1600, s6;
	[sflag:s26] =	ssyncadd.s32 $0xFFFFE000  }
0x8b: {  	[spmem:s2] =	stream.indirect.scatter.add.f32 [tilespmem:s15], [sflag:$0x5], $0x40, s7, s20, $0xb8;
	[tilespmem:$0x1E800] =	vst v63  }
0x8c: {  	_ =	swait.ge [sflag:s28], $0x2000  }
0x8d: {  	[sflag:s28] =	ssyncset.done $0x0  }
0x8e: {  	s7 =	sadd.s32 $0x1680, s6;
	[sflag:s28] =	ssyncadd.s32 $0xFFFFE000  }
0x8f: {  	[spmem:s2] =	stream.indirect.scatter.add.f32 [tilespmem:s21], [sflag:$0x6], $0x40, s7, s20, $0xb8;
	[tilespmem:$0x1E800] =	vst v63  }
0x90: {  	_ =	swait.ge [sflag:s30], $0x2000  }
0x91: {  	[sflag:s30] =	ssyncset.done $0x0  }
.Ltmp1:
0x92: {  	s7 =	sadd.s32 $0x1700, s6;
	[sflag:s30] =	ssyncadd.s32 $0xFFFFE000;
	(pc) =	sbr.rel @p0 .LBB2_4-.Ltmp1, $4  }
0x93: {  	[spmem:s2] =	stream.indirect.scatter.add.f32 [tilespmem:s23], [sflag:$0x7], $0x40, s7, s20, $0xb8;
	[tilespmem:$0x1E800] =	vst v63  }
0x94: {  	_ =	swait.ge [sflag:s1], $0x2000  }
0x95: {  	[sflag:s1] =	ssyncset.done $0x0  }
0x96: {  	s6 =	sadd.s32 $0x1780, s6;
	[sflag:s1] =	ssyncadd.s32 $0xFFFFE000  }
0x97: {  	[spmem:s2] =	stream.indirect.scatter.add.f32 [tilespmem:s25], [sflag:$0x8], $0x40, s6, s20, $0xb8;
	[tilespmem:$0x1E800] =	vst v63  }
0x98: {  	_ =	swait.ge [sflag:s22], $0x2000  }
0x99: {  	[sflag:s22] =	ssyncset.done $0x0  }
0x9a: {  	[sflag:s22] =	ssyncadd.s32 $0xFFFFE000  }
0x9b: {  	_ =	swait.ge [sflag:s24], $0x2000  }
0x9c: {  	[sflag:s24] =	ssyncset.done $0x0  }
0x9d: {  	[sflag:s24] =	ssyncadd.s32 $0xFFFFE000  }
0x9e: {  	_ =	swait.ge [sflag:s29], $0x2000  }
0x9f: {  	[sflag:s29] =	ssyncset.done $0x0  }
0xa0: {  	[sflag:s29] =	ssyncadd.s32 $0xFFFFE000  }
0xa1: {  	_ =	swait.ge [sflag:s31], $0x2000  }
0xa2: {  	s4 =	sadd.s32 $0x1, s4;
	[sflag:s31] =	ssyncset.done $0x0  }
0xa3: {  	p0 =	sne.s32 s4, s14;
	[sflag:s31] =	ssyncadd.s32 $0xFFFFE000  }
.Ltmp2:
0xa4: {  	s0 =	sshrl.u32 s5, $0x3;
	[bflag:$0x0] =	sbarrier.arrive $0xFFFF;
	(pc) =	sbr.rel @p0 .LBB2_1-.Ltmp2, $4  }
0xa5: {  	[hbm:s13], [sflag:s17] =	dma.local [spmem:s0], $0x1400  }
0xa6: {  	_ =	swait.ge [sflag:s16], $0x1400  }
0xa7: {  	[sflag:s16] =	ssyncset.done $0x0  }
0xa8: {  	[sflag:s16] =	ssyncadd.s32 $0xFFFFEC00  }
0xa9: {  	_ =	sfence.sel $0x180000  }
0xaa: {  	[bflag:$0x0] =	sbarrier.arrive $0xFFFF  }
0xab: {  	_ =	strace $0x9000004D  }
0xac: {  	s0 =	stileid.u32;
	[bflag:$0x2] =	sbarrier.arrive $0xFFFF  }
0xad: {  	p0 =	sne.s32 s0, $0x0;
	s0 =	rddreg [dreg:$0x5]  }
0xae: {  	s0 =	sadd.s32 @!p0 $0x100000, s0  }
0xaf: {  	[sflag:s0] =	ssyncadd.tile.s32 @!p0 $0x1;
	_ =	shalt  }
.Lfunc_end2:
_tile_overlayer_lowered:
.L_overlay_start_2:
0xb0: {  	(tag) =	ssettag $0x2  }
0xb1: {  	s0 =	rddreg [dreg:$0x0];
	s2 =	stileid.u32  }
0xb2: {  	s1 =	rddreg [dreg:$0x1];
	p0 =	sne.s32 s2, $0x0  }
0xb3: {  	s3 =	rddreg [dreg:$0x2];
	[bflag:$0x3] =	sbarrier.arrive $0xFFFF;
	s2 =	simm.s32 @!p0 $0x1C09  }
0xb4: {  	[timem:s3], [sflag:s2] =	dma.local @!p0 [hbm:s0], s1  }
0xb5: {  	s0 =	simm.s32 @!p0 $0x9  }
0xb6: {  	_ =	swait.ge @!p0 [sflag:s0], s1  }
0xb7: {  	s1 =	ssub.s32 @!p0 $0x0, s1;
	[sflag:s0] =	ssyncset.done @!p0 $0x0  }
0xb8: {  	[sflag:s0] =	ssyncadd.s32 @!p0 s1  }
0xb9: {  	[bflag:$0x3] =	sbarrier.arrive $0xFFFF  }
0xba: {  	_ =	shalt  }

// kernel: kernel.25.cloned.1.call-start
scs
__scs_entry_jumppad:
0x0: {  	(pc) =	sbr.rel $0x88, $3  }
0x1: {  	(tag) =	ssettag $0x0;
	lr =	simm.s32 $0x1  }
0x2: {  	[smem:$0x3F95] =	sst lr;
	_ =	strace $0xD0000000  }
0x3: {  	_ = 	snop  }
0x4: {  	_ = 	snop  }
0x5: {  	_ = 	snop  }
0x6: {  	_ = 	snop  }
0x7: {  	_ = 	snop  }
__scs_overlays_trampoline_lowered:
0x8: {  	[smem:$0x3FA4] =	sst s0  }
0x9: {  	[smem:$0x3FA5] =	sst s1  }
0xa: {  	[smem:$0x3FA6] =	sst s2  }
0xb: {  	[smem:$0x3FA7] =	sst s3  }
0xc: {  	[smem:$0x3FA8] =	sst s4  }
0xd: {  	[smem:$0x3FA9] =	sst s5  }
0xe: {  	[smem:$0x3FAA] =	sst s6  }
0xf: {  	[smem:$0x3FAB] =	sst s7  }
0x10: {  	[smem:$0x3FAC] =	sst s8  }
0x11: {  	[smem:$0x3FAD] =	sst s9;
	s0 =	simm.s32 @!p0 $0x0  }
0x12: {  	s1 =	sld [smem:$0x3F93];
	s0 =	simm.s32 @p0 $0x1  }
0x13: {  	[smem:$0x3FAE] =	sst s0;
	s0 =	simm.s32 @!p1 $0x0  }
0x14: {  	s2 =	sld [smem:$0x3F92];
	s0 =	simm.s32 @p1 $0x1  }
0x15: {  	[smem:$0x3FAF] =	sst s0;
	s0 =	simm.s32 @!p2 $0x0  }
0x16: {  	s3 =	sld [smem:$0x3FDB];
	s0 =	simm.s32 @p2 $0x1  }
0x17: {  	s4 =	simm.s32 $0x1BF5;
	[smem:$0x3FB1] =	sst s0  }
0x18: {  	s0 =	sld [smem:$0x3F94];
	_ =	swait.ge [sflag:s4], $0x0  }
0x19: {  	s7 =	sld [smem:$0x3F95]  }
0x1a: {  	s8 =	sadd.s32 $0xFFFFE003, lr  }
0x1b: {  	s9 =	sadd.s32 $0xFFFFFEF7, lr;
	s5 =	simm.s32 $0xFFFFFFFF;
	p2 =	slt.u32 s8, $0xFFFFF086  }
0x1c: {  	p1 =	slt.u32 s9, $0xF7A;
	s5 =	simm.s32 @!p2 $0x0  }
0x1d: {  	s5 =	simm.s32 @p1 $0x1;
	p0 =	seq.s32 s7, s2  }
0x1e: {  	s7 =	smul.u32 @!p0 $0xF7A, s2;
	p2 =	seq.s32 @!p0 s5, $0x0  }
0x1f: {  	s9 =	smul.u32 $0xF7A, s1;
	s8 =	simm.s32 @!p0 $0x1BF5;
	p2 =	por !p2, p0  }
0x20: {  	[sflag:s8] =	ssyncset.s32 @!p0 $0xFFFFF086;
	s6 =	sadd.s32 @!p0 s3, s7;
	s7 =	simm.s32 @!p0 $0x108  }
0x21: {  	s3 =	sadd.s32 s3, s9;
	s6 =	sadd.s32 @!p0 $0x88, s6;
	s7 =	simm.s32 @p2 $0x1082  }
0x22: {  	[simem:s7], [sflag:s8] =	dma.local @!p0 [hbm:s6], $0xF7A  }
0x23: {  	s9 =	sor.u32 $0xD0000000, s2;
	s6 =	simm.s32 $0x108;
	_ =	swait.ge @!p0 [sflag:s8], $0x0  }
0x24: {  	s3 =	sadd.s32 $0x88, s3;
	s6 =	simm.s32 @!p1 $0x1082;
	[sflag:s4] =	ssyncset.s32 $0xFFFFF086  }
0x25: {  	[simem:s6], [sflag:s4] =	dma.local [hbm:s3], $0xF7A  }
0x26: {  	[smem:$0x3F95] =	sst s1;
	(tag) =	ssettag s2;
	_ =	strace s9  }
0x27: {  	s1 =	sld [smem:$0x3FA5]  }
0x28: {  	s2 =	sld [smem:$0x3FA6]  }
0x29: {  	s4 =	sld [smem:$0x3FA8]  }
0x2a: {  	p0 =	seq.s32 s5, $0x0;
	s5 =	sld [smem:$0x3FA9]  }
0x2b: {  	s6 =	sld [smem:$0x3FAA]  }
0x2c: {  	s7 =	sld [smem:$0x3FAB]  }
0x2d: {  	s3 =	simm.s32 $0x108;
	s8 =	sld [smem:$0x3FAC]  }
0x2e: {  	s3 =	simm.s32 @!p0 $0x1082;
	s9 =	sld [smem:$0x3FAD]  }
0x2f: {  	lr =	sadd.s32 s0, s3;
	s0 =	sld [smem:$0x3FA4]  }
0x30: {  	s3 =	sld [smem:$0x3FA7]  }
0x31: {  	[smem:$0x3FB0] =	sst s10  }
0x32: {  	s10 =	sld [smem:$0x3FAE];
	_ =	sdelay $0x3  }
0x33: {  	p0 =	seq.s32 s10, $0x1;
	s10 =	sld [smem:$0x3FB0];
	_ =	sdelay $0x3  }
0x34: {  	[smem:$0x3FB0] =	sst s10  }
0x35: {  	s10 =	sld [smem:$0x3FAF];
	_ =	sdelay $0x3  }
0x36: {  	p1 =	seq.s32 s10, $0x1;
	s10 =	sld [smem:$0x3FB0];
	_ =	sdelay $0x3  }
0x37: {  	[smem:$0x3FB0] =	sst s10  }
0x38: {  	s10 =	sld [smem:$0x3FB1]  }
0x39: {  	_ = 	snop;
	(pc) =	sbr.ind lr, $3  }
0x3a: {  	_ = 	snop  }
0x3b: {  	_ = 	snop  }
0x3c: {  	p2 =	seq.s32 s10, $0x1;
	s10 =	sld [smem:$0x3FB0]  }
0x3d: {  	_ =	shalt  }
0x3e: {  	_ =	shalt  }
0x3f: {  	_ =	shalt  }
0x40: {  	_ =	shalt  }
0x41: {  	_ =	shalt  }
0x42: {  	_ =	shalt  }
0x43: {  	_ =	shalt  }
0x44: {  	_ =	shalt  }
0x45: {  	_ =	shalt  }
0x46: {  	_ =	shalt  }
0x47: {  	_ =	shalt  }
0x48: {  	_ =	shalt  }
0x49: {  	_ =	shalt  }
0x4a: {  	_ =	shalt  }
0x4b: {  	_ =	shalt  }
0x4c: {  	_ =	shalt  }
0x4d: {  	_ =	shalt  }
0x4e: {  	_ =	shalt  }
0x4f: {  	_ =	shalt  }
0x50: {  	_ =	shalt  }
0x51: {  	_ =	shalt  }
0x52: {  	_ =	shalt  }
0x53: {  	_ =	shalt  }
0x54: {  	_ =	shalt  }
0x55: {  	_ =	shalt  }
0x56: {  	_ =	shalt  }
0x57: {  	_ =	shalt  }
0x58: {  	_ =	shalt  }
0x59: {  	_ =	shalt  }
0x5a: {  	_ =	shalt  }
0x5b: {  	_ =	shalt  }
0x5c: {  	_ =	shalt  }
0x5d: {  	_ =	shalt  }
0x5e: {  	_ =	shalt  }
0x5f: {  	_ =	shalt  }
0x60: {  	_ =	shalt  }
0x61: {  	_ =	shalt  }
0x62: {  	_ =	shalt  }
0x63: {  	_ =	shalt  }
0x64: {  	_ =	shalt  }
0x65: {  	_ =	shalt  }
0x66: {  	_ =	shalt  }
0x67: {  	_ =	shalt  }
0x68: {  	_ =	shalt  }
0x69: {  	_ =	shalt  }
0x6a: {  	_ =	shalt  }
0x6b: {  	_ =	shalt  }
0x6c: {  	_ =	shalt  }
0x6d: {  	_ =	shalt  }
0x6e: {  	_ =	shalt  }
0x6f: {  	_ =	shalt  }
0x70: {  	_ =	shalt  }
0x71: {  	_ =	shalt  }
0x72: {  	_ =	shalt  }
0x73: {  	_ =	shalt  }
0x74: {  	_ =	shalt  }
0x75: {  	_ =	shalt  }
0x76: {  	_ =	shalt  }
0x77: {  	_ =	shalt  }
0x78: {  	_ =	shalt  }
0x79: {  	_ =	shalt  }
0x7a: {  	_ =	shalt  }
0x7b: {  	_ =	shalt  }
0x7c: {  	_ =	shalt  }
0x7d: {  	_ =	shalt  }
0x7e: {  	_ =	shalt  }
0x7f: {  	_ =	shalt  }
0x80: {  	_ =	shalt  }
0x81: {  	_ =	shalt  }
0x82: {  	_ =	shalt  }
0x83: {  	_ =	shalt  }
0x84: {  	_ =	shalt  }
0x85: {  	_ =	shalt  }
0x86: {  	_ =	shalt  }
0x87: {  	_ =	shalt  }
.Lfunc_end0:
.L_simem_size_0:
called_computation.3_lowered:
.L_overlay_start_0:
0x88: {  	s2 =	sld [smem:$0x3FD9]  }
0x89: {  	s3 =	sld [smem:$0x3FFE];
	_ =	sdelay $0x1  }
0x8a: {  	s1 =	srdreg.scid  }
0x8b: {  	s0 =	sand.u32 $0x1, s1  }
0x8c: {  	s14 =	sshll.u32 s0, $0xA;
	s2 =	sadd.s32 s3, s2  }
0x8d: {  	s2 =	sadd.s32 s2, s14  }
0x8e: {  	[smem:$0x3FBC] =	sst s2  }
0x8f: {  	_ = 	snop  }
0x90: {  	s2 =	sld [smem:$0x3FD0];
	_ =	sdelay $0x2  }
0x91: {  	s15 =	simm.s32 $0xA;
	s4 =	simm.s32 $0x10  }
0x92: {  	[smem:s4], [sflag:s15] =	dma.local [hbm:s2], $0x1  }
0x93: {  	_ =	swait.eq [sflag:s15], $0x1  }
0x94: {  	s16 =	sld [smem:$0x10];
	[sflag:s15] =	ssyncset.done $0x0  }
0x95: {  	s17 =	sld [smem:$0x13];
	[sflag:s15] =	ssyncadd.s32 $0xFFFFFFFF  }
0x96: {  	s18 =	sld [smem:$0x14];
	(tm) =	ssettm $0x1  }
0x97: {  	s5 =	sld [smem:$0x3FFB];
	_ =	sdelay $0x3  }
0x98: {  	_ =	strace s5  }
0x99: {  	s5 =	sld [smem:$0x3FFC];
	_ =	sdelay $0x3  }
0x9a: {  	_ =	strace s5  }
0x9b: {  	s5 =	sld [smem:$0x3FFD];
	_ =	sdelay $0x3  }
0x9c: {  	_ =	strace s5  }
0x9d: {  	_ =	strace $0x8FFFFFFF  }
0x9e: {  	s19 =	sld [smem:$0x3FDB];
	_ =	sdelay $0x1  }
0x9f: {  	s6 =	simm.s32 $_scs_section_size  }
0xa0: {  	s7 =	simm.s32 $_size__tile_overlayer_lowered;
	s8 =	simm.s32 $_tile_overlayer_lowered  }
0xa1: {  	s22 =	simm.s32 $0x1BFF;
	s21 =	sshll.u32 s8, $0x1;
	s5 =	sadd.s32 s6, s19  }
0xa2: {  	s9 =	simm.s32 $0x0;
	s20 =	sshll.u32 s7, $0x1;
	s7 =	sadd.s32 s21, s5  }
0xa3: {  	[timem:s9], [sflag:s22] =	dma.local [hbm:s7], s20  }
0xa4: {  	_ =	swait.ge [sflag:s22], s20  }
0xa5: {  	s6 =	ssub.s32 $0x0, s20;
	[sflag:s22] =	ssyncset.done $0x0  }
0xa6: {  	[sflag:s22] =	ssyncadd.s32 s6;
	_ =	sdelay $0x1  }
0xa7: {  	s23 =	simm.s32 $0x1B8B  }
0xa8: {  	_ =	swait.ge [sflag:s23], $0x1  }
0xa9: {  	[sflag:s23] =	ssyncset.done $0x0  }
0xaa: {  	s25 =	simm.s32 $0x1B8E;
	s24 =	sld [smem:$0x3FFE];
	[sflag:s23] =	ssyncadd.s32 $0xFFFFFFFF  }
0xab: {  	s26 =	simm.s32 $execute0_lowered;
	[smem:$0x3FD2] =	sst s25  }
0xac: {  	s7 =	sshll.u32 s26, $0x1;
	_ =	strace $0x8000004F;
	[dreg:$0x1] =	wrdreg $0xFFFFFFFF  }
0xad: {  	s28 =	simm.s32 $_size_execute0_lowered;
	s5 =	sadd.s32 s5, s7;
	[dreg:$0x0] =	wrdreg $0x0  }
0xae: {  	s7 =	sshll.u32 s28, $0x1;
	[dreg:$0x2] =	wrdreg s5  }
0xaf: {  	[dreg:$0x3] =	wrdreg s7  }
0xb0: {  	[dreg:$0x4] =	wrdreg $0xC0  }
0xb1: {  	_ =	task [dreg:s9], $0x5FFFF  }
0xb2: {  	[dreg:$0x1] =	wrdreg $0xFFFFFFFF  }
0xb3: {  	[dreg:$0x0] =	wrdreg $0x60  }
0xb4: {  	[dreg:$0x2] =	wrdreg s17  }
0xb5: {  	[dreg:$0x3] =	wrdreg s24  }
0xb6: {  	[dreg:$0x4] =	wrdreg s16  }
0xb7: {  	[dreg:$0x5] =	wrdreg s18  }
0xb8: {  	[dreg:$0x6] =	wrdreg $0xF8000  }
0xb9: {  	[dreg:$0x7] =	wrdreg $0xA8000  }
0xba: {  	[dreg:$0x8] =	wrdreg $0x9  }
0xbb: {  	_ =	task.clear_ibuf [dreg:s9], $0x9FFFF;
	_ =	strace $0x9000004F  }
0xbc: {  	s29 =	simm.s32 $0x9;
	_ =	strace $0x80000051  }
0xbd: {  	_ =	swait.ge [sflag:s29], $0x1  }
0xbe: {  	[sflag:s29] =	ssyncadd.s32 $0xFFFFFFFF  }
0xbf: {  	_ =	strace $0x90000051  }
0xc0: {  	_ =	sfence  }
0xc1: {  	s30 =	sld [smem:$0x0];
	_ =	sdelay $0x2  }
0xc2: {  	s31 =	sshll.u32 s1, $0xD;
	s1 =	sshrl.u32 s1, $0x2  }
0xc3: {  	s3 =	sand.u32 $0x4000, s31;
	s1 =	sadd.s32 s1, s30  }
0xc4: {  	s0 =	sor.u32 s3, s0;
	s1 =	sshll.u32 s1, $0x11  }
0xc5: {  	s0 =	sor.u32 s1, s0  }
0xc6: {  	s0 =	sadd.s32 $0x8F2B, s0  }
0xc7: {  	[sflag:s0] =	ssyncadd.remote.s32 $0x1  }
0xc8: {  	_ =	sfence.sel $0xFFFF  }
0xc9: {  	[dreg:$0x0] =	wrdreg $0xFFFFFFFF;
	(pc) =	sbr.abs _section_cstart, $3  }
0xca: {  	[dreg:$0x1] =	wrdreg $0xFFFFFFFF  }
0xcb: {  	_ =	task.clear_ibuf [dreg:s9], $0x2FFFF;
	_ =	strace $0x9FFFFFFF  }
0xcc: {  	(tm) =	ssettm $0x7FFFFFFF  }
0xcd: {  	_ =	shalt  }
tec
execute0_lowered:
.L_overlay_start_1:
0x0: {  	(tag) =	ssettag $0x1  }
0x1: {  	s0 =	rddreg [dreg:$0x0]  }
0x2: {  	s1 =	rddreg [dreg:$0x1]  }
0x3: {  	s6 =	rddreg [dreg:$0x2];
	s2 =	srdreg.scid  }
0x4: {  	s7 =	rddreg [dreg:$0x3];
	s13 =	stileid.u32  }
0x5: {  	s3 =	rddreg [dreg:$0x5];
	s22 =	simm.s32 $0x3800;
	s23 =	simm.s32 $0x4800  }
0x6: {  	s24 =	simm.s32 $0x5800;
	s25 =	simm.s32 $0x6800;
	s26 =	simm.s32 $0x7800  }
0x7: {  	s28 =	simm.s32 $0x6;
	s29 =	simm.s32 $0x7;
	s30 =	simm.s32 $0x8  }
0x8: {  	s5 =	sand.u32 $0x1, s2;
	s2 =	rddreg [dreg:$0x4];
	s11 =	smul.u32 $0x5000, s13  }
0x9: {  	s10 =	smul.u32 $0x14000, s13;
	s20 =	sshll.u32 s13, $0x6;
	s4 =	sshll.u32 s5, $0x4  }
0xa: {  	s8 =	sor.u32 s13, s4;
	s4 =	simm.s32 $0x0;
	s16 =	sshrl.u32 s11, $0x3  }
0xb: {  	s5 =	ssub.s32 $0x2, s5;
	[smem:$0x7FF] =	sst s4;
	s6 =	sadd.s32 s6, s16  }
0xc: {  	s12 =	sshrl.u32 s5, $0x1;
	_ =	strace $0x80000050;
	[dreg:$0x11] =	wrdreg s6  }
0xd: {  	s10 =	sshrl.u32 s10, $0x2;
	s9 =	smul.u32 $0x280, s8;
	[dreg:$0x7] =	wrdreg s22  }
0xe: {  	s12 =	ssub.s32 s5, s12;
	s5 =	sadd.s32 s11, s2;
	[dreg:$0x8] =	wrdreg s23  }
0xf: {  	s10 =	sadd.s32 s10, s2;
	s8 =	smul.u32 $0xA00, s8;
	[dreg:$0x9] =	wrdreg s24  }
0x10: {  	s11 =	sadd.s32 s11, s3;
	s16 =	simm.s32 $0x11;
	[dreg:$0xa] =	wrdreg s25  }
0x11: {  	s14 =	sadd.s32 $0x1000, s10;
	s31 =	sadd.s32 $0x2000, s10;
	[dreg:$0xb] =	wrdreg s26  }
0x12: {  	s15 =	sadd.s32 $0x3000, s10;
	s10 =	sadd.s32 $0x4000, s10;
	[dreg:$0xd] =	wrdreg s14  }
0x13: {  	s19 =	smax.u32 s12, $0x1;
	s21 =	sshrl.u32 s11, $0x3;
	[dreg:$0xe] =	wrdreg s31  }
0x14: {  	s22 =	simm.s32 $0x1;
	s23 =	simm.s32 $0x2;
	[dreg:$0xf] =	wrdreg s15  }
0x15: {  	s24 =	simm.s32 $0x3;
	s25 =	simm.s32 $0x4;
	[dreg:$0x10] =	wrdreg s10  }
0x16: {  	s26 =	simm.s32 $0x5;
	s1 =	sadd.s32 s9, s1;
	[dreg:$0x15] =	wrdreg s19  }
0x17: {  	s0 =	sadd.s32 s0, s9;
	s18 =	sadd.s32 s7, s8;
	[dreg:$0x16] =	wrdreg s21  }
0x18: {  	s15 =	simm.s32 $0x2800;
	s21 =	simm.s32 $0x9800;
	[dreg:$0x12] =	wrdreg s0  }
0x19: {  	s31 =	simm.s32 $0x8800;
	s8 =	simm.s32 $0xF;
	[dreg:$0x14] =	wrdreg s18  }
0x1a: {  	s9 =	simm.s32 $0x10;
	s17 =	sadd.s32 $0x3800, s1;
	[dreg:$0xc] =	wrdreg s31  }
0x1b: {  	v0 =	vimm.f32 $0.0e+00;
	[dreg:$0x13] =	wrdreg s17;
	s17 =	sor.u32 $0x1C11, s20;
	s20 =	simm.s32 $0x80  }
.LBB2_1:
0x1c: {  	s10 =	simm.s32 $0x80;
	s11 =	simm.s32 $0x0  }
.LBB2_2:
0x1d: {  	p0 =	sne.s32 s10, $0x3F80;
	[tilespmem:s11+$0x2800] =	vst v0;
	s12 =	smov.u32 s10;
	s10 =	sadd.s32 $0x80, s10  }
.Ltmp0:
0x1e: {  	[tilespmem:s11+$0x2810] =	vst v0;
	(pc) =	sbr.rel @p0 .LBB2_2-.Ltmp0, $2  }
0x1f: {  	_ =	sdelay $0x2  }
0x20: {  	s11 =	sshra.s32 s12, $0x2  }
0x21: {  	[tilespmem:s11+$0x2800] =	vst v0  }
0x22: {  	[tilespmem:s11+$0x2810] =	vst v0  }
0x23: {  	[spmem:s5] =	stream.linear.scatter [tilespmem:s15], [sflag:$0x11], $0x1000, $0x38;
	[tilespmem:$0x14800] =	vst v63  }
0x24: {  	_ =	swait.ge [sflag:s16], $0x1000  }
0x25: {  	[sflag:s16] =	ssyncset.done $0x0  }
0x26: {  	s0 =	rddreg [dreg:$0xd];
	[sflag:s16] =	ssyncadd.s32 $0xFFFFF000  }
0x27: {  	[spmem:s0] =	stream.linear.scatter [tilespmem:s15], [sflag:$0x11], $0x1000, $0x38;
	[tilespmem:$0x14800] =	vst v63  }
0x28: {  	_ =	swait.ge [sflag:s16], $0x1000  }
0x29: {  	[sflag:s16] =	ssyncset.done $0x0  }
0x2a: {  	s11 =	rddreg [dreg:$0xe];
	[sflag:s16] =	ssyncadd.s32 $0xFFFFF000  }
0x2b: {  	[spmem:s11] =	stream.linear.scatter [tilespmem:s15], [sflag:$0x11], $0x1000, $0x38;
	[tilespmem:$0x14800] =	vst v63  }
0x2c: {  	_ =	swait.ge [sflag:s16], $0x1000  }
0x2d: {  	[sflag:s16] =	ssyncset.done $0x0  }
0x2e: {  	s12 =	rddreg [dreg:$0xf];
	[sflag:s16] =	ssyncadd.s32 $0xFFFFF000  }
0x2f: {  	[spmem:s12] =	stream.linear.scatter [tilespmem:s15], [sflag:$0x11], $0x1000, $0x38;
	[tilespmem:$0x14800] =	vst v63  }
0x30: {  	_ =	swait.ge [sflag:s16], $0x1000  }
0x31: {  	[sflag:s16] =	ssyncset.done $0x0  }
0x32: {  	s13 =	rddreg [dreg:$0x10];
	[sflag:s16] =	ssyncadd.s32 $0xFFFFF000  }
0x33: {  	[spmem:s13] =	stream.linear.scatter [tilespmem:s15], [sflag:$0x11], $0x1000, $0x38;
	[tilespmem:$0x14800] =	vst v63  }
0x34: {  	_ =	swait.ge [sflag:s16], $0x1000  }
0x35: {  	[sflag:s16] =	ssyncset.done $0x0;
	s14 =	rddreg [dreg:$0x11]  }
0x36: {  	s1 =	rddreg [dreg:$0x16];
	[sflag:s16] =	ssyncadd.s32 $0xFFFFF000  }
0x37: {  	[spmem:s1], [sflag:s17] =	dma.local [hbm:s14], $0xA00  }
0x38: {  	_ =	swait.ge [sflag:s16], $0xA00  }
0x39: {  	[sflag:s16] =	ssyncset.done $0x0  }
0x3a: {  	s10 =	simm.s32 $0x0;
	s18 =	rddreg [dreg:$0x12];
	[sflag:s16] =	ssyncadd.s32 $0xFFFFF600  }
0x3b: {  	[tilespmem:s10], [sflag:$0x11] =	stream.linear.gather [hbm4b:s18+s10], $0x1400, $0x38;
	[tilespmem:$0x14800] =	vst v63  }
0x3c: {  	_ =	swait.ge [sflag:s16], $0x1400  }
0x3d: {  	[sflag:s16] =	ssyncset.done $0x0  }
0x3e: {  	s31 =	simm.s32 $0x1400;
	s19 =	rddreg [dreg:$0x13];
	[sflag:s16] =	ssyncadd.s32 $0xFFFFEC00  }
0x3f: {  	[tilespmem:s31], [sflag:$0x11] =	stream.linear.gather [hbm4b:s19+s10], $0x1400, $0x38;
	[tilespmem:$0x14800] =	vst v63  }
0x40: {  	_ =	swait.ge [sflag:s16], $0x1400  }
0x41: {  	[sflag:s16] =	ssyncset.done $0x0  }
0x42: {  	p0 =	por $0x0, $0x0;
	[sflag:s16] =	ssyncadd.s32 $0xFFFFEC00  }
0x43: {  	s10 =	simm.s32 @p0 $0x9;
	[bflag:$0x0] =	sbarrier.arrive $0xFFFF  }
0x44: {  	_ =	swait.ge @p0 [sflag:s10], $0x1000  }
0x45: {  	s11 =	simm.s32 @p0 $0x2800;
	s12 =	simm.s32 @p0 $0xA;
	[sflag:s10] =	ssyncset.done @p0 $0x0  }
0x46: {  	s13 =	simm.s32 @p0 $0x80;
	[sflag:s10] =	ssyncadd.s32 @p0 $0xFFFFF000;
	s10 =	simm.s32 @p0 $0x0  }
0x47: {  	[tilespmem:s11], [sflag:$0x1] =	stream.indirect.gather @p0 [spmem:s3], $0x20, s10, s13, $0xb8;
	[tilespmem:$0x14800] =	vst v63  }
0x48: {  	_ =	swait.ge @p0 [sflag:s12], $0x1000  }
0x49: {  	s10 =	simm.s32 @p0 $0x80;
	[sflag:s12] =	ssyncset.done @p0 $0x0  }
0x4a: {  	s11 =	simm.s32 @p0 $0x3800;
	[sflag:s12] =	ssyncadd.s32 @p0 $0xFFFFF000;
	s12 =	simm.s32 @p0 $0xB  }
0x4b: {  	[tilespmem:s11], [sflag:$0x2] =	stream.indirect.gather @p0 [spmem:s3], $0x20, s10, s13, $0xb8;
	[tilespmem:$0x14800] =	vst v63  }
0x4c: {  	_ =	swait.ge @p0 [sflag:s12], $0x1000  }
0x4d: {  	s10 =	simm.s32 @p0 $0x100;
	[sflag:s12] =	ssyncset.done @p0 $0x0  }
0x4e: {  	s11 =	simm.s32 @p0 $0x4800;
	[sflag:s12] =	ssyncadd.s32 @p0 $0xFFFFF000;
	s12 =	simm.s32 @p0 $0xC  }
0x4f: {  	[tilespmem:s11], [sflag:$0x3] =	stream.indirect.gather @p0 [spmem:s3], $0x20, s10, s13, $0xb8;
	[tilespmem:$0x14800] =	vst v63  }
0x50: {  	_ =	swait.ge @p0 [sflag:s12], $0x1000  }
0x51: {  	s10 =	simm.s32 @p0 $0x180;
	[sflag:s12] =	ssyncset.done @p0 $0x0  }
0x52: {  	s11 =	simm.s32 @p0 $0x5800;
	[sflag:s12] =	ssyncadd.s32 @p0 $0xFFFFF000;
	s12 =	simm.s32 @p0 $0xD  }
0x53: {  	[tilespmem:s11], [sflag:$0x4] =	stream.indirect.gather @p0 [spmem:s3], $0x20, s10, s13, $0xb8;
	[tilespmem:$0x14800] =	vst v63  }
0x54: {  	_ =	swait.ge @p0 [sflag:s12], $0x1000  }
0x55: {  	s10 =	simm.s32 @p0 $0x200;
	[sflag:s12] =	ssyncset.done @p0 $0x0  }
0x56: {  	s11 =	simm.s32 @p0 $0x6800;
	[sflag:s12] =	ssyncadd.s32 @p0 $0xFFFFF000;
	s12 =	simm.s32 @p0 $0xE  }
0x57: {  	[tilespmem:s11], [sflag:$0x5] =	stream.indirect.gather @p0 [spmem:s3], $0x20, s10, s13, $0xb8;
	[tilespmem:$0x14800] =	vst v63  }
0x58: {  	_ =	swait.ge @p0 [sflag:s12], $0x1000  }
0x59: {  	s10 =	simm.s32 @p0 $0x280;
	[sflag:s12] =	ssyncset.done @p0 $0x0  }
0x5a: {  	s11 =	simm.s32 @p0 $0x7800;
	[sflag:s12] =	ssyncadd.s32 @p0 $0xFFFFF000;
	s12 =	simm.s32 @p0 $0xF  }
0x5b: {  	[tilespmem:s11], [sflag:$0x6] =	stream.indirect.gather @p0 [spmem:s3], $0x20, s10, s13, $0xb8;
	[tilespmem:$0x14800] =	vst v63  }
0x5c: {  	_ =	swait.ge @p0 [sflag:s12], $0x1000  }
0x5d: {  	s10 =	simm.s32 @p0 $0x300;
	[sflag:s12] =	ssyncset.done @p0 $0x0  }
0x5e: {  	s11 =	simm.s32 @p0 $0x8800;
	[sflag:s12] =	ssyncadd.s32 @p0 $0xFFFFF000;
	s12 =	simm.s32 @p0 $0x10  }
0x5f: {  	[tilespmem:s11], [sflag:$0x7] =	stream.indirect.gather @p0 [spmem:s3], $0x20, s10, s13, $0xb8;
	[tilespmem:$0x14800] =	vst v63  }
0x60: {  	_ =	swait.ge @p0 [sflag:s12], $0x1000  }
0x61: {  	s10 =	simm.s32 @!p0 $0x2800;
	[sflag:s12] =	ssyncset.done @p0 $0x0  }
0x62: {  	s11 =	simm.s32 @!p0 $0x0;
	[sflag:s12] =	ssyncadd.s32 @p0 $0xFFFFF000;
	s12 =	simm.s32 @!p0 $0x80  }
0x63: {  	[tilespmem:s10], [sflag:$0x1] =	stream.indirect.gather @!p0 [spmem:s3], $0x20, s11, s12, $0xb8;
	[tilespmem:$0x14800] =	vst v63  }
0x64: {  	s10 =	simm.s32 @!p0 $0x3800  }
0x65: {  	[tilespmem:s10], [sflag:$0x2] =	stream.indirect.gather @!p0 [spmem:s3], $0x20, s12, s12, $0xb8;
	[tilespmem:$0x14800] =	vst v63  }
0x66: {  	s11 =	simm.s32 @!p0 $0x4800;
	s10 =	simm.s32 @!p0 $0x100  }
0x67: {  	[tilespmem:s11], [sflag:$0x3] =	stream.indirect.gather @!p0 [spmem:s3], $0x20, s10, s12, $0xb8;
	[tilespmem:$0x14800] =	vst v63  }
0x68: {  	s10 =	simm.s32 @!p0 $0x180;
	s11 =	simm.s32 @!p0 $0x5800  }
0x69: {  	[tilespmem:s11], [sflag:$0x4] =	stream.indirect.gather @!p0 [spmem:s3], $0x20, s10, s12, $0xb8;
	[tilespmem:$0x14800] =	vst v63  }
0x6a: {  	s10 =	simm.s32 @!p0 $0x200;
	s11 =	simm.s32 @!p0 $0x6800  }
0x6b: {  	[tilespmem:s11], [sflag:$0x5] =	stream.indirect.gather @!p0 [spmem:s3], $0x20, s10, s12, $0xb8;
	[tilespmem:$0x14800] =	vst v63  }
0x6c: {  	s10 =	simm.s32 @!p0 $0x280;
	s11 =	simm.s32 @!p0 $0x7800  }
0x6d: {  	[tilespmem:s11], [sflag:$0x6] =	stream.indirect.gather @!p0 [spmem:s3], $0x20, s10, s12, $0xb8;
	[tilespmem:$0x14800] =	vst v63  }
0x6e: {  	s13 =	simm.s32 @!p0 $0x8800;
	s10 =	simm.s32 $0x380;
	s11 =	simm.s32 @!p0 $0x300  }
0x6f: {  	[tilespmem:s13], [sflag:$0x7] =	stream.indirect.gather @!p0 [spmem:s3], $0x20, s11, s12, $0xb8;
	[tilespmem:$0x14800] =	vst v63  }
0x70: {  	s10 =	simm.s32 @!p0 $0x380  }
0x71: {  	[tilespmem:s21], [sflag:$0x8] =	stream.indirect.gather [spmem:s3], $0x20, s10, s20, $0xb8;
	[tilespmem:$0x14800] =	vst v63  }
0x72: {  	_ =	swait.ge [sflag:s22], $0x1000  }
0x73: {  	[sflag:s22] =	ssyncset.done $0x0  }
0x74: {  	s6 =	simm.s32 $0x1400;
	[sflag:s22] =	ssyncadd.s32 $0xFFFFF000  }
0x75: {  	[spmem:s2] =	stream.indirect.scatter.add.f32 [tilespmem:s15], [sflag:$0x9], $0x20, s6, s20, $0xb8;
	[tilespmem:$0x14800] =	vst v63  }
0x76: {  	s11 =	simm.s32 @p0 $0x80;
	_ =	swait.ge [sflag:s23], $0x1000  }
0x77: {  	s11 =	simm.s32 @!p0 $0x80;
	[sflag:s23] =	ssyncset.done $0x0  }
0x78: {  	s11 =	sadd.s32 $0x1400, s11;
	s7 =	rddreg [dreg:$0x7];
	[sflag:s23] =	ssyncadd.s32 $0xFFFFF000  }
0x79: {  	[spmem:s2] =	stream.indirect.scatter.add.f32 [tilespmem:s7], [sflag:$0xA], $0x20, s11, s20, $0xb8;
	[tilespmem:$0x14800] =	vst v63  }
0x7a: {  	s11 =	simm.s32 @p0 $0x100;
	_ =	swait.ge [sflag:s24], $0x1000  }
0x7b: {  	s11 =	simm.s32 @!p0 $0x100;
	[sflag:s24] =	ssyncset.done $0x0  }
0x7c: {  	s13 =	rddreg [dreg:$0x8];
	s11 =	sadd.s32 $0x1400, s11;
	[sflag:s24] =	ssyncadd.s32 $0xFFFFF000  }
0x7d: {  	[spmem:s2] =	stream.indirect.scatter.add.f32 [tilespmem:s13], [sflag:$0xB], $0x20, s11, s20, $0xb8;
	[tilespmem:$0x14800] =	vst v63  }
0x7e: {  	s11 =	simm.s32 @p0 $0x180;
	_ =	swait.ge [sflag:s25], $0x1000  }
0x7f: {  	s11 =	simm.s32 @!p0 $0x180;
	[sflag:s25] =	ssyncset.done $0x0  }
0x80: {  	s14 =	rddreg [dreg:$0x9];
	s11 =	sadd.s32 $0x1400, s11;
	[sflag:s25] =	ssyncadd.s32 $0xFFFFF000  }
0x81: {  	[spmem:s2] =	stream.indirect.scatter.add.f32 [tilespmem:s14], [sflag:$0xC], $0x20, s11, s20, $0xb8;
	[tilespmem:$0x14800] =	vst v63  }
0x82: {  	s11 =	simm.s32 @p0 $0x200;
	_ =	swait.ge [sflag:s26], $0x1000  }
0x83: {  	s11 =	simm.s32 @!p0 $0x200;
	[sflag:s26] =	ssyncset.done $0x0  }
0x84: {  	s18 =	rddreg [dreg:$0xa];
	s11 =	sadd.s32 $0x1400, s11;
	[sflag:s26] =	ssyncadd.s32 $0xFFFFF000  }
0x85: {  	[spmem:s2] =	stream.indirect.scatter.add.f32 [tilespmem:s18], [sflag:$0xD], $0x20, s11, s20, $0xb8;
	[tilespmem:$0x14800] =	vst v63  }
0x86: {  	s11 =	simm.s32 @p0 $0x280;
	_ =	swait.ge [sflag:s28], $0x1000  }
0x87: {  	s12 =	simm.s32 @p0 $0x300;
	s11 =	simm.s32 @!p0 $0x280;
	[sflag:s28] =	ssyncset.done $0x0  }
0x88: {  	s19 =	rddreg [dreg:$0xb];
	s11 =	sadd.s32 $0x1400, s11;
	[sflag:s28] =	ssyncadd.s32 $0xFFFFF000  }
0x89: {  	[spmem:s2] =	stream.indirect.scatter.add.f32 [tilespmem:s19], [sflag:$0xE], $0x20, s11, s20, $0xb8;
	[tilespmem:$0x14800] =	vst v63  }
0x8a: {  	s12 =	simm.s32 @!p0 $0x300;
	_ =	swait.ge [sflag:s29], $0x1000  }
0x8b: {  	s12 =	sadd.s32 $0x1400, s12;
	[sflag:s29] =	ssyncset.done $0x0  }
0x8c: {  	s10 =	sadd.s32 $0x1400, s10;
	s31 =	rddreg [dreg:$0xc];
	[sflag:s29] =	ssyncadd.s32 $0xFFFFF000  }
0x8d: {  	[spmem:s2] =	stream.indirect.scatter.add.f32 [tilespmem:s31], [sflag:$0xF], $0x20, s12, s20, $0xb8;
	[tilespmem:$0x14800] =	vst v63  }
0x8e: {  	s14 =	simm.s32 $0x780;
	p0 =	por $0x1, $0x1;
	_ =	swait.ge [sflag:s30], $0x1000  }
0x8f: {  	s11 =	simm.s32 $0x1000;
	s12 =	simm.s32 $0x2000;
	[sflag:s30] =	ssyncset.done $0x0  }
.LBB2_4:
0x90: {  	s18 =	simm.s32 @p0 $0x9;
	[sflag:s30] =	ssyncadd.s32 $0xFFFFF000  }
0x91: {  	[spmem:s2] =	stream.indirect.scatter.add.f32 [tilespmem:s21], [sflag:$0x10], $0x20, s10, s20, $0xb8;
	[tilespmem:$0x14800] =	vst v63  }
0x92: {  	_ =	swait.ge @p0 [sflag:s18], $0x1000  }
0x93: {  	s31 =	simm.s32 @p0 $0x2800;
	s1 =	simm.s32 @p0 $0xA;
	[sflag:s18] =	ssyncset.done @p0 $0x0  }
0x94: {  	s10 =	simm.s32 @p0 $0x80;
	[sflag:s18] =	ssyncadd.s32 @p0 $0xFFFFF000;
	s18 =	sshra.s32 @p0 s11, $0x2  }
0x95: {  	[tilespmem:s31], [sflag:$0x1] =	stream.indirect.gather @p0 [spmem:s3], $0x20, s18, s10, $0xb8;
	[tilespmem:$0x14800] =	vst v63  }
0x96: {  	_ =	swait.ge @p0 [sflag:s1], $0x1000  }
0x97: {  	s7 =	simm.s32 @p0 $0xB;
	[sflag:s1] =	ssyncset.done @p0 $0x0  }
0x98: {  	s31 =	sadd.s32 @p0 $0x80, s18;
	[sflag:s1] =	ssyncadd.s32 @p0 $0xFFFFF000;
	s1 =	simm.s32 @p0 $0x3800  }
0x99: {  	[tilespmem:s1], [sflag:$0x2] =	stream.indirect.gather @p0 [spmem:s3], $0x20, s31, s10, $0xb8;
	[tilespmem:$0x14800] =	vst v63  }
0x9a: {  	_ =	swait.ge @p0 [sflag:s7], $0x1000  }
0x9b: {  	s0 =	sadd.s32 @p0 $0x100, s18;
	[sflag:s7] =	ssyncset.done @p0 $0x0  }
0x9c: {  	s31 =	simm.s32 @p0 $0xC;
	[sflag:s7] =	ssyncadd.s32 @p0 $0xFFFFF000;
	s7 =	simm.s32 @p0 $0x4800  }
0x9d: {  	[tilespmem:s7], [sflag:$0x3] =	stream.indirect.gather @p0 [spmem:s3], $0x20, s0, s10, $0xb8;
	[tilespmem:$0x14800] =	vst v63  }
0x9e: {  	_ =	swait.ge @p0 [sflag:s31], $0x1000  }
0x9f: {  	s19 =	sadd.s32 @p0 $0x180, s18;
	[sflag:s31] =	ssyncset.done @p0 $0x0  }
0xa0: {  	s0 =	simm.s32 @p0 $0x5800;
	s7 =	simm.s32 @p0 $0xD;
	[sflag:s31] =	ssyncadd.s32 @p0 $0xFFFFF000  }
0xa1: {  	[tilespmem:s0], [sflag:$0x4] =	stream.indirect.gather @p0 [spmem:s3], $0x20, s19, s10, $0xb8;
	[tilespmem:$0x14800] =	vst v63  }
0xa2: {  	_ =	swait.ge @p0 [sflag:s7], $0x1000  }
0xa3: {  	s6 =	sadd.s32 @p0 $0x200, s18;
	[sflag:s7] =	ssyncset.done @p0 $0x0  }
0xa4: {  	s0 =	simm.s32 @p0 $0x6800;
	[sflag:s7] =	ssyncadd.s32 @p0 $0xFFFFF000;
	s7 =	simm.s32 @p0 $0xE  }
0xa5: {  	[tilespmem:s0], [sflag:$0x5] =	stream.indirect.gather @p0 [spmem:s3], $0x20, s6, s10, $0xb8;
	[tilespmem:$0x14800] =	vst v63  }
0xa6: {  	_ =	swait.ge @p0 [sflag:s7], $0x1000  }
0xa7: {  	s1 =	sadd.s32 @p0 $0x280, s18;
	[sflag:s7] =	ssyncset.done @p0 $0x0  }
0xa8: {  	s0 =	simm.s32 @p0 $0x7800;
	s6 =	simm.s32 @p0 $0xF;
	[sflag:s7] =	ssyncadd.s32 @p0 $0xFFFFF000  }
0xa9: {  	[tilespmem:s0], [sflag:$0x6] =	stream.indirect.gather @p0 [spmem:s3], $0x20, s1, s10, $0xb8;
	[tilespmem:$0x14800] =	vst v63  }
0xaa: {  	_ =	swait.ge @p0 [sflag:s6], $0x1000  }
0xab: {  	s18 =	sadd.s32 @p0 $0x300, s18;
	[sflag:s6] =	ssyncset.done @p0 $0x0  }
0xac: {  	s0 =	simm.s32 @p0 $0x8800;
	s1 =	simm.s32 @p0 $0x10;
	[sflag:s6] =	ssyncadd.s32 @p0 $0xFFFFF000  }
0xad: {  	[tilespmem:s0], [sflag:$0x7] =	stream.indirect.gather @p0 [spmem:s3], $0x20, s18, s10, $0xb8;
	[tilespmem:$0x14800] =	vst v63  }
0xae: {  	_ =	swait.ge @p0 [sflag:s1], $0x1000  }
0xaf: {  	s6 =	simm.s32 @!p0 $0x80;
	[sflag:s1] =	ssyncset.done @p0 $0x0  }
0xb0: {  	s0 =	simm.s32 @!p0 $0x2800;
	[sflag:s1] =	ssyncadd.s32 @p0 $0xFFFFF000;
	s1 =	sshra.s32 @!p0 s11, $0x2  }
0xb1: {  	[tilespmem:s0], [sflag:$0x1] =	stream.indirect.gather @!p0 [spmem:s3], $0x20, s1, s6, $0xb8;
	[tilespmem:$0x14800] =	vst v63  }
0xb2: {  	s0 =	simm.s32 @!p0 $0x3800  }
0xb3: {  	[tilespmem:s0], [sflag:$0x2] =	stream.indirect.gather @!p0 [spmem:s3], $0x20, s6, s6, $0xb8;
	[tilespmem:$0x14800] =	vst v63  }
0xb4: {  	s1 =	simm.s32 @!p0 $0x4800;
	s0 =	simm.s32 @!p0 $0x100  }
0xb5: {  	[tilespmem:s1], [sflag:$0x3] =	stream.indirect.gather @!p0 [spmem:s3], $0x20, s0, s6, $0xb8;
	[tilespmem:$0x14800] =	vst v63  }
0xb6: {  	s0 =	simm.s32 @!p0 $0x180;
	s1 =	simm.s32 @!p0 $0x5800  }
0xb7: {  	[tilespmem:s1], [sflag:$0x4] =	stream.indirect.gather @!p0 [spmem:s3], $0x20, s0, s6, $0xb8;
	[tilespmem:$0x14800] =	vst v63  }
0xb8: {  	s0 =	simm.s32 @!p0 $0x200;
	s1 =	simm.s32 @!p0 $0x6800  }
0xb9: {  	[tilespmem:s1], [sflag:$0x5] =	stream.indirect.gather @!p0 [spmem:s3], $0x20, s0, s6, $0xb8;
	[tilespmem:$0x14800] =	vst v63  }
0xba: {  	s0 =	simm.s32 @!p0 $0x280;
	s1 =	simm.s32 @!p0 $0x7800  }
0xbb: {  	[tilespmem:s1], [sflag:$0x6] =	stream.indirect.gather @!p0 [spmem:s3], $0x20, s0, s6, $0xb8;
	[tilespmem:$0x14800] =	vst v63  }
0xbc: {  	s10 =	smov.u32 s14;
	s0 =	simm.s32 @!p0 $0x300;
	s1 =	simm.s32 @!p0 $0x8800  }
0xbd: {  	[tilespmem:s1], [sflag:$0x7] =	stream.indirect.gather @!p0 [spmem:s3], $0x20, s0, s6, $0xb8;
	[tilespmem:$0x14800] =	vst v63  }
0xbe: {  	s10 =	simm.s32 @!p0 $0x380  }
0xbf: {  	[tilespmem:s21], [sflag:$0x8] =	stream.indirect.gather [spmem:s3], $0x20, s10, s20, $0xb8;
	[tilespmem:$0x14800] =	vst v63  }
0xc0: {  	_ =	swait.ge [sflag:s22], $0x1000  }
0xc1: {  	s1 =	sshra.s32 s11, $0x2;
	[sflag:s22] =	ssyncset.done $0x0  }
0xc2: {  	s0 =	sadd.s32 $0x1400, s1;
	[sflag:s22] =	ssyncadd.s32 $0xFFFFF000  }
0xc3: {  	[spmem:s2] =	stream.indirect.scatter.add.f32 [tilespmem:s15], [sflag:$0x9], $0x20, s0, s20, $0xb8;
	[tilespmem:$0x14800] =	vst v63  }
0xc4: {  	s0 =	sadd.s32 @p0 $0xFFFFFD00, s14;
	_ =	swait.ge [sflag:s23], $0x1000  }
0xc5: {  	s0 =	simm.s32 @!p0 $0x80;
	[sflag:s23] =	ssyncset.done $0x0  }
0xc6: {  	s6 =	rddreg [dreg:$0x7];
	s0 =	sadd.s32 $0x1400, s0;
	[sflag:s23] =	ssyncadd.s32 $0xFFFFF000  }
0xc7: {  	[spmem:s2] =	stream.indirect.scatter.add.f32 [tilespmem:s6], [sflag:$0xA], $0x20, s0, s20, $0xb8;
	[tilespmem:$0x14800] =	vst v63  }
0xc8: {  	s0 =	sadd.s32 @p0 $0xFFFFFD80, s14;
	_ =	swait.ge [sflag:s24], $0x1000  }
0xc9: {  	s0 =	simm.s32 @!p0 $0x100;
	[sflag:s24] =	ssyncset.done $0x0  }
0xca: {  	s7 =	rddreg [dreg:$0x8];
	s0 =	sadd.s32 $0x1400, s0;
	[sflag:s24] =	ssyncadd.s32 $0xFFFFF000  }
0xcb: {  	[spmem:s2] =	stream.indirect.scatter.add.f32 [tilespmem:s7], [sflag:$0xB], $0x20, s0, s20, $0xb8;
	[tilespmem:$0x14800] =	vst v63  }
0xcc: {  	s13 =	smov.u32 s12;
	s0 =	sadd.s32 @p0 $0xFFFFFE00, s14;
	_ =	swait.ge [sflag:s25], $0x1000  }
0xcd: {  	s11 =	smov.u32 s13;
	s0 =	simm.s32 @!p0 $0x180;
	[sflag:s25] =	ssyncset.done $0x0  }
0xce: {  	s13 =	rddreg [dreg:$0x9];
	s0 =	sadd.s32 $0x1400, s0;
	[sflag:s25] =	ssyncadd.s32 $0xFFFFF000  }
0xcf: {  	[spmem:s2] =	stream.indirect.scatter.add.f32 [tilespmem:s13], [sflag:$0xC], $0x20, s0, s20, $0xb8;
	[tilespmem:$0x14800] =	vst v63  }
0xd0: {  	s0 =	sadd.s32 @p0 $0xFFFFFE80, s14;
	_ =	swait.ge [sflag:s26], $0x1000  }
0xd1: {  	s0 =	simm.s32 @!p0 $0x200;
	[sflag:s26] =	ssyncset.done $0x0  }
0xd2: {  	s18 =	rddreg [dreg:$0xa];
	s0 =	sadd.s32 $0x1400, s0;
	[sflag:s26] =	ssyncadd.s32 $0xFFFFF000  }
0xd3: {  	[spmem:s2] =	stream.indirect.scatter.add.f32 [tilespmem:s18], [sflag:$0xD], $0x20, s0, s20, $0xb8;
	[tilespmem:$0x14800] =	vst v63  }
0xd4: {  	s0 =	sadd.s32 @p0 $0xFFFFFF00, s14;
	_ =	swait.ge [sflag:s28], $0x1000  }
0xd5: {  	s12 =	sadd.s32 $0x1000, s12;
	s0 =	simm.s32 @!p0 $0x280;
	[sflag:s28] =	ssyncset.done $0x0  }
0xd6: {  	s19 =	rddreg [dreg:$0xb];
	s0 =	sadd.s32 $0x1400, s0;
	[sflag:s28] =	ssyncadd.s32 $0xFFFFF000  }
0xd7: {  	[spmem:s2] =	stream.indirect.scatter.add.f32 [tilespmem:s19], [sflag:$0xE], $0x20, s0, s20, $0xb8;
	[tilespmem:$0x14800] =	vst v63  }
0xd8: {  	p1 =	sne.s32 s12, $0x5000;
	s0 =	sadd.s32 @p0 $0xFFFFFF80, s14;
	_ =	swait.ge [sflag:s29], $0x1000  }
.Ltmp1:
0xd9: {  	s0 =	simm.s32 @!p0 $0x300;
	[sflag:s29] =	ssyncset.done $0x0;
	(pc) =	sbr.rel @p1 .LBB2_4-.Ltmp1, $4  }
0xda: {  	s31 =	rddreg [dreg:$0xc];
	s0 =	sadd.s32 $0x1400, s0;
	[sflag:s29] =	ssyncadd.s32 $0xFFFFF000  }
0xdb: {  	[spmem:s2] =	stream.indirect.scatter.add.f32 [tilespmem:s31], [sflag:$0xF], $0x20, s0, s20, $0xb8;
	[tilespmem:$0x14800] =	vst v63  }
0xdc: {  	s10 =	sadd.s32 $0x1400, s10;
	_ =	swait.ge [sflag:s30], $0x1000  }
0xdd: {  	s14 =	sadd.s32 $0x400, s14;
	p0 =	sne.s32 s11, $0x0;
	[sflag:s30] =	ssyncset.done $0x0  }
0xde: {  	s0 =	simm.s32 @p0 $0x9;
	[sflag:s30] =	ssyncadd.s32 $0xFFFFF000  }
0xdf: {  	[spmem:s2] =	stream.indirect.scatter.add.f32 [tilespmem:s21], [sflag:$0x10], $0x20, s10, s20, $0xb8;
	[tilespmem:$0x14800] =	vst v63  }
0xe0: {  	_ =	swait.ge @p0 [sflag:s0], $0x1000  }
0xe1: {  	s1 =	simm.s32 @p0 $0x2800;
	s6 =	simm.s32 @p0 $0xA;
	[sflag:s0] =	ssyncset.done @p0 $0x0  }
0xe2: {  	s7 =	simm.s32 @p0 $0x80;
	[sflag:s0] =	ssyncadd.s32 @p0 $0xFFFFF000;
	s0 =	sshra.s32 @p0 s11, $0x2  }
0xe3: {  	[tilespmem:s1], [sflag:$0x1] =	stream.indirect.gather @p0 [spmem:s3], $0x20, s0, s7, $0xb8;
	[tilespmem:$0x14800] =	vst v63  }
0xe4: {  	_ =	swait.ge @p0 [sflag:s6], $0x1000  }
0xe5: {  	[sflag:s6] =	ssyncset.done @p0 $0x0  }
0xe6: {  	s1 =	sadd.s32 @p0 $0x80, s0;
	[sflag:s6] =	ssyncadd.s32 @p0 $0xFFFFF000;
	s6 =	simm.s32 @p0 $0x3800  }
0xe7: {  	[tilespmem:s6], [sflag:$0x2] =	stream.indirect.gather @p0 [spmem:s3], $0x20, s1, s7, $0xb8;
	[tilespmem:$0x14800] =	vst v63  }
0xe8: {  	s1 =	simm.s32 @p0 $0xB  }
0xe9: {  	_ =	swait.ge @p0 [sflag:s1], $0x1000  }
0xea: {  	[sflag:s1] =	ssyncset.done @p0 $0x0  }
0xeb: {  	s6 =	sadd.s32 @p0 $0x100, s0;
	[sflag:s1] =	ssyncadd.s32 @p0 $0xFFFFF000;
	s1 =	simm.s32 @p0 $0x4800  }
0xec: {  	[tilespmem:s1], [sflag:$0x3] =	stream.indirect.gather @p0 [spmem:s3], $0x20, s6, s7, $0xb8;
	[tilespmem:$0x14800] =	vst v63  }
0xed: {  	s1 =	simm.s32 @p0 $0xC  }
0xee: {  	_ =	swait.ge @p0 [sflag:s1], $0x1000  }
0xef: {  	[sflag:s1] =	ssyncset.done @p0 $0x0  }
0xf0: {  	s6 =	sadd.s32 @p0 $0x180, s0;
	[sflag:s1] =	ssyncadd.s32 @p0 $0xFFFFF000;
	s1 =	simm.s32 @p0 $0x5800  }
0xf1: {  	[tilespmem:s1], [sflag:$0x4] =	stream.indirect.gather @p0 [spmem:s3], $0x20, s6, s7, $0xb8;
	[tilespmem:$0x14800] =	vst v63  }
0xf2: {  	s1 =	simm.s32 @p0 $0xD  }
0xf3: {  	_ =	swait.ge @p0 [sflag:s1], $0x1000  }
0xf4: {  	[sflag:s1] =	ssyncset.done @p0 $0x0  }
0xf5: {  	s6 =	sadd.s32 @p0 $0x200, s0;
	[sflag:s1] =	ssyncadd.s32 @p0 $0xFFFFF000;
	s1 =	simm.s32 @p0 $0x6800  }
0xf6: {  	[tilespmem:s1], [sflag:$0x5] =	stream.indirect.gather @p0 [spmem:s3], $0x20, s6, s7, $0xb8;
	[tilespmem:$0x14800] =	vst v63  }
0xf7: {  	s1 =	simm.s32 @p0 $0xE  }
0xf8: {  	_ =	swait.ge @p0 [sflag:s1], $0x1000  }
0xf9: {  	[sflag:s1] =	ssyncset.done @p0 $0x0  }
0xfa: {  	s6 =	sadd.s32 @p0 $0x280, s0;
	[sflag:s1] =	ssyncadd.s32 @p0 $0xFFFFF000;
	s1 =	simm.s32 @p0 $0x7800  }
0xfb: {  	[tilespmem:s1], [sflag:$0x6] =	stream.indirect.gather @p0 [spmem:s3], $0x20, s6, s7, $0xb8;
	[tilespmem:$0x14800] =	vst v63  }
0xfc: {  	s1 =	simm.s32 @p0 $0xF  }
0xfd: {  	_ =	swait.ge @p0 [sflag:s1], $0x1000  }
0xfe: {  	[sflag:s1] =	ssyncset.done @p0 $0x0  }
0xff: {  	s0 =	sadd.s32 @p0 $0x300, s0;
	[sflag:s1] =	ssyncadd.s32 @p0 $0xFFFFF000;
	s1 =	simm.s32 @p0 $0x8800  }
0x100: {  	[tilespmem:s1], [sflag:$0x7] =	stream.indirect.gather @p0 [spmem:s3], $0x20, s0, s7, $0xb8;
	[tilespmem:$0x14800] =	vst v63  }
0x101: {  	s0 =	simm.s32 @p0 $0x10  }
0x102: {  	_ =	swait.ge @p0 [sflag:s0], $0x1000  }
0x103: {  	s6 =	simm.s32 @!p0 $0x80;
	[sflag:s0] =	ssyncset.done @p0 $0x0  }
0x104: {  	s1 =	simm.s32 @!p0 $0x2800;
	[sflag:s0] =	ssyncadd.s32 @p0 $0xFFFFF000;
	s0 =	sshra.s32 @!p0 s11, $0x2  }
0x105: {  	[tilespmem:s1], [sflag:$0x1] =	stream.indirect.gather @!p0 [spmem:s3], $0x20, s0, s6, $0xb8;
	[tilespmem:$0x14800] =	vst v63  }
0x106: {  	s0 =	simm.s32 @!p0 $0x3800  }
0x107: {  	[tilespmem:s0], [sflag:$0x2] =	stream.indirect.gather @!p0 [spmem:s3], $0x20, s6, s6, $0xb8;
	[tilespmem:$0x14800] =	vst v63  }
0x108: {  	s1 =	simm.s32 @!p0 $0x4800;
	s0 =	simm.s32 @!p0 $0x100  }
0x109: {  	[tilespmem:s1], [sflag:$0x3] =	stream.indirect.gather @!p0 [spmem:s3], $0x20, s0, s6, $0xb8;
	[tilespmem:$0x14800] =	vst v63  }
0x10a: {  	s0 =	simm.s32 @!p0 $0x180;
	s1 =	simm.s32 @!p0 $0x5800  }
0x10b: {  	[tilespmem:s1], [sflag:$0x4] =	stream.indirect.gather @!p0 [spmem:s3], $0x20, s0, s6, $0xb8;
	[tilespmem:$0x14800] =	vst v63  }
0x10c: {  	s0 =	simm.s32 @!p0 $0x200;
	s1 =	simm.s32 @!p0 $0x6800  }
0x10d: {  	[tilespmem:s1], [sflag:$0x5] =	stream.indirect.gather @!p0 [spmem:s3], $0x20, s0, s6, $0xb8;
	[tilespmem:$0x14800] =	vst v63  }
0x10e: {  	s0 =	simm.s32 @!p0 $0x280;
	s1 =	simm.s32 @!p0 $0x7800  }
0x10f: {  	[tilespmem:s1], [sflag:$0x6] =	stream.indirect.gather @!p0 [spmem:s3], $0x20, s0, s6, $0xb8;
	[tilespmem:$0x14800] =	vst v63  }
0x110: {  	s0 =	simm.s32 @!p0 $0x300;
	s1 =	simm.s32 @!p0 $0x8800  }
0x111: {  	[tilespmem:s1], [sflag:$0x7] =	stream.indirect.gather @!p0 [spmem:s3], $0x20, s0, s6, $0xb8;
	[tilespmem:$0x14800] =	vst v63  }
0x112: {  	s0 =	smov.u32 s14  }
0x113: {  	s0 =	simm.s32 @!p0 $0x380  }
0x114: {  	[tilespmem:s21], [sflag:$0x8] =	stream.indirect.gather [spmem:s3], $0x20, s0, s20, $0xb8;
	[tilespmem:$0x14800] =	vst v63  }
0x115: {  	_ =	swait.ge [sflag:s22], $0x1000  }
0x116: {  	s10 =	sshra.s32 s11, $0x2;
	[sflag:s22] =	ssyncset.done $0x0  }
0x117: {  	s1 =	sadd.s32 $0x1400, s10;
	[sflag:s22] =	ssyncadd.s32 $0xFFFFF000  }
0x118: {  	[spmem:s2] =	stream.indirect.scatter.add.f32 [tilespmem:s15], [sflag:$0x9], $0x20, s1, s20, $0xb8;
	[tilespmem:$0x14800] =	vst v63  }
0x119: {  	s1 =	sadd.s32 @p0 $0xFFFFFD00, s14;
	_ =	swait.ge [sflag:s23], $0x1000  }
0x11a: {  	s1 =	simm.s32 @!p0 $0x80;
	[sflag:s23] =	ssyncset.done $0x0  }
0x11b: {  	s11 =	rddreg [dreg:$0x7];
	s1 =	sadd.s32 $0x1400, s1;
	[sflag:s23] =	ssyncadd.s32 $0xFFFFF000  }
0x11c: {  	[spmem:s2] =	stream.indirect.scatter.add.f32 [tilespmem:s11], [sflag:$0xA], $0x20, s1, s20, $0xb8;
	[tilespmem:$0x14800] =	vst v63  }
0x11d: {  	s1 =	sadd.s32 @p0 $0xFFFFFD80, s14;
	_ =	swait.ge [sflag:s24], $0x1000  }
0x11e: {  	s1 =	simm.s32 @!p0 $0x100;
	[sflag:s24] =	ssyncset.done $0x0  }
0x11f: {  	s12 =	rddreg [dreg:$0x8];
	s1 =	sadd.s32 $0x1400, s1;
	[sflag:s24] =	ssyncadd.s32 $0xFFFFF000  }
0x120: {  	[spmem:s2] =	stream.indirect.scatter.add.f32 [tilespmem:s12], [sflag:$0xB], $0x20, s1, s20, $0xb8;
	[tilespmem:$0x14800] =	vst v63  }
0x121: {  	s1 =	sadd.s32 @p0 $0xFFFFFE00, s14;
	_ =	swait.ge [sflag:s25], $0x1000  }
0x122: {  	s1 =	simm.s32 @!p0 $0x180;
	[sflag:s25] =	ssyncset.done $0x0  }
0x123: {  	s13 =	rddreg [dreg:$0x9];
	s1 =	sadd.s32 $0x1400, s1;
	[sflag:s25] =	ssyncadd.s32 $0xFFFFF000  }
0x124: {  	[spmem:s2] =	stream.indirect.scatter.add.f32 [tilespmem:s13], [sflag:$0xC], $0x20, s1, s20, $0xb8;
	[tilespmem:$0x14800] =	vst v63  }
0x125: {  	s1 =	sadd.s32 @p0 $0xFFFFFE80, s14;
	_ =	swait.ge [sflag:s26], $0x1000  }
0x126: {  	s1 =	simm.s32 @!p0 $0x200;
	[sflag:s26] =	ssyncset.done $0x0  }
0x127: {  	s18 =	rddreg [dreg:$0xa];
	s1 =	sadd.s32 $0x1400, s1;
	[sflag:s26] =	ssyncadd.s32 $0xFFFFF000  }
0x128: {  	[spmem:s2] =	stream.indirect.scatter.add.f32 [tilespmem:s18], [sflag:$0xD], $0x20, s1, s20, $0xb8;
	[tilespmem:$0x14800] =	vst v63  }
0x129: {  	s1 =	sadd.s32 @p0 $0xFFFFFF00, s14;
	_ =	swait.ge [sflag:s28], $0x1000  }
0x12a: {  	s1 =	simm.s32 @!p0 $0x280;
	[sflag:s28] =	ssyncset.done $0x0  }
0x12b: {  	s19 =	rddreg [dreg:$0xb];
	s1 =	sadd.s32 $0x1400, s1;
	[sflag:s28] =	ssyncadd.s32 $0xFFFFF000  }
0x12c: {  	[spmem:s2] =	stream.indirect.scatter.add.f32 [tilespmem:s19], [sflag:$0xE], $0x20, s1, s20, $0xb8;
	[tilespmem:$0x14800] =	vst v63  }
0x12d: {  	s1 =	sadd.s32 @p0 $0xFFFFFF80, s14;
	_ =	swait.ge [sflag:s29], $0x1000  }
0x12e: {  	s1 =	simm.s32 @!p0 $0x300;
	[sflag:s29] =	ssyncset.done $0x0  }
0x12f: {  	s31 =	rddreg [dreg:$0xc];
	s1 =	sadd.s32 $0x1400, s1;
	[sflag:s29] =	ssyncadd.s32 $0xFFFFF000  }
0x130: {  	[spmem:s2] =	stream.indirect.scatter.add.f32 [tilespmem:s31], [sflag:$0xF], $0x20, s1, s20, $0xb8;
	[tilespmem:$0x14800] =	vst v63  }
0x131: {  	_ =	swait.ge [sflag:s30], $0x1000  }
0x132: {  	[sflag:s30] =	ssyncset.done $0x0  }
0x133: {  	s7 =	simm.s32 $0x9;
	s0 =	sadd.s32 $0x1400, s0;
	[sflag:s30] =	ssyncadd.s32 $0xFFFFF000  }
0x134: {  	[spmem:s2] =	stream.indirect.scatter.add.f32 [tilespmem:s21], [sflag:$0x10], $0x20, s0, s20, $0xb8;
	[tilespmem:$0x14800] =	vst v63  }
0x135: {  	_ =	swait.ge [sflag:s7], $0x1000  }
0x136: {  	[sflag:s7] =	ssyncset.done $0x0  }
0x137: {  	s10 =	simm.s32 $0xA;
	[sflag:s7] =	ssyncadd.s32 $0xFFFFF000  }
0x138: {  	_ =	swait.ge [sflag:s10], $0x1000  }
0x139: {  	[sflag:s10] =	ssyncset.done $0x0  }
0x13a: {  	s11 =	simm.s32 $0xB;
	[sflag:s10] =	ssyncadd.s32 $0xFFFFF000  }
0x13b: {  	_ =	swait.ge [sflag:s11], $0x1000  }
0x13c: {  	[sflag:s11] =	ssyncset.done $0x0  }
0x13d: {  	s12 =	simm.s32 $0xC;
	[sflag:s11] =	ssyncadd.s32 $0xFFFFF000  }
0x13e: {  	_ =	swait.ge [sflag:s12], $0x1000  }
0x13f: {  	[sflag:s12] =	ssyncset.done $0x0  }
0x140: {  	s13 =	simm.s32 $0xD;
	[sflag:s12] =	ssyncadd.s32 $0xFFFFF000  }
0x141: {  	_ =	swait.ge [sflag:s13], $0x1000  }
0x142: {  	[sflag:s13] =	ssyncset.done $0x0  }
0x143: {  	s14 =	simm.s32 $0xE;
	[sflag:s13] =	ssyncadd.s32 $0xFFFFF000  }
0x144: {  	_ =	swait.ge [sflag:s14], $0x1000  }
0x145: {  	[sflag:s14] =	ssyncset.done $0x0  }
0x146: {  	[sflag:s14] =	ssyncadd.s32 $0xFFFFF000  }
0x147: {  	_ =	swait.ge [sflag:s8], $0x1000  }
0x148: {  	[sflag:s8] =	ssyncset.done $0x0  }
0x149: {  	[sflag:s8] =	ssyncadd.s32 $0xFFFFF000  }
0x14a: {  	_ =	swait.ge [sflag:s9], $0x1000  }
0x14b: {  	[sflag:s9] =	ssyncset.done $0x0  }
0x14c: {  	[sflag:s9] =	ssyncadd.s32 $0xFFFFF000  }
0x14d: {  	[bflag:$0x0] =	sbarrier.arrive $0xFFFF  }
0x14e: {  	s18 =	sshrl.u32 s5, $0x3;
	s19 =	rddreg [dreg:$0x14]  }
0x14f: {  	[hbm:s19], [sflag:s17] =	dma.local [spmem:s18], $0xA00  }
0x150: {  	_ =	swait.ge [sflag:s16], $0xA00  }
0x151: {  	s4 =	sadd.s32 $0x1, s4;
	s31 =	rddreg [dreg:$0x15]  }
0x152: {  	p0 =	sne.s32 s4, s31  }
.Ltmp2:
0x153: {  	_ = 	snop;
	(pc) =	sbr.rel @p0 .LBB2_1-.Ltmp2, $3  }
0x154: {  	_ =	sdelay $0x1  }
0x155: {  	[sflag:s16] =	ssyncset.done $0x0  }
0x156: {  	[sflag:s16] =	ssyncadd.s32 $0xFFFFF600  }
0x157: {  	_ =	sfence.sel $0x180000  }
0x158: {  	[bflag:$0x0] =	sbarrier.arrive $0xFFFF  }
0x159: {  	_ =	strace $0x90000050  }
0x15a: {  	s0 =	stileid.u32;
	[bflag:$0x2] =	sbarrier.arrive $0xFFFF  }
0x15b: {  	p0 =	sne.s32 s0, $0x0;
	s0 =	rddreg [dreg:$0x6]  }
0x15c: {  	s0 =	sadd.s32 @!p0 $0x100000, s0  }
0x15d: {  	[sflag:s0] =	ssyncadd.tile.s32 @!p0 $0x1;
	_ =	shalt  }
.Lfunc_end2:
_tile_overlayer_lowered:
.L_overlay_start_2:
0x15e: {  	(tag) =	ssettag $0x2  }
0x15f: {  	s0 =	rddreg [dreg:$0x0];
	s2 =	stileid.u32  }
0x160: {  	s1 =	rddreg [dreg:$0x1];
	p0 =	sne.s32 s2, $0x0  }
0x161: {  	s3 =	rddreg [dreg:$0x2];
	[bflag:$0x3] =	sbarrier.arrive $0xFFFF;
	s2 =	simm.s32 @!p0 $0x1C11  }
0x162: {  	[timem:s3], [sflag:s2] =	dma.local @!p0 [hbm:s0], s1  }
0x163: {  	s0 =	simm.s32 @!p0 $0x11  }
0x164: {  	_ =	swait.ge @!p0 [sflag:s0], s1  }
0x165: {  	s1 =	ssub.s32 @!p0 $0x0, s1;
	[sflag:s0] =	ssyncset.done @!p0 $0x0  }
0x166: {  	[sflag:s0] =	ssyncadd.s32 @!p0 s1  }
0x167: {  	[bflag:$0x3] =	sbarrier.arrive $0xFFFF  }
0x168: {  	_ =	shalt  }

// kernel: kernel.28.cloned.1.call-start
scs
__scs_entry_jumppad:
0x0: {  	(pc) =	sbr.rel $0x88, $3  }
0x1: {  	(tag) =	ssettag $0x0;
	lr =	simm.s32 $0x1  }
0x2: {  	[smem:$0x3F95] =	sst lr;
	_ =	strace $0xD0000000  }
0x3: {  	_ = 	snop  }
0x4: {  	_ = 	snop  }
0x5: {  	_ = 	snop  }
0x6: {  	_ = 	snop  }
0x7: {  	_ = 	snop  }
__scs_overlays_trampoline_lowered:
0x8: {  	[smem:$0x3FA4] =	sst s0  }
0x9: {  	[smem:$0x3FA5] =	sst s1  }
0xa: {  	[smem:$0x3FA6] =	sst s2  }
0xb: {  	[smem:$0x3FA7] =	sst s3  }
0xc: {  	[smem:$0x3FA8] =	sst s4  }
0xd: {  	[smem:$0x3FA9] =	sst s5  }
0xe: {  	[smem:$0x3FAA] =	sst s6  }
0xf: {  	[smem:$0x3FAB] =	sst s7  }
0x10: {  	[smem:$0x3FAC] =	sst s8  }
0x11: {  	[smem:$0x3FAD] =	sst s9;
	s0 =	simm.s32 @!p0 $0x0  }
0x12: {  	s1 =	sld [smem:$0x3F93];
	s0 =	simm.s32 @p0 $0x1  }
0x13: {  	[smem:$0x3FAE] =	sst s0;
	s0 =	simm.s32 @!p1 $0x0  }
0x14: {  	s2 =	sld [smem:$0x3F92];
	s0 =	simm.s32 @p1 $0x1  }
0x15: {  	[smem:$0x3FAF] =	sst s0;
	s0 =	simm.s32 @!p2 $0x0  }
0x16: {  	s3 =	sld [smem:$0x3FDB];
	s0 =	simm.s32 @p2 $0x1  }
0x17: {  	s4 =	simm.s32 $0x1BF5;
	[smem:$0x3FB1] =	sst s0  }
0x18: {  	s0 =	sld [smem:$0x3F94];
	_ =	swait.ge [sflag:s4], $0x0  }
0x19: {  	s7 =	sld [smem:$0x3F95]  }
0x1a: {  	s8 =	sadd.s32 $0xFFFFE003, lr  }
0x1b: {  	s9 =	sadd.s32 $0xFFFFFEF7, lr;
	s5 =	simm.s32 $0xFFFFFFFF;
	p2 =	slt.u32 s8, $0xFFFFF086  }
0x1c: {  	p1 =	slt.u32 s9, $0xF7A;
	s5 =	simm.s32 @!p2 $0x0  }
0x1d: {  	s5 =	simm.s32 @p1 $0x1;
	p0 =	seq.s32 s7, s2  }
0x1e: {  	s7 =	smul.u32 @!p0 $0xF7A, s2;
	p2 =	seq.s32 @!p0 s5, $0x0  }
0x1f: {  	s9 =	smul.u32 $0xF7A, s1;
	s8 =	simm.s32 @!p0 $0x1BF5;
	p2 =	por !p2, p0  }
0x20: {  	[sflag:s8] =	ssyncset.s32 @!p0 $0xFFFFF086;
	s6 =	sadd.s32 @!p0 s3, s7;
	s7 =	simm.s32 @!p0 $0x108  }
0x21: {  	s3 =	sadd.s32 s3, s9;
	s6 =	sadd.s32 @!p0 $0x88, s6;
	s7 =	simm.s32 @p2 $0x1082  }
0x22: {  	[simem:s7], [sflag:s8] =	dma.local @!p0 [hbm:s6], $0xF7A  }
0x23: {  	s9 =	sor.u32 $0xD0000000, s2;
	s6 =	simm.s32 $0x108;
	_ =	swait.ge @!p0 [sflag:s8], $0x0  }
0x24: {  	s3 =	sadd.s32 $0x88, s3;
	s6 =	simm.s32 @!p1 $0x1082;
	[sflag:s4] =	ssyncset.s32 $0xFFFFF086  }
0x25: {  	[simem:s6], [sflag:s4] =	dma.local [hbm:s3], $0xF7A  }
0x26: {  	[smem:$0x3F95] =	sst s1;
	(tag) =	ssettag s2;
	_ =	strace s9  }
0x27: {  	s1 =	sld [smem:$0x3FA5]  }
0x28: {  	s2 =	sld [smem:$0x3FA6]  }
0x29: {  	s4 =	sld [smem:$0x3FA8]  }
0x2a: {  	p0 =	seq.s32 s5, $0x0;
	s5 =	sld [smem:$0x3FA9]  }
0x2b: {  	s6 =	sld [smem:$0x3FAA]  }
0x2c: {  	s7 =	sld [smem:$0x3FAB]  }
0x2d: {  	s3 =	simm.s32 $0x108;
	s8 =	sld [smem:$0x3FAC]  }
0x2e: {  	s3 =	simm.s32 @!p0 $0x1082;
	s9 =	sld [smem:$0x3FAD]  }
0x2f: {  	lr =	sadd.s32 s0, s3;
	s0 =	sld [smem:$0x3FA4]  }
0x30: {  	s3 =	sld [smem:$0x3FA7]  }
0x31: {  	[smem:$0x3FB0] =	sst s10  }
0x32: {  	s10 =	sld [smem:$0x3FAE];
	_ =	sdelay $0x3  }
0x33: {  	p0 =	seq.s32 s10, $0x1;
	s10 =	sld [smem:$0x3FB0];
	_ =	sdelay $0x3  }
0x34: {  	[smem:$0x3FB0] =	sst s10  }
0x35: {  	s10 =	sld [smem:$0x3FAF];
	_ =	sdelay $0x3  }
0x36: {  	p1 =	seq.s32 s10, $0x1;
	s10 =	sld [smem:$0x3FB0];
	_ =	sdelay $0x3  }
0x37: {  	[smem:$0x3FB0] =	sst s10  }
0x38: {  	s10 =	sld [smem:$0x3FB1]  }
0x39: {  	_ = 	snop;
	(pc) =	sbr.ind lr, $3  }
0x3a: {  	_ = 	snop  }
0x3b: {  	_ = 	snop  }
0x3c: {  	p2 =	seq.s32 s10, $0x1;
	s10 =	sld [smem:$0x3FB0]  }
0x3d: {  	_ =	shalt  }
0x3e: {  	_ =	shalt  }
0x3f: {  	_ =	shalt  }
0x40: {  	_ =	shalt  }
0x41: {  	_ =	shalt  }
0x42: {  	_ =	shalt  }
0x43: {  	_ =	shalt  }
0x44: {  	_ =	shalt  }
0x45: {  	_ =	shalt  }
0x46: {  	_ =	shalt  }
0x47: {  	_ =	shalt  }
0x48: {  	_ =	shalt  }
0x49: {  	_ =	shalt  }
0x4a: {  	_ =	shalt  }
0x4b: {  	_ =	shalt  }
0x4c: {  	_ =	shalt  }
0x4d: {  	_ =	shalt  }
0x4e: {  	_ =	shalt  }
0x4f: {  	_ =	shalt  }
0x50: {  	_ =	shalt  }
0x51: {  	_ =	shalt  }
0x52: {  	_ =	shalt  }
0x53: {  	_ =	shalt  }
0x54: {  	_ =	shalt  }
0x55: {  	_ =	shalt  }
0x56: {  	_ =	shalt  }
0x57: {  	_ =	shalt  }
0x58: {  	_ =	shalt  }
0x59: {  	_ =	shalt  }
0x5a: {  	_ =	shalt  }
0x5b: {  	_ =	shalt  }
0x5c: {  	_ =	shalt  }
0x5d: {  	_ =	shalt  }
0x5e: {  	_ =	shalt  }
0x5f: {  	_ =	shalt  }
0x60: {  	_ =	shalt  }
0x61: {  	_ =	shalt  }
0x62: {  	_ =	shalt  }
0x63: {  	_ =	shalt  }
0x64: {  	_ =	shalt  }
0x65: {  	_ =	shalt  }
0x66: {  	_ =	shalt  }
0x67: {  	_ =	shalt  }
0x68: {  	_ =	shalt  }
0x69: {  	_ =	shalt  }
0x6a: {  	_ =	shalt  }
0x6b: {  	_ =	shalt  }
0x6c: {  	_ =	shalt  }
0x6d: {  	_ =	shalt  }
0x6e: {  	_ =	shalt  }
0x6f: {  	_ =	shalt  }
0x70: {  	_ =	shalt  }
0x71: {  	_ =	shalt  }
0x72: {  	_ =	shalt  }
0x73: {  	_ =	shalt  }
0x74: {  	_ =	shalt  }
0x75: {  	_ =	shalt  }
0x76: {  	_ =	shalt  }
0x77: {  	_ =	shalt  }
0x78: {  	_ =	shalt  }
0x79: {  	_ =	shalt  }
0x7a: {  	_ =	shalt  }
0x7b: {  	_ =	shalt  }
0x7c: {  	_ =	shalt  }
0x7d: {  	_ =	shalt  }
0x7e: {  	_ =	shalt  }
0x7f: {  	_ =	shalt  }
0x80: {  	_ =	shalt  }
0x81: {  	_ =	shalt  }
0x82: {  	_ =	shalt  }
0x83: {  	_ =	shalt  }
0x84: {  	_ =	shalt  }
0x85: {  	_ =	shalt  }
0x86: {  	_ =	shalt  }
0x87: {  	_ =	shalt  }
.Lfunc_end0:
.L_simem_size_0:
called_computation.4_lowered:
.L_overlay_start_0:
0x88: {  	s2 =	sld [smem:$0x3FD9]  }
0x89: {  	s3 =	sld [smem:$0x3FFE];
	_ =	sdelay $0x1  }
0x8a: {  	s1 =	srdreg.scid  }
0x8b: {  	s0 =	sand.u32 $0x1, s1  }
0x8c: {  	s14 =	sshll.u32 s0, $0xA;
	s2 =	sadd.s32 s3, s2  }
0x8d: {  	s2 =	sadd.s32 s2, s14  }
0x8e: {  	[smem:$0x3FBC] =	sst s2  }
0x8f: {  	_ = 	snop  }
0x90: {  	s2 =	sld [smem:$0x3FD0];
	_ =	sdelay $0x2  }
0x91: {  	s15 =	simm.s32 $0xA;
	s4 =	simm.s32 $0x10  }
0x92: {  	[smem:s4], [sflag:s15] =	dma.local [hbm:s2], $0x1  }
0x93: {  	_ =	swait.eq [sflag:s15], $0x1  }
0x94: {  	[sflag:s15] =	ssyncset.done $0x0  }
0x95: {  	s16 =	sld [smem:$0x13];
	[sflag:s15] =	ssyncadd.s32 $0xFFFFFFFF  }
0x96: {  	s17 =	sld [smem:$0x14];
	(tm) =	ssettm $0x1  }
0x97: {  	s18 =	sld [smem:$0x3FFB];
	_ =	sdelay $0x3  }
0x98: {  	_ =	strace s18  }
0x99: {  	s4 =	sld [smem:$0x3FFC];
	_ =	sdelay $0x3  }
0x9a: {  	_ =	strace s4  }
0x9b: {  	s4 =	sld [smem:$0x3FFD];
	_ =	sdelay $0x3  }
0x9c: {  	_ =	strace s4  }
0x9d: {  	_ =	strace $0x8FFFFFFF  }
0x9e: {  	s19 =	sld [smem:$0x3FDB];
	_ =	sdelay $0x1  }
0x9f: {  	s5 =	simm.s32 $_scs_section_size  }
0xa0: {  	s6 =	simm.s32 $_size__tile_overlayer_lowered;
	s7 =	simm.s32 $_tile_overlayer_lowered  }
0xa1: {  	s22 =	simm.s32 $0x1BFF;
	s21 =	sshll.u32 s7, $0x1;
	s4 =	sadd.s32 s5, s19  }
0xa2: {  	s8 =	simm.s32 $0x0;
	s20 =	sshll.u32 s6, $0x1;
	s6 =	sadd.s32 s21, s4  }
0xa3: {  	[timem:s8], [sflag:s22] =	dma.local [hbm:s6], s20  }
0xa4: {  	_ =	swait.ge [sflag:s22], s20  }
0xa5: {  	s5 =	ssub.s32 $0x0, s20;
	[sflag:s22] =	ssyncset.done $0x0  }
0xa6: {  	[sflag:s22] =	ssyncadd.s32 s5;
	_ =	sdelay $0x1  }
0xa7: {  	s23 =	simm.s32 $0x1B8B  }
0xa8: {  	_ =	swait.ge [sflag:s23], $0x1  }
0xa9: {  	[sflag:s23] =	ssyncset.done $0x0  }
0xaa: {  	s25 =	simm.s32 $0x1B8E;
	s24 =	sld [smem:$0x3FFE];
	[sflag:s23] =	ssyncadd.s32 $0xFFFFFFFF  }
0xab: {  	s26 =	simm.s32 $execute0_lowered;
	[smem:$0x3FD2] =	sst s25  }
0xac: {  	s6 =	sshll.u32 s26, $0x1;
	_ =	strace $0x80000052;
	[dreg:$0x1] =	wrdreg $0xFFFFFFFF  }
0xad: {  	s28 =	simm.s32 $_size_execute0_lowered;
	s4 =	sadd.s32 s4, s6;
	[dreg:$0x0] =	wrdreg $0x0  }
0xae: {  	s6 =	sshll.u32 s28, $0x1;
	[dreg:$0x2] =	wrdreg s4  }
0xaf: {  	[dreg:$0x3] =	wrdreg s6  }
0xb0: {  	[dreg:$0x4] =	wrdreg $0xC0  }
0xb1: {  	_ =	task [dreg:s8], $0x5FFFF  }
0xb2: {  	[dreg:$0x1] =	wrdreg $0xFFFFFFFF  }
0xb3: {  	[dreg:$0x0] =	wrdreg $0x60  }
0xb4: {  	[dreg:$0x2] =	wrdreg s16  }
0xb5: {  	[dreg:$0x3] =	wrdreg s24  }
0xb6: {  	[dreg:$0x4] =	wrdreg s17  }
0xb7: {  	[dreg:$0x5] =	wrdreg $0x148000  }
0xb8: {  	[dreg:$0x6] =	wrdreg $0xA8000  }
0xb9: {  	[dreg:$0x7] =	wrdreg $0x9  }
0xba: {  	_ =	task.clear_ibuf [dreg:s8], $0x8FFFF;
	_ =	strace $0x90000052  }
0xbb: {  	s29 =	simm.s32 $0x9;
	_ =	strace $0x80000054  }
0xbc: {  	_ =	swait.ge [sflag:s29], $0x1  }
0xbd: {  	[sflag:s29] =	ssyncadd.s32 $0xFFFFFFFF  }
0xbe: {  	_ =	strace $0x90000054  }
0xbf: {  	_ =	sfence  }
0xc0: {  	s30 =	sld [smem:$0x0];
	_ =	sdelay $0x2  }
0xc1: {  	s31 =	sshll.u32 s1, $0xD;
	s1 =	sshrl.u32 s1, $0x2  }
0xc2: {  	s3 =	sand.u32 $0x4000, s31;
	s1 =	sadd.s32 s1, s30  }
0xc3: {  	s0 =	sor.u32 s3, s0;
	s1 =	sshll.u32 s1, $0x11  }
0xc4: {  	s0 =	sor.u32 s1, s0  }
0xc5: {  	s0 =	sadd.s32 $0x8F2B, s0  }
0xc6: {  	[sflag:s0] =	ssyncadd.remote.s32 $0x1  }
0xc7: {  	_ =	sfence.sel $0xFFFF  }
0xc8: {  	[dreg:$0x0] =	wrdreg $0xFFFFFFFF;
	(pc) =	sbr.abs _section_cstart, $3  }
0xc9: {  	[dreg:$0x1] =	wrdreg $0xFFFFFFFF  }
0xca: {  	_ =	task.clear_ibuf [dreg:s8], $0x2FFFF;
	_ =	strace $0x9FFFFFFF  }
0xcb: {  	(tm) =	ssettm $0x7FFFFFFF  }
tec
execute0_lowered:
.L_overlay_start_1:
0x0: {  	(tag) =	ssettag $0x1  }
0x1: {  	s0 =	rddreg [dreg:$0x0]  }
0x2: {  	s1 =	rddreg [dreg:$0x1];
	s2 =	srdreg.scid  }
0x3: {  	s6 =	rddreg [dreg:$0x2];
	s16 =	stileid.u32  }
0x4: {  	s3 =	rddreg [dreg:$0x4];
	s15 =	simm.s32 $0x2800;
	s19 =	simm.s32 $0x1400  }
0x5: {  	s20 =	simm.s32 $0x80;
	s21 =	simm.s32 $0x4800;
	s28 =	simm.s32 $0x2  }
0x6: {  	s30 =	simm.s32 $0x3;
	s22 =	simm.s32 $0x5;
	s29 =	simm.s32 $0x7  }
0x7: {  	s31 =	simm.s32 $0x8;
	s5 =	sand.u32 $0x1, s2;
	s8 =	smul.u32 $0x28000, s16  }
0x8: {  	s2 =	rddreg [dreg:$0x3];
	s10 =	smul.u32 $0xA000, s16;
	s26 =	sshll.u32 s16, $0x6  }
0x9: {  	s4 =	sshll.u32 s5, $0x4;
	s5 =	ssub.s32 $0x2, s5;
	s17 =	sor.u32 $0x1C09, s26  }
0xa: {  	s26 =	simm.s32 $0x1;
	s7 =	sor.u32 s16, s4;
	s4 =	simm.s32 $0x0  }
0xb: {  	s8 =	sshrl.u32 s8, $0x2;
	s23 =	sshrl.u32 s5, $0x1;
	s13 =	sshrl.u32 s10, $0x3  }
0xc: {  	s18 =	sadd.s32 s10, s3;
	s16 =	simm.s32 $0x9;
	s11 =	smul.u32 $0x280, s7  }
0xd: {  	[smem:$0x7FF] =	sst s4;
	s7 =	smul.u32 $0x1400, s7;
	s9 =	sadd.s32 s8, s2  }
0xe: {  	s14 =	ssub.s32 s5, s23;
	s5 =	sadd.s32 s10, s2;
	s10 =	sadd.s32 s6, s13  }
0xf: {  	s18 =	sshrl.u32 s18, $0x3;
	s23 =	simm.s32 $0x6800;
	_ =	strace $0x80000053  }
0x10: {  	s24 =	sadd.s32 $0x2000, s9;
	s25 =	sadd.s32 $0x4000, s9;
	s8 =	sadd.s32 $0x6000, s9  }
0x11: {  	s9 =	sadd.s32 $0x8000, s9;
	s14 =	smax.u32 s14, $0x1;
	[dreg:$0x6] =	wrdreg s24  }
0x12: {  	s12 =	sadd.s32 s11, s1;
	s1 =	sadd.s32 s7, s1;
	[dreg:$0x7] =	wrdreg s25  }
0x13: {  	s11 =	sadd.s32 s0, s11;
	s25 =	simm.s32 $0x8800;
	s24 =	simm.s32 $0x6  }
0x14: {  	v0 =	vimm.f32 $0.0e+00;
	s12 =	sadd.s32 $0x3800, s12;
	s13 =	sadd.s32 $0x58800, s1;
	s1 =	simm.s32 $0x4  }
.LBB2_1:
0x15: {  	s6 =	simm.s32 $0x100;
	s0 =	simm.s32 $0x0  }
.LBB2_2:
0x16: {  	p0 =	sne.s32 s6, $0x7F00;
	[tilespmem:s0+$0x2830] =	vst v0;
	s7 =	smov.u32 s6;
	s6 =	sadd.s32 $0x100, s6  }
.Ltmp0:
0x17: {  	[tilespmem:s0+$0x2820] =	vst v0;
	(pc) =	sbr.rel @p0 .LBB2_2-.Ltmp0, $3  }
0x18: {  	[tilespmem:s0+$0x2800] =	vst v0  }
0x19: {  	[tilespmem:s0+$0x2810] =	vst v0;
	_ =	sdelay $0x1  }
0x1a: {  	s0 =	sshra.s32 s7, $0x2  }
0x1b: {  	[tilespmem:s0+$0x2830] =	vst v0  }
0x1c: {  	[tilespmem:s0+$0x2820] =	vst v0  }
0x1d: {  	[tilespmem:s0+$0x2800] =	vst v0  }
0x1e: {  	[tilespmem:s0+$0x2810] =	vst v0  }
0x1f: {  	[spmem:s5] =	stream.linear.scatter [tilespmem:s15], [sflag:$0x9], $0x2000, $0x38;
	[tilespmem:$0x1E800] =	vst v63  }
0x20: {  	_ =	swait.ge [sflag:s16], $0x2000  }
0x21: {  	[sflag:s16] =	ssyncset.done $0x0  }
0x22: {  	s7 =	rddreg [dreg:$0x6];
	[sflag:s16] =	ssyncadd.s32 $0xFFFFE000  }
0x23: {  	[spmem:s7] =	stream.linear.scatter [tilespmem:s15], [sflag:$0x9], $0x2000, $0x38;
	[tilespmem:$0x1E800] =	vst v63  }
0x24: {  	_ =	swait.ge [sflag:s16], $0x2000  }
0x25: {  	[sflag:s16] =	ssyncset.done $0x0  }
0x26: {  	s6 =	rddreg [dreg:$0x7];
	[sflag:s16] =	ssyncadd.s32 $0xFFFFE000  }
0x27: {  	[spmem:s6] =	stream.linear.scatter [tilespmem:s15], [sflag:$0x9], $0x2000, $0x38;
	[tilespmem:$0x1E800] =	vst v63  }
0x28: {  	_ =	swait.ge [sflag:s16], $0x2000  }
0x29: {  	[sflag:s16] =	ssyncset.done $0x0  }
0x2a: {  	[sflag:s16] =	ssyncadd.s32 $0xFFFFE000  }
0x2b: {  	[spmem:s8] =	stream.linear.scatter [tilespmem:s15], [sflag:$0x9], $0x2000, $0x38;
	[tilespmem:$0x1E800] =	vst v63  }
0x2c: {  	_ =	swait.ge [sflag:s16], $0x2000  }
0x2d: {  	[sflag:s16] =	ssyncset.done $0x0  }
0x2e: {  	[sflag:s16] =	ssyncadd.s32 $0xFFFFE000  }
0x2f: {  	[spmem:s9] =	stream.linear.scatter [tilespmem:s15], [sflag:$0x9], $0x2000, $0x38;
	[tilespmem:$0x1E800] =	vst v63  }
0x30: {  	_ =	swait.ge [sflag:s16], $0x2000  }
0x31: {  	[sflag:s16] =	ssyncset.done $0x0  }
0x32: {  	[sflag:s16] =	ssyncadd.s32 $0xFFFFE000  }
0x33: {  	[spmem:s18], [sflag:s17] =	dma.local [hbm:s10], $0x1400  }
0x34: {  	_ =	swait.ge [sflag:s16], $0x1400  }
0x35: {  	[sflag:s16] =	ssyncset.done $0x0  }
0x36: {  	s7 =	simm.s32 $0x0;
	[sflag:s16] =	ssyncadd.s32 $0xFFFFEC00  }
0x37: {  	[tilespmem:s7], [sflag:$0x9] =	stream.linear.gather [hbm4b:s11+s7], $0x1400, $0x38;
	[tilespmem:$0x1E800] =	vst v63  }
0x38: {  	_ =	swait.ge [sflag:s16], $0x1400  }
0x39: {  	[sflag:s16] =	ssyncset.done $0x0  }
0x3a: {  	[sflag:s16] =	ssyncadd.s32 $0xFFFFEC00  }
0x3b: {  	[tilespmem:s19], [sflag:$0x9] =	stream.linear.gather [hbm4b:s12+s7], $0x1400, $0x38;
	[tilespmem:$0x1E800] =	vst v63  }
0x3c: {  	_ =	swait.ge [sflag:s16], $0x1400  }
0x3d: {  	[sflag:s16] =	ssyncset.done $0x0  }
0x3e: {  	[sflag:s16] =	ssyncadd.s32 $0xFFFFEC00  }
0x3f: {  	[bflag:$0x0] =	sbarrier.arrive $0xFFFF  }
0x40: {  	[tilespmem:s15], [sflag:$0x1] =	stream.indirect.gather [spmem:s3], $0x40, s7, s20, $0xb8;
	[tilespmem:$0x1E800] =	vst v63  }
0x41: {  	_ = 	snop  }
0x42: {  	[tilespmem:s21], [sflag:$0x2] =	stream.indirect.gather [spmem:s3], $0x40, s20, s20, $0xb8;
	[tilespmem:$0x1E800] =	vst v63  }
0x43: {  	s6 =	simm.s32 $0x100  }
0x44: {  	[tilespmem:s23], [sflag:$0x3] =	stream.indirect.gather [spmem:s3], $0x40, s6, s20, $0xb8;
	[tilespmem:$0x1E800] =	vst v63  }
0x45: {  	s7 =	simm.s32 $0x180  }
0x46: {  	[tilespmem:s25], [sflag:$0x4] =	stream.indirect.gather [spmem:s3], $0x40, s7, s20, $0xb8;
	[tilespmem:$0x1E800] =	vst v63  }
0x47: {  	_ =	swait.ge [sflag:s26], $0x2000  }
0x48: {  	[sflag:s26] =	ssyncset.done $0x0  }
0x49: {  	[sflag:s26] =	ssyncadd.s32 $0xFFFFE000  }
0x4a: {  	[spmem:s2] =	stream.indirect.scatter.add.f32 [tilespmem:s15], [sflag:$0x5], $0x40, s19, s20, $0xb8;
	[tilespmem:$0x1E800] =	vst v63  }
0x4b: {  	_ =	swait.ge [sflag:s28], $0x2000  }
0x4c: {  	[sflag:s28] =	ssyncset.done $0x0  }
0x4d: {  	s6 =	simm.s32 $0x1480;
	[sflag:s28] =	ssyncadd.s32 $0xFFFFE000  }
0x4e: {  	[spmem:s2] =	stream.indirect.scatter.add.f32 [tilespmem:s21], [sflag:$0x6], $0x40, s6, s20, $0xb8;
	[tilespmem:$0x1E800] =	vst v63  }
0x4f: {  	_ =	swait.ge [sflag:s30], $0x2000  }
0x50: {  	[sflag:s30] =	ssyncset.done $0x0  }
0x51: {  	s7 =	simm.s32 $0x1500;
	[sflag:s30] =	ssyncadd.s32 $0xFFFFE000  }
0x52: {  	[spmem:s2] =	stream.indirect.scatter.add.f32 [tilespmem:s23], [sflag:$0x7], $0x40, s7, s20, $0xb8;
	[tilespmem:$0x1E800] =	vst v63  }
0x53: {  	_ =	swait.ge [sflag:s1], $0x2000  }
0x54: {  	[sflag:s1] =	ssyncset.done $0x0  }
0x55: {  	s6 =	simm.s32 $0x1580;
	[sflag:s1] =	ssyncadd.s32 $0xFFFFE000  }
0x56: {  	[spmem:s2] =	stream.indirect.scatter.add.f32 [tilespmem:s25], [sflag:$0x8], $0x40, s6, s20, $0xb8;
	[tilespmem:$0x1E800] =	vst v63  }
0x57: {  	_ =	swait.ge [sflag:s22], $0x2000  }
0x58: {  	[sflag:s22] =	ssyncset.done $0x0  }
0x59: {  	s7 =	simm.s32 $0x200;
	[sflag:s22] =	ssyncadd.s32 $0xFFFFE000  }
0x5a: {  	[tilespmem:s15], [sflag:$0x1] =	stream.indirect.gather [spmem:s3], $0x40, s7, s20, $0xb8;
	[tilespmem:$0x1E800] =	vst v63  }
0x5b: {  	_ =	swait.ge [sflag:s24], $0x2000  }
0x5c: {  	[sflag:s24] =	ssyncset.done $0x0  }
0x5d: {  	s6 =	simm.s32 $0x280;
	[sflag:s24] =	ssyncadd.s32 $0xFFFFE000  }
0x5e: {  	[tilespmem:s21], [sflag:$0x2] =	stream.indirect.gather [spmem:s3], $0x40, s6, s20, $0xb8;
	[tilespmem:$0x1E800] =	vst v63  }
0x5f: {  	_ =	swait.ge [sflag:s29], $0x2000  }
0x60: {  	[sflag:s29] =	ssyncset.done $0x0  }
0x61: {  	s7 =	simm.s32 $0x300;
	[sflag:s29] =	ssyncadd.s32 $0xFFFFE000  }
0x62: {  	[tilespmem:s23], [sflag:$0x3] =	stream.indirect.gather [spmem:s3], $0x40, s7, s20, $0xb8;
	[tilespmem:$0x1E800] =	vst v63  }
0x63: {  	_ =	swait.ge [sflag:s31], $0x2000  }
0x64: {  	[sflag:s31] =	ssyncset.done $0x0  }
0x65: {  	s6 =	simm.s32 $0x380;
	[sflag:s31] =	ssyncadd.s32 $0xFFFFE000  }
0x66: {  	[tilespmem:s25], [sflag:$0x4] =	stream.indirect.gather [spmem:s3], $0x40, s6, s20, $0xb8;
	[tilespmem:$0x1E800] =	vst v63  }
0x67: {  	_ =	swait.ge [sflag:s26], $0x2000  }
0x68: {  	[sflag:s26] =	ssyncset.done $0x0  }
0x69: {  	s7 =	simm.s32 $0x1600;
	[sflag:s26] =	ssyncadd.s32 $0xFFFFE000  }
0x6a: {  	[spmem:s2] =	stream.indirect.scatter.add.f32 [tilespmem:s15], [sflag:$0x5], $0x40, s7, s20, $0xb8;
	[tilespmem:$0x1E800] =	vst v63  }
0x6b: {  	_ =	swait.ge [sflag:s28], $0x2000  }
0x6c: {  	[sflag:s28] =	ssyncset.done $0x0  }
0x6d: {  	s6 =	simm.s32 $0x1680;
	[sflag:s28] =	ssyncadd.s32 $0xFFFFE000  }
0x6e: {  	[spmem:s2] =	stream.indirect.scatter.add.f32 [tilespmem:s21], [sflag:$0x6], $0x40, s6, s20, $0xb8;
	[tilespmem:$0x1E800] =	vst v63  }
0x6f: {  	_ =	swait.ge [sflag:s30], $0x2000  }
0x70: {  	[sflag:s30] =	ssyncset.done $0x0  }
0x71: {  	s7 =	simm.s32 $0x1700;
	[sflag:s30] =	ssyncadd.s32 $0xFFFFE000  }
0x72: {  	[spmem:s2] =	stream.indirect.scatter.add.f32 [tilespmem:s23], [sflag:$0x7], $0x40, s7, s20, $0xb8;
	[tilespmem:$0x1E800] =	vst v63  }
0x73: {  	_ =	swait.ge [sflag:s1], $0x2000  }
0x74: {  	[sflag:s1] =	ssyncset.done $0x0  }
0x75: {  	s0 =	simm.s32 $0x800;
	s6 =	simm.s32 $0x1780;
	[sflag:s1] =	ssyncadd.s32 $0xFFFFE000  }
.LBB2_4:
0x76: {  	[spmem:s2] =	stream.indirect.scatter.add.f32 [tilespmem:s25], [sflag:$0x8], $0x40, s6, s20, $0xb8;
	[tilespmem:$0x1E800] =	vst v63  }
0x77: {  	s6 =	smov.u32 s0  }
0x78: {  	p0 =	sne.s32 s0, $0x4000;
	s0 =	sadd.s32 $0x800, s0;
	_ =	swait.ge [sflag:s22], $0x2000  }
0x79: {  	s6 =	sshra.s32 s6, $0x2;
	[sflag:s22] =	ssyncset.done $0x0  }
0x7a: {  	s7 =	sadd.s32 $0x200, s6;
	[sflag:s22] =	ssyncadd.s32 $0xFFFFE000  }
0x7b: {  	[tilespmem:s15], [sflag:$0x1] =	stream.indirect.gather [spmem:s3], $0x40, s7, s20, $0xb8;
	[tilespmem:$0x1E800] =	vst v63  }
0x7c: {  	_ =	swait.ge [sflag:s24], $0x2000  }
0x7d: {  	[sflag:s24] =	ssyncset.done $0x0  }
0x7e: {  	s7 =	sadd.s32 $0x280, s6;
	[sflag:s24] =	ssyncadd.s32 $0xFFFFE000  }
0x7f: {  	[tilespmem:s21], [sflag:$0x2] =	stream.indirect.gather [spmem:s3], $0x40, s7, s20, $0xb8;
	[tilespmem:$0x1E800] =	vst v63  }
0x80: {  	_ =	swait.ge [sflag:s29], $0x2000  }
0x81: {  	[sflag:s29] =	ssyncset.done $0x0  }
0x82: {  	s7 =	sadd.s32 $0x300, s6;
	[sflag:s29] =	ssyncadd.s32 $0xFFFFE000  }
0x83: {  	[tilespmem:s23], [sflag:$0x3] =	stream.indirect.gather [spmem:s3], $0x40, s7, s20, $0xb8;
	[tilespmem:$0x1E800] =	vst v63  }
0x84: {  	_ =	swait.ge [sflag:s31], $0x2000  }
0x85: {  	[sflag:s31] =	ssyncset.done $0x0  }
0x86: {  	s7 =	sadd.s32 $0x380, s6;
	[sflag:s31] =	ssyncadd.s32 $0xFFFFE000  }
0x87: {  	[tilespmem:s25], [sflag:$0x4] =	stream.indirect.gather [spmem:s3], $0x40, s7, s20, $0xb8;
	[tilespmem:$0x1E800] =	vst v63  }
0x88: {  	_ =	swait.ge [sflag:s26], $0x2000  }
0x89: {  	[sflag:s26] =	ssyncset.done $0x0  }
0x8a: {  	s7 =	sadd.s32 $0x1600, s6;
	[sflag:s26] =	ssyncadd.s32 $0xFFFFE000  }
0x8b: {  	[spmem:s2] =	stream.indirect.scatter.add.f32 [tilespmem:s15], [sflag:$0x5], $0x40, s7, s20, $0xb8;
	[tilespmem:$0x1E800] =	vst v63  }
0x8c: {  	_ =	swait.ge [sflag:s28], $0x2000  }
0x8d: {  	[sflag:s28] =	ssyncset.done $0x0  }
0x8e: {  	s7 =	sadd.s32 $0x1680, s6;
	[sflag:s28] =	ssyncadd.s32 $0xFFFFE000  }
0x8f: {  	[spmem:s2] =	stream.indirect.scatter.add.f32 [tilespmem:s21], [sflag:$0x6], $0x40, s7, s20, $0xb8;
	[tilespmem:$0x1E800] =	vst v63  }
0x90: {  	_ =	swait.ge [sflag:s30], $0x2000  }
0x91: {  	[sflag:s30] =	ssyncset.done $0x0  }
.Ltmp1:
0x92: {  	s7 =	sadd.s32 $0x1700, s6;
	[sflag:s30] =	ssyncadd.s32 $0xFFFFE000;
	(pc) =	sbr.rel @p0 .LBB2_4-.Ltmp1, $4  }
0x93: {  	[spmem:s2] =	stream.indirect.scatter.add.f32 [tilespmem:s23], [sflag:$0x7], $0x40, s7, s20, $0xb8;
	[tilespmem:$0x1E800] =	vst v63  }
0x94: {  	_ =	swait.ge [sflag:s1], $0x2000  }
0x95: {  	[sflag:s1] =	ssyncset.done $0x0  }
0x96: {  	s6 =	sadd.s32 $0x1780, s6;
	[sflag:s1] =	ssyncadd.s32 $0xFFFFE000  }
0x97: {  	[spmem:s2] =	stream.indirect.scatter.add.f32 [tilespmem:s25], [sflag:$0x8], $0x40, s6, s20, $0xb8;
	[tilespmem:$0x1E800] =	vst v63  }
0x98: {  	_ =	swait.ge [sflag:s22], $0x2000  }
0x99: {  	[sflag:s22] =	ssyncset.done $0x0  }
0x9a: {  	[sflag:s22] =	ssyncadd.s32 $0xFFFFE000  }
0x9b: {  	_ =	swait.ge [sflag:s24], $0x2000  }
0x9c: {  	[sflag:s24] =	ssyncset.done $0x0  }
0x9d: {  	[sflag:s24] =	ssyncadd.s32 $0xFFFFE000  }
0x9e: {  	_ =	swait.ge [sflag:s29], $0x2000  }
0x9f: {  	[sflag:s29] =	ssyncset.done $0x0  }
0xa0: {  	[sflag:s29] =	ssyncadd.s32 $0xFFFFE000  }
0xa1: {  	_ =	swait.ge [sflag:s31], $0x2000  }
0xa2: {  	s4 =	sadd.s32 $0x1, s4;
	[sflag:s31] =	ssyncset.done $0x0  }
0xa3: {  	p0 =	sne.s32 s4, s14;
	[sflag:s31] =	ssyncadd.s32 $0xFFFFE000  }
.Ltmp2:
0xa4: {  	s0 =	sshrl.u32 s5, $0x3;
	[bflag:$0x0] =	sbarrier.arrive $0xFFFF;
	(pc) =	sbr.rel @p0 .LBB2_1-.Ltmp2, $4  }
0xa5: {  	[hbm:s13], [sflag:s17] =	dma.local [spmem:s0], $0x1400  }
0xa6: {  	_ =	swait.ge [sflag:s16], $0x1400  }
0xa7: {  	[sflag:s16] =	ssyncset.done $0x0  }
0xa8: {  	[sflag:s16] =	ssyncadd.s32 $0xFFFFEC00  }
0xa9: {  	_ =	sfence.sel $0x180000  }
0xaa: {  	[bflag:$0x0] =	sbarrier.arrive $0xFFFF  }
0xab: {  	_ =	strace $0x90000053  }
0xac: {  	s0 =	stileid.u32;
	[bflag:$0x2] =	sbarrier.arrive $0xFFFF  }
0xad: {  	p0 =	sne.s32 s0, $0x0;
	s0 =	rddreg [dreg:$0x5]  }
0xae: {  	s0 =	sadd.s32 @!p0 $0x100000, s0  }
0xaf: {  	[sflag:s0] =	ssyncadd.tile.s32 @!p0 $0x1;
	_ =	shalt  }
.Lfunc_end2:
_tile_overlayer_lowered:
.L_overlay_start_2:
0xb0: {  	(tag) =	ssettag $0x2  }
0xb1: {  	s0 =	rddreg [dreg:$0x0];
	s2 =	stileid.u32  }
0xb2: {  	s1 =	rddreg [dreg:$0x1];
	p0 =	sne.s32 s2, $0x0  }
0xb3: {  	s3 =	rddreg [dreg:$0x2];
	[bflag:$0x3] =	sbarrier.arrive $0xFFFF;
	s2 =	simm.s32 @!p0 $0x1C09  }
0xb4: {  	[timem:s3], [sflag:s2] =	dma.local @!p0 [hbm:s0], s1  }
0xb5: {  	s0 =	simm.s32 @!p0 $0x9  }
0xb6: {  	_ =	swait.ge @!p0 [sflag:s0], s1  }
0xb7: {  	s1 =	ssub.s32 @!p0 $0x0, s1;
	[sflag:s0] =	ssyncset.done @!p0 $0x0  }
0xb8: {  	[sflag:s0] =	ssyncadd.s32 @!p0 s1  }
0xb9: {  	[bflag:$0x3] =	sbarrier.arrive $0xFFFF  }
0xba: {  	_ =	shalt  }

</sc_bundles>
